<compile_context>
chip_gen: v7x
topology: tpu7x:2x2x1
jax: 0.10.2.dev20260603
libtpu: 0.0.44.dev20260713+nightly
codegen_flags: <defaults>
</compile_context>

<pallas_src>
import functools

import jax
import jax.numpy as jnp
from jax import lax
from jax.experimental import pallas as pl
from jax.experimental.pallas import tpu as pltpu
from jax.experimental.pallas import tpu_sc as plsc

F32 = jnp.float32



def _atom_pre_body(x, waa, baa, wg, bg, aa_o, g_o):
    xv = x[...]
    aa_o[...] = jnp.tanh(jnp.dot(xv, waa[...], preferred_element_type=F32) + baa[...])
    g_o[...] = jnp.dot(xv, wg[...], preferred_element_type=F32) + bg[...]


def _pair_pre_body(x, wpa, bpa, wpp, bpp, pa_o, pp_o):
    xv = x[...]
    pa_o[...] = jnp.tanh(jnp.dot(xv, wpa[...], preferred_element_type=F32) + bpa[...])
    pp_o[...] = jnp.tanh(jnp.dot(xv, wpp[...], preferred_element_type=F32) + bpp[...])


def _mix_body(aa, ps0, ps1, wa, wb, b, a_o):
    s = ps0[...] + ps1[...]
    a_o[...] = jnp.tanh(jnp.dot(aa[...], wa[...], preferred_element_type=F32)
                        + jnp.dot(s, wb[...], preferred_element_type=F32) + b[...])


def _pair_post_body(t, pp, x, wpa_t, wpb, bp, w2a, w2b, b2, pa2_o):
    p1 = jnp.tanh(jnp.dot(t[...], wpa_t[...], preferred_element_type=F32)
                  + jnp.dot(pp[...], wpb[...], preferred_element_type=F32) + bp[...])
    pa2_o[...] = jnp.tanh(jnp.dot(x[...], w2a[...], preferred_element_type=F32)
                          + jnp.dot(p1, w2b[...], preferred_element_type=F32) + b2[...])


def _atom_final_body(x, a1, ps0, ps1, waa2a, waa2b, baa2, wa2a, wa2b, ba2,
                     wda, wdb, wdc, bd, scale, shift, h_o):
    xv = x[...]
    a1v = a1[...]
    aa2 = jnp.tanh(jnp.dot(xv, waa2a[...], preferred_element_type=F32)
                   + jnp.dot(a1v, waa2b[...], preferred_element_type=F32) + baa2[...])
    pasum2 = ps0[...] + ps1[...]
    a2 = jnp.tanh(jnp.dot(aa2, wa2a[...], preferred_element_type=F32)
                  + jnp.dot(pasum2, wa2b[...], preferred_element_type=F32) + ba2[...])
    z = jnp.tanh(jnp.dot(xv, wda[...], preferred_element_type=F32)
                 + jnp.dot(a1v, wdb[...], preferred_element_type=F32)
                 + jnp.dot(a2, wdc[...], preferred_element_type=F32) + bd[...])
    h_o[...] = z * scale[...] + shift[...]


def _row_spec(r, d):
    return pl.BlockSpec((r, d), lambda i: (i, 0))


def _full_spec(shape):
    return pl.BlockSpec(shape, lambda i: tuple(0 for _ in shape))


def _tc_call(body, n_rows, block_rows, xs, weights, out_dims):
    grid = (n_rows // block_rows,)
    in_specs = ([_row_spec(block_rows, x.shape[1]) for x in xs]
                + [_full_spec(w.shape) for w in weights])
    out_specs = [_row_spec(block_rows, d) for d in out_dims]
    out_shape = [jax.ShapeDtypeStruct((n_rows, d), F32) for d in out_dims]
    outs = pl.pallas_call(
        body, grid=grid, in_specs=in_specs, out_specs=out_specs,
        out_shape=out_shape,
    )(*xs, *weights)
    return outs



def _sc_tanh(x):
    return 1.0 - 2.0 / (jnp.exp(2.0 * x) + 1.0)


_SC_PARAMS = pltpu.CompilerParams(use_tc_tiling_on_sc=False,
                                  needs_layout_passes=False)


def _make_segsum(M, N, F):
    info = plsc.get_sparse_core_info()
    NC, NS = info.num_cores, info.num_subcores
    NW = NC * NS
    per_tile = M // NW
    CI = 125
    KI = 8
    CHUNK = CI * KI
    PK = CHUNK // 8
    n_chunks = per_tile // CHUNK
    assert per_tile % CHUNK == 0 and per_tile % 8 == 0
    ZR = 1000
    n_zch = N // ZR
    assert N % ZR == 0
    zrounds = (n_zch + NS - 1) // NS
    mesh = plsc.VectorSubcoreMesh(core_axis_name="c", subcore_axis_name="s")

    @functools.partial(
        pl.kernel,
        out_type=jax.ShapeDtypeStruct((NC, N, F), F32),
        mesh=mesh,
        compiler_params=_SC_PARAMS,
        scratch_types=[
            pltpu.VMEM((KI, CI), jnp.int32),
            pltpu.VMEM((PK, 8 * F), F32),
            pltpu.VMEM((CHUNK, F), F32),
            pltpu.VMEM((ZR, F), F32),
            pltpu.VMEM_SHARED((N, F), F32),
            pltpu.SemaphoreType.DMA,
        ],
    )
    def segsum(pa_hbm, split_hbm, out_hbm, idx_v, pa_pk, pa_v, zbuf, table, sem):
        c = lax.axis_index("c")
        s = lax.axis_index("s")
        wid = s * NC + c

        def zb(r, carry):
            zbuf[r, :] = jnp.zeros((16,), F32)
            return carry
        lax.fori_loop(0, ZR, zb, None)
        for k in range(zrounds):
            cid = s + k * NS
            @pl.when(cid < n_zch)
            def _():
                pltpu.sync_copy(zbuf, table.at[pl.ds(cid * ZR, ZR)])
        plsc.subcore_barrier()

        base = wid * per_tile

        def chunk_body(ci, carry):
            off = base + ci * CHUNK
            pltpu.sync_copy(split_hbm.at[pl.ds(off // CI, KI)], idx_v)
            pltpu.sync_copy(pa_hbm.at[pl.ds(off // 8, PK)], pa_pk)

            def repack(r, carry2):
                for cc in range(8):
                    pa_v[8 * r + cc, :] = pa_pk[r, pl.ds(16 * cc, 16)]
                return carry2
            lax.fori_loop(0, PK, repack, None)

            descs = []
            for k in range(KI):
                descs.append(pltpu.async_copy(
                    pa_v.at[pl.ds(k * CI, CI)], table.at[idx_v.at[k]], sem,
                    add=True))
            for d in descs:
                d.wait()
            return carry
        lax.fori_loop(0, n_chunks, chunk_body, None)
        plsc.subcore_barrier()

        for k in range(zrounds):
            cid = s + k * NS
            @pl.when(cid < n_zch)
            def _():
                pltpu.sync_copy(table.at[pl.ds(cid * ZR, ZR)], zbuf)
                pltpu.sync_copy(zbuf, out_hbm.at[c, pl.ds(cid * ZR, ZR)])

    return segsum


def _make_gather_combine(M, N, F):
    info = plsc.get_sparse_core_info()
    NC, NS = info.num_cores, info.num_subcores
    NW = NC * NS
    per_tile = M // NW
    CP = 1000
    PK = CP // 8
    n_chunks = per_tile // CP
    assert per_tile % CP == 0
    pieces = []
    o = 0
    while o < CP:
        sz = min(128, CP - o)
        pieces.append((o, sz))
        o += sz
    mesh = plsc.VectorSubcoreMesh(core_axis_name="c", subcore_axis_name="s")

    @functools.partial(
        pl.kernel,
        out_type=jax.ShapeDtypeStruct((M // 8, 8 * F), F32),
        mesh=mesh,
        compiler_params=_SC_PARAMS,
        scratch_types=[
            pltpu.VMEM((CP,), jnp.int32),
            pltpu.VMEM((CP,), jnp.int32),
            pltpu.VMEM((CP, 2 * F), F32),
            pltpu.VMEM((CP, 2 * F), F32),
            pltpu.VMEM((PK, 8 * F), F32),
            pltpu.SemaphoreType.DMA,
        ],
    )
    def gather_combine(g_hbm, a2p_hbm, t_hbm, idx_i, idx_j, rows_i, rows_j,
                       t_v, sem):
        c = lax.axis_index("c")
        s = lax.axis_index("s")
        wid = s * NC + c
        pbase = wid * per_tile

        def chunk_body(ci, carry):
            p0 = pbase + ci * CP
            pltpu.sync_copy(a2p_hbm.at[0, pl.ds(p0, CP)], idx_i)
            pltpu.sync_copy(a2p_hbm.at[1, pl.ds(p0, CP)], idx_j)
            descs = []
            for (o, sz) in pieces:
                descs.append(pltpu.async_copy(
                    g_hbm.at[idx_i.at[pl.ds(o, sz)]],
                    rows_i.at[pl.ds(o, sz)], sem))
                descs.append(pltpu.async_copy(
                    g_hbm.at[idx_j.at[pl.ds(o, sz)]],
                    rows_j.at[pl.ds(o, sz)], sem))
            for d in descs:
                d.wait()

            def pair_body(p, carry2):
                u = rows_i[p, pl.ds(0, F)] + rows_j[p, pl.ds(F, F)]
                v = rows_j[p, pl.ds(0, F)] + rows_i[p, pl.ds(F, F)]
                t_v[p // 8, pl.ds((p % 8) * F, F)] = _sc_tanh(u) + _sc_tanh(v)
                return carry2
            lax.fori_loop(0, CP, pair_body, None)
            pltpu.sync_copy(t_v, t_hbm.at[pl.ds(p0 // 8, PK)])
            return carry
        lax.fori_loop(0, n_chunks, chunk_body, None)

    return gather_combine



def kernel(atom_features, pair_features, pair_split, atom_split, atom_to_pair, params):
    L1, L2 = params['layers']
    N, AD = atom_features.shape
    M, PD = pair_features.shape
    F = L1['W_AA'].shape[1]
    GF = params['W_dense'].shape[1]
    MP = M // 8

    row = lambda b: b[None, :]
    eye8 = jnp.eye(8, dtype=F32)
    fm = lambda w: jnp.einsum('fk,cd->fcdk', w, eye8).reshape(w.shape[0] * 8,
                                                             8 * w.shape[1])
    bd8 = lambda w: jax.scipy.linalg.block_diag(*([w] * 8))
    t8 = lambda b: jnp.tile(b, 8)[None, :]
    Wg = jnp.concatenate([L1['W_AP'][:AD], L1['W_AP'][AD:]], axis=1)
    bg = jnp.concatenate([L1['b_AP'], jnp.zeros_like(L1['b_AP'])])[None, :]
    Wd = params['W_dense']
    scale = params['bn_gamma'] / jnp.sqrt(params['bn_var'] + 1e-3)
    shift = params['bn_beta'] - params['bn_mean'] * scale

    a2pT = atom_to_pair.T
    split2d = pair_split.reshape(M // 125, 125)
    Xp2 = (pair_features.T.reshape(PD, MP, 8)
           .transpose(1, 0, 2).reshape(MP, PD * 8))

    R_A, R_PP = 5000, 2000

    AA1, G = _tc_call(_atom_pre_body, N, R_A, [atom_features],
                      [L1['W_AA'], row(L1['b_AA']), Wg, bg], [F, 2 * F])

    PA1, PP1 = _tc_call(_pair_pre_body, MP, R_PP, [Xp2],
                        [fm(L1['W_PA']), t8(L1['b_PA']),
                         fm(L1['W_PP']), t8(L1['b_PP'])],
                        [8 * F, 8 * F])

    ps1 = _make_segsum(M, N, F)(PA1, split2d)
    t1 = _make_gather_combine(M, N, F)(G, a2pT)

    (A1,) = _tc_call(_mix_body, N, R_A, [AA1, ps1[0], ps1[1]],
                     [L1['W_A'][:F], L1['W_A'][F:], row(L1['b_A'])], [F])

    (PA2,) = _tc_call(_pair_post_body, MP, R_PP, [t1, PP1, Xp2],
                      [bd8(L1['W_P'][:F]), bd8(L1['W_P'][F:]), t8(L1['b_P']),
                       fm(L2['W_PA'][:PD]), bd8(L2['W_PA'][PD:]),
                       t8(L2['b_PA'])], [8 * F])

    ps2 = _make_segsum(M, N, F)(PA2, split2d)

    (h,) = _tc_call(_atom_final_body, N, R_A,
                    [atom_features, A1, ps2[0], ps2[1]],
                    [L2['W_AA'][:AD], L2['W_AA'][AD:], row(L2['b_AA']),
                     L2['W_A'][:F], L2['W_A'][F:], row(L2['b_A']),
                     Wd[:AD], Wd[AD:AD + F], Wd[AD + F:], row(params['b_dense']),
                     row(scale), row(shift)], [GF])
    return h

# --- scband reference (transcript-rebuilt; emitter-appended) ---
"""Pipeline reference for scband-graph-embedding-66090956751483 (READ-ONLY COPY).

The authoritative reference and input builder live on the scoring server;
editing this copy changes nothing except your own understanding.
"""

import jax, jax.numpy as jnp
import numpy as np

N_ATOMS = 50000
N_PAIRS = 800000
NUM_MOLS = 3000
ATOM_DIM = 75
PAIR_DIM = 14
ATOM_HIDDEN = [16, 16]
PAIR_HIDDEN = [16, 16]
GRAPH_FEAT = 128


def _weave_params(key, ain, pin, aout, pout):
    ks = jax.random.split(key, 6)
    s = 0.05
    return {
        'W_AA': jax.random.normal(ks[0], (ain, aout), jnp.float32) * s,
        'b_AA': jnp.zeros((aout,), jnp.float32),
        'W_PA': jax.random.normal(ks[1], (pin, aout), jnp.float32) * s,
        'b_PA': jnp.zeros((aout,), jnp.float32),
        'W_A': jax.random.normal(ks[2], (2 * aout, aout), jnp.float32) * s,
        'b_A': jnp.zeros((aout,), jnp.float32),
        'W_AP': jax.random.normal(ks[3], (2 * ain, pout), jnp.float32) * s,
        'b_AP': jnp.zeros((pout,), jnp.float32),
        'W_PP': jax.random.normal(ks[4], (pin, pout), jnp.float32) * s,
        'b_PP': jnp.zeros((pout,), jnp.float32),
        'W_P': jax.random.normal(ks[5], (2 * pout, pout), jnp.float32) * s,
        'b_P': jnp.zeros((pout,), jnp.float32),
    }


def setup_inputs(seed: int = 0) -> dict:
    key = jax.random.key(seed)
    ks = jax.random.split(key, 10)
    atom_features = jax.random.normal(ks[0], (N_ATOMS, ATOM_DIM), jnp.float32)
    pair_features = jax.random.normal(ks[1], (N_PAIRS, PAIR_DIM), jnp.float32)
    pair_split = jnp.sort(jax.random.randint(ks[2], (N_PAIRS,), 0, N_ATOMS, jnp.int32))
    atom_split = jnp.sort(jax.random.randint(ks[3], (N_ATOMS,), 0, NUM_MOLS, jnp.int32))
    atom_to_pair = jax.random.randint(ks[4], (N_PAIRS, 2), 0, N_ATOMS, jnp.int32)
    ain, pin = ATOM_DIM, PAIR_DIM
    layers = []
    for i in range(len(ATOM_HIDDEN)):
        layers.append(_weave_params(ks[5 + i], ain, pin, ATOM_HIDDEN[i], PAIR_HIDDEN[i]))
        ain = ain + ATOM_HIDDEN[i]
        pin = pin + PAIR_HIDDEN[i]
    dense_in = ATOM_DIM + sum(ATOM_HIDDEN)
    params = {
        'layers': layers,
        'W_dense': jax.random.normal(ks[7], (dense_in, GRAPH_FEAT), jnp.float32) * 0.05,
        'b_dense': jnp.zeros((GRAPH_FEAT,), jnp.float32),
        'bn_gamma': jnp.ones((GRAPH_FEAT,), jnp.float32),
        'bn_beta': jnp.zeros((GRAPH_FEAT,), jnp.float32),
        'bn_mean': jnp.zeros((GRAPH_FEAT,), jnp.float32),
        'bn_var': jnp.ones((GRAPH_FEAT,), jnp.float32),
    }
    return {'atom_features': atom_features, 'pair_features': pair_features, 'pair_split': pair_split, 'atom_split': atom_split, 'atom_to_pair': atom_to_pair, 'params': params}


def _weave(atom, pair, pair_split, atom_to_pair, p):
    AA = jnp.tanh(atom @ p['W_AA'] + p['b_AA'])
    PA = jnp.tanh(pair @ p['W_PA'] + p['b_PA'])
    PA_sum = jax.ops.segment_sum(PA, pair_split, num_segments=atom.shape[0])
    A = jnp.tanh(jnp.concatenate([AA, PA_sum], axis=-1) @ p['W_A'] + p['b_A'])
    ap_ij = jnp.take(atom, atom_to_pair, axis=0).reshape(pair.shape[0], -1)
    ap_ji = jnp.take(atom, atom_to_pair[:, ::-1], axis=0).reshape(pair.shape[0], -1)
    AP_ij = jnp.tanh(ap_ij @ p['W_AP'] + p['b_AP'])
    AP_ji = jnp.tanh(ap_ji @ p['W_AP'] + p['b_AP'])
    PP = jnp.tanh(pair @ p['W_PP'] + p['b_PP'])
    P = jnp.tanh(jnp.concatenate([AP_ij + AP_ji, PP], axis=-1) @ p['W_P'] + p['b_P'])
    return A, P


def _forward(atom_features, pair_features, params, pair_split, atom_to_pair):
    atom_list = [atom_features]
    pair_list = [pair_features]
    for p in params['layers']:
        atom_h = jnp.concatenate(atom_list, axis=-1)
        pair_h = jnp.concatenate(pair_list, axis=-1)
        a, pr = _weave(atom_h, pair_h, pair_split, atom_to_pair, p)
        atom_list.append(a)
        pair_list.append(pr)
    atom_out = jnp.concatenate(atom_list, axis=-1)
    h = jnp.tanh(atom_out @ params['W_dense'] + params['b_dense'])
    h = (h - params['bn_mean']) / jnp.sqrt(params['bn_var'] + 1e-3) * params['bn_gamma'] + params['bn_beta']
    return h


def reference(atom_features, pair_features, pair_split, atom_split, atom_to_pair, params):
    return _forward(atom_features, pair_features, params, pair_split, atom_to_pair)

if __name__ == "__main__":
    import jax
    _d = setup_inputs()
    print(jax.jit(kernel)(*tuple(_d.values())))

</pallas_src>

<mosaic_0001>
#map = affine_map<(d0, d1) -> (0, 0)>
#map1 = affine_map<(d0, d1) -> (0, 0, 0)>
module attributes {stable_mosaic.version = 14 : i64} {
  func.func @segsum(%arg0: i32, %arg1: i32, %arg2: memref<100000x128xf32, #tpu.memory_space<hbm>>, %arg3: memref<6400x125xi32, #tpu.memory_space<hbm>>, %arg4: memref<2x50000x16xf32, #tpu.memory_space<hbm>>, %arg5: memref<8x125xi32, #tpu.memory_space<vmem>>, %arg6: memref<125x128xf32, #tpu.memory_space<vmem>>, %arg7: memref<1000x16xf32, #tpu.memory_space<vmem>>, %arg8: memref<1000x16xf32, #tpu.memory_space<vmem>>, %arg9: memref<50000x16xf32, #tpu.memory_space<vmem_shared>>, %arg10: memref<!tpu.dma_semaphore, #tpu.memory_space<semaphore_mem>>) attributes {dimension_semantics = [#tpu.dimension_semantics<core_parallel>, #tpu.dimension_semantics<subcore_parallel>], iteration_bounds = array<i64: 2, 16>, scalar_prefetch = 0 : i64, scratch_operands = 6 : i64, tpu.core_type = #tpu.core_type<sc_vector_subcore>, window_params = [{transform_indices = #map}, {transform_indices = #map}, {transform_indices = #map1}]} {
    %mul3A = arith.constant 2 : i32
    %mul3A_0 = arith.muli %arg1, %mul3A : i32
    %add3A = arith.addi %mul3A_0, %arg0 : i32
    %scan3A = arith.constant 0 : i32
    %scan3A_1 = arith.constant 1000 : i32
    %scan3A_2 = arith.addi %scan3A, %scan3A_1 : i32
    %scan3A_3 = arith.constant 1 : i32
    scf.for %scan3A_66 = %scan3A to %scan3A_2 step %scan3A_3  : i32 {
      %broadcast_in_dim3A = arith.constant 0.000000e+00 : f32
      %broadcast_in_dim3A_67 = vector.broadcast %broadcast_in_dim3A : f32 to vector<16xf32>
      %swap3A = arith.index_cast %scan3A_66 : i32 to index
      %swap3A_68 = arith.constant 0 : index
      %swap3A_69 = tpu.vector_load %arg8[%swap3A, %swap3A_68] {strides = array<i32>} : memref<1000x16xf32, #tpu.memory_space<vmem>>, vector<16xf32>,
      tpu.vector_store %arg8[%swap3A, %swap3A_68], %broadcast_in_dim3A_67 {strides = array<i32>} : memref<1000x16xf32, #tpu.memory_space<vmem>>, vector<16xf32>,
    }
    %scan3A_4 = arith.constant 1000 : i32
    %add3A_5 = arith.constant 0 : i32
    %add3A_6 = arith.addi %arg1, %add3A_5 : i32
    %lt3A = arith.constant 50 : i32
    %lt3A_7 = arith.cmpi slt, %add3A_6, %lt3A : i32
    %convert_element_type3A = arith.extui %lt3A_7 : i1 to i32
    %cond3A = arith.constant 0 : i32
    %cond3A_8 = arith.cmpi ne, %convert_element_type3A, %cond3A : i32
    scf.if %cond3A_8 {
      %mul3A_66 = arith.constant 1000 : i32
      %mul3A_67 = arith.muli %add3A_6, %mul3A_66 : i32
      "tpu.region"() ({
        %run_scoped3A = tpu.sem_alloc : memref<!tpu.dma_semaphore, #tpu.memory_space<semaphore_mem>>
        %dma_start3A = arith.constant 0 : i32
        %dma_start3A_68 = tpu.memref_slice %arg9[%mul3A_67, %dma_start3A] : memref<50000x16xf32, #tpu.memory_space<vmem_shared>> -> memref<1000x16xf32, #tpu.memory_space<vmem_shared>>
        %dma_start3A_69 = arith.constant 0 : i32
        %dma_start3A_70 = tpu.memref_slice %arg9[%mul3A_67, %dma_start3A_69] : memref<50000x16xf32, #tpu.memory_space<vmem_shared>> -> memref<1000x16xf32, #tpu.memory_space<vmem_shared>>
        tpu.enqueue_dma source(%arg8 : memref<1000x16xf32, #tpu.memory_space<vmem>>) target(%dma_start3A_70 : memref<1000x16xf32, #tpu.memory_space<vmem_shared>>) target_semaphore(%run_scoped3A : memref<!tpu.dma_semaphore, #tpu.memory_space<semaphore_mem>>)
        %dma_wait3A = arith.constant 0 : i32
        %dma_wait3A_71 = tpu.memref_slice %arg9[%mul3A_67, %dma_wait3A] : memref<50000x16xf32, #tpu.memory_space<vmem_shared>> -> memref<1000x16xf32, #tpu.memory_space<vmem_shared>>
        %dma_wait3A_72 = arith.constant 0 : i32
        %dma_wait3A_73 = tpu.memref_slice %arg9[%mul3A_67, %dma_wait3A_72] : memref<50000x16xf32, #tpu.memory_space<vmem_shared>> -> memref<1000x16xf32, #tpu.memory_space<vmem_shared>>
        tpu.wait_dma2 semaphore(%run_scoped3A : memref<!tpu.dma_semaphore, #tpu.memory_space<semaphore_mem>>) src(%arg8 : memref<1000x16xf32, #tpu.memory_space<vmem>>) dst(%dma_wait3A_73 : memref<1000x16xf32, #tpu.memory_space<vmem_shared>>)
        tpu.yield
      }) : () -> ()
    } else {
    }
    %add3A_9 = arith.constant 16 : i32
    %add3A_10 = arith.addi %arg1, %add3A_9 : i32
    %lt3A_11 = arith.constant 50 : i32
    %lt3A_12 = arith.cmpi slt, %add3A_10, %lt3A_11 : i32
    %convert_element_type3A_13 = arith.extui %lt3A_12 : i1 to i32
    %cond3A_14 = arith.constant 0 : i32
    %cond3A_15 = arith.cmpi ne, %convert_element_type3A_13, %cond3A_14 : i32
    scf.if %cond3A_15 {
      %mul3A_66 = arith.constant 1000 : i32
      %mul3A_67 = arith.muli %add3A_10, %mul3A_66 : i32
      "tpu.region"() ({
        %run_scoped3A = tpu.sem_alloc : memref<!tpu.dma_semaphore, #tpu.memory_space<semaphore_mem>>
        %dma_start3A = arith.constant 0 : i32
        %dma_start3A_68 = tpu.memref_slice %arg9[%mul3A_67, %dma_start3A] : memref<50000x16xf32, #tpu.memory_space<vmem_shared>> -> memref<1000x16xf32, #tpu.memory_space<vmem_shared>>
        %dma_start3A_69 = arith.constant 0 : i32
        %dma_start3A_70 = tpu.memref_slice %arg9[%mul3A_67, %dma_start3A_69] : memref<50000x16xf32, #tpu.memory_space<vmem_shared>> -> memref<1000x16xf32, #tpu.memory_space<vmem_shared>>
        tpu.enqueue_dma source(%arg8 : memref<1000x16xf32, #tpu.memory_space<vmem>>) target(%dma_start3A_70 : memref<1000x16xf32, #tpu.memory_space<vmem_shared>>) target_semaphore(%run_scoped3A : memref<!tpu.dma_semaphore, #tpu.memory_space<semaphore_mem>>)
        %dma_wait3A = arith.constant 0 : i32
        %dma_wait3A_71 = tpu.memref_slice %arg9[%mul3A_67, %dma_wait3A] : memref<50000x16xf32, #tpu.memory_space<vmem_shared>> -> memref<1000x16xf32, #tpu.memory_space<vmem_shared>>
        %dma_wait3A_72 = arith.constant 0 : i32
        %dma_wait3A_73 = tpu.memref_slice %arg9[%mul3A_67, %dma_wait3A_72] : memref<50000x16xf32, #tpu.memory_space<vmem_shared>> -> memref<1000x16xf32, #tpu.memory_space<vmem_shared>>
        tpu.wait_dma2 semaphore(%run_scoped3A : memref<!tpu.dma_semaphore, #tpu.memory_space<semaphore_mem>>) src(%arg8 : memref<1000x16xf32, #tpu.memory_space<vmem>>) dst(%dma_wait3A_73 : memref<1000x16xf32, #tpu.memory_space<vmem_shared>>)
        tpu.yield
      }) : () -> ()
    } else {
    }
    %add3A_16 = arith.constant 32 : i32
    %add3A_17 = arith.addi %arg1, %add3A_16 : i32
    %lt3A_18 = arith.constant 50 : i32
    %lt3A_19 = arith.cmpi slt, %add3A_17, %lt3A_18 : i32
    %convert_element_type3A_20 = arith.extui %lt3A_19 : i1 to i32
    %cond3A_21 = arith.constant 0 : i32
    %cond3A_22 = arith.cmpi ne, %convert_element_type3A_20, %cond3A_21 : i32
    scf.if %cond3A_22 {
      %mul3A_66 = arith.constant 1000 : i32
      %mul3A_67 = arith.muli %add3A_17, %mul3A_66 : i32
      "tpu.region"() ({
        %run_scoped3A = tpu.sem_alloc : memref<!tpu.dma_semaphore, #tpu.memory_space<semaphore_mem>>
        %dma_start3A = arith.constant 0 : i32
        %dma_start3A_68 = tpu.memref_slice %arg9[%mul3A_67, %dma_start3A] : memref<50000x16xf32, #tpu.memory_space<vmem_shared>> -> memref<1000x16xf32, #tpu.memory_space<vmem_shared>>
        %dma_start3A_69 = arith.constant 0 : i32
        %dma_start3A_70 = tpu.memref_slice %arg9[%mul3A_67, %dma_start3A_69] : memref<50000x16xf32, #tpu.memory_space<vmem_shared>> -> memref<1000x16xf32, #tpu.memory_space<vmem_shared>>
        tpu.enqueue_dma source(%arg8 : memref<1000x16xf32, #tpu.memory_space<vmem>>) target(%dma_start3A_70 : memref<1000x16xf32, #tpu.memory_space<vmem_shared>>) target_semaphore(%run_scoped3A : memref<!tpu.dma_semaphore, #tpu.memory_space<semaphore_mem>>)
        %dma_wait3A = arith.constant 0 : i32
        %dma_wait3A_71 = tpu.memref_slice %arg9[%mul3A_67, %dma_wait3A] : memref<50000x16xf32, #tpu.memory_space<vmem_shared>> -> memref<1000x16xf32, #tpu.memory_space<vmem_shared>>
        %dma_wait3A_72 = arith.constant 0 : i32
        %dma_wait3A_73 = tpu.memref_slice %arg9[%mul3A_67, %dma_wait3A_72] : memref<50000x16xf32, #tpu.memory_space<vmem_shared>> -> memref<1000x16xf32, #tpu.memory_space<vmem_shared>>
        tpu.wait_dma2 semaphore(%run_scoped3A : memref<!tpu.dma_semaphore, #tpu.memory_space<semaphore_mem>>) src(%arg8 : memref<1000x16xf32, #tpu.memory_space<vmem>>) dst(%dma_wait3A_73 : memref<1000x16xf32, #tpu.memory_space<vmem_shared>>)
        tpu.yield
      }) : () -> ()
    } else {
    }
    %add3A_23 = arith.constant 48 : i32
    %add3A_24 = arith.addi %arg1, %add3A_23 : i32
    %lt3A_25 = arith.constant 50 : i32
    %lt3A_26 = arith.cmpi slt, %add3A_24, %lt3A_25 : i32
    %convert_element_type3A_27 = arith.extui %lt3A_26 : i1 to i32
    %cond3A_28 = arith.constant 0 : i32
    %cond3A_29 = arith.cmpi ne, %convert_element_type3A_27, %cond3A_28 : i32
    scf.if %cond3A_29 {
      %mul3A_66 = arith.constant 1000 : i32
      %mul3A_67 = arith.muli %add3A_24, %mul3A_66 : i32
      "tpu.region"() ({
        %run_scoped3A = tpu.sem_alloc : memref<!tpu.dma_semaphore, #tpu.memory_space<semaphore_mem>>
        %dma_start3A = arith.constant 0 : i32
        %dma_start3A_68 = tpu.memref_slice %arg9[%mul3A_67, %dma_start3A] : memref<50000x16xf32, #tpu.memory_space<vmem_shared>> -> memref<1000x16xf32, #tpu.memory_space<vmem_shared>>
        %dma_start3A_69 = arith.constant 0 : i32
        %dma_start3A_70 = tpu.memref_slice %arg9[%mul3A_67, %dma_start3A_69] : memref<50000x16xf32, #tpu.memory_space<vmem_shared>> -> memref<1000x16xf32, #tpu.memory_space<vmem_shared>>
        tpu.enqueue_dma source(%arg8 : memref<1000x16xf32, #tpu.memory_space<vmem>>) target(%dma_start3A_70 : memref<1000x16xf32, #tpu.memory_space<vmem_shared>>) target_semaphore(%run_scoped3A : memref<!tpu.dma_semaphore, #tpu.memory_space<semaphore_mem>>)
        %dma_wait3A = arith.constant 0 : i32
        %dma_wait3A_71 = tpu.memref_slice %arg9[%mul3A_67, %dma_wait3A] : memref<50000x16xf32, #tpu.memory_space<vmem_shared>> -> memref<1000x16xf32, #tpu.memory_space<vmem_shared>>
        %dma_wait3A_72 = arith.constant 0 : i32
        %dma_wait3A_73 = tpu.memref_slice %arg9[%mul3A_67, %dma_wait3A_72] : memref<50000x16xf32, #tpu.memory_space<vmem_shared>> -> memref<1000x16xf32, #tpu.memory_space<vmem_shared>>
        tpu.wait_dma2 semaphore(%run_scoped3A : memref<!tpu.dma_semaphore, #tpu.memory_space<semaphore_mem>>) src(%arg8 : memref<1000x16xf32, #tpu.memory_space<vmem>>) dst(%dma_wait3A_73 : memref<1000x16xf32, #tpu.memory_space<vmem_shared>>)
        tpu.yield
      }) : () -> ()
    } else {
    }
    %barrier3A = arith.constant 0 : index
    tpu.barrier barrier_id(%barrier3A)
    %mul3A_30 = arith.constant 25000 : i32
    %mul3A_31 = arith.muli %add3A, %mul3A_30 : i32
    %scan3A_32 = arith.constant 0 : i32
    %scan3A_33 = arith.constant 25 : i32
    %scan3A_34 = arith.addi %scan3A_32, %scan3A_33 : i32
    %scan3A_35 = arith.constant 1 : i32
    scf.for %scan3A_66 = %scan3A_32 to %scan3A_34 step %scan3A_35  : i32 {
      %mul3A_67 = arith.constant 1000 : i32
      %mul3A_68 = arith.muli %scan3A_66, %mul3A_67 : i32
      %add3A_69 = arith.addi %mul3A_31, %mul3A_68 : i32
      %jit3A = arith.constant 125 : i32
      %div3A = arith.divsi %add3A_69, %jit3A : i32
      %sign3A = arith.constant 0 : i32
      %sign3A_70 = arith.cmpi sgt, %add3A_69, %sign3A : i32
      %sign3A_71 = arith.extui %sign3A_70 : i1 to i32
      %sign3A_72 = arith.constant 0 : i32
      %sign3A_73 = arith.cmpi slt, %add3A_69, %sign3A_72 : i32
      %sign3A_74 = arith.extui %sign3A_73 : i1 to i32
      %sign3A_75 = arith.subi %sign3A_71, %sign3A_74 : i32
      %sign3A_76 = arith.constant 0 : i32
      %sign3A_77 = arith.cmpi sgt, %jit3A, %sign3A_76 : i32
      %sign3A_78 = arith.extui %sign3A_77 : i1 to i32
      %sign3A_79 = arith.constant 0 : i32
      %sign3A_80 = arith.cmpi slt, %jit3A, %sign3A_79 : i32
      %sign3A_81 = arith.extui %sign3A_80 : i1 to i32
      %sign3A_82 = arith.subi %sign3A_78, %sign3A_81 : i32
      %ne3A = arith.cmpi ne, %sign3A_75, %sign3A_82 : i32
      %rem3A = arith.remsi %add3A_69, %jit3A : i32
      %ne3A_83 = arith.constant 0 : i32
      %ne3A_84 = arith.cmpi ne, %rem3A, %ne3A_83 : i32
      %and3A = arith.andi %ne3A, %ne3A_84 : i1
      %sub3A = arith.constant 1 : i32
      %sub3A_85 = arith.subi %div3A, %sub3A : i32
      %select_n3A = arith.select %and3A, %sub3A_85, %div3A : i32
      "tpu.region"() ({
        %run_scoped3A = tpu.sem_alloc : memref<!tpu.dma_semaphore, #tpu.memory_space<semaphore_mem>>
        %dma_start3A_273 = arith.constant 0 : i32
        %dma_start3A_274 = tpu.memref_slice %arg3[%select_n3A, %dma_start3A_273] : memref<6400x125xi32, #tpu.memory_space<hbm>> -> memref<8x125xi32, #tpu.memory_space<hbm>>
        %dma_start3A_275 = arith.constant 0 : i32
        %dma_start3A_276 = tpu.memref_slice %arg3[%select_n3A, %dma_start3A_275] : memref<6400x125xi32, #tpu.memory_space<hbm>> -> memref<8x125xi32, #tpu.memory_space<hbm>>
        tpu.enqueue_dma source(%dma_start3A_276 : memref<8x125xi32, #tpu.memory_space<hbm>>) target(%arg5 : memref<8x125xi32, #tpu.memory_space<vmem>>) target_semaphore(%run_scoped3A : memref<!tpu.dma_semaphore, #tpu.memory_space<semaphore_mem>>)
        %dma_wait3A_277 = arith.constant 0 : i32
        %dma_wait3A_278 = tpu.memref_slice %arg3[%select_n3A, %dma_wait3A_277] : memref<6400x125xi32, #tpu.memory_space<hbm>> -> memref<8x125xi32, #tpu.memory_space<hbm>>
        %dma_wait3A_279 = arith.constant 0 : i32
        %dma_wait3A_280 = tpu.memref_slice %arg3[%select_n3A, %dma_wait3A_279] : memref<6400x125xi32, #tpu.memory_space<hbm>> -> memref<8x125xi32, #tpu.memory_space<hbm>>
        tpu.wait_dma2 semaphore(%run_scoped3A : memref<!tpu.dma_semaphore, #tpu.memory_space<semaphore_mem>>) src(%dma_wait3A_280 : memref<8x125xi32, #tpu.memory_space<hbm>>) dst(%arg5 : memref<8x125xi32, #tpu.memory_space<vmem>>)
        tpu.yield
      }) : () -> ()
      %jit3A_86 = arith.constant 8 : i32
      %div3A_87 = arith.divsi %add3A_69, %jit3A_86 : i32
      %sign3A_88 = arith.constant 0 : i32
      %sign3A_89 = arith.cmpi sgt, %add3A_69, %sign3A_88 : i32
      %sign3A_90 = arith.extui %sign3A_89 : i1 to i32
      %sign3A_91 = arith.constant 0 : i32
      %sign3A_92 = arith.cmpi slt, %add3A_69, %sign3A_91 : i32
      %sign3A_93 = arith.extui %sign3A_92 : i1 to i32
      %sign3A_94 = arith.subi %sign3A_90, %sign3A_93 : i32
      %sign3A_95 = arith.constant 0 : i32
      %sign3A_96 = arith.cmpi sgt, %jit3A_86, %sign3A_95 : i32
      %sign3A_97 = arith.extui %sign3A_96 : i1 to i32
      %sign3A_98 = arith.constant 0 : i32
      %sign3A_99 = arith.cmpi slt, %jit3A_86, %sign3A_98 : i32
      %sign3A_100 = arith.extui %sign3A_99 : i1 to i32
      %sign3A_101 = arith.subi %sign3A_97, %sign3A_100 : i32
      %ne3A_102 = arith.cmpi ne, %sign3A_94, %sign3A_101 : i32
      %rem3A_103 = arith.remsi %add3A_69, %jit3A_86 : i32
      %ne3A_104 = arith.constant 0 : i32
      %ne3A_105 = arith.cmpi ne, %rem3A_103, %ne3A_104 : i32
      %and3A_106 = arith.andi %ne3A_102, %ne3A_105 : i1
      %sub3A_107 = arith.constant 1 : i32
      %sub3A_108 = arith.subi %div3A_87, %sub3A_107 : i32
      %select_n3A_109 = arith.select %and3A_106, %sub3A_108, %div3A_87 : i32
      "tpu.region"() ({
        %run_scoped3A = tpu.sem_alloc : memref<!tpu.dma_semaphore, #tpu.memory_space<semaphore_mem>>
        %dma_start3A_273 = arith.constant 0 : i32
        %dma_start3A_274 = tpu.memref_slice %arg2[%select_n3A_109, %dma_start3A_273] : memref<100000x128xf32, #tpu.memory_space<hbm>> -> memref<125x128xf32, #tpu.memory_space<hbm>>
        %dma_start3A_275 = arith.constant 0 : i32
        %dma_start3A_276 = tpu.memref_slice %arg2[%select_n3A_109, %dma_start3A_275] : memref<100000x128xf32, #tpu.memory_space<hbm>> -> memref<125x128xf32, #tpu.memory_space<hbm>>
        tpu.enqueue_dma source(%dma_start3A_276 : memref<125x128xf32, #tpu.memory_space<hbm>>) target(%arg6 : memref<125x128xf32, #tpu.memory_space<vmem>>) target_semaphore(%run_scoped3A : memref<!tpu.dma_semaphore, #tpu.memory_space<semaphore_mem>>)
        %dma_wait3A_277 = arith.constant 0 : i32
        %dma_wait3A_278 = tpu.memref_slice %arg2[%select_n3A_109, %dma_wait3A_277] : memref<100000x128xf32, #tpu.memory_space<hbm>> -> memref<125x128xf32, #tpu.memory_space<hbm>>
        %dma_wait3A_279 = arith.constant 0 : i32
        %dma_wait3A_280 = tpu.memref_slice %arg2[%select_n3A_109, %dma_wait3A_279] : memref<100000x128xf32, #tpu.memory_space<hbm>> -> memref<125x128xf32, #tpu.memory_space<hbm>>
        tpu.wait_dma2 semaphore(%run_scoped3A : memref<!tpu.dma_semaphore, #tpu.memory_space<semaphore_mem>>) src(%dma_wait3A_280 : memref<125x128xf32, #tpu.memory_space<hbm>>) dst(%arg6 : memref<125x128xf32, #tpu.memory_space<vmem>>)
        tpu.yield
      }) : () -> ()
      %scan3A_110 = arith.constant 0 : i32
      %scan3A_111 = arith.constant 125 : i32
      %scan3A_112 = arith.addi %scan3A_110, %scan3A_111 : i32
      %scan3A_113 = arith.constant 1 : i32
      scf.for %scan3A_273 = %scan3A_110 to %scan3A_112 step %scan3A_113  : i32 {
        %get3A = arith.index_cast %scan3A_273 : i32 to index
        %get3A_274 = arith.constant 0 : index
        %get3A_275 = tpu.vector_load %arg6[%get3A, %get3A_274] {strides = array<i32>} : memref<125x128xf32, #tpu.memory_space<vmem>>, vector<16xf32>,
        %mul3A_276 = arith.constant 8 : i32
        %mul3A_277 = arith.muli %mul3A_276, %scan3A_273 : i32
        %add3A_278 = arith.constant 0 : i32
        %add3A_279 = arith.addi %mul3A_277, %add3A_278 : i32
        %swap3A = arith.index_cast %add3A_279 : i32 to index
        %swap3A_280 = arith.constant 0 : index
        %swap3A_281 = tpu.vector_load %arg7[%swap3A, %swap3A_280] {strides = array<i32>} : memref<1000x16xf32, #tpu.memory_space<vmem>>, vector<16xf32>,
        tpu.vector_store %arg7[%swap3A, %swap3A_280], %get3A_275 {strides = array<i32>} : memref<1000x16xf32, #tpu.memory_space<vmem>>, vector<16xf32>,
        %get3A_282 = arith.index_cast %scan3A_273 : i32 to index
        %get3A_283 = arith.constant 16 : index
        %get3A_284 = tpu.vector_load %arg6[%get3A_282, %get3A_283] {strides = array<i32>} : memref<125x128xf32, #tpu.memory_space<vmem>>, vector<16xf32>,
        %mul3A_285 = arith.constant 8 : i32
        %mul3A_286 = arith.muli %mul3A_285, %scan3A_273 : i32
        %add3A_287 = arith.constant 1 : i32
        %add3A_288 = arith.addi %mul3A_286, %add3A_287 : i32
        %swap3A_289 = arith.index_cast %add3A_288 : i32 to index
        %swap3A_290 = arith.constant 0 : index
        %swap3A_291 = tpu.vector_load %arg7[%swap3A_289, %swap3A_290] {strides = array<i32>} : memref<1000x16xf32, #tpu.memory_space<vmem>>, vector<16xf32>,
        tpu.vector_store %arg7[%swap3A_289, %swap3A_290], %get3A_284 {strides = array<i32>} : memref<1000x16xf32, #tpu.memory_space<vmem>>, vector<16xf32>,
        %get3A_292 = arith.index_cast %scan3A_273 : i32 to index
        %get3A_293 = arith.constant 32 : index
        %get3A_294 = tpu.vector_load %arg6[%get3A_292, %get3A_293] {strides = array<i32>} : memref<125x128xf32, #tpu.memory_space<vmem>>, vector<16xf32>,
        %mul3A_295 = arith.constant 8 : i32
        %mul3A_296 = arith.muli %mul3A_295, %scan3A_273 : i32
        %add3A_297 = arith.constant 2 : i32
        %add3A_298 = arith.addi %mul3A_296, %add3A_297 : i32
        %swap3A_299 = arith.index_cast %add3A_298 : i32 to index
        %swap3A_300 = arith.constant 0 : index
        %swap3A_301 = tpu.vector_load %arg7[%swap3A_299, %swap3A_300] {strides = array<i32>} : memref<1000x16xf32, #tpu.memory_space<vmem>>, vector<16xf32>,
        tpu.vector_store %arg7[%swap3A_299, %swap3A_300], %get3A_294 {strides = array<i32>} : memref<1000x16xf32, #tpu.memory_space<vmem>>, vector<16xf32>,
        %get3A_302 = arith.index_cast %scan3A_273 : i32 to index
        %get3A_303 = arith.constant 48 : index
        %get3A_304 = tpu.vector_load %arg6[%get3A_302, %get3A_303] {strides = array<i32>} : memref<125x128xf32, #tpu.memory_space<vmem>>, vector<16xf32>,
        %mul3A_305 = arith.constant 8 : i32
        %mul3A_306 = arith.muli %mul3A_305, %scan3A_273 : i32
        %add3A_307 = arith.constant 3 : i32
        %add3A_308 = arith.addi %mul3A_306, %add3A_307 : i32
        %swap3A_309 = arith.index_cast %add3A_308 : i32 to index
        %swap3A_310 = arith.constant 0 : index
        %swap3A_311 = tpu.vector_load %arg7[%swap3A_309, %swap3A_310] {strides = array<i32>} : memref<1000x16xf32, #tpu.memory_space<vmem>>, vector<16xf32>,
        tpu.vector_store %arg7[%swap3A_309, %swap3A_310], %get3A_304 {strides = array<i32>} : memref<1000x16xf32, #tpu.memory_space<vmem>>, vector<16xf32>,
        %get3A_312 = arith.index_cast %scan3A_273 : i32 to index
        %get3A_313 = arith.constant 64 : index
        %get3A_314 = tpu.vector_load %arg6[%get3A_312, %get3A_313] {strides = array<i32>} : memref<125x128xf32, #tpu.memory_space<vmem>>, vector<16xf32>,
        %mul3A_315 = arith.constant 8 : i32
        %mul3A_316 = arith.muli %mul3A_315, %scan3A_273 : i32
        %add3A_317 = arith.constant 4 : i32
        %add3A_318 = arith.addi %mul3A_316, %add3A_317 : i32
        %swap3A_319 = arith.index_cast %add3A_318 : i32 to index
        %swap3A_320 = arith.constant 0 : index
        %swap3A_321 = tpu.vector_load %arg7[%swap3A_319, %swap3A_320] {strides = array<i32>} : memref<1000x16xf32, #tpu.memory_space<vmem>>, vector<16xf32>,
        tpu.vector_store %arg7[%swap3A_319, %swap3A_320], %get3A_314 {strides = array<i32>} : memref<1000x16xf32, #tpu.memory_space<vmem>>, vector<16xf32>,
        %get3A_322 = arith.index_cast %scan3A_273 : i32 to index
        %get3A_323 = arith.constant 80 : index
        %get3A_324 = tpu.vector_load %arg6[%get3A_322, %get3A_323] {strides = array<i32>} : memref<125x128xf32, #tpu.memory_space<vmem>>, vector<16xf32>,
        %mul3A_325 = arith.constant 8 : i32
        %mul3A_326 = arith.muli %mul3A_325, %scan3A_273 : i32
        %add3A_327 = arith.constant 5 : i32
        %add3A_328 = arith.addi %mul3A_326, %add3A_327 : i32
        %swap3A_329 = arith.index_cast %add3A_328 : i32 to index
        %swap3A_330 = arith.constant 0 : index
        %swap3A_331 = tpu.vector_load %arg7[%swap3A_329, %swap3A_330] {strides = array<i32>} : memref<1000x16xf32, #tpu.memory_space<vmem>>, vector<16xf32>,
        tpu.vector_store %arg7[%swap3A_329, %swap3A_330], %get3A_324 {strides = array<i32>} : memref<1000x16xf32, #tpu.memory_space<vmem>>, vector<16xf32>,
        %get3A_332 = arith.index_cast %scan3A_273 : i32 to index
        %get3A_333 = arith.constant 96 : index
        %get3A_334 = tpu.vector_load %arg6[%get3A_332, %get3A_333] {strides = array<i32>} : memref<125x128xf32, #tpu.memory_space<vmem>>, vector<16xf32>,
        %mul3A_335 = arith.constant 8 : i32
        %mul3A_336 = arith.muli %mul3A_335, %scan3A_273 : i32
        %add3A_337 = arith.constant 6 : i32
        %add3A_338 = arith.addi %mul3A_336, %add3A_337 : i32
        %swap3A_339 = arith.index_cast %add3A_338 : i32 to index
        %swap3A_340 = arith.constant 0 : index
        %swap3A_341 = tpu.vector_load %arg7[%swap3A_339, %swap3A_340] {strides = array<i32>} : memref<1000x16xf32, #tpu.memory_space<vmem>>, vector<16xf32>,
        tpu.vector_store %arg7[%swap3A_339, %swap3A_340], %get3A_334 {strides = array<i32>} : memref<1000x16xf32, #tpu.memory_space<vmem>>, vector<16xf32>,
        %get3A_342 = arith.index_cast %scan3A_273 : i32 to index
        %get3A_343 = arith.constant 112 : index
        %get3A_344 = tpu.vector_load %arg6[%get3A_342, %get3A_343] {strides = array<i32>} : memref<125x128xf32, #tpu.memory_space<vmem>>, vector<16xf32>,
        %mul3A_345 = arith.constant 8 : i32
        %mul3A_346 = arith.muli %mul3A_345, %scan3A_273 : i32
        %add3A_347 = arith.constant 7 : i32
        %add3A_348 = arith.addi %mul3A_346, %add3A_347 : i32
        %swap3A_349 = arith.index_cast %add3A_348 : i32 to index
        %swap3A_350 = arith.constant 0 : index
        %swap3A_351 = tpu.vector_load %arg7[%swap3A_349, %swap3A_350] {strides = array<i32>} : memref<1000x16xf32, #tpu.memory_space<vmem>>, vector<16xf32>,
        tpu.vector_store %arg7[%swap3A_349, %swap3A_350], %get3A_344 {strides = array<i32>} : memref<1000x16xf32, #tpu.memory_space<vmem>>, vector<16xf32>,
      }
      %scan3A_114 = arith.constant 125 : i32
      %dma_start3A = arith.constant 0 : i32
      %dma_start3A_115 = arith.constant 0 : i32
      %dma_start3A_116 = arith.constant 0 : i32
      %dma_start3A_117 = tpu.memref_slice %arg7[%dma_start3A_115, %dma_start3A_116] : memref<1000x16xf32, #tpu.memory_space<vmem>> -> memref<125x16xf32, #tpu.memory_space<vmem>>
      %dma_start3A_118 = arith.constant 0 : i32
      %dma_start3A_119 = tpu.memref_slice %arg5[%dma_start3A, %dma_start3A_118] : memref<8x125xi32, #tpu.memory_space<vmem>> -> memref<1x125xi32, #tpu.memory_space<vmem>>
      %dma_start3A_120 = tpu.memref_squeeze %dma_start3A_119 : memref<1x125xi32, #tpu.memory_space<vmem>> -> memref<125xi32, #tpu.memory_space<vmem>>
      %dma_start3A_121 = arith.constant 0 : i32
      %dma_start3A_122 = arith.constant 0 : i32
      %dma_start3A_123 = tpu.memref_slice %arg9[%dma_start3A_121, %dma_start3A_122] : memref<50000x16xf32, #tpu.memory_space<vmem_shared>> -> memref<50000x16xf32, #tpu.memory_space<vmem_shared>>
      tpu.enqueue_indirect_dma source(%dma_start3A_117 : memref<125x16xf32, #tpu.memory_space<vmem>>) target(%dma_start3A_123 : memref<50000x16xf32, #tpu.memory_space<vmem_shared>>) offsets(%dma_start3A_120 : memref<125xi32, #tpu.memory_space<vmem>>) semaphore(%arg10 : memref<!tpu.dma_semaphore, #tpu.memory_space<semaphore_mem>>) {add = true}
      %dma_start3A_124 = arith.constant 1 : i32
      %dma_start3A_125 = arith.constant 125 : i32
      %dma_start3A_126 = arith.constant 0 : i32
      %dma_start3A_127 = tpu.memref_slice %arg7[%dma_start3A_125, %dma_start3A_126] : memref<1000x16xf32, #tpu.memory_space<vmem>> -> memref<125x16xf32, #tpu.memory_space<vmem>>
      %dma_start3A_128 = arith.constant 0 : i32
      %dma_start3A_129 = tpu.memref_slice %arg5[%dma_start3A_124, %dma_start3A_128] : memref<8x125xi32, #tpu.memory_space<vmem>> -> memref<1x125xi32, #tpu.memory_space<vmem>>
      %dma_start3A_130 = tpu.memref_squeeze %dma_start3A_129 : memref<1x125xi32, #tpu.memory_space<vmem>> -> memref<125xi32, #tpu.memory_space<vmem>>
      %dma_start3A_131 = arith.constant 0 : i32
      %dma_start3A_132 = arith.constant 0 : i32
      %dma_start3A_133 = tpu.memref_slice %arg9[%dma_start3A_131, %dma_start3A_132] : memref<50000x16xf32, #tpu.memory_space<vmem_shared>> -> memref<50000x16xf32, #tpu.memory_space<vmem_shared>>
      tpu.enqueue_indirect_dma source(%dma_start3A_127 : memref<125x16xf32, #tpu.memory_space<vmem>>) target(%dma_start3A_133 : memref<50000x16xf32, #tpu.memory_space<vmem_shared>>) offsets(%dma_start3A_130 : memref<125xi32, #tpu.memory_space<vmem>>) semaphore(%arg10 : memref<!tpu.dma_semaphore, #tpu.memory_space<semaphore_mem>>) {add = true}
      %dma_start3A_134 = arith.constant 2 : i32
      %dma_start3A_135 = arith.constant 250 : i32
      %dma_start3A_136 = arith.constant 0 : i32
      %dma_start3A_137 = tpu.memref_slice %arg7[%dma_start3A_135, %dma_start3A_136] : memref<1000x16xf32, #tpu.memory_space<vmem>> -> memref<125x16xf32, #tpu.memory_space<vmem>>
      %dma_start3A_138 = arith.constant 0 : i32
      %dma_start3A_139 = tpu.memref_slice %arg5[%dma_start3A_134, %dma_start3A_138] : memref<8x125xi32, #tpu.memory_space<vmem>> -> memref<1x125xi32, #tpu.memory_space<vmem>>
      %dma_start3A_140 = tpu.memref_squeeze %dma_start3A_139 : memref<1x125xi32, #tpu.memory_space<vmem>> -> memref<125xi32, #tpu.memory_space<vmem>>
      %dma_start3A_141 = arith.constant 0 : i32
      %dma_start3A_142 = arith.constant 0 : i32
      %dma_start3A_143 = tpu.memref_slice %arg9[%dma_start3A_141, %dma_start3A_142] : memref<50000x16xf32, #tpu.memory_space<vmem_shared>> -> memref<50000x16xf32, #tpu.memory_space<vmem_shared>>
      tpu.enqueue_indirect_dma source(%dma_start3A_137 : memref<125x16xf32, #tpu.memory_space<vmem>>) target(%dma_start3A_143 : memref<50000x16xf32, #tpu.memory_space<vmem_shared>>) offsets(%dma_start3A_140 : memref<125xi32, #tpu.memory_space<vmem>>) semaphore(%arg10 : memref<!tpu.dma_semaphore, #tpu.memory_space<semaphore_mem>>) {add = true}
      %dma_start3A_144 = arith.constant 3 : i32
      %dma_start3A_145 = arith.constant 375 : i32
      %dma_start3A_146 = arith.constant 0 : i32
      %dma_start3A_147 = tpu.memref_slice %arg7[%dma_start3A_145, %dma_start3A_146] : memref<1000x16xf32, #tpu.memory_space<vmem>> -> memref<125x16xf32, #tpu.memory_space<vmem>>
      %dma_start3A_148 = arith.constant 0 : i32
      %dma_start3A_149 = tpu.memref_slice %arg5[%dma_start3A_144, %dma_start3A_148] : memref<8x125xi32, #tpu.memory_space<vmem>> -> memref<1x125xi32, #tpu.memory_space<vmem>>
      %dma_start3A_150 = tpu.memref_squeeze %dma_start3A_149 : memref<1x125xi32, #tpu.memory_space<vmem>> -> memref<125xi32, #tpu.memory_space<vmem>>
      %dma_start3A_151 = arith.constant 0 : i32
      %dma_start3A_152 = arith.constant 0 : i32
      %dma_start3A_153 = tpu.memref_slice %arg9[%dma_start3A_151, %dma_start3A_152] : memref<50000x16xf32, #tpu.memory_space<vmem_shared>> -> memref<50000x16xf32, #tpu.memory_space<vmem_shared>>
      tpu.enqueue_indirect_dma source(%dma_start3A_147 : memref<125x16xf32, #tpu.memory_space<vmem>>) target(%dma_start3A_153 : memref<50000x16xf32, #tpu.memory_space<vmem_shared>>) offsets(%dma_start3A_150 : memref<125xi32, #tpu.memory_space<vmem>>) semaphore(%arg10 : memref<!tpu.dma_semaphore, #tpu.memory_space<semaphore_mem>>) {add = true}
      %dma_start3A_154 = arith.constant 4 : i32
      %dma_start3A_155 = arith.constant 500 : i32
      %dma_start3A_156 = arith.constant 0 : i32
      %dma_start3A_157 = tpu.memref_slice %arg7[%dma_start3A_155, %dma_start3A_156] : memref<1000x16xf32, #tpu.memory_space<vmem>> -> memref<125x16xf32, #tpu.memory_space<vmem>>
      %dma_start3A_158 = arith.constant 0 : i32
      %dma_start3A_159 = tpu.memref_slice %arg5[%dma_start3A_154, %dma_start3A_158] : memref<8x125xi32, #tpu.memory_space<vmem>> -> memref<1x125xi32, #tpu.memory_space<vmem>>
      %dma_start3A_160 = tpu.memref_squeeze %dma_start3A_159 : memref<1x125xi32, #tpu.memory_space<vmem>> -> memref<125xi32, #tpu.memory_space<vmem>>
      %dma_start3A_161 = arith.constant 0 : i32
      %dma_start3A_162 = arith.constant 0 : i32
      %dma_start3A_163 = tpu.memref_slice %arg9[%dma_start3A_161, %dma_start3A_162] : memref<50000x16xf32, #tpu.memory_space<vmem_shared>> -> memref<50000x16xf32, #tpu.memory_space<vmem_shared>>
      tpu.enqueue_indirect_dma source(%dma_start3A_157 : memref<125x16xf32, #tpu.memory_space<vmem>>) target(%dma_start3A_163 : memref<50000x16xf32, #tpu.memory_space<vmem_shared>>) offsets(%dma_start3A_160 : memref<125xi32, #tpu.memory_space<vmem>>) semaphore(%arg10 : memref<!tpu.dma_semaphore, #tpu.memory_space<semaphore_mem>>) {add = true}
      %dma_start3A_164 = arith.constant 5 : i32
      %dma_start3A_165 = arith.constant 625 : i32
      %dma_start3A_166 = arith.constant 0 : i32
      %dma_start3A_167 = tpu.memref_slice %arg7[%dma_start3A_165, %dma_start3A_166] : memref<1000x16xf32, #tpu.memory_space<vmem>> -> memref<125x16xf32, #tpu.memory_space<vmem>>
      %dma_start3A_168 = arith.constant 0 : i32
      %dma_start3A_169 = tpu.memref_slice %arg5[%dma_start3A_164, %dma_start3A_168] : memref<8x125xi32, #tpu.memory_space<vmem>> -> memref<1x125xi32, #tpu.memory_space<vmem>>
      %dma_start3A_170 = tpu.memref_squeeze %dma_start3A_169 : memref<1x125xi32, #tpu.memory_space<vmem>> -> memref<125xi32, #tpu.memory_space<vmem>>
      %dma_start3A_171 = arith.constant 0 : i32
      %dma_start3A_172 = arith.constant 0 : i32
      %dma_start3A_173 = tpu.memref_slice %arg9[%dma_start3A_171, %dma_start3A_172] : memref<50000x16xf32, #tpu.memory_space<vmem_shared>> -> memref<50000x16xf32, #tpu.memory_space<vmem_shared>>
      tpu.enqueue_indirect_dma source(%dma_start3A_167 : memref<125x16xf32, #tpu.memory_space<vmem>>) target(%dma_start3A_173 : memref<50000x16xf32, #tpu.memory_space<vmem_shared>>) offsets(%dma_start3A_170 : memref<125xi32, #tpu.memory_space<vmem>>) semaphore(%arg10 : memref<!tpu.dma_semaphore, #tpu.memory_space<semaphore_mem>>) {add = true}
      %dma_start3A_174 = arith.constant 6 : i32
      %dma_start3A_175 = arith.constant 750 : i32
      %dma_start3A_176 = arith.constant 0 : i32
      %dma_start3A_177 = tpu.memref_slice %arg7[%dma_start3A_175, %dma_start3A_176] : memref<1000x16xf32, #tpu.memory_space<vmem>> -> memref<125x16xf32, #tpu.memory_space<vmem>>
      %dma_start3A_178 = arith.constant 0 : i32
      %dma_start3A_179 = tpu.memref_slice %arg5[%dma_start3A_174, %dma_start3A_178] : memref<8x125xi32, #tpu.memory_space<vmem>> -> memref<1x125xi32, #tpu.memory_space<vmem>>
      %dma_start3A_180 = tpu.memref_squeeze %dma_start3A_179 : memref<1x125xi32, #tpu.memory_space<vmem>> -> memref<125xi32, #tpu.memory_space<vmem>>
      %dma_start3A_181 = arith.constant 0 : i32
      %dma_start3A_182 = arith.constant 0 : i32
      %dma_start3A_183 = tpu.memref_slice %arg9[%dma_start3A_181, %dma_start3A_182] : memref<50000x16xf32, #tpu.memory_space<vmem_shared>> -> memref<50000x16xf32, #tpu.memory_space<vmem_shared>>
      tpu.enqueue_indirect_dma source(%dma_start3A_177 : memref<125x16xf32, #tpu.memory_space<vmem>>) target(%dma_start3A_183 : memref<50000x16xf32, #tpu.memory_space<vmem_shared>>) offsets(%dma_start3A_180 : memref<125xi32, #tpu.memory_space<vmem>>) semaphore(%arg10 : memref<!tpu.dma_semaphore, #tpu.memory_space<semaphore_mem>>) {add = true}
      %dma_start3A_184 = arith.constant 7 : i32
      %dma_start3A_185 = arith.constant 875 : i32
      %dma_start3A_186 = arith.constant 0 : i32
      %dma_start3A_187 = tpu.memref_slice %arg7[%dma_start3A_185, %dma_start3A_186] : memref<1000x16xf32, #tpu.memory_space<vmem>> -> memref<125x16xf32, #tpu.memory_space<vmem>>
      %dma_start3A_188 = arith.constant 0 : i32
      %dma_start3A_189 = tpu.memref_slice %arg5[%dma_start3A_184, %dma_start3A_188] : memref<8x125xi32, #tpu.memory_space<vmem>> -> memref<1x125xi32, #tpu.memory_space<vmem>>
      %dma_start3A_190 = tpu.memref_squeeze %dma_start3A_189 : memref<1x125xi32, #tpu.memory_space<vmem>> -> memref<125xi32, #tpu.memory_space<vmem>>
      %dma_start3A_191 = arith.constant 0 : i32
      %dma_start3A_192 = arith.constant 0 : i32
      %dma_start3A_193 = tpu.memref_slice %arg9[%dma_start3A_191, %dma_start3A_192] : memref<50000x16xf32, #tpu.memory_space<vmem_shared>> -> memref<50000x16xf32, #tpu.memory_space<vmem_shared>>
      tpu.enqueue_indirect_dma source(%dma_start3A_187 : memref<125x16xf32, #tpu.memory_space<vmem>>) target(%dma_start3A_193 : memref<50000x16xf32, #tpu.memory_space<vmem_shared>>) offsets(%dma_start3A_190 : memref<125xi32, #tpu.memory_space<vmem>>) semaphore(%arg10 : memref<!tpu.dma_semaphore, #tpu.memory_space<semaphore_mem>>) {add = true}
      %dma_wait3A = arith.constant 0 : i32
      %dma_wait3A_194 = arith.constant 0 : i32
      %dma_wait3A_195 = arith.constant 0 : i32
      %dma_wait3A_196 = tpu.memref_slice %arg7[%dma_wait3A_194, %dma_wait3A_195] : memref<1000x16xf32, #tpu.memory_space<vmem>> -> memref<125x16xf32, #tpu.memory_space<vmem>>
      %dma_wait3A_197 = arith.constant 0 : i32
      %dma_wait3A_198 = tpu.memref_slice %arg5[%dma_wait3A, %dma_wait3A_197] : memref<8x125xi32, #tpu.memory_space<vmem>> -> memref<1x125xi32, #tpu.memory_space<vmem>>
      %dma_wait3A_199 = tpu.memref_squeeze %dma_wait3A_198 : memref<1x125xi32, #tpu.memory_space<vmem>> -> memref<125xi32, #tpu.memory_space<vmem>>
      %dma_wait3A_200 = arith.constant 0 : i32
      %dma_wait3A_201 = arith.constant 0 : i32
      %dma_wait3A_202 = tpu.memref_slice %arg9[%dma_wait3A_200, %dma_wait3A_201] : memref<50000x16xf32, #tpu.memory_space<vmem_shared>> -> memref<50000x16xf32, #tpu.memory_space<vmem_shared>>
      tpu.wait_indirect_dma semaphore(%arg10 : memref<!tpu.dma_semaphore, #tpu.memory_space<semaphore_mem>>) src(%dma_wait3A_196 : memref<125x16xf32, #tpu.memory_space<vmem>>) dst(%dma_wait3A_202 : memref<50000x16xf32, #tpu.memory_space<vmem_shared>>)
      %dma_wait3A_203 = arith.constant 1 : i32
      %dma_wait3A_204 = arith.constant 125 : i32
      %dma_wait3A_205 = arith.constant 0 : i32
      %dma_wait3A_206 = tpu.memref_slice %arg7[%dma_wait3A_204, %dma_wait3A_205] : memref<1000x16xf32, #tpu.memory_space<vmem>> -> memref<125x16xf32, #tpu.memory_space<vmem>>
      %dma_wait3A_207 = arith.constant 0 : i32
      %dma_wait3A_208 = tpu.memref_slice %arg5[%dma_wait3A_203, %dma_wait3A_207] : memref<8x125xi32, #tpu.memory_space<vmem>> -> memref<1x125xi32, #tpu.memory_space<vmem>>
      %dma_wait3A_209 = tpu.memref_squeeze %dma_wait3A_208 : memref<1x125xi32, #tpu.memory_space<vmem>> -> memref<125xi32, #tpu.memory_space<vmem>>
      %dma_wait3A_210 = arith.constant 0 : i32
      %dma_wait3A_211 = arith.constant 0 : i32
      %dma_wait3A_212 = tpu.memref_slice %arg9[%dma_wait3A_210, %dma_wait3A_211] : memref<50000x16xf32, #tpu.memory_space<vmem_shared>> -> memref<50000x16xf32, #tpu.memory_space<vmem_shared>>
      tpu.wait_indirect_dma semaphore(%arg10 : memref<!tpu.dma_semaphore, #tpu.memory_space<semaphore_mem>>) src(%dma_wait3A_206 : memref<125x16xf32, #tpu.memory_space<vmem>>) dst(%dma_wait3A_212 : memref<50000x16xf32, #tpu.memory_space<vmem_shared>>)
      %dma_wait3A_213 = arith.constant 2 : i32
      %dma_wait3A_214 = arith.constant 250 : i32
      %dma_wait3A_215 = arith.constant 0 : i32
      %dma_wait3A_216 = tpu.memref_slice %arg7[%dma_wait3A_214, %dma_wait3A_215] : memref<1000x16xf32, #tpu.memory_space<vmem>> -> memref<125x16xf32, #tpu.memory_space<vmem>>
      %dma_wait3A_217 = arith.constant 0 : i32
      %dma_wait3A_218 = tpu.memref_slice %arg5[%dma_wait3A_213, %dma_wait3A_217] : memref<8x125xi32, #tpu.memory_space<vmem>> -> memref<1x125xi32, #tpu.memory_space<vmem>>
      %dma_wait3A_219 = tpu.memref_squeeze %dma_wait3A_218 : memref<1x125xi32, #tpu.memory_space<vmem>> -> memref<125xi32, #tpu.memory_space<vmem>>
      %dma_wait3A_220 = arith.constant 0 : i32
      %dma_wait3A_221 = arith.constant 0 : i32
      %dma_wait3A_222 = tpu.memref_slice %arg9[%dma_wait3A_220, %dma_wait3A_221] : memref<50000x16xf32, #tpu.memory_space<vmem_shared>> -> memref<50000x16xf32, #tpu.memory_space<vmem_shared>>
      tpu.wait_indirect_dma semaphore(%arg10 : memref<!tpu.dma_semaphore, #tpu.memory_space<semaphore_mem>>) src(%dma_wait3A_216 : memref<125x16xf32, #tpu.memory_space<vmem>>) dst(%dma_wait3A_222 : memref<50000x16xf32, #tpu.memory_space<vmem_shared>>)
      %dma_wait3A_223 = arith.constant 3 : i32
      %dma_wait3A_224 = arith.constant 375 : i32
      %dma_wait3A_225 = arith.constant 0 : i32
      %dma_wait3A_226 = tpu.memref_slice %arg7[%dma_wait3A_224, %dma_wait3A_225] : memref<1000x16xf32, #tpu.memory_space<vmem>> -> memref<125x16xf32, #tpu.memory_space<vmem>>
      %dma_wait3A_227 = arith.constant 0 : i32
      %dma_wait3A_228 = tpu.memref_slice %arg5[%dma_wait3A_223, %dma_wait3A_227] : memref<8x125xi32, #tpu.memory_space<vmem>> -> memref<1x125xi32, #tpu.memory_space<vmem>>
      %dma_wait3A_229 = tpu.memref_squeeze %dma_wait3A_228 : memref<1x125xi32, #tpu.memory_space<vmem>> -> memref<125xi32, #tpu.memory_space<vmem>>
      %dma_wait3A_230 = arith.constant 0 : i32
      %dma_wait3A_231 = arith.constant 0 : i32
      %dma_wait3A_232 = tpu.memref_slice %arg9[%dma_wait3A_230, %dma_wait3A_231] : memref<50000x16xf32, #tpu.memory_space<vmem_shared>> -> memref<50000x16xf32, #tpu.memory_space<vmem_shared>>
      tpu.wait_indirect_dma semaphore(%arg10 : memref<!tpu.dma_semaphore, #tpu.memory_space<semaphore_mem>>) src(%dma_wait3A_226 : memref<125x16xf32, #tpu.memory_space<vmem>>) dst(%dma_wait3A_232 : memref<50000x16xf32, #tpu.memory_space<vmem_shared>>)
      %dma_wait3A_233 = arith.constant 4 : i32
      %dma_wait3A_234 = arith.constant 500 : i32
      %dma_wait3A_235 = arith.constant 0 : i32
      %dma_wait3A_236 = tpu.memref_slice %arg7[%dma_wait3A_234, %dma_wait3A_235] : memref<1000x16xf32, #tpu.memory_space<vmem>> -> memref<125x16xf32, #tpu.memory_space<vmem>>
      %dma_wait3A_237 = arith.constant 0 : i32
      %dma_wait3A_238 = tpu.memref_slice %arg5[%dma_wait3A_233, %dma_wait3A_237] : memref<8x125xi32, #tpu.memory_space<vmem>> -> memref<1x125xi32, #tpu.memory_space<vmem>>
      %dma_wait3A_239 = tpu.memref_squeeze %dma_wait3A_238 : memref<1x125xi32, #tpu.memory_space<vmem>> -> memref<125xi32, #tpu.memory_space<vmem>>
      %dma_wait3A_240 = arith.constant 0 : i32
      %dma_wait3A_241 = arith.constant 0 : i32
      %dma_wait3A_242 = tpu.memref_slice %arg9[%dma_wait3A_240, %dma_wait3A_241] : memref<50000x16xf32, #tpu.memory_space<vmem_shared>> -> memref<50000x16xf32, #tpu.memory_space<vmem_shared>>
      tpu.wait_indirect_dma semaphore(%arg10 : memref<!tpu.dma_semaphore, #tpu.memory_space<semaphore_mem>>) src(%dma_wait3A_236 : memref<125x16xf32, #tpu.memory_space<vmem>>) dst(%dma_wait3A_242 : memref<50000x16xf32, #tpu.memory_space<vmem_shared>>)
      %dma_wait3A_243 = arith.constant 5 : i32
      %dma_wait3A_244 = arith.constant 625 : i32
      %dma_wait3A_245 = arith.constant 0 : i32
      %dma_wait3A_246 = tpu.memref_slice %arg7[%dma_wait3A_244, %dma_wait3A_245] : memref<1000x16xf32, #tpu.memory_space<vmem>> -> memref<125x16xf32, #tpu.memory_space<vmem>>
      %dma_wait3A_247 = arith.constant 0 : i32
      %dma_wait3A_248 = tpu.memref_slice %arg5[%dma_wait3A_243, %dma_wait3A_247] : memref<8x125xi32, #tpu.memory_space<vmem>> -> memref<1x125xi32, #tpu.memory_space<vmem>>
      %dma_wait3A_249 = tpu.memref_squeeze %dma_wait3A_248 : memref<1x125xi32, #tpu.memory_space<vmem>> -> memref<125xi32, #tpu.memory_space<vmem>>
      %dma_wait3A_250 = arith.constant 0 : i32
      %dma_wait3A_251 = arith.constant 0 : i32
      %dma_wait3A_252 = tpu.memref_slice %arg9[%dma_wait3A_250, %dma_wait3A_251] : memref<50000x16xf32, #tpu.memory_space<vmem_shared>> -> memref<50000x16xf32, #tpu.memory_space<vmem_shared>>
      tpu.wait_indirect_dma semaphore(%arg10 : memref<!tpu.dma_semaphore, #tpu.memory_space<semaphore_mem>>) src(%dma_wait3A_246 : memref<125x16xf32, #tpu.memory_space<vmem>>) dst(%dma_wait3A_252 : memref<50000x16xf32, #tpu.memory_space<vmem_shared>>)
      %dma_wait3A_253 = arith.constant 6 : i32
      %dma_wait3A_254 = arith.constant 750 : i32
      %dma_wait3A_255 = arith.constant 0 : i32
      %dma_wait3A_256 = tpu.memref_slice %arg7[%dma_wait3A_254, %dma_wait3A_255] : memref<1000x16xf32, #tpu.memory_space<vmem>> -> memref<125x16xf32, #tpu.memory_space<vmem>>
      %dma_wait3A_257 = arith.constant 0 : i32
      %dma_wait3A_258 = tpu.memref_slice %arg5[%dma_wait3A_253, %dma_wait3A_257] : memref<8x125xi32, #tpu.memory_space<vmem>> -> memref<1x125xi32, #tpu.memory_space<vmem>>
      %dma_wait3A_259 = tpu.memref_squeeze %dma_wait3A_258 : memref<1x125xi32, #tpu.memory_space<vmem>> -> memref<125xi32, #tpu.memory_space<vmem>>
      %dma_wait3A_260 = arith.constant 0 : i32
      %dma_wait3A_261 = arith.constant 0 : i32
      %dma_wait3A_262 = tpu.memref_slice %arg9[%dma_wait3A_260, %dma_wait3A_261] : memref<50000x16xf32, #tpu.memory_space<vmem_shared>> -> memref<50000x16xf32, #tpu.memory_space<vmem_shared>>
      tpu.wait_indirect_dma semaphore(%arg10 : memref<!tpu.dma_semaphore, #tpu.memory_space<semaphore_mem>>) src(%dma_wait3A_256 : memref<125x16xf32, #tpu.memory_space<vmem>>) dst(%dma_wait3A_262 : memref<50000x16xf32, #tpu.memory_space<vmem_shared>>)
      %dma_wait3A_263 = arith.constant 7 : i32
      %dma_wait3A_264 = arith.constant 875 : i32
      %dma_wait3A_265 = arith.constant 0 : i32
      %dma_wait3A_266 = tpu.memref_slice %arg7[%dma_wait3A_264, %dma_wait3A_265] : memref<1000x16xf32, #tpu.memory_space<vmem>> -> memref<125x16xf32, #tpu.memory_space<vmem>>
      %dma_wait3A_267 = arith.constant 0 : i32
      %dma_wait3A_268 = tpu.memref_slice %arg5[%dma_wait3A_263, %dma_wait3A_267] : memref<8x125xi32, #tpu.memory_space<vmem>> -> memref<1x125xi32, #tpu.memory_space<vmem>>
      %dma_wait3A_269 = tpu.memref_squeeze %dma_wait3A_268 : memref<1x125xi32, #tpu.memory_space<vmem>> -> memref<125xi32, #tpu.memory_space<vmem>>
      %dma_wait3A_270 = arith.constant 0 : i32
      %dma_wait3A_271 = arith.constant 0 : i32
      %dma_wait3A_272 = tpu.memref_slice %arg9[%dma_wait3A_270, %dma_wait3A_271] : memref<50000x16xf32, #tpu.memory_space<vmem_shared>> -> memref<50000x16xf32, #tpu.memory_space<vmem_shared>>
      tpu.wait_indirect_dma semaphore(%arg10 : memref<!tpu.dma_semaphore, #tpu.memory_space<semaphore_mem>>) src(%dma_wait3A_266 : memref<125x16xf32, #tpu.memory_space<vmem>>) dst(%dma_wait3A_272 : memref<50000x16xf32, #tpu.memory_space<vmem_shared>>)
    }
    %scan3A_36 = arith.constant 25 : i32
    %barrier3A_37 = arith.constant 0 : index
    tpu.barrier barrier_id(%barrier3A_37)
    %add3A_38 = arith.constant 0 : i32
    %add3A_39 = arith.addi %arg1, %add3A_38 : i32
    %lt3A_40 = arith.constant 50 : i32
    %lt3A_41 = arith.cmpi slt, %add3A_39, %lt3A_40 : i32
    %convert_element_type3A_42 = arith.extui %lt3A_41 : i1 to i32
    %cond3A_43 = arith.constant 0 : i32
    %cond3A_44 = arith.cmpi ne, %convert_element_type3A_42, %cond3A_43 : i32
    scf.if %cond3A_44 {
      %mul3A_66 = arith.constant 1000 : i32
      %mul3A_67 = arith.muli %add3A_39, %mul3A_66 : i32
      "tpu.region"() ({
        %run_scoped3A = tpu.sem_alloc : memref<!tpu.dma_semaphore, #tpu.memory_space<semaphore_mem>>
        %dma_start3A = arith.constant 0 : i32
        %dma_start3A_70 = tpu.memref_slice %arg9[%mul3A_67, %dma_start3A] : memref<50000x16xf32, #tpu.memory_space<vmem_shared>> -> memref<1000x16xf32, #tpu.memory_space<vmem_shared>>
        %dma_start3A_71 = arith.constant 0 : i32
        %dma_start3A_72 = tpu.memref_slice %arg9[%mul3A_67, %dma_start3A_71] : memref<50000x16xf32, #tpu.memory_space<vmem_shared>> -> memref<1000x16xf32, #tpu.memory_space<vmem_shared>>
        tpu.enqueue_dma source(%dma_start3A_72 : memref<1000x16xf32, #tpu.memory_space<vmem_shared>>) target(%arg8 : memref<1000x16xf32, #tpu.memory_space<vmem>>) target_semaphore(%run_scoped3A : memref<!tpu.dma_semaphore, #tpu.memory_space<semaphore_mem>>)
        %dma_wait3A = arith.constant 0 : i32
        %dma_wait3A_73 = tpu.memref_slice %arg9[%mul3A_67, %dma_wait3A] : memref<50000x16xf32, #tpu.memory_space<vmem_shared>> -> memref<1000x16xf32, #tpu.memory_space<vmem_shared>>
        %dma_wait3A_74 = arith.constant 0 : i32
        %dma_wait3A_75 = tpu.memref_slice %arg9[%mul3A_67, %dma_wait3A_74] : memref<50000x16xf32, #tpu.memory_space<vmem_shared>> -> memref<1000x16xf32, #tpu.memory_space<vmem_shared>>
        tpu.wait_dma2 semaphore(%run_scoped3A : memref<!tpu.dma_semaphore, #tpu.memory_space<semaphore_mem>>) src(%dma_wait3A_75 : memref<1000x16xf32, #tpu.memory_space<vmem_shared>>) dst(%arg8 : memref<1000x16xf32, #tpu.memory_space<vmem>>)
        tpu.yield
      }) : () -> ()
      %mul3A_68 = arith.constant 1000 : i32
      %mul3A_69 = arith.muli %add3A_39, %mul3A_68 : i32
      "tpu.region"() ({
        %run_scoped3A = tpu.sem_alloc : memref<!tpu.dma_semaphore, #tpu.memory_space<semaphore_mem>>
        %dma_start3A = arith.constant 0 : i32
        %dma_start3A_70 = tpu.memref_slice %arg4[%arg0, %mul3A_69, %dma_start3A] : memref<2x50000x16xf32, #tpu.memory_space<hbm>> -> memref<1x1000x16xf32, #tpu.memory_space<hbm>>
        %dma_start3A_71 = tpu.memref_squeeze %dma_start3A_70 : memref<1x1000x16xf32, #tpu.memory_space<hbm>> -> memref<1000x16xf32, #tpu.memory_space<hbm>>
        %dma_start3A_72 = arith.constant 0 : i32
        %dma_start3A_73 = tpu.memref_slice %arg4[%arg0, %mul3A_69, %dma_start3A_72] : memref<2x50000x16xf32, #tpu.memory_space<hbm>> -> memref<1x1000x16xf32, #tpu.memory_space<hbm>>
        %dma_start3A_74 = tpu.memref_squeeze %dma_start3A_73 : memref<1x1000x16xf32, #tpu.memory_space<hbm>> -> memref<1000x16xf32, #tpu.memory_space<hbm>>
        tpu.enqueue_dma source(%arg8 : memref<1000x16xf32, #tpu.memory_space<vmem>>) target(%dma_start3A_74 : memref<1000x16xf32, #tpu.memory_space<hbm>>) target_semaphore(%run_scoped3A : memref<!tpu.dma_semaphore, #tpu.memory_space<semaphore_mem>>)
        %dma_wait3A = arith.constant 0 : i32
        %dma_wait3A_75 = tpu.memref_slice %arg4[%arg0, %mul3A_69, %dma_wait3A] : memref<2x50000x16xf32, #tpu.memory_space<hbm>> -> memref<1x1000x16xf32, #tpu.memory_space<hbm>>
        %dma_wait3A_76 = tpu.memref_squeeze %dma_wait3A_75 : memref<1x1000x16xf32, #tpu.memory_space<hbm>> -> memref<1000x16xf32, #tpu.memory_space<hbm>>
        %dma_wait3A_77 = arith.constant 0 : i32
        %dma_wait3A_78 = tpu.memref_slice %arg4[%arg0, %mul3A_69, %dma_wait3A_77] : memref<2x50000x16xf32, #tpu.memory_space<hbm>> -> memref<1x1000x16xf32, #tpu.memory_space<hbm>>
        %dma_wait3A_79 = tpu.memref_squeeze %dma_wait3A_78 : memref<1x1000x16xf32, #tpu.memory_space<hbm>> -> memref<1000x16xf32, #tpu.memory_space<hbm>>
        tpu.wait_dma2 semaphore(%run_scoped3A : memref<!tpu.dma_semaphore, #tpu.memory_space<semaphore_mem>>) src(%arg8 : memref<1000x16xf32, #tpu.memory_space<vmem>>) dst(%dma_wait3A_79 : memref<1000x16xf32, #tpu.memory_space<hbm>>)
        tpu.yield
      }) : () -> ()
    } else {
    }
    %add3A_45 = arith.constant 16 : i32
    %add3A_46 = arith.addi %arg1, %add3A_45 : i32
    %lt3A_47 = arith.constant 50 : i32
    %lt3A_48 = arith.cmpi slt, %add3A_46, %lt3A_47 : i32
    %convert_element_type3A_49 = arith.extui %lt3A_48 : i1 to i32
    %cond3A_50 = arith.constant 0 : i32
    %cond3A_51 = arith.cmpi ne, %convert_element_type3A_49, %cond3A_50 : i32
    scf.if %cond3A_51 {
      %mul3A_66 = arith.constant 1000 : i32
      %mul3A_67 = arith.muli %add3A_46, %mul3A_66 : i32
      "tpu.region"() ({
        %run_scoped3A = tpu.sem_alloc : memref<!tpu.dma_semaphore, #tpu.memory_space<semaphore_mem>>
        %dma_start3A = arith.constant 0 : i32
        %dma_start3A_70 = tpu.memref_slice %arg9[%mul3A_67, %dma_start3A] : memref<50000x16xf32, #tpu.memory_space<vmem_shared>> -> memref<1000x16xf32, #tpu.memory_space<vmem_shared>>
        %dma_start3A_71 = arith.constant 0 : i32
        %dma_start3A_72 = tpu.memref_slice %arg9[%mul3A_67, %dma_start3A_71] : memref<50000x16xf32, #tpu.memory_space<vmem_shared>> -> memref<1000x16xf32, #tpu.memory_space<vmem_shared>>
        tpu.enqueue_dma source(%dma_start3A_72 : memref<1000x16xf32, #tpu.memory_space<vmem_shared>>) target(%arg8 : memref<1000x16xf32, #tpu.memory_space<vmem>>) target_semaphore(%run_scoped3A : memref<!tpu.dma_semaphore, #tpu.memory_space<semaphore_mem>>)
        %dma_wait3A = arith.constant 0 : i32
        %dma_wait3A_73 = tpu.memref_slice %arg9[%mul3A_67, %dma_wait3A] : memref<50000x16xf32, #tpu.memory_space<vmem_shared>> -> memref<1000x16xf32, #tpu.memory_space<vmem_shared>>
        %dma_wait3A_74 = arith.constant 0 : i32
        %dma_wait3A_75 = tpu.memref_slice %arg9[%mul3A_67, %dma_wait3A_74] : memref<50000x16xf32, #tpu.memory_space<vmem_shared>> -> memref<1000x16xf32, #tpu.memory_space<vmem_shared>>
        tpu.wait_dma2 semaphore(%run_scoped3A : memref<!tpu.dma_semaphore, #tpu.memory_space<semaphore_mem>>) src(%dma_wait3A_75 : memref<1000x16xf32, #tpu.memory_space<vmem_shared>>) dst(%arg8 : memref<1000x16xf32, #tpu.memory_space<vmem>>)
        tpu.yield
      }) : () -> ()
      %mul3A_68 = arith.constant 1000 : i32
      %mul3A_69 = arith.muli %add3A_46, %mul3A_68 : i32
      "tpu.region"() ({
        %run_scoped3A = tpu.sem_alloc : memref<!tpu.dma_semaphore, #tpu.memory_space<semaphore_mem>>
        %dma_start3A = arith.constant 0 : i32
        %dma_start3A_70 = tpu.memref_slice %arg4[%arg0, %mul3A_69, %dma_start3A] : memref<2x50000x16xf32, #tpu.memory_space<hbm>> -> memref<1x1000x16xf32, #tpu.memory_space<hbm>>
        %dma_start3A_71 = tpu.memref_squeeze %dma_start3A_70 : memref<1x1000x16xf32, #tpu.memory_space<hbm>> -> memref<1000x16xf32, #tpu.memory_space<hbm>>
        %dma_start3A_72 = arith.constant 0 : i32
        %dma_start3A_73 = tpu.memref_slice %arg4[%arg0, %mul3A_69, %dma_start3A_72] : memref<2x50000x16xf32, #tpu.memory_space<hbm>> -> memref<1x1000x16xf32, #tpu.memory_space<hbm>>
        %dma_start3A_74 = tpu.memref_squeeze %dma_start3A_73 : memref<1x1000x16xf32, #tpu.memory_space<hbm>> -> memref<1000x16xf32, #tpu.memory_space<hbm>>
        tpu.enqueue_dma source(%arg8 : memref<1000x16xf32, #tpu.memory_space<vmem>>) target(%dma_start3A_74 : memref<1000x16xf32, #tpu.memory_space<hbm>>) target_semaphore(%run_scoped3A : memref<!tpu.dma_semaphore, #tpu.memory_space<semaphore_mem>>)
        %dma_wait3A = arith.constant 0 : i32
        %dma_wait3A_75 = tpu.memref_slice %arg4[%arg0, %mul3A_69, %dma_wait3A] : memref<2x50000x16xf32, #tpu.memory_space<hbm>> -> memref<1x1000x16xf32, #tpu.memory_space<hbm>>
        %dma_wait3A_76 = tpu.memref_squeeze %dma_wait3A_75 : memref<1x1000x16xf32, #tpu.memory_space<hbm>> -> memref<1000x16xf32, #tpu.memory_space<hbm>>
        %dma_wait3A_77 = arith.constant 0 : i32
        %dma_wait3A_78 = tpu.memref_slice %arg4[%arg0, %mul3A_69, %dma_wait3A_77] : memref<2x50000x16xf32, #tpu.memory_space<hbm>> -> memref<1x1000x16xf32, #tpu.memory_space<hbm>>
        %dma_wait3A_79 = tpu.memref_squeeze %dma_wait3A_78 : memref<1x1000x16xf32, #tpu.memory_space<hbm>> -> memref<1000x16xf32, #tpu.memory_space<hbm>>
        tpu.wait_dma2 semaphore(%run_scoped3A : memref<!tpu.dma_semaphore, #tpu.memory_space<semaphore_mem>>) src(%arg8 : memref<1000x16xf32, #tpu.memory_space<vmem>>) dst(%dma_wait3A_79 : memref<1000x16xf32, #tpu.memory_space<hbm>>)
        tpu.yield
      }) : () -> ()
    } else {
    }
    %add3A_52 = arith.constant 32 : i32
    %add3A_53 = arith.addi %arg1, %add3A_52 : i32
    %lt3A_54 = arith.constant 50 : i32
    %lt3A_55 = arith.cmpi slt, %add3A_53, %lt3A_54 : i32
    %convert_element_type3A_56 = arith.extui %lt3A_55 : i1 to i32
    %cond3A_57 = arith.constant 0 : i32
    %cond3A_58 = arith.cmpi ne, %convert_element_type3A_56, %cond3A_57 : i32
    scf.if %cond3A_58 {
      %mul3A_66 = arith.constant 1000 : i32
      %mul3A_67 = arith.muli %add3A_53, %mul3A_66 : i32
      "tpu.region"() ({
        %run_scoped3A = tpu.sem_alloc : memref<!tpu.dma_semaphore, #tpu.memory_space<semaphore_mem>>
        %dma_start3A = arith.constant 0 : i32
        %dma_start3A_70 = tpu.memref_slice %arg9[%mul3A_67, %dma_start3A] : memref<50000x16xf32, #tpu.memory_space<vmem_shared>> -> memref<1000x16xf32, #tpu.memory_space<vmem_shared>>
        %dma_start3A_71 = arith.constant 0 : i32
        %dma_start3A_72 = tpu.memref_slice %arg9[%mul3A_67, %dma_start3A_71] : memref<50000x16xf32, #tpu.memory_space<vmem_shared>> -> memref<1000x16xf32, #tpu.memory_space<vmem_shared>>
        tpu.enqueue_dma source(%dma_start3A_72 : memref<1000x16xf32, #tpu.memory_space<vmem_shared>>) target(%arg8 : memref<1000x16xf32, #tpu.memory_space<vmem>>) target_semaphore(%run_scoped3A : memref<!tpu.dma_semaphore, #tpu.memory_space<semaphore_mem>>)
        %dma_wait3A = arith.constant 0 : i32
        %dma_wait3A_73 = tpu.memref_slice %arg9[%mul3A_67, %dma_wait3A] : memref<50000x16xf32, #tpu.memory_space<vmem_shared>> -> memref<1000x16xf32, #tpu.memory_space<vmem_shared>>
        %dma_wait3A_74 = arith.constant 0 : i32
        %dma_wait3A_75 = tpu.memref_slice %arg9[%mul3A_67, %dma_wait3A_74] : memref<50000x16xf32, #tpu.memory_space<vmem_shared>> -> memref<1000x16xf32, #tpu.memory_space<vmem_shared>>
        tpu.wait_dma2 semaphore(%run_scoped3A : memref<!tpu.dma_semaphore, #tpu.memory_space<semaphore_mem>>) src(%dma_wait3A_75 : memref<1000x16xf32, #tpu.memory_space<vmem_shared>>) dst(%arg8 : memref<1000x16xf32, #tpu.memory_space<vmem>>)
        tpu.yield
      }) : () -> ()
      %mul3A_68 = arith.constant 1000 : i32
      %mul3A_69 = arith.muli %add3A_53, %mul3A_68 : i32
      "tpu.region"() ({
        %run_scoped3A = tpu.sem_alloc : memref<!tpu.dma_semaphore, #tpu.memory_space<semaphore_mem>>
        %dma_start3A = arith.constant 0 : i32
        %dma_start3A_70 = tpu.memref_slice %arg4[%arg0, %mul3A_69, %dma_start3A] : memref<2x50000x16xf32, #tpu.memory_space<hbm>> -> memref<1x1000x16xf32, #tpu.memory_space<hbm>>
        %dma_start3A_71 = tpu.memref_squeeze %dma_start3A_70 : memref<1x1000x16xf32, #tpu.memory_space<hbm>> -> memref<1000x16xf32, #tpu.memory_space<hbm>>
        %dma_start3A_72 = arith.constant 0 : i32
        %dma_start3A_73 = tpu.memref_slice %arg4[%arg0, %mul3A_69, %dma_start3A_72] : memref<2x50000x16xf32, #tpu.memory_space<hbm>> -> memref<1x1000x16xf32, #tpu.memory_space<hbm>>
        %dma_start3A_74 = tpu.memref_squeeze %dma_start3A_73 : memref<1x1000x16xf32, #tpu.memory_space<hbm>> -> memref<1000x16xf32, #tpu.memory_space<hbm>>
        tpu.enqueue_dma source(%arg8 : memref<1000x16xf32, #tpu.memory_space<vmem>>) target(%dma_start3A_74 : memref<1000x16xf32, #tpu.memory_space<hbm>>) target_semaphore(%run_scoped3A : memref<!tpu.dma_semaphore, #tpu.memory_space<semaphore_mem>>)
        %dma_wait3A = arith.constant 0 : i32
        %dma_wait3A_75 = tpu.memref_slice %arg4[%arg0, %mul3A_69, %dma_wait3A] : memref<2x50000x16xf32, #tpu.memory_space<hbm>> -> memref<1x1000x16xf32, #tpu.memory_space<hbm>>
        %dma_wait3A_76 = tpu.memref_squeeze %dma_wait3A_75 : memref<1x1000x16xf32, #tpu.memory_space<hbm>> -> memref<1000x16xf32, #tpu.memory_space<hbm>>
        %dma_wait3A_77 = arith.constant 0 : i32
        %dma_wait3A_78 = tpu.memref_slice %arg4[%arg0, %mul3A_69, %dma_wait3A_77] : memref<2x50000x16xf32, #tpu.memory_space<hbm>> -> memref<1x1000x16xf32, #tpu.memory_space<hbm>>
        %dma_wait3A_79 = tpu.memref_squeeze %dma_wait3A_78 : memref<1x1000x16xf32, #tpu.memory_space<hbm>> -> memref<1000x16xf32, #tpu.memory_space<hbm>>
        tpu.wait_dma2 semaphore(%run_scoped3A : memref<!tpu.dma_semaphore, #tpu.memory_space<semaphore_mem>>) src(%arg8 : memref<1000x16xf32, #tpu.memory_space<vmem>>) dst(%dma_wait3A_79 : memref<1000x16xf32, #tpu.memory_space<hbm>>)
        tpu.yield
      }) : () -> ()
    } else {
    }
    %add3A_59 = arith.constant 48 : i32
    %add3A_60 = arith.addi %arg1, %add3A_59 : i32
    %lt3A_61 = arith.constant 50 : i32
    %lt3A_62 = arith.cmpi slt, %add3A_60, %lt3A_61 : i32
    %convert_element_type3A_63 = arith.extui %lt3A_62 : i1 to i32
    %cond3A_64 = arith.constant 0 : i32
    %cond3A_65 = arith.cmpi ne, %convert_element_type3A_63, %cond3A_64 : i32
    scf.if %cond3A_65 {
      %mul3A_66 = arith.constant 1000 : i32
      %mul3A_67 = arith.muli %add3A_60, %mul3A_66 : i32
      "tpu.region"() ({
        %run_scoped3A = tpu.sem_alloc : memref<!tpu.dma_semaphore, #tpu.memory_space<semaphore_mem>>
        %dma_start3A = arith.constant 0 : i32
        %dma_start3A_70 = tpu.memref_slice %arg9[%mul3A_67, %dma_start3A] : memref<50000x16xf32, #tpu.memory_space<vmem_shared>> -> memref<1000x16xf32, #tpu.memory_space<vmem_shared>>
        %dma_start3A_71 = arith.constant 0 : i32
        %dma_start3A_72 = tpu.memref_slice %arg9[%mul3A_67, %dma_start3A_71] : memref<50000x16xf32, #tpu.memory_space<vmem_shared>> -> memref<1000x16xf32, #tpu.memory_space<vmem_shared>>
        tpu.enqueue_dma source(%dma_start3A_72 : memref<1000x16xf32, #tpu.memory_space<vmem_shared>>) target(%arg8 : memref<1000x16xf32, #tpu.memory_space<vmem>>) target_semaphore(%run_scoped3A : memref<!tpu.dma_semaphore, #tpu.memory_space<semaphore_mem>>)
        %dma_wait3A = arith.constant 0 : i32
        %dma_wait3A_73 = tpu.memref_slice %arg9[%mul3A_67, %dma_wait3A] : memref<50000x16xf32, #tpu.memory_space<vmem_shared>> -> memref<1000x16xf32, #tpu.memory_space<vmem_shared>>
        %dma_wait3A_74 = arith.constant 0 : i32
        %dma_wait3A_75 = tpu.memref_slice %arg9[%mul3A_67, %dma_wait3A_74] : memref<50000x16xf32, #tpu.memory_space<vmem_shared>> -> memref<1000x16xf32, #tpu.memory_space<vmem_shared>>
        tpu.wait_dma2 semaphore(%run_scoped3A : memref<!tpu.dma_semaphore, #tpu.memory_space<semaphore_mem>>) src(%dma_wait3A_75 : memref<1000x16xf32, #tpu.memory_space<vmem_shared>>) dst(%arg8 : memref<1000x16xf32, #tpu.memory_space<vmem>>)
        tpu.yield
      }) : () -> ()
      %mul3A_68 = arith.constant 1000 : i32
      %mul3A_69 = arith.muli %add3A_60, %mul3A_68 : i32
      "tpu.region"() ({
        %run_scoped3A = tpu.sem_alloc : memref<!tpu.dma_semaphore, #tpu.memory_space<semaphore_mem>>
        %dma_start3A = arith.constant 0 : i32
        %dma_start3A_70 = tpu.memref_slice %arg4[%arg0, %mul3A_69, %dma_start3A] : memref<2x50000x16xf32, #tpu.memory_space<hbm>> -> memref<1x1000x16xf32, #tpu.memory_space<hbm>>
        %dma_start3A_71 = tpu.memref_squeeze %dma_start3A_70 : memref<1x1000x16xf32, #tpu.memory_space<hbm>> -> memref<1000x16xf32, #tpu.memory_space<hbm>>
        %dma_start3A_72 = arith.constant 0 : i32
        %dma_start3A_73 = tpu.memref_slice %arg4[%arg0, %mul3A_69, %dma_start3A_72] : memref<2x50000x16xf32, #tpu.memory_space<hbm>> -> memref<1x1000x16xf32, #tpu.memory_space<hbm>>
        %dma_start3A_74 = tpu.memref_squeeze %dma_start3A_73 : memref<1x1000x16xf32, #tpu.memory_space<hbm>> -> memref<1000x16xf32, #tpu.memory_space<hbm>>
        tpu.enqueue_dma source(%arg8 : memref<1000x16xf32, #tpu.memory_space<vmem>>) target(%dma_start3A_74 : memref<1000x16xf32, #tpu.memory_space<hbm>>) target_semaphore(%run_scoped3A : memref<!tpu.dma_semaphore, #tpu.memory_space<semaphore_mem>>)
        %dma_wait3A = arith.constant 0 : i32
        %dma_wait3A_75 = tpu.memref_slice %arg4[%arg0, %mul3A_69, %dma_wait3A] : memref<2x50000x16xf32, #tpu.memory_space<hbm>> -> memref<1x1000x16xf32, #tpu.memory_space<hbm>>
        %dma_wait3A_76 = tpu.memref_squeeze %dma_wait3A_75 : memref<1x1000x16xf32, #tpu.memory_space<hbm>> -> memref<1000x16xf32, #tpu.memory_space<hbm>>
        %dma_wait3A_77 = arith.constant 0 : i32
        %dma_wait3A_78 = tpu.memref_slice %arg4[%arg0, %mul3A_69, %dma_wait3A_77] : memref<2x50000x16xf32, #tpu.memory_space<hbm>> -> memref<1x1000x16xf32, #tpu.memory_space<hbm>>
        %dma_wait3A_79 = tpu.memref_squeeze %dma_wait3A_78 : memref<1x1000x16xf32, #tpu.memory_space<hbm>> -> memref<1000x16xf32, #tpu.memory_space<hbm>>
        tpu.wait_dma2 semaphore(%run_scoped3A : memref<!tpu.dma_semaphore, #tpu.memory_space<semaphore_mem>>) src(%arg8 : memref<1000x16xf32, #tpu.memory_space<vmem>>) dst(%dma_wait3A_79 : memref<1000x16xf32, #tpu.memory_space<hbm>>)
        tpu.yield
      }) : () -> ()
    } else {
    }
    return
  }
}

#map = affine_map<(d0, d1) -> (0, 0)>
module attributes {stable_mosaic.version = 14 : i64} {
  func.func @gather_combine(%arg0: i32, %arg1: i32, %arg2: memref<50000x32xf32, #tpu.memory_space<hbm>>, %arg3: memref<2x800000xi32, #tpu.memory_space<hbm>>, %arg4: memref<100000x128xf32, #tpu.memory_space<hbm>>, %arg5: memref<1000xi32, #tpu.memory_space<vmem>>, %arg6: memref<1000xi32, #tpu.memory_space<vmem>>, %arg7: memref<1000x32xf32, #tpu.memory_space<vmem>>, %arg8: memref<1000x32xf32, #tpu.memory_space<vmem>>, %arg9: memref<125x128xf32, #tpu.memory_space<vmem>>, %arg10: memref<!tpu.dma_semaphore, #tpu.memory_space<semaphore_mem>>) attributes {dimension_semantics = [#tpu.dimension_semantics<core_parallel>, #tpu.dimension_semantics<subcore_parallel>], iteration_bounds = array<i64: 2, 16>, scalar_prefetch = 0 : i64, scratch_operands = 6 : i64, tpu.core_type = #tpu.core_type<sc_vector_subcore>, window_params = [{transform_indices = #map}, {transform_indices = #map}, {transform_indices = #map}]} {
    %mul3A = arith.constant 2 : i32
    %mul3A_0 = arith.muli %arg1, %mul3A : i32
    %add3A = arith.addi %mul3A_0, %arg0 : i32
    %mul3A_1 = arith.constant 25000 : i32
    %mul3A_2 = arith.muli %add3A, %mul3A_1 : i32
    %scan3A = arith.constant 0 : i32
    %scan3A_3 = arith.constant 25 : i32
    %scan3A_4 = arith.addi %scan3A, %scan3A_3 : i32
    %scan3A_5 = arith.constant 1 : i32
    scf.for %scan3A_7 = %scan3A to %scan3A_4 step %scan3A_5  : i32 {
      %mul3A_8 = arith.constant 1000 : i32
      %mul3A_9 = arith.muli %scan3A_7, %mul3A_8 : i32
      %add3A_10 = arith.addi %mul3A_2, %mul3A_9 : i32
      %run_scoped3A = arith.constant 0 : i32
      "tpu.region"() ({
        %run_scoped3A_287 = tpu.sem_alloc : memref<!tpu.dma_semaphore, #tpu.memory_space<semaphore_mem>>
        %dma_start3A_288 = tpu.memref_slice %arg3[%run_scoped3A, %add3A_10] : memref<2x800000xi32, #tpu.memory_space<hbm>> -> memref<1x1000xi32, #tpu.memory_space<hbm>>
        %dma_start3A_289 = tpu.memref_squeeze %dma_start3A_288 : memref<1x1000xi32, #tpu.memory_space<hbm>> -> memref<1000xi32, #tpu.memory_space<hbm>>
        %dma_start3A_290 = tpu.memref_slice %arg3[%run_scoped3A, %add3A_10] : memref<2x800000xi32, #tpu.memory_space<hbm>> -> memref<1x1000xi32, #tpu.memory_space<hbm>>
        %dma_start3A_291 = tpu.memref_squeeze %dma_start3A_290 : memref<1x1000xi32, #tpu.memory_space<hbm>> -> memref<1000xi32, #tpu.memory_space<hbm>>
        tpu.enqueue_dma source(%dma_start3A_291 : memref<1000xi32, #tpu.memory_space<hbm>>) target(%arg5 : memref<1000xi32, #tpu.memory_space<vmem>>) target_semaphore(%run_scoped3A_287 : memref<!tpu.dma_semaphore, #tpu.memory_space<semaphore_mem>>)
        %dma_wait3A_292 = tpu.memref_slice %arg3[%run_scoped3A, %add3A_10] : memref<2x800000xi32, #tpu.memory_space<hbm>> -> memref<1x1000xi32, #tpu.memory_space<hbm>>
        %dma_wait3A_293 = tpu.memref_squeeze %dma_wait3A_292 : memref<1x1000xi32, #tpu.memory_space<hbm>> -> memref<1000xi32, #tpu.memory_space<hbm>>
        %dma_wait3A_294 = tpu.memref_slice %arg3[%run_scoped3A, %add3A_10] : memref<2x800000xi32, #tpu.memory_space<hbm>> -> memref<1x1000xi32, #tpu.memory_space<hbm>>
        %dma_wait3A_295 = tpu.memref_squeeze %dma_wait3A_294 : memref<1x1000xi32, #tpu.memory_space<hbm>> -> memref<1000xi32, #tpu.memory_space<hbm>>
        tpu.wait_dma2 semaphore(%run_scoped3A_287 : memref<!tpu.dma_semaphore, #tpu.memory_space<semaphore_mem>>) src(%dma_wait3A_295 : memref<1000xi32, #tpu.memory_space<hbm>>) dst(%arg5 : memref<1000xi32, #tpu.memory_space<vmem>>)
        tpu.yield
      }) : () -> ()
      %run_scoped3A_11 = arith.constant 1 : i32
      "tpu.region"() ({
        %run_scoped3A_287 = tpu.sem_alloc : memref<!tpu.dma_semaphore, #tpu.memory_space<semaphore_mem>>
        %dma_start3A_288 = tpu.memref_slice %arg3[%run_scoped3A_11, %add3A_10] : memref<2x800000xi32, #tpu.memory_space<hbm>> -> memref<1x1000xi32, #tpu.memory_space<hbm>>
        %dma_start3A_289 = tpu.memref_squeeze %dma_start3A_288 : memref<1x1000xi32, #tpu.memory_space<hbm>> -> memref<1000xi32, #tpu.memory_space<hbm>>
        %dma_start3A_290 = tpu.memref_slice %arg3[%run_scoped3A_11, %add3A_10] : memref<2x800000xi32, #tpu.memory_space<hbm>> -> memref<1x1000xi32, #tpu.memory_space<hbm>>
        %dma_start3A_291 = tpu.memref_squeeze %dma_start3A_290 : memref<1x1000xi32, #tpu.memory_space<hbm>> -> memref<1000xi32, #tpu.memory_space<hbm>>
        tpu.enqueue_dma source(%dma_start3A_291 : memref<1000xi32, #tpu.memory_space<hbm>>) target(%arg6 : memref<1000xi32, #tpu.memory_space<vmem>>) target_semaphore(%run_scoped3A_287 : memref<!tpu.dma_semaphore, #tpu.memory_space<semaphore_mem>>)
        %dma_wait3A_292 = tpu.memref_slice %arg3[%run_scoped3A_11, %add3A_10] : memref<2x800000xi32, #tpu.memory_space<hbm>> -> memref<1x1000xi32, #tpu.memory_space<hbm>>
        %dma_wait3A_293 = tpu.memref_squeeze %dma_wait3A_292 : memref<1x1000xi32, #tpu.memory_space<hbm>> -> memref<1000xi32, #tpu.memory_space<hbm>>
        %dma_wait3A_294 = tpu.memref_slice %arg3[%run_scoped3A_11, %add3A_10] : memref<2x800000xi32, #tpu.memory_space<hbm>> -> memref<1x1000xi32, #tpu.memory_space<hbm>>
        %dma_wait3A_295 = tpu.memref_squeeze %dma_wait3A_294 : memref<1x1000xi32, #tpu.memory_space<hbm>> -> memref<1000xi32, #tpu.memory_space<hbm>>
        tpu.wait_dma2 semaphore(%run_scoped3A_287 : memref<!tpu.dma_semaphore, #tpu.memory_space<semaphore_mem>>) src(%dma_wait3A_295 : memref<1000xi32, #tpu.memory_space<hbm>>) dst(%arg6 : memref<1000xi32, #tpu.memory_space<vmem>>)
        tpu.yield
      }) : () -> ()
      %dma_start3A = arith.constant 0 : i32
      %dma_start3A_12 = arith.constant 0 : i32
      %dma_start3A_13 = tpu.memref_slice %arg7[%dma_start3A, %dma_start3A_12] : memref<1000x32xf32, #tpu.memory_space<vmem>> -> memref<128x32xf32, #tpu.memory_space<vmem>>
      %dma_start3A_14 = arith.constant 0 : i32
      %dma_start3A_15 = tpu.memref_slice %arg5[%dma_start3A_14] : memref<1000xi32, #tpu.memory_space<vmem>> -> memref<128xi32, #tpu.memory_space<vmem>>
      %dma_start3A_16 = arith.constant 0 : i32
      %dma_start3A_17 = arith.constant 0 : i32
      %dma_start3A_18 = tpu.memref_slice %arg2[%dma_start3A_16, %dma_start3A_17] : memref<50000x32xf32, #tpu.memory_space<hbm>> -> memref<50000x32xf32, #tpu.memory_space<hbm>>
      tpu.enqueue_indirect_dma source(%dma_start3A_18 : memref<50000x32xf32, #tpu.memory_space<hbm>>) target(%dma_start3A_13 : memref<128x32xf32, #tpu.memory_space<vmem>>) offsets(%dma_start3A_15 : memref<128xi32, #tpu.memory_space<vmem>>) semaphore(%arg10 : memref<!tpu.dma_semaphore, #tpu.memory_space<semaphore_mem>>)
      %dma_start3A_19 = arith.constant 0 : i32
      %dma_start3A_20 = arith.constant 0 : i32
      %dma_start3A_21 = tpu.memref_slice %arg8[%dma_start3A_19, %dma_start3A_20] : memref<1000x32xf32, #tpu.memory_space<vmem>> -> memref<128x32xf32, #tpu.memory_space<vmem>>
      %dma_start3A_22 = arith.constant 0 : i32
      %dma_start3A_23 = tpu.memref_slice %arg6[%dma_start3A_22] : memref<1000xi32, #tpu.memory_space<vmem>> -> memref<128xi32, #tpu.memory_space<vmem>>
      %dma_start3A_24 = arith.constant 0 : i32
      %dma_start3A_25 = arith.constant 0 : i32
      %dma_start3A_26 = tpu.memref_slice %arg2[%dma_start3A_24, %dma_start3A_25] : memref<50000x32xf32, #tpu.memory_space<hbm>> -> memref<50000x32xf32, #tpu.memory_space<hbm>>
      tpu.enqueue_indirect_dma source(%dma_start3A_26 : memref<50000x32xf32, #tpu.memory_space<hbm>>) target(%dma_start3A_21 : memref<128x32xf32, #tpu.memory_space<vmem>>) offsets(%dma_start3A_23 : memref<128xi32, #tpu.memory_space<vmem>>) semaphore(%arg10 : memref<!tpu.dma_semaphore, #tpu.memory_space<semaphore_mem>>)
      %dma_start3A_27 = arith.constant 128 : i32
      %dma_start3A_28 = arith.constant 0 : i32
      %dma_start3A_29 = tpu.memref_slice %arg7[%dma_start3A_27, %dma_start3A_28] : memref<1000x32xf32, #tpu.memory_space<vmem>> -> memref<128x32xf32, #tpu.memory_space<vmem>>
      %dma_start3A_30 = arith.constant 128 : i32
      %dma_start3A_31 = tpu.memref_slice %arg5[%dma_start3A_30] : memref<1000xi32, #tpu.memory_space<vmem>> -> memref<128xi32, #tpu.memory_space<vmem>>
      %dma_start3A_32 = arith.constant 0 : i32
      %dma_start3A_33 = arith.constant 0 : i32
      %dma_start3A_34 = tpu.memref_slice %arg2[%dma_start3A_32, %dma_start3A_33] : memref<50000x32xf32, #tpu.memory_space<hbm>> -> memref<50000x32xf32, #tpu.memory_space<hbm>>
      tpu.enqueue_indirect_dma source(%dma_start3A_34 : memref<50000x32xf32, #tpu.memory_space<hbm>>) target(%dma_start3A_29 : memref<128x32xf32, #tpu.memory_space<vmem>>) offsets(%dma_start3A_31 : memref<128xi32, #tpu.memory_space<vmem>>) semaphore(%arg10 : memref<!tpu.dma_semaphore, #tpu.memory_space<semaphore_mem>>)
      %dma_start3A_35 = arith.constant 128 : i32
      %dma_start3A_36 = arith.constant 0 : i32
      %dma_start3A_37 = tpu.memref_slice %arg8[%dma_start3A_35, %dma_start3A_36] : memref<1000x32xf32, #tpu.memory_space<vmem>> -> memref<128x32xf32, #tpu.memory_space<vmem>>
      %dma_start3A_38 = arith.constant 128 : i32
      %dma_start3A_39 = tpu.memref_slice %arg6[%dma_start3A_38] : memref<1000xi32, #tpu.memory_space<vmem>> -> memref<128xi32, #tpu.memory_space<vmem>>
      %dma_start3A_40 = arith.constant 0 : i32
      %dma_start3A_41 = arith.constant 0 : i32
      %dma_start3A_42 = tpu.memref_slice %arg2[%dma_start3A_40, %dma_start3A_41] : memref<50000x32xf32, #tpu.memory_space<hbm>> -> memref<50000x32xf32, #tpu.memory_space<hbm>>
      tpu.enqueue_indirect_dma source(%dma_start3A_42 : memref<50000x32xf32, #tpu.memory_space<hbm>>) target(%dma_start3A_37 : memref<128x32xf32, #tpu.memory_space<vmem>>) offsets(%dma_start3A_39 : memref<128xi32, #tpu.memory_space<vmem>>) semaphore(%arg10 : memref<!tpu.dma_semaphore, #tpu.memory_space<semaphore_mem>>)
      %dma_start3A_43 = arith.constant 256 : i32
      %dma_start3A_44 = arith.constant 0 : i32
      %dma_start3A_45 = tpu.memref_slice %arg7[%dma_start3A_43, %dma_start3A_44] : memref<1000x32xf32, #tpu.memory_space<vmem>> -> memref<128x32xf32, #tpu.memory_space<vmem>>
      %dma_start3A_46 = arith.constant 256 : i32
      %dma_start3A_47 = tpu.memref_slice %arg5[%dma_start3A_46] : memref<1000xi32, #tpu.memory_space<vmem>> -> memref<128xi32, #tpu.memory_space<vmem>>
      %dma_start3A_48 = arith.constant 0 : i32
      %dma_start3A_49 = arith.constant 0 : i32
      %dma_start3A_50 = tpu.memref_slice %arg2[%dma_start3A_48, %dma_start3A_49] : memref<50000x32xf32, #tpu.memory_space<hbm>> -> memref<50000x32xf32, #tpu.memory_space<hbm>>
      tpu.enqueue_indirect_dma source(%dma_start3A_50 : memref<50000x32xf32, #tpu.memory_space<hbm>>) target(%dma_start3A_45 : memref<128x32xf32, #tpu.memory_space<vmem>>) offsets(%dma_start3A_47 : memref<128xi32, #tpu.memory_space<vmem>>) semaphore(%arg10 : memref<!tpu.dma_semaphore, #tpu.memory_space<semaphore_mem>>)
      %dma_start3A_51 = arith.constant 256 : i32
      %dma_start3A_52 = arith.constant 0 : i32
      %dma_start3A_53 = tpu.memref_slice %arg8[%dma_start3A_51, %dma_start3A_52] : memref<1000x32xf32, #tpu.memory_space<vmem>> -> memref<128x32xf32, #tpu.memory_space<vmem>>
      %dma_start3A_54 = arith.constant 256 : i32
      %dma_start3A_55 = tpu.memref_slice %arg6[%dma_start3A_54] : memref<1000xi32, #tpu.memory_space<vmem>> -> memref<128xi32, #tpu.memory_space<vmem>>
      %dma_start3A_56 = arith.constant 0 : i32
      %dma_start3A_57 = arith.constant 0 : i32
      %dma_start3A_58 = tpu.memref_slice %arg2[%dma_start3A_56, %dma_start3A_57] : memref<50000x32xf32, #tpu.memory_space<hbm>> -> memref<50000x32xf32, #tpu.memory_space<hbm>>
      tpu.enqueue_indirect_dma source(%dma_start3A_58 : memref<50000x32xf32, #tpu.memory_space<hbm>>) target(%dma_start3A_53 : memref<128x32xf32, #tpu.memory_space<vmem>>) offsets(%dma_start3A_55 : memref<128xi32, #tpu.memory_space<vmem>>) semaphore(%arg10 : memref<!tpu.dma_semaphore, #tpu.memory_space<semaphore_mem>>)
      %dma_start3A_59 = arith.constant 384 : i32
      %dma_start3A_60 = arith.constant 0 : i32
      %dma_start3A_61 = tpu.memref_slice %arg7[%dma_start3A_59, %dma_start3A_60] : memref<1000x32xf32, #tpu.memory_space<vmem>> -> memref<128x32xf32, #tpu.memory_space<vmem>>
      %dma_start3A_62 = arith.constant 384 : i32
      %dma_start3A_63 = tpu.memref_slice %arg5[%dma_start3A_62] : memref<1000xi32, #tpu.memory_space<vmem>> -> memref<128xi32, #tpu.memory_space<vmem>>
      %dma_start3A_64 = arith.constant 0 : i32
      %dma_start3A_65 = arith.constant 0 : i32
      %dma_start3A_66 = tpu.memref_slice %arg2[%dma_start3A_64, %dma_start3A_65] : memref<50000x32xf32, #tpu.memory_space<hbm>> -> memref<50000x32xf32, #tpu.memory_space<hbm>>
      tpu.enqueue_indirect_dma source(%dma_start3A_66 : memref<50000x32xf32, #tpu.memory_space<hbm>>) target(%dma_start3A_61 : memref<128x32xf32, #tpu.memory_space<vmem>>) offsets(%dma_start3A_63 : memref<128xi32, #tpu.memory_space<vmem>>) semaphore(%arg10 : memref<!tpu.dma_semaphore, #tpu.memory_space<semaphore_mem>>)
      %dma_start3A_67 = arith.constant 384 : i32
      %dma_start3A_68 = arith.constant 0 : i32
      %dma_start3A_69 = tpu.memref_slice %arg8[%dma_start3A_67, %dma_start3A_68] : memref<1000x32xf32, #tpu.memory_space<vmem>> -> memref<128x32xf32, #tpu.memory_space<vmem>>
      %dma_start3A_70 = arith.constant 384 : i32
      %dma_start3A_71 = tpu.memref_slice %arg6[%dma_start3A_70] : memref<1000xi32, #tpu.memory_space<vmem>> -> memref<128xi32, #tpu.memory_space<vmem>>
      %dma_start3A_72 = arith.constant 0 : i32
      %dma_start3A_73 = arith.constant 0 : i32
      %dma_start3A_74 = tpu.memref_slice %arg2[%dma_start3A_72, %dma_start3A_73] : memref<50000x32xf32, #tpu.memory_space<hbm>> -> memref<50000x32xf32, #tpu.memory_space<hbm>>
      tpu.enqueue_indirect_dma source(%dma_start3A_74 : memref<50000x32xf32, #tpu.memory_space<hbm>>) target(%dma_start3A_69 : memref<128x32xf32, #tpu.memory_space<vmem>>) offsets(%dma_start3A_71 : memref<128xi32, #tpu.memory_space<vmem>>) semaphore(%arg10 : memref<!tpu.dma_semaphore, #tpu.memory_space<semaphore_mem>>)
      %dma_start3A_75 = arith.constant 512 : i32
      %dma_start3A_76 = arith.constant 0 : i32
      %dma_start3A_77 = tpu.memref_slice %arg7[%dma_start3A_75, %dma_start3A_76] : memref<1000x32xf32, #tpu.memory_space<vmem>> -> memref<128x32xf32, #tpu.memory_space<vmem>>
      %dma_start3A_78 = arith.constant 512 : i32
      %dma_start3A_79 = tpu.memref_slice %arg5[%dma_start3A_78] : memref<1000xi32, #tpu.memory_space<vmem>> -> memref<128xi32, #tpu.memory_space<vmem>>
      %dma_start3A_80 = arith.constant 0 : i32
      %dma_start3A_81 = arith.constant 0 : i32
      %dma_start3A_82 = tpu.memref_slice %arg2[%dma_start3A_80, %dma_start3A_81] : memref<50000x32xf32, #tpu.memory_space<hbm>> -> memref<50000x32xf32, #tpu.memory_space<hbm>>
      tpu.enqueue_indirect_dma source(%dma_start3A_82 : memref<50000x32xf32, #tpu.memory_space<hbm>>) target(%dma_start3A_77 : memref<128x32xf32, #tpu.memory_space<vmem>>) offsets(%dma_start3A_79 : memref<128xi32, #tpu.memory_space<vmem>>) semaphore(%arg10 : memref<!tpu.dma_semaphore, #tpu.memory_space<semaphore_mem>>)
      %dma_start3A_83 = arith.constant 512 : i32
      %dma_start3A_84 = arith.constant 0 : i32
      %dma_start3A_85 = tpu.memref_slice %arg8[%dma_start3A_83, %dma_start3A_84] : memref<1000x32xf32, #tpu.memory_space<vmem>> -> memref<128x32xf32, #tpu.memory_space<vmem>>
      %dma_start3A_86 = arith.constant 512 : i32
      %dma_start3A_87 = tpu.memref_slice %arg6[%dma_start3A_86] : memref<1000xi32, #tpu.memory_space<vmem>> -> memref<128xi32, #tpu.memory_space<vmem>>
      %dma_start3A_88 = arith.constant 0 : i32
      %dma_start3A_89 = arith.constant 0 : i32
      %dma_start3A_90 = tpu.memref_slice %arg2[%dma_start3A_88, %dma_start3A_89] : memref<50000x32xf32, #tpu.memory_space<hbm>> -> memref<50000x32xf32, #tpu.memory_space<hbm>>
      tpu.enqueue_indirect_dma source(%dma_start3A_90 : memref<50000x32xf32, #tpu.memory_space<hbm>>) target(%dma_start3A_85 : memref<128x32xf32, #tpu.memory_space<vmem>>) offsets(%dma_start3A_87 : memref<128xi32, #tpu.memory_space<vmem>>) semaphore(%arg10 : memref<!tpu.dma_semaphore, #tpu.memory_space<semaphore_mem>>)
      %dma_start3A_91 = arith.constant 640 : i32
      %dma_start3A_92 = arith.constant 0 : i32
      %dma_start3A_93 = tpu.memref_slice %arg7[%dma_start3A_91, %dma_start3A_92] : memref<1000x32xf32, #tpu.memory_space<vmem>> -> memref<128x32xf32, #tpu.memory_space<vmem>>
      %dma_start3A_94 = arith.constant 640 : i32
      %dma_start3A_95 = tpu.memref_slice %arg5[%dma_start3A_94] : memref<1000xi32, #tpu.memory_space<vmem>> -> memref<128xi32, #tpu.memory_space<vmem>>
      %dma_start3A_96 = arith.constant 0 : i32
      %dma_start3A_97 = arith.constant 0 : i32
      %dma_start3A_98 = tpu.memref_slice %arg2[%dma_start3A_96, %dma_start3A_97] : memref<50000x32xf32, #tpu.memory_space<hbm>> -> memref<50000x32xf32, #tpu.memory_space<hbm>>
      tpu.enqueue_indirect_dma source(%dma_start3A_98 : memref<50000x32xf32, #tpu.memory_space<hbm>>) target(%dma_start3A_93 : memref<128x32xf32, #tpu.memory_space<vmem>>) offsets(%dma_start3A_95 : memref<128xi32, #tpu.memory_space<vmem>>) semaphore(%arg10 : memref<!tpu.dma_semaphore, #tpu.memory_space<semaphore_mem>>)
      %dma_start3A_99 = arith.constant 640 : i32
      %dma_start3A_100 = arith.constant 0 : i32
      %dma_start3A_101 = tpu.memref_slice %arg8[%dma_start3A_99, %dma_start3A_100] : memref<1000x32xf32, #tpu.memory_space<vmem>> -> memref<128x32xf32, #tpu.memory_space<vmem>>
      %dma_start3A_102 = arith.constant 640 : i32
      %dma_start3A_103 = tpu.memref_slice %arg6[%dma_start3A_102] : memref<1000xi32, #tpu.memory_space<vmem>> -> memref<128xi32, #tpu.memory_space<vmem>>
      %dma_start3A_104 = arith.constant 0 : i32
      %dma_start3A_105 = arith.constant 0 : i32
      %dma_start3A_106 = tpu.memref_slice %arg2[%dma_start3A_104, %dma_start3A_105] : memref<50000x32xf32, #tpu.memory_space<hbm>> -> memref<50000x32xf32, #tpu.memory_space<hbm>>
      tpu.enqueue_indirect_dma source(%dma_start3A_106 : memref<50000x32xf32, #tpu.memory_space<hbm>>) target(%dma_start3A_101 : memref<128x32xf32, #tpu.memory_space<vmem>>) offsets(%dma_start3A_103 : memref<128xi32, #tpu.memory_space<vmem>>) semaphore(%arg10 : memref<!tpu.dma_semaphore, #tpu.memory_space<semaphore_mem>>)
      %dma_start3A_107 = arith.constant 768 : i32
      %dma_start3A_108 = arith.constant 0 : i32
      %dma_start3A_109 = tpu.memref_slice %arg7[%dma_start3A_107, %dma_start3A_108] : memref<1000x32xf32, #tpu.memory_space<vmem>> -> memref<128x32xf32, #tpu.memory_space<vmem>>
      %dma_start3A_110 = arith.constant 768 : i32
      %dma_start3A_111 = tpu.memref_slice %arg5[%dma_start3A_110] : memref<1000xi32, #tpu.memory_space<vmem>> -> memref<128xi32, #tpu.memory_space<vmem>>
      %dma_start3A_112 = arith.constant 0 : i32
      %dma_start3A_113 = arith.constant 0 : i32
      %dma_start3A_114 = tpu.memref_slice %arg2[%dma_start3A_112, %dma_start3A_113] : memref<50000x32xf32, #tpu.memory_space<hbm>> -> memref<50000x32xf32, #tpu.memory_space<hbm>>
      tpu.enqueue_indirect_dma source(%dma_start3A_114 : memref<50000x32xf32, #tpu.memory_space<hbm>>) target(%dma_start3A_109 : memref<128x32xf32, #tpu.memory_space<vmem>>) offsets(%dma_start3A_111 : memref<128xi32, #tpu.memory_space<vmem>>) semaphore(%arg10 : memref<!tpu.dma_semaphore, #tpu.memory_space<semaphore_mem>>)
      %dma_start3A_115 = arith.constant 768 : i32
      %dma_start3A_116 = arith.constant 0 : i32
      %dma_start3A_117 = tpu.memref_slice %arg8[%dma_start3A_115, %dma_start3A_116] : memref<1000x32xf32, #tpu.memory_space<vmem>> -> memref<128x32xf32, #tpu.memory_space<vmem>>
      %dma_start3A_118 = arith.constant 768 : i32
      %dma_start3A_119 = tpu.memref_slice %arg6[%dma_start3A_118] : memref<1000xi32, #tpu.memory_space<vmem>> -> memref<128xi32, #tpu.memory_space<vmem>>
      %dma_start3A_120 = arith.constant 0 : i32
      %dma_start3A_121 = arith.constant 0 : i32
      %dma_start3A_122 = tpu.memref_slice %arg2[%dma_start3A_120, %dma_start3A_121] : memref<50000x32xf32, #tpu.memory_space<hbm>> -> memref<50000x32xf32, #tpu.memory_space<hbm>>
      tpu.enqueue_indirect_dma source(%dma_start3A_122 : memref<50000x32xf32, #tpu.memory_space<hbm>>) target(%dma_start3A_117 : memref<128x32xf32, #tpu.memory_space<vmem>>) offsets(%dma_start3A_119 : memref<128xi32, #tpu.memory_space<vmem>>) semaphore(%arg10 : memref<!tpu.dma_semaphore, #tpu.memory_space<semaphore_mem>>)
      %dma_start3A_123 = arith.constant 896 : i32
      %dma_start3A_124 = arith.constant 0 : i32
      %dma_start3A_125 = tpu.memref_slice %arg7[%dma_start3A_123, %dma_start3A_124] : memref<1000x32xf32, #tpu.memory_space<vmem>> -> memref<104x32xf32, #tpu.memory_space<vmem>>
      %dma_start3A_126 = arith.constant 896 : i32
      %dma_start3A_127 = tpu.memref_slice %arg5[%dma_start3A_126] : memref<1000xi32, #tpu.memory_space<vmem>> -> memref<104xi32, #tpu.memory_space<vmem>>
      %dma_start3A_128 = arith.constant 0 : i32
      %dma_start3A_129 = arith.constant 0 : i32
      %dma_start3A_130 = tpu.memref_slice %arg2[%dma_start3A_128, %dma_start3A_129] : memref<50000x32xf32, #tpu.memory_space<hbm>> -> memref<50000x32xf32, #tpu.memory_space<hbm>>
      tpu.enqueue_indirect_dma source(%dma_start3A_130 : memref<50000x32xf32, #tpu.memory_space<hbm>>) target(%dma_start3A_125 : memref<104x32xf32, #tpu.memory_space<vmem>>) offsets(%dma_start3A_127 : memref<104xi32, #tpu.memory_space<vmem>>) semaphore(%arg10 : memref<!tpu.dma_semaphore, #tpu.memory_space<semaphore_mem>>)
      %dma_start3A_131 = arith.constant 896 : i32
      %dma_start3A_132 = arith.constant 0 : i32
      %dma_start3A_133 = tpu.memref_slice %arg8[%dma_start3A_131, %dma_start3A_132] : memref<1000x32xf32, #tpu.memory_space<vmem>> -> memref<104x32xf32, #tpu.memory_space<vmem>>
      %dma_start3A_134 = arith.constant 896 : i32
      %dma_start3A_135 = tpu.memref_slice %arg6[%dma_start3A_134] : memref<1000xi32, #tpu.memory_space<vmem>> -> memref<104xi32, #tpu.memory_space<vmem>>
      %dma_start3A_136 = arith.constant 0 : i32
      %dma_start3A_137 = arith.constant 0 : i32
      %dma_start3A_138 = tpu.memref_slice %arg2[%dma_start3A_136, %dma_start3A_137] : memref<50000x32xf32, #tpu.memory_space<hbm>> -> memref<50000x32xf32, #tpu.memory_space<hbm>>
      tpu.enqueue_indirect_dma source(%dma_start3A_138 : memref<50000x32xf32, #tpu.memory_space<hbm>>) target(%dma_start3A_133 : memref<104x32xf32, #tpu.memory_space<vmem>>) offsets(%dma_start3A_135 : memref<104xi32, #tpu.memory_space<vmem>>) semaphore(%arg10 : memref<!tpu.dma_semaphore, #tpu.memory_space<semaphore_mem>>)
      %dma_wait3A = arith.constant 0 : i32
      %dma_wait3A_139 = arith.constant 0 : i32
      %dma_wait3A_140 = tpu.memref_slice %arg7[%dma_wait3A, %dma_wait3A_139] : memref<1000x32xf32, #tpu.memory_space<vmem>> -> memref<128x32xf32, #tpu.memory_space<vmem>>
      %dma_wait3A_141 = arith.constant 0 : i32
      %dma_wait3A_142 = tpu.memref_slice %arg5[%dma_wait3A_141] : memref<1000xi32, #tpu.memory_space<vmem>> -> memref<128xi32, #tpu.memory_space<vmem>>
      %dma_wait3A_143 = arith.constant 0 : i32
      %dma_wait3A_144 = arith.constant 0 : i32
      %dma_wait3A_145 = tpu.memref_slice %arg2[%dma_wait3A_143, %dma_wait3A_144] : memref<50000x32xf32, #tpu.memory_space<hbm>> -> memref<50000x32xf32, #tpu.memory_space<hbm>>
      tpu.wait_indirect_dma semaphore(%arg10 : memref<!tpu.dma_semaphore, #tpu.memory_space<semaphore_mem>>) src(%dma_wait3A_145 : memref<50000x32xf32, #tpu.memory_space<hbm>>) dst(%dma_wait3A_140 : memref<128x32xf32, #tpu.memory_space<vmem>>)
      %dma_wait3A_146 = arith.constant 0 : i32
      %dma_wait3A_147 = arith.constant 0 : i32
      %dma_wait3A_148 = tpu.memref_slice %arg8[%dma_wait3A_146, %dma_wait3A_147] : memref<1000x32xf32, #tpu.memory_space<vmem>> -> memref<128x32xf32, #tpu.memory_space<vmem>>
      %dma_wait3A_149 = arith.constant 0 : i32
      %dma_wait3A_150 = tpu.memref_slice %arg6[%dma_wait3A_149] : memref<1000xi32, #tpu.memory_space<vmem>> -> memref<128xi32, #tpu.memory_space<vmem>>
      %dma_wait3A_151 = arith.constant 0 : i32
      %dma_wait3A_152 = arith.constant 0 : i32
      %dma_wait3A_153 = tpu.memref_slice %arg2[%dma_wait3A_151, %dma_wait3A_152] : memref<50000x32xf32, #tpu.memory_space<hbm>> -> memref<50000x32xf32, #tpu.memory_space<hbm>>
      tpu.wait_indirect_dma semaphore(%arg10 : memref<!tpu.dma_semaphore, #tpu.memory_space<semaphore_mem>>) src(%dma_wait3A_153 : memref<50000x32xf32, #tpu.memory_space<hbm>>) dst(%dma_wait3A_148 : memref<128x32xf32, #tpu.memory_space<vmem>>)
      %dma_wait3A_154 = arith.constant 128 : i32
      %dma_wait3A_155 = arith.constant 0 : i32
      %dma_wait3A_156 = tpu.memref_slice %arg7[%dma_wait3A_154, %dma_wait3A_155] : memref<1000x32xf32, #tpu.memory_space<vmem>> -> memref<128x32xf32, #tpu.memory_space<vmem>>
      %dma_wait3A_157 = arith.constant 128 : i32
      %dma_wait3A_158 = tpu.memref_slice %arg5[%dma_wait3A_157] : memref<1000xi32, #tpu.memory_space<vmem>> -> memref<128xi32, #tpu.memory_space<vmem>>
      %dma_wait3A_159 = arith.constant 0 : i32
      %dma_wait3A_160 = arith.constant 0 : i32
      %dma_wait3A_161 = tpu.memref_slice %arg2[%dma_wait3A_159, %dma_wait3A_160] : memref<50000x32xf32, #tpu.memory_space<hbm>> -> memref<50000x32xf32, #tpu.memory_space<hbm>>
      tpu.wait_indirect_dma semaphore(%arg10 : memref<!tpu.dma_semaphore, #tpu.memory_space<semaphore_mem>>) src(%dma_wait3A_161 : memref<50000x32xf32, #tpu.memory_space<hbm>>) dst(%dma_wait3A_156 : memref<128x32xf32, #tpu.memory_space<vmem>>)
      %dma_wait3A_162 = arith.constant 128 : i32
      %dma_wait3A_163 = arith.constant 0 : i32
      %dma_wait3A_164 = tpu.memref_slice %arg8[%dma_wait3A_162, %dma_wait3A_163] : memref<1000x32xf32, #tpu.memory_space<vmem>> -> memref<128x32xf32, #tpu.memory_space<vmem>>
      %dma_wait3A_165 = arith.constant 128 : i32
      %dma_wait3A_166 = tpu.memref_slice %arg6[%dma_wait3A_165] : memref<1000xi32, #tpu.memory_space<vmem>> -> memref<128xi32, #tpu.memory_space<vmem>>
      %dma_wait3A_167 = arith.constant 0 : i32
      %dma_wait3A_168 = arith.constant 0 : i32
      %dma_wait3A_169 = tpu.memref_slice %arg2[%dma_wait3A_167, %dma_wait3A_168] : memref<50000x32xf32, #tpu.memory_space<hbm>> -> memref<50000x32xf32, #tpu.memory_space<hbm>>
      tpu.wait_indirect_dma semaphore(%arg10 : memref<!tpu.dma_semaphore, #tpu.memory_space<semaphore_mem>>) src(%dma_wait3A_169 : memref<50000x32xf32, #tpu.memory_space<hbm>>) dst(%dma_wait3A_164 : memref<128x32xf32, #tpu.memory_space<vmem>>)
      %dma_wait3A_170 = arith.constant 256 : i32
      %dma_wait3A_171 = arith.constant 0 : i32
      %dma_wait3A_172 = tpu.memref_slice %arg7[%dma_wait3A_170, %dma_wait3A_171] : memref<1000x32xf32, #tpu.memory_space<vmem>> -> memref<128x32xf32, #tpu.memory_space<vmem>>
      %dma_wait3A_173 = arith.constant 256 : i32
      %dma_wait3A_174 = tpu.memref_slice %arg5[%dma_wait3A_173] : memref<1000xi32, #tpu.memory_space<vmem>> -> memref<128xi32, #tpu.memory_space<vmem>>
      %dma_wait3A_175 = arith.constant 0 : i32
      %dma_wait3A_176 = arith.constant 0 : i32
      %dma_wait3A_177 = tpu.memref_slice %arg2[%dma_wait3A_175, %dma_wait3A_176] : memref<50000x32xf32, #tpu.memory_space<hbm>> -> memref<50000x32xf32, #tpu.memory_space<hbm>>
      tpu.wait_indirect_dma semaphore(%arg10 : memref<!tpu.dma_semaphore, #tpu.memory_space<semaphore_mem>>) src(%dma_wait3A_177 : memref<50000x32xf32, #tpu.memory_space<hbm>>) dst(%dma_wait3A_172 : memref<128x32xf32, #tpu.memory_space<vmem>>)
      %dma_wait3A_178 = arith.constant 256 : i32
      %dma_wait3A_179 = arith.constant 0 : i32
      %dma_wait3A_180 = tpu.memref_slice %arg8[%dma_wait3A_178, %dma_wait3A_179] : memref<1000x32xf32, #tpu.memory_space<vmem>> -> memref<128x32xf32, #tpu.memory_space<vmem>>
      %dma_wait3A_181 = arith.constant 256 : i32
      %dma_wait3A_182 = tpu.memref_slice %arg6[%dma_wait3A_181] : memref<1000xi32, #tpu.memory_space<vmem>> -> memref<128xi32, #tpu.memory_space<vmem>>
      %dma_wait3A_183 = arith.constant 0 : i32
      %dma_wait3A_184 = arith.constant 0 : i32
      %dma_wait3A_185 = tpu.memref_slice %arg2[%dma_wait3A_183, %dma_wait3A_184] : memref<50000x32xf32, #tpu.memory_space<hbm>> -> memref<50000x32xf32, #tpu.memory_space<hbm>>
      tpu.wait_indirect_dma semaphore(%arg10 : memref<!tpu.dma_semaphore, #tpu.memory_space<semaphore_mem>>) src(%dma_wait3A_185 : memref<50000x32xf32, #tpu.memory_space<hbm>>) dst(%dma_wait3A_180 : memref<128x32xf32, #tpu.memory_space<vmem>>)
      %dma_wait3A_186 = arith.constant 384 : i32
      %dma_wait3A_187 = arith.constant 0 : i32
      %dma_wait3A_188 = tpu.memref_slice %arg7[%dma_wait3A_186, %dma_wait3A_187] : memref<1000x32xf32, #tpu.memory_space<vmem>> -> memref<128x32xf32, #tpu.memory_space<vmem>>
      %dma_wait3A_189 = arith.constant 384 : i32
      %dma_wait3A_190 = tpu.memref_slice %arg5[%dma_wait3A_189] : memref<1000xi32, #tpu.memory_space<vmem>> -> memref<128xi32, #tpu.memory_space<vmem>>
      %dma_wait3A_191 = arith.constant 0 : i32
      %dma_wait3A_192 = arith.constant 0 : i32
      %dma_wait3A_193 = tpu.memref_slice %arg2[%dma_wait3A_191, %dma_wait3A_192] : memref<50000x32xf32, #tpu.memory_space<hbm>> -> memref<50000x32xf32, #tpu.memory_space<hbm>>
      tpu.wait_indirect_dma semaphore(%arg10 : memref<!tpu.dma_semaphore, #tpu.memory_space<semaphore_mem>>) src(%dma_wait3A_193 : memref<50000x32xf32, #tpu.memory_space<hbm>>) dst(%dma_wait3A_188 : memref<128x32xf32, #tpu.memory_space<vmem>>)
      %dma_wait3A_194 = arith.constant 384 : i32
      %dma_wait3A_195 = arith.constant 0 : i32
      %dma_wait3A_196 = tpu.memref_slice %arg8[%dma_wait3A_194, %dma_wait3A_195] : memref<1000x32xf32, #tpu.memory_space<vmem>> -> memref<128x32xf32, #tpu.memory_space<vmem>>
      %dma_wait3A_197 = arith.constant 384 : i32
      %dma_wait3A_198 = tpu.memref_slice %arg6[%dma_wait3A_197] : memref<1000xi32, #tpu.memory_space<vmem>> -> memref<128xi32, #tpu.memory_space<vmem>>
      %dma_wait3A_199 = arith.constant 0 : i32
      %dma_wait3A_200 = arith.constant 0 : i32
      %dma_wait3A_201 = tpu.memref_slice %arg2[%dma_wait3A_199, %dma_wait3A_200] : memref<50000x32xf32, #tpu.memory_space<hbm>> -> memref<50000x32xf32, #tpu.memory_space<hbm>>
      tpu.wait_indirect_dma semaphore(%arg10 : memref<!tpu.dma_semaphore, #tpu.memory_space<semaphore_mem>>) src(%dma_wait3A_201 : memref<50000x32xf32, #tpu.memory_space<hbm>>) dst(%dma_wait3A_196 : memref<128x32xf32, #tpu.memory_space<vmem>>)
      %dma_wait3A_202 = arith.constant 512 : i32
      %dma_wait3A_203 = arith.constant 0 : i32
      %dma_wait3A_204 = tpu.memref_slice %arg7[%dma_wait3A_202, %dma_wait3A_203] : memref<1000x32xf32, #tpu.memory_space<vmem>> -> memref<128x32xf32, #tpu.memory_space<vmem>>
      %dma_wait3A_205 = arith.constant 512 : i32
      %dma_wait3A_206 = tpu.memref_slice %arg5[%dma_wait3A_205] : memref<1000xi32, #tpu.memory_space<vmem>> -> memref<128xi32, #tpu.memory_space<vmem>>
      %dma_wait3A_207 = arith.constant 0 : i32
      %dma_wait3A_208 = arith.constant 0 : i32
      %dma_wait3A_209 = tpu.memref_slice %arg2[%dma_wait3A_207, %dma_wait3A_208] : memref<50000x32xf32, #tpu.memory_space<hbm>> -> memref<50000x32xf32, #tpu.memory_space<hbm>>
      tpu.wait_indirect_dma semaphore(%arg10 : memref<!tpu.dma_semaphore, #tpu.memory_space<semaphore_mem>>) src(%dma_wait3A_209 : memref<50000x32xf32, #tpu.memory_space<hbm>>) dst(%dma_wait3A_204 : memref<128x32xf32, #tpu.memory_space<vmem>>)
      %dma_wait3A_210 = arith.constant 512 : i32
      %dma_wait3A_211 = arith.constant 0 : i32
      %dma_wait3A_212 = tpu.memref_slice %arg8[%dma_wait3A_210, %dma_wait3A_211] : memref<1000x32xf32, #tpu.memory_space<vmem>> -> memref<128x32xf32, #tpu.memory_space<vmem>>
      %dma_wait3A_213 = arith.constant 512 : i32
      %dma_wait3A_214 = tpu.memref_slice %arg6[%dma_wait3A_213] : memref<1000xi32, #tpu.memory_space<vmem>> -> memref<128xi32, #tpu.memory_space<vmem>>
      %dma_wait3A_215 = arith.constant 0 : i32
      %dma_wait3A_216 = arith.constant 0 : i32
      %dma_wait3A_217 = tpu.memref_slice %arg2[%dma_wait3A_215, %dma_wait3A_216] : memref<50000x32xf32, #tpu.memory_space<hbm>> -> memref<50000x32xf32, #tpu.memory_space<hbm>>
      tpu.wait_indirect_dma semaphore(%arg10 : memref<!tpu.dma_semaphore, #tpu.memory_space<semaphore_mem>>) src(%dma_wait3A_217 : memref<50000x32xf32, #tpu.memory_space<hbm>>) dst(%dma_wait3A_212 : memref<128x32xf32, #tpu.memory_space<vmem>>)
      %dma_wait3A_218 = arith.constant 640 : i32
      %dma_wait3A_219 = arith.constant 0 : i32
      %dma_wait3A_220 = tpu.memref_slice %arg7[%dma_wait3A_218, %dma_wait3A_219] : memref<1000x32xf32, #tpu.memory_space<vmem>> -> memref<128x32xf32, #tpu.memory_space<vmem>>
      %dma_wait3A_221 = arith.constant 640 : i32
      %dma_wait3A_222 = tpu.memref_slice %arg5[%dma_wait3A_221] : memref<1000xi32, #tpu.memory_space<vmem>> -> memref<128xi32, #tpu.memory_space<vmem>>
      %dma_wait3A_223 = arith.constant 0 : i32
      %dma_wait3A_224 = arith.constant 0 : i32
      %dma_wait3A_225 = tpu.memref_slice %arg2[%dma_wait3A_223, %dma_wait3A_224] : memref<50000x32xf32, #tpu.memory_space<hbm>> -> memref<50000x32xf32, #tpu.memory_space<hbm>>
      tpu.wait_indirect_dma semaphore(%arg10 : memref<!tpu.dma_semaphore, #tpu.memory_space<semaphore_mem>>) src(%dma_wait3A_225 : memref<50000x32xf32, #tpu.memory_space<hbm>>) dst(%dma_wait3A_220 : memref<128x32xf32, #tpu.memory_space<vmem>>)
      %dma_wait3A_226 = arith.constant 640 : i32
      %dma_wait3A_227 = arith.constant 0 : i32
      %dma_wait3A_228 = tpu.memref_slice %arg8[%dma_wait3A_226, %dma_wait3A_227] : memref<1000x32xf32, #tpu.memory_space<vmem>> -> memref<128x32xf32, #tpu.memory_space<vmem>>
      %dma_wait3A_229 = arith.constant 640 : i32
      %dma_wait3A_230 = tpu.memref_slice %arg6[%dma_wait3A_229] : memref<1000xi32, #tpu.memory_space<vmem>> -> memref<128xi32, #tpu.memory_space<vmem>>
      %dma_wait3A_231 = arith.constant 0 : i32
      %dma_wait3A_232 = arith.constant 0 : i32
      %dma_wait3A_233 = tpu.memref_slice %arg2[%dma_wait3A_231, %dma_wait3A_232] : memref<50000x32xf32, #tpu.memory_space<hbm>> -> memref<50000x32xf32, #tpu.memory_space<hbm>>
      tpu.wait_indirect_dma semaphore(%arg10 : memref<!tpu.dma_semaphore, #tpu.memory_space<semaphore_mem>>) src(%dma_wait3A_233 : memref<50000x32xf32, #tpu.memory_space<hbm>>) dst(%dma_wait3A_228 : memref<128x32xf32, #tpu.memory_space<vmem>>)
      %dma_wait3A_234 = arith.constant 768 : i32
      %dma_wait3A_235 = arith.constant 0 : i32
      %dma_wait3A_236 = tpu.memref_slice %arg7[%dma_wait3A_234, %dma_wait3A_235] : memref<1000x32xf32, #tpu.memory_space<vmem>> -> memref<128x32xf32, #tpu.memory_space<vmem>>
      %dma_wait3A_237 = arith.constant 768 : i32
      %dma_wait3A_238 = tpu.memref_slice %arg5[%dma_wait3A_237] : memref<1000xi32, #tpu.memory_space<vmem>> -> memref<128xi32, #tpu.memory_space<vmem>>
      %dma_wait3A_239 = arith.constant 0 : i32
      %dma_wait3A_240 = arith.constant 0 : i32
      %dma_wait3A_241 = tpu.memref_slice %arg2[%dma_wait3A_239, %dma_wait3A_240] : memref<50000x32xf32, #tpu.memory_space<hbm>> -> memref<50000x32xf32, #tpu.memory_space<hbm>>
      tpu.wait_indirect_dma semaphore(%arg10 : memref<!tpu.dma_semaphore, #tpu.memory_space<semaphore_mem>>) src(%dma_wait3A_241 : memref<50000x32xf32, #tpu.memory_space<hbm>>) dst(%dma_wait3A_236 : memref<128x32xf32, #tpu.memory_space<vmem>>)
      %dma_wait3A_242 = arith.constant 768 : i32
      %dma_wait3A_243 = arith.constant 0 : i32
      %dma_wait3A_244 = tpu.memref_slice %arg8[%dma_wait3A_242, %dma_wait3A_243] : memref<1000x32xf32, #tpu.memory_space<vmem>> -> memref<128x32xf32, #tpu.memory_space<vmem>>
      %dma_wait3A_245 = arith.constant 768 : i32
      %dma_wait3A_246 = tpu.memref_slice %arg6[%dma_wait3A_245] : memref<1000xi32, #tpu.memory_space<vmem>> -> memref<128xi32, #tpu.memory_space<vmem>>
      %dma_wait3A_247 = arith.constant 0 : i32
      %dma_wait3A_248 = arith.constant 0 : i32
      %dma_wait3A_249 = tpu.memref_slice %arg2[%dma_wait3A_247, %dma_wait3A_248] : memref<50000x32xf32, #tpu.memory_space<hbm>> -> memref<50000x32xf32, #tpu.memory_space<hbm>>
      tpu.wait_indirect_dma semaphore(%arg10 : memref<!tpu.dma_semaphore, #tpu.memory_space<semaphore_mem>>) src(%dma_wait3A_249 : memref<50000x32xf32, #tpu.memory_space<hbm>>) dst(%dma_wait3A_244 : memref<128x32xf32, #tpu.memory_space<vmem>>)
      %dma_wait3A_250 = arith.constant 896 : i32
      %dma_wait3A_251 = arith.constant 0 : i32
      %dma_wait3A_252 = tpu.memref_slice %arg7[%dma_wait3A_250, %dma_wait3A_251] : memref<1000x32xf32, #tpu.memory_space<vmem>> -> memref<104x32xf32, #tpu.memory_space<vmem>>
      %dma_wait3A_253 = arith.constant 896 : i32
      %dma_wait3A_254 = tpu.memref_slice %arg5[%dma_wait3A_253] : memref<1000xi32, #tpu.memory_space<vmem>> -> memref<104xi32, #tpu.memory_space<vmem>>
      %dma_wait3A_255 = arith.constant 0 : i32
      %dma_wait3A_256 = arith.constant 0 : i32
      %dma_wait3A_257 = tpu.memref_slice %arg2[%dma_wait3A_255, %dma_wait3A_256] : memref<50000x32xf32, #tpu.memory_space<hbm>> -> memref<50000x32xf32, #tpu.memory_space<hbm>>
      tpu.wait_indirect_dma semaphore(%arg10 : memref<!tpu.dma_semaphore, #tpu.memory_space<semaphore_mem>>) src(%dma_wait3A_257 : memref<50000x32xf32, #tpu.memory_space<hbm>>) dst(%dma_wait3A_252 : memref<104x32xf32, #tpu.memory_space<vmem>>)
      %dma_wait3A_258 = arith.constant 896 : i32
      %dma_wait3A_259 = arith.constant 0 : i32
      %dma_wait3A_260 = tpu.memref_slice %arg8[%dma_wait3A_258, %dma_wait3A_259] : memref<1000x32xf32, #tpu.memory_space<vmem>> -> memref<104x32xf32, #tpu.memory_space<vmem>>
      %dma_wait3A_261 = arith.constant 896 : i32
      %dma_wait3A_262 = tpu.memref_slice %arg6[%dma_wait3A_261] : memref<1000xi32, #tpu.memory_space<vmem>> -> memref<104xi32, #tpu.memory_space<vmem>>
      %dma_wait3A_263 = arith.constant 0 : i32
      %dma_wait3A_264 = arith.constant 0 : i32
      %dma_wait3A_265 = tpu.memref_slice %arg2[%dma_wait3A_263, %dma_wait3A_264] : memref<50000x32xf32, #tpu.memory_space<hbm>> -> memref<50000x32xf32, #tpu.memory_space<hbm>>
      tpu.wait_indirect_dma semaphore(%arg10 : memref<!tpu.dma_semaphore, #tpu.memory_space<semaphore_mem>>) src(%dma_wait3A_265 : memref<50000x32xf32, #tpu.memory_space<hbm>>) dst(%dma_wait3A_260 : memref<104x32xf32, #tpu.memory_space<vmem>>)
      %scan3A_266 = arith.constant 0 : i32
      %scan3A_267 = arith.constant 1000 : i32
      %scan3A_268 = arith.addi %scan3A_266, %scan3A_267 : i32
      %scan3A_269 = arith.constant 1 : i32
      scf.for %scan3A_287 = %scan3A_266 to %scan3A_268 step %scan3A_269  : i32 {
        %get3A = arith.index_cast %scan3A_287 : i32 to index
        %get3A_288 = arith.constant 0 : index
        %get3A_289 = tpu.vector_load %arg7[%get3A, %get3A_288] {strides = array<i32>} : memref<1000x32xf32, #tpu.memory_space<vmem>>, vector<16xf32>,
        %get3A_290 = arith.index_cast %scan3A_287 : i32 to index
        %get3A_291 = arith.constant 16 : index
        %get3A_292 = tpu.vector_load %arg8[%get3A_290, %get3A_291] {strides = array<i32>} : memref<1000x32xf32, #tpu.memory_space<vmem>>, vector<16xf32>,
        %add3A_293 = arith.addf %get3A_289, %get3A_292 : vector<16xf32>
        %get3A_294 = arith.index_cast %scan3A_287 : i32 to index
        %get3A_295 = arith.constant 0 : index
        %get3A_296 = tpu.vector_load %arg8[%get3A_294, %get3A_295] {strides = array<i32>} : memref<1000x32xf32, #tpu.memory_space<vmem>>, vector<16xf32>,
        %get3A_297 = arith.index_cast %scan3A_287 : i32 to index
        %get3A_298 = arith.constant 16 : index
        %get3A_299 = tpu.vector_load %arg7[%get3A_297, %get3A_298] {strides = array<i32>} : memref<1000x32xf32, #tpu.memory_space<vmem>>, vector<16xf32>,
        %add3A_300 = arith.addf %get3A_296, %get3A_299 : vector<16xf32>
        %mul3A_301 = arith.constant 2.000000e+00 : f32
        %mul3A_302 = vector.broadcast %mul3A_301 : f32 to vector<16xf32>
        %mul3A_303 = arith.mulf %mul3A_302, %add3A_293 : vector<16xf32>
        %exp3A = math.exp %mul3A_303 : vector<16xf32>
        %add3A_304 = arith.constant 1.000000e+00 : f32
        %add3A_305 = vector.broadcast %add3A_304 : f32 to vector<16xf32>
        %add3A_306 = arith.addf %exp3A, %add3A_305 : vector<16xf32>
        %div3A_307 = arith.constant 2.000000e+00 : f32
        %div3A_308 = vector.broadcast %div3A_307 : f32 to vector<16xf32>
        %div3A_309 = arith.divf %div3A_308, %add3A_306 : vector<16xf32>
        %sub3A_310 = arith.constant 1.000000e+00 : f32
        %sub3A_311 = vector.broadcast %sub3A_310 : f32 to vector<16xf32>
        %sub3A_312 = arith.subf %sub3A_311, %div3A_309 : vector<16xf32>
        %mul3A_313 = arith.constant 2.000000e+00 : f32
        %mul3A_314 = vector.broadcast %mul3A_313 : f32 to vector<16xf32>
        %mul3A_315 = arith.mulf %mul3A_314, %add3A_300 : vector<16xf32>
        %exp3A_316 = math.exp %mul3A_315 : vector<16xf32>
        %add3A_317 = arith.constant 1.000000e+00 : f32
        %add3A_318 = vector.broadcast %add3A_317 : f32 to vector<16xf32>
        %add3A_319 = arith.addf %exp3A_316, %add3A_318 : vector<16xf32>
        %div3A_320 = arith.constant 2.000000e+00 : f32
        %div3A_321 = vector.broadcast %div3A_320 : f32 to vector<16xf32>
        %div3A_322 = arith.divf %div3A_321, %add3A_319 : vector<16xf32>
        %sub3A_323 = arith.constant 1.000000e+00 : f32
        %sub3A_324 = vector.broadcast %sub3A_323 : f32 to vector<16xf32>
        %sub3A_325 = arith.subf %sub3A_324, %div3A_322 : vector<16xf32>
        %add3A_326 = arith.addf %sub3A_312, %sub3A_325 : vector<16xf32>
        %jit3A_327 = arith.constant 8 : i32
        %div3A_328 = arith.divsi %scan3A_287, %jit3A_327 : i32
        %sign3A_329 = arith.constant 0 : i32
        %sign3A_330 = arith.cmpi sgt, %scan3A_287, %sign3A_329 : i32
        %sign3A_331 = arith.extui %sign3A_330 : i1 to i32
        %sign3A_332 = arith.constant 0 : i32
        %sign3A_333 = arith.cmpi slt, %scan3A_287, %sign3A_332 : i32
        %sign3A_334 = arith.extui %sign3A_333 : i1 to i32
        %sign3A_335 = arith.subi %sign3A_331, %sign3A_334 : i32
        %sign3A_336 = arith.constant 0 : i32
        %sign3A_337 = arith.cmpi sgt, %jit3A_327, %sign3A_336 : i32
        %sign3A_338 = arith.extui %sign3A_337 : i1 to i32
        %sign3A_339 = arith.constant 0 : i32
        %sign3A_340 = arith.cmpi slt, %jit3A_327, %sign3A_339 : i32
        %sign3A_341 = arith.extui %sign3A_340 : i1 to i32
        %sign3A_342 = arith.subi %sign3A_338, %sign3A_341 : i32
        %ne3A_343 = arith.cmpi ne, %sign3A_335, %sign3A_342 : i32
        %rem3A_344 = arith.remsi %scan3A_287, %jit3A_327 : i32
        %ne3A_345 = arith.constant 0 : i32
        %ne3A_346 = arith.cmpi ne, %rem3A_344, %ne3A_345 : i32
        %and3A_347 = arith.andi %ne3A_343, %ne3A_346 : i1
        %sub3A_348 = arith.constant 1 : i32
        %sub3A_349 = arith.subi %div3A_328, %sub3A_348 : i32
        %select_n3A_350 = arith.select %and3A_347, %sub3A_349, %div3A_328 : i32
        %jit3A_351 = arith.constant 8 : i32
        %eq3A = arith.constant 0 : i32
        %eq3A_352 = arith.cmpi eq, %jit3A_351, %eq3A : i32
        %jit3A_353 = arith.constant 1 : i32
        %select_n3A_354 = arith.select %eq3A_352, %jit3A_353, %jit3A_351 : i32
        %rem3A_355 = arith.remsi %scan3A_287, %select_n3A_354 : i32
        %ne3A_356 = arith.constant 0 : i32
        %ne3A_357 = arith.cmpi ne, %rem3A_355, %ne3A_356 : i32
        %lt3A = arith.constant 0 : i32
        %lt3A_358 = arith.cmpi slt, %rem3A_355, %lt3A : i32
        %lt3A_359 = arith.constant 0 : i32
        %lt3A_360 = arith.cmpi slt, %select_n3A_354, %lt3A_359 : i32
        %ne3A_361 = arith.xori %lt3A_358, %lt3A_360 : i1
        %and3A_362 = arith.andi %ne3A_361, %ne3A_357 : i1
        %add3A_363 = arith.addi %rem3A_355, %select_n3A_354 : i32
        %select_n3A_364 = arith.select %and3A_362, %add3A_363, %rem3A_355 : i32
        %mul3A_365 = arith.constant 16 : i32
        %mul3A_366 = arith.muli %select_n3A_364, %mul3A_365 : i32
        %swap3A = arith.index_cast %select_n3A_350 : i32 to index
        %swap3A_367 = arith.index_cast %mul3A_366 : i32 to index
        %swap3A_368 = tpu.vector_load %arg9[%swap3A, %swap3A_367] {strides = array<i32>} : memref<125x128xf32, #tpu.memory_space<vmem>>, vector<16xf32>,
        tpu.vector_store %arg9[%swap3A, %swap3A_367], %add3A_326 {strides = array<i32>} : memref<125x128xf32, #tpu.memory_space<vmem>>, vector<16xf32>,
      }
      %scan3A_270 = arith.constant 1000 : i32
      %jit3A = arith.constant 8 : i32
      %div3A = arith.divsi %add3A_10, %jit3A : i32
      %sign3A = arith.constant 0 : i32
      %sign3A_271 = arith.cmpi sgt, %add3A_10, %sign3A : i32
      %sign3A_272 = arith.extui %sign3A_271 : i1 to i32
      %sign3A_273 = arith.constant 0 : i32
      %sign3A_274 = arith.cmpi slt, %add3A_10, %sign3A_273 : i32
      %sign3A_275 = arith.extui %sign3A_274 : i1 to i32
      %sign3A_276 = arith.subi %sign3A_272, %sign3A_275 : i32
      %sign3A_277 = arith.constant 0 : i32
      %sign3A_278 = arith.cmpi sgt, %jit3A, %sign3A_277 : i32
      %sign3A_279 = arith.extui %sign3A_278 : i1 to i32
      %sign3A_280 = arith.constant 0 : i32
      %sign3A_281 = arith.cmpi slt, %jit3A, %sign3A_280 : i32
      %sign3A_282 = arith.extui %sign3A_281 : i1 to i32
      %sign3A_283 = arith.subi %sign3A_279, %sign3A_282 : i32
      %ne3A = arith.cmpi ne, %sign3A_276, %sign3A_283 : i32
      %rem3A = arith.remsi %add3A_10, %jit3A : i32
      %ne3A_284 = arith.constant 0 : i32
      %ne3A_285 = arith.cmpi ne, %rem3A, %ne3A_284 : i32
      %and3A = arith.andi %ne3A, %ne3A_285 : i1
      %sub3A = arith.constant 1 : i32
      %sub3A_286 = arith.subi %div3A, %sub3A : i32
      %select_n3A = arith.select %and3A, %sub3A_286, %div3A : i32
      "tpu.region"() ({
        %run_scoped3A_287 = tpu.sem_alloc : memref<!tpu.dma_semaphore, #tpu.memory_space<semaphore_mem>>
        %dma_start3A_288 = arith.constant 0 : i32
        %dma_start3A_289 = tpu.memref_slice %arg4[%select_n3A, %dma_start3A_288] : memref<100000x128xf32, #tpu.memory_space<hbm>> -> memref<125x128xf32, #tpu.memory_space<hbm>>
        %dma_start3A_290 = arith.constant 0 : i32
        %dma_start3A_291 = tpu.memref_slice %arg4[%select_n3A, %dma_start3A_290] : memref<100000x128xf32, #tpu.memory_space<hbm>> -> memref<125x128xf32, #tpu.memory_space<hbm>>
        tpu.enqueue_dma source(%arg9 : memref<125x128xf32, #tpu.memory_space<vmem>>) target(%dma_start3A_291 : memref<125x128xf32, #tpu.memory_space<hbm>>) target_semaphore(%run_scoped3A_287 : memref<!tpu.dma_semaphore, #tpu.memory_space<semaphore_mem>>)
        %dma_wait3A_292 = arith.constant 0 : i32
        %dma_wait3A_293 = tpu.memref_slice %arg4[%select_n3A, %dma_wait3A_292] : memref<100000x128xf32, #tpu.memory_space<hbm>> -> memref<125x128xf32, #tpu.memory_space<hbm>>
        %dma_wait3A_294 = arith.constant 0 : i32
        %dma_wait3A_295 = tpu.memref_slice %arg4[%select_n3A, %dma_wait3A_294] : memref<100000x128xf32, #tpu.memory_space<hbm>> -> memref<125x128xf32, #tpu.memory_space<hbm>>
        tpu.wait_dma2 semaphore(%run_scoped3A_287 : memref<!tpu.dma_semaphore, #tpu.memory_space<semaphore_mem>>) src(%arg9 : memref<125x128xf32, #tpu.memory_space<vmem>>) dst(%dma_wait3A_295 : memref<125x128xf32, #tpu.memory_space<hbm>>)
        tpu.yield
      }) : () -> ()
    }
    %scan3A_6 = arith.constant 25 : i32
    return
  }
}

#map = affine_map<(d0, d1) -> (0, 0)>
#map1 = affine_map<(d0, d1) -> (0, 0, 0)>
module attributes {stable_mosaic.version = 14 : i64} {
  func.func @segsum(%arg0: i32, %arg1: i32, %arg2: memref<100000x128xf32, #tpu.memory_space<hbm>>, %arg3: memref<6400x125xi32, #tpu.memory_space<hbm>>, %arg4: memref<2x50000x16xf32, #tpu.memory_space<hbm>>, %arg5: memref<8x125xi32, #tpu.memory_space<vmem>>, %arg6: memref<125x128xf32, #tpu.memory_space<vmem>>, %arg7: memref<1000x16xf32, #tpu.memory_space<vmem>>, %arg8: memref<1000x16xf32, #tpu.memory_space<vmem>>, %arg9: memref<50000x16xf32, #tpu.memory_space<vmem_shared>>, %arg10: memref<!tpu.dma_semaphore, #tpu.memory_space<semaphore_mem>>) attributes {dimension_semantics = [#tpu.dimension_semantics<core_parallel>, #tpu.dimension_semantics<subcore_parallel>], iteration_bounds = array<i64: 2, 16>, scalar_prefetch = 0 : i64, scratch_operands = 6 : i64, tpu.core_type = #tpu.core_type<sc_vector_subcore>, window_params = [{transform_indices = #map}, {transform_indices = #map}, {transform_indices = #map1}]} {
    %mul3A = arith.constant 2 : i32
    %mul3A_0 = arith.muli %arg1, %mul3A : i32
    %add3A = arith.addi %mul3A_0, %arg0 : i32
    %scan3A = arith.constant 0 : i32
    %scan3A_1 = arith.constant 1000 : i32
    %scan3A_2 = arith.addi %scan3A, %scan3A_1 : i32
    %scan3A_3 = arith.constant 1 : i32
    scf.for %scan3A_66 = %scan3A to %scan3A_2 step %scan3A_3  : i32 {
      %broadcast_in_dim3A = arith.constant 0.000000e+00 : f32
      %broadcast_in_dim3A_67 = vector.broadcast %broadcast_in_dim3A : f32 to vector<16xf32>
      %swap3A = arith.index_cast %scan3A_66 : i32 to index
      %swap3A_68 = arith.constant 0 : index
      %swap3A_69 = tpu.vector_load %arg8[%swap3A, %swap3A_68] {strides = array<i32>} : memref<1000x16xf32, #tpu.memory_space<vmem>>, vector<16xf32>,
      tpu.vector_store %arg8[%swap3A, %swap3A_68], %broadcast_in_dim3A_67 {strides = array<i32>} : memref<1000x16xf32, #tpu.memory_space<vmem>>, vector<16xf32>,
    }
    %scan3A_4 = arith.constant 1000 : i32
    %add3A_5 = arith.constant 0 : i32
    %add3A_6 = arith.addi %arg1, %add3A_5 : i32
    %lt3A = arith.constant 50 : i32
    %lt3A_7 = arith.cmpi slt, %add3A_6, %lt3A : i32
    %convert_element_type3A = arith.extui %lt3A_7 : i1 to i32
    %cond3A = arith.constant 0 : i32
    %cond3A_8 = arith.cmpi ne, %convert_element_type3A, %cond3A : i32
    scf.if %cond3A_8 {
      %mul3A_66 = arith.constant 1000 : i32
      %mul3A_67 = arith.muli %add3A_6, %mul3A_66 : i32
      "tpu.region"() ({
        %run_scoped3A = tpu.sem_alloc : memref<!tpu.dma_semaphore, #tpu.memory_space<semaphore_mem>>
        %dma_start3A = arith.constant 0 : i32
        %dma_start3A_68 = tpu.memref_slice %arg9[%mul3A_67, %dma_start3A] : memref<50000x16xf32, #tpu.memory_space<vmem_shared>> -> memref<1000x16xf32, #tpu.memory_space<vmem_shared>>
        %dma_start3A_69 = arith.constant 0 : i32
        %dma_start3A_70 = tpu.memref_slice %arg9[%mul3A_67, %dma_start3A_69] : memref<50000x16xf32, #tpu.memory_space<vmem_shared>> -> memref<1000x16xf32, #tpu.memory_space<vmem_shared>>
        tpu.enqueue_dma source(%arg8 : memref<1000x16xf32, #tpu.memory_space<vmem>>) target(%dma_start3A_70 : memref<1000x16xf32, #tpu.memory_space<vmem_shared>>) target_semaphore(%run_scoped3A : memref<!tpu.dma_semaphore, #tpu.memory_space<semaphore_mem>>)
        %dma_wait3A = arith.constant 0 : i32
        %dma_wait3A_71 = tpu.memref_slice %arg9[%mul3A_67, %dma_wait3A] : memref<50000x16xf32, #tpu.memory_space<vmem_shared>> -> memref<1000x16xf32, #tpu.memory_space<vmem_shared>>
        %dma_wait3A_72 = arith.constant 0 : i32
        %dma_wait3A_73 = tpu.memref_slice %arg9[%mul3A_67, %dma_wait3A_72] : memref<50000x16xf32, #tpu.memory_space<vmem_shared>> -> memref<1000x16xf32, #tpu.memory_space<vmem_shared>>
        tpu.wait_dma2 semaphore(%run_scoped3A : memref<!tpu.dma_semaphore, #tpu.memory_space<semaphore_mem>>) src(%arg8 : memref<1000x16xf32, #tpu.memory_space<vmem>>) dst(%dma_wait3A_73 : memref<1000x16xf32, #tpu.memory_space<vmem_shared>>)
        tpu.yield
      }) : () -> ()
    } else {
    }
    %add3A_9 = arith.constant 16 : i32
    %add3A_10 = arith.addi %arg1, %add3A_9 : i32
    %lt3A_11 = arith.constant 50 : i32
    %lt3A_12 = arith.cmpi slt, %add3A_10, %lt3A_11 : i32
    %convert_element_type3A_13 = arith.extui %lt3A_12 : i1 to i32
    %cond3A_14 = arith.constant 0 : i32
    %cond3A_15 = arith.cmpi ne, %convert_element_type3A_13, %cond3A_14 : i32
    scf.if %cond3A_15 {
      %mul3A_66 = arith.constant 1000 : i32
      %mul3A_67 = arith.muli %add3A_10, %mul3A_66 : i32
      "tpu.region"() ({
        %run_scoped3A = tpu.sem_alloc : memref<!tpu.dma_semaphore, #tpu.memory_space<semaphore_mem>>
        %dma_start3A = arith.constant 0 : i32
        %dma_start3A_68 = tpu.memref_slice %arg9[%mul3A_67, %dma_start3A] : memref<50000x16xf32, #tpu.memory_space<vmem_shared>> -> memref<1000x16xf32, #tpu.memory_space<vmem_shared>>
        %dma_start3A_69 = arith.constant 0 : i32
        %dma_start3A_70 = tpu.memref_slice %arg9[%mul3A_67, %dma_start3A_69] : memref<50000x16xf32, #tpu.memory_space<vmem_shared>> -> memref<1000x16xf32, #tpu.memory_space<vmem_shared>>
        tpu.enqueue_dma source(%arg8 : memref<1000x16xf32, #tpu.memory_space<vmem>>) target(%dma_start3A_70 : memref<1000x16xf32, #tpu.memory_space<vmem_shared>>) target_semaphore(%run_scoped3A : memref<!tpu.dma_semaphore, #tpu.memory_space<semaphore_mem>>)
        %dma_wait3A = arith.constant 0 : i32
        %dma_wait3A_71 = tpu.memref_slice %arg9[%mul3A_67, %dma_wait3A] : memref<50000x16xf32, #tpu.memory_space<vmem_shared>> -> memref<1000x16xf32, #tpu.memory_space<vmem_shared>>
        %dma_wait3A_72 = arith.constant 0 : i32
        %dma_wait3A_73 = tpu.memref_slice %arg9[%mul3A_67, %dma_wait3A_72] : memref<50000x16xf32, #tpu.memory_space<vmem_shared>> -> memref<1000x16xf32, #tpu.memory_space<vmem_shared>>
        tpu.wait_dma2 semaphore(%run_scoped3A : memref<!tpu.dma_semaphore, #tpu.memory_space<semaphore_mem>>) src(%arg8 : memref<1000x16xf32, #tpu.memory_space<vmem>>) dst(%dma_wait3A_73 : memref<1000x16xf32, #tpu.memory_space<vmem_shared>>)
        tpu.yield
      }) : () -> ()
    } else {
    }
    %add3A_16 = arith.constant 32 : i32
    %add3A_17 = arith.addi %arg1, %add3A_16 : i32
    %lt3A_18 = arith.constant 50 : i32
    %lt3A_19 = arith.cmpi slt, %add3A_17, %lt3A_18 : i32
    %convert_element_type3A_20 = arith.extui %lt3A_19 : i1 to i32
    %cond3A_21 = arith.constant 0 : i32
    %cond3A_22 = arith.cmpi ne, %convert_element_type3A_20, %cond3A_21 : i32
    scf.if %cond3A_22 {
      %mul3A_66 = arith.constant 1000 : i32
      %mul3A_67 = arith.muli %add3A_17, %mul3A_66 : i32
      "tpu.region"() ({
        %run_scoped3A = tpu.sem_alloc : memref<!tpu.dma_semaphore, #tpu.memory_space<semaphore_mem>>
        %dma_start3A = arith.constant 0 : i32
        %dma_start3A_68 = tpu.memref_slice %arg9[%mul3A_67, %dma_start3A] : memref<50000x16xf32, #tpu.memory_space<vmem_shared>> -> memref<1000x16xf32, #tpu.memory_space<vmem_shared>>
        %dma_start3A_69 = arith.constant 0 : i32
        %dma_start3A_70 = tpu.memref_slice %arg9[%mul3A_67, %dma_start3A_69] : memref<50000x16xf32, #tpu.memory_space<vmem_shared>> -> memref<1000x16xf32, #tpu.memory_space<vmem_shared>>
        tpu.enqueue_dma source(%arg8 : memref<1000x16xf32, #tpu.memory_space<vmem>>) target(%dma_start3A_70 : memref<1000x16xf32, #tpu.memory_space<vmem_shared>>) target_semaphore(%run_scoped3A : memref<!tpu.dma_semaphore, #tpu.memory_space<semaphore_mem>>)
        %dma_wait3A = arith.constant 0 : i32
        %dma_wait3A_71 = tpu.memref_slice %arg9[%mul3A_67, %dma_wait3A] : memref<50000x16xf32, #tpu.memory_space<vmem_shared>> -> memref<1000x16xf32, #tpu.memory_space<vmem_shared>>
        %dma_wait3A_72 = arith.constant 0 : i32
        %dma_wait3A_73 = tpu.memref_slice %arg9[%mul3A_67, %dma_wait3A_72] : memref<50000x16xf32, #tpu.memory_space<vmem_shared>> -> memref<1000x16xf32, #tpu.memory_space<vmem_shared>>
        tpu.wait_dma2 semaphore(%run_scoped3A : memref<!tpu.dma_semaphore, #tpu.memory_space<semaphore_mem>>) src(%arg8 : memref<1000x16xf32, #tpu.memory_space<vmem>>) dst(%dma_wait3A_73 : memref<1000x16xf32, #tpu.memory_space<vmem_shared>>)
        tpu.yield
      }) : () -> ()
    } else {
    }
    %add3A_23 = arith.constant 48 : i32
    %add3A_24 = arith.addi %arg1, %add3A_23 : i32
    %lt3A_25 = arith.constant 50 : i32
    %lt3A_26 = arith.cmpi slt, %add3A_24, %lt3A_25 : i32
    %convert_element_type3A_27 = arith.extui %lt3A_26 : i1 to i32
    %cond3A_28 = arith.constant 0 : i32
    %cond3A_29 = arith.cmpi ne, %convert_element_type3A_27, %cond3A_28 : i32
    scf.if %cond3A_29 {
      %mul3A_66 = arith.constant 1000 : i32
      %mul3A_67 = arith.muli %add3A_24, %mul3A_66 : i32
      "tpu.region"() ({
        %run_scoped3A = tpu.sem_alloc : memref<!tpu.dma_semaphore, #tpu.memory_space<semaphore_mem>>
        %dma_start3A = arith.constant 0 : i32
        %dma_start3A_68 = tpu.memref_slice %arg9[%mul3A_67, %dma_start3A] : memref<50000x16xf32, #tpu.memory_space<vmem_shared>> -> memref<1000x16xf32, #tpu.memory_space<vmem_shared>>
        %dma_start3A_69 = arith.constant 0 : i32
        %dma_start3A_70 = tpu.memref_slice %arg9[%mul3A_67, %dma_start3A_69] : memref<50000x16xf32, #tpu.memory_space<vmem_shared>> -> memref<1000x16xf32, #tpu.memory_space<vmem_shared>>
        tpu.enqueue_dma source(%arg8 : memref<1000x16xf32, #tpu.memory_space<vmem>>) target(%dma_start3A_70 : memref<1000x16xf32, #tpu.memory_space<vmem_shared>>) target_semaphore(%run_scoped3A : memref<!tpu.dma_semaphore, #tpu.memory_space<semaphore_mem>>)
        %dma_wait3A = arith.constant 0 : i32
        %dma_wait3A_71 = tpu.memref_slice %arg9[%mul3A_67, %dma_wait3A] : memref<50000x16xf32, #tpu.memory_space<vmem_shared>> -> memref<1000x16xf32, #tpu.memory_space<vmem_shared>>
        %dma_wait3A_72 = arith.constant 0 : i32
        %dma_wait3A_73 = tpu.memref_slice %arg9[%mul3A_67, %dma_wait3A_72] : memref<50000x16xf32, #tpu.memory_space<vmem_shared>> -> memref<1000x16xf32, #tpu.memory_space<vmem_shared>>
        tpu.wait_dma2 semaphore(%run_scoped3A : memref<!tpu.dma_semaphore, #tpu.memory_space<semaphore_mem>>) src(%arg8 : memref<1000x16xf32, #tpu.memory_space<vmem>>) dst(%dma_wait3A_73 : memref<1000x16xf32, #tpu.memory_space<vmem_shared>>)
        tpu.yield
      }) : () -> ()
    } else {
    }
    %barrier3A = arith.constant 0 : index
    tpu.barrier barrier_id(%barrier3A)
    %mul3A_30 = arith.constant 25000 : i32
    %mul3A_31 = arith.muli %add3A, %mul3A_30 : i32
    %scan3A_32 = arith.constant 0 : i32
    %scan3A_33 = arith.constant 25 : i32
    %scan3A_34 = arith.addi %scan3A_32, %scan3A_33 : i32
    %scan3A_35 = arith.constant 1 : i32
    scf.for %scan3A_66 = %scan3A_32 to %scan3A_34 step %scan3A_35  : i32 {
      %mul3A_67 = arith.constant 1000 : i32
      %mul3A_68 = arith.muli %scan3A_66, %mul3A_67 : i32
      %add3A_69 = arith.addi %mul3A_31, %mul3A_68 : i32
      %jit3A = arith.constant 125 : i32
      %div3A = arith.divsi %add3A_69, %jit3A : i32
      %sign3A = arith.constant 0 : i32
      %sign3A_70 = arith.cmpi sgt, %add3A_69, %sign3A : i32
      %sign3A_71 = arith.extui %sign3A_70 : i1 to i32
      %sign3A_72 = arith.constant 0 : i32
      %sign3A_73 = arith.cmpi slt, %add3A_69, %sign3A_72 : i32
      %sign3A_74 = arith.extui %sign3A_73 : i1 to i32
      %sign3A_75 = arith.subi %sign3A_71, %sign3A_74 : i32
      %sign3A_76 = arith.constant 0 : i32
      %sign3A_77 = arith.cmpi sgt, %jit3A, %sign3A_76 : i32
      %sign3A_78 = arith.extui %sign3A_77 : i1 to i32
      %sign3A_79 = arith.constant 0 : i32
      %sign3A_80 = arith.cmpi slt, %jit3A, %sign3A_79 : i32
      %sign3A_81 = arith.extui %sign3A_80 : i1 to i32
      %sign3A_82 = arith.subi %sign3A_78, %sign3A_81 : i32
      %ne3A = arith.cmpi ne, %sign3A_75, %sign3A_82 : i32
      %rem3A = arith.remsi %add3A_69, %jit3A : i32
      %ne3A_83 = arith.constant 0 : i32
      %ne3A_84 = arith.cmpi ne, %rem3A, %ne3A_83 : i32
      %and3A = arith.andi %ne3A, %ne3A_84 : i1
      %sub3A = arith.constant 1 : i32
      %sub3A_85 = arith.subi %div3A, %sub3A : i32
      %select_n3A = arith.select %and3A, %sub3A_85, %div3A : i32
      "tpu.region"() ({
        %run_scoped3A = tpu.sem_alloc : memref<!tpu.dma_semaphore, #tpu.memory_space<semaphore_mem>>
        %dma_start3A_273 = arith.constant 0 : i32
        %dma_start3A_274 = tpu.memref_slice %arg3[%select_n3A, %dma_start3A_273] : memref<6400x125xi32, #tpu.memory_space<hbm>> -> memref<8x125xi32, #tpu.memory_space<hbm>>
        %dma_start3A_275 = arith.constant 0 : i32
        %dma_start3A_276 = tpu.memref_slice %arg3[%select_n3A, %dma_start3A_275] : memref<6400x125xi32, #tpu.memory_space<hbm>> -> memref<8x125xi32, #tpu.memory_space<hbm>>
        tpu.enqueue_dma source(%dma_start3A_276 : memref<8x125xi32, #tpu.memory_space<hbm>>) target(%arg5 : memref<8x125xi32, #tpu.memory_space<vmem>>) target_semaphore(%run_scoped3A : memref<!tpu.dma_semaphore, #tpu.memory_space<semaphore_mem>>)
        %dma_wait3A_277 = arith.constant 0 : i32
        %dma_wait3A_278 = tpu.memref_slice %arg3[%select_n3A, %dma_wait3A_277] : memref<6400x125xi32, #tpu.memory_space<hbm>> -> memref<8x125xi32, #tpu.memory_space<hbm>>
        %dma_wait3A_279 = arith.constant 0 : i32
        %dma_wait3A_280 = tpu.memref_slice %arg3[%select_n3A, %dma_wait3A_279] : memref<6400x125xi32, #tpu.memory_space<hbm>> -> memref<8x125xi32, #tpu.memory_space<hbm>>
        tpu.wait_dma2 semaphore(%run_scoped3A : memref<!tpu.dma_semaphore, #tpu.memory_space<semaphore_mem>>) src(%dma_wait3A_280 : memref<8x125xi32, #tpu.memory_space<hbm>>) dst(%arg5 : memref<8x125xi32, #tpu.memory_space<vmem>>)
        tpu.yield
      }) : () -> ()
      %jit3A_86 = arith.constant 8 : i32
      %div3A_87 = arith.divsi %add3A_69, %jit3A_86 : i32
      %sign3A_88 = arith.constant 0 : i32
      %sign3A_89 = arith.cmpi sgt, %add3A_69, %sign3A_88 : i32
      %sign3A_90 = arith.extui %sign3A_89 : i1 to i32
      %sign3A_91 = arith.constant 0 : i32
      %sign3A_92 = arith.cmpi slt, %add3A_69, %sign3A_91 : i32
      %sign3A_93 = arith.extui %sign3A_92 : i1 to i32
      %sign3A_94 = arith.subi %sign3A_90, %sign3A_93 : i32
      %sign3A_95 = arith.constant 0 : i32
      %sign3A_96 = arith.cmpi sgt, %jit3A_86, %sign3A_95 : i32
      %sign3A_97 = arith.extui %sign3A_96 : i1 to i32
      %sign3A_98 = arith.constant 0 : i32
      %sign3A_99 = arith.cmpi slt, %jit3A_86, %sign3A_98 : i32
      %sign3A_100 = arith.extui %sign3A_99 : i1 to i32
      %sign3A_101 = arith.subi %sign3A_97, %sign3A_100 : i32
      %ne3A_102 = arith.cmpi ne, %sign3A_94, %sign3A_101 : i32
      %rem3A_103 = arith.remsi %add3A_69, %jit3A_86 : i32
      %ne3A_104 = arith.constant 0 : i32
      %ne3A_105 = arith.cmpi ne, %rem3A_103, %ne3A_104 : i32
      %and3A_106 = arith.andi %ne3A_102, %ne3A_105 : i1
      %sub3A_107 = arith.constant 1 : i32
      %sub3A_108 = arith.subi %div3A_87, %sub3A_107 : i32
      %select_n3A_109 = arith.select %and3A_106, %sub3A_108, %div3A_87 : i32
      "tpu.region"() ({
        %run_scoped3A = tpu.sem_alloc : memref<!tpu.dma_semaphore, #tpu.memory_space<semaphore_mem>>
        %dma_start3A_273 = arith.constant 0 : i32
        %dma_start3A_274 = tpu.memref_slice %arg2[%select_n3A_109, %dma_start3A_273] : memref<100000x128xf32, #tpu.memory_space<hbm>> -> memref<125x128xf32, #tpu.memory_space<hbm>>
        %dma_start3A_275 = arith.constant 0 : i32
        %dma_start3A_276 = tpu.memref_slice %arg2[%select_n3A_109, %dma_start3A_275] : memref<100000x128xf32, #tpu.memory_space<hbm>> -> memref<125x128xf32, #tpu.memory_space<hbm>>
        tpu.enqueue_dma source(%dma_start3A_276 : memref<125x128xf32, #tpu.memory_space<hbm>>) target(%arg6 : memref<125x128xf32, #tpu.memory_space<vmem>>) target_semaphore(%run_scoped3A : memref<!tpu.dma_semaphore, #tpu.memory_space<semaphore_mem>>)
        %dma_wait3A_277 = arith.constant 0 : i32
        %dma_wait3A_278 = tpu.memref_slice %arg2[%select_n3A_109, %dma_wait3A_277] : memref<100000x128xf32, #tpu.memory_space<hbm>> -> memref<125x128xf32, #tpu.memory_space<hbm>>
        %dma_wait3A_279 = arith.constant 0 : i32
        %dma_wait3A_280 = tpu.memref_slice %arg2[%select_n3A_109, %dma_wait3A_279] : memref<100000x128xf32, #tpu.memory_space<hbm>> -> memref<125x128xf32, #tpu.memory_space<hbm>>
        tpu.wait_dma2 semaphore(%run_scoped3A : memref<!tpu.dma_semaphore, #tpu.memory_space<semaphore_mem>>) src(%dma_wait3A_280 : memref<125x128xf32, #tpu.memory_space<hbm>>) dst(%arg6 : memref<125x128xf32, #tpu.memory_space<vmem>>)
        tpu.yield
      }) : () -> ()
      %scan3A_110 = arith.constant 0 : i32
      %scan3A_111 = arith.constant 125 : i32
      %scan3A_112 = arith.addi %scan3A_110, %scan3A_111 : i32
      %scan3A_113 = arith.constant 1 : i32
      scf.for %scan3A_273 = %scan3A_110 to %scan3A_112 step %scan3A_113  : i32 {
        %get3A = arith.index_cast %scan3A_273 : i32 to index
        %get3A_274 = arith.constant 0 : index
        %get3A_275 = tpu.vector_load %arg6[%get3A, %get3A_274] {strides = array<i32>} : memref<125x128xf32, #tpu.memory_space<vmem>>, vector<16xf32>,
        %mul3A_276 = arith.constant 8 : i32
        %mul3A_277 = arith.muli %mul3A_276, %scan3A_273 : i32
        %add3A_278 = arith.constant 0 : i32
        %add3A_279 = arith.addi %mul3A_277, %add3A_278 : i32
        %swap3A = arith.index_cast %add3A_279 : i32 to index
        %swap3A_280 = arith.constant 0 : index
        %swap3A_281 = tpu.vector_load %arg7[%swap3A, %swap3A_280] {strides = array<i32>} : memref<1000x16xf32, #tpu.memory_space<vmem>>, vector<16xf32>,
        tpu.vector_store %arg7[%swap3A, %swap3A_280], %get3A_275 {strides = array<i32>} : memref<1000x16xf32, #tpu.memory_space<vmem>>, vector<16xf32>,
        %get3A_282 = arith.index_cast %scan3A_273 : i32 to index
        %get3A_283 = arith.constant 16 : index
        %get3A_284 = tpu.vector_load %arg6[%get3A_282, %get3A_283] {strides = array<i32>} : memref<125x128xf32, #tpu.memory_space<vmem>>, vector<16xf32>,
        %mul3A_285 = arith.constant 8 : i32
        %mul3A_286 = arith.muli %mul3A_285, %scan3A_273 : i32
        %add3A_287 = arith.constant 1 : i32
        %add3A_288 = arith.addi %mul3A_286, %add3A_287 : i32
        %swap3A_289 = arith.index_cast %add3A_288 : i32 to index
        %swap3A_290 = arith.constant 0 : index
        %swap3A_291 = tpu.vector_load %arg7[%swap3A_289, %swap3A_290] {strides = array<i32>} : memref<1000x16xf32, #tpu.memory_space<vmem>>, vector<16xf32>,
        tpu.vector_store %arg7[%swap3A_289, %swap3A_290], %get3A_284 {strides = array<i32>} : memref<1000x16xf32, #tpu.memory_space<vmem>>, vector<16xf32>,
        %get3A_292 = arith.index_cast %scan3A_273 : i32 to index
        %get3A_293 = arith.constant 32 : index
        %get3A_294 = tpu.vector_load %arg6[%get3A_292, %get3A_293] {strides = array<i32>} : memref<125x128xf32, #tpu.memory_space<vmem>>, vector<16xf32>,
        %mul3A_295 = arith.constant 8 : i32
        %mul3A_296 = arith.muli %mul3A_295, %scan3A_273 : i32
        %add3A_297 = arith.constant 2 : i32
        %add3A_298 = arith.addi %mul3A_296, %add3A_297 : i32
        %swap3A_299 = arith.index_cast %add3A_298 : i32 to index
        %swap3A_300 = arith.constant 0 : index
        %swap3A_301 = tpu.vector_load %arg7[%swap3A_299, %swap3A_300] {strides = array<i32>} : memref<1000x16xf32, #tpu.memory_space<vmem>>, vector<16xf32>,
        tpu.vector_store %arg7[%swap3A_299, %swap3A_300], %get3A_294 {strides = array<i32>} : memref<1000x16xf32, #tpu.memory_space<vmem>>, vector<16xf32>,
        %get3A_302 = arith.index_cast %scan3A_273 : i32 to index
        %get3A_303 = arith.constant 48 : index
        %get3A_304 = tpu.vector_load %arg6[%get3A_302, %get3A_303] {strides = array<i32>} : memref<125x128xf32, #tpu.memory_space<vmem>>, vector<16xf32>,
        %mul3A_305 = arith.constant 8 : i32
        %mul3A_306 = arith.muli %mul3A_305, %scan3A_273 : i32
        %add3A_307 = arith.constant 3 : i32
        %add3A_308 = arith.addi %mul3A_306, %add3A_307 : i32
        %swap3A_309 = arith.index_cast %add3A_308 : i32 to index
        %swap3A_310 = arith.constant 0 : index
        %swap3A_311 = tpu.vector_load %arg7[%swap3A_309, %swap3A_310] {strides = array<i32>} : memref<1000x16xf32, #tpu.memory_space<vmem>>, vector<16xf32>,
        tpu.vector_store %arg7[%swap3A_309, %swap3A_310], %get3A_304 {strides = array<i32>} : memref<1000x16xf32, #tpu.memory_space<vmem>>, vector<16xf32>,
        %get3A_312 = arith.index_cast %scan3A_273 : i32 to index
        %get3A_313 = arith.constant 64 : index
        %get3A_314 = tpu.vector_load %arg6[%get3A_312, %get3A_313] {strides = array<i32>} : memref<125x128xf32, #tpu.memory_space<vmem>>, vector<16xf32>,
        %mul3A_315 = arith.constant 8 : i32
        %mul3A_316 = arith.muli %mul3A_315, %scan3A_273 : i32
        %add3A_317 = arith.constant 4 : i32
        %add3A_318 = arith.addi %mul3A_316, %add3A_317 : i32
        %swap3A_319 = arith.index_cast %add3A_318 : i32 to index
        %swap3A_320 = arith.constant 0 : index
        %swap3A_321 = tpu.vector_load %arg7[%swap3A_319, %swap3A_320] {strides = array<i32>} : memref<1000x16xf32, #tpu.memory_space<vmem>>, vector<16xf32>,
        tpu.vector_store %arg7[%swap3A_319, %swap3A_320], %get3A_314 {strides = array<i32>} : memref<1000x16xf32, #tpu.memory_space<vmem>>, vector<16xf32>,
        %get3A_322 = arith.index_cast %scan3A_273 : i32 to index
        %get3A_323 = arith.constant 80 : index
        %get3A_324 = tpu.vector_load %arg6[%get3A_322, %get3A_323] {strides = array<i32>} : memref<125x128xf32, #tpu.memory_space<vmem>>, vector<16xf32>,
        %mul3A_325 = arith.constant 8 : i32
        %mul3A_326 = arith.muli %mul3A_325, %scan3A_273 : i32
        %add3A_327 = arith.constant 5 : i32
        %add3A_328 = arith.addi %mul3A_326, %add3A_327 : i32
        %swap3A_329 = arith.index_cast %add3A_328 : i32 to index
        %swap3A_330 = arith.constant 0 : index
        %swap3A_331 = tpu.vector_load %arg7[%swap3A_329, %swap3A_330] {strides = array<i32>} : memref<1000x16xf32, #tpu.memory_space<vmem>>, vector<16xf32>,
        tpu.vector_store %arg7[%swap3A_329, %swap3A_330], %get3A_324 {strides = array<i32>} : memref<1000x16xf32, #tpu.memory_space<vmem>>, vector<16xf32>,
        %get3A_332 = arith.index_cast %scan3A_273 : i32 to index
        %get3A_333 = arith.constant 96 : index
        %get3A_334 = tpu.vector_load %arg6[%get3A_332, %get3A_333] {strides = array<i32>} : memref<125x128xf32, #tpu.memory_space<vmem>>, vector<16xf32>,
        %mul3A_335 = arith.constant 8 : i32
        %mul3A_336 = arith.muli %mul3A_335, %scan3A_273 : i32
        %add3A_337 = arith.constant 6 : i32
        %add3A_338 = arith.addi %mul3A_336, %add3A_337 : i32
        %swap3A_339 = arith.index_cast %add3A_338 : i32 to index
        %swap3A_340 = arith.constant 0 : index
        %swap3A_341 = tpu.vector_load %arg7[%swap3A_339, %swap3A_340] {strides = array<i32>} : memref<1000x16xf32, #tpu.memory_space<vmem>>, vector<16xf32>,
        tpu.vector_store %arg7[%swap3A_339, %swap3A_340], %get3A_334 {strides = array<i32>} : memref<1000x16xf32, #tpu.memory_space<vmem>>, vector<16xf32>,
        %get3A_342 = arith.index_cast %scan3A_273 : i32 to index
        %get3A_343 = arith.constant 112 : index
        %get3A_344 = tpu.vector_load %arg6[%get3A_342, %get3A_343] {strides = array<i32>} : memref<125x128xf32, #tpu.memory_space<vmem>>, vector<16xf32>,
        %mul3A_345 = arith.constant 8 : i32
        %mul3A_346 = arith.muli %mul3A_345, %scan3A_273 : i32
        %add3A_347 = arith.constant 7 : i32
        %add3A_348 = arith.addi %mul3A_346, %add3A_347 : i32
        %swap3A_349 = arith.index_cast %add3A_348 : i32 to index
        %swap3A_350 = arith.constant 0 : index
        %swap3A_351 = tpu.vector_load %arg7[%swap3A_349, %swap3A_350] {strides = array<i32>} : memref<1000x16xf32, #tpu.memory_space<vmem>>, vector<16xf32>,
        tpu.vector_store %arg7[%swap3A_349, %swap3A_350], %get3A_344 {strides = array<i32>} : memref<1000x16xf32, #tpu.memory_space<vmem>>, vector<16xf32>,
      }
      %scan3A_114 = arith.constant 125 : i32
      %dma_start3A = arith.constant 0 : i32
      %dma_start3A_115 = arith.constant 0 : i32
      %dma_start3A_116 = arith.constant 0 : i32
      %dma_start3A_117 = tpu.memref_slice %arg7[%dma_start3A_115, %dma_start3A_116] : memref<1000x16xf32, #tpu.memory_space<vmem>> -> memref<125x16xf32, #tpu.memory_space<vmem>>
      %dma_start3A_118 = arith.constant 0 : i32
      %dma_start3A_119 = tpu.memref_slice %arg5[%dma_start3A, %dma_start3A_118] : memref<8x125xi32, #tpu.memory_space<vmem>> -> memref<1x125xi32, #tpu.memory_space<vmem>>
      %dma_start3A_120 = tpu.memref_squeeze %dma_start3A_119 : memref<1x125xi32, #tpu.memory_space<vmem>> -> memref<125xi32, #tpu.memory_space<vmem>>
      %dma_start3A_121 = arith.constant 0 : i32
      %dma_start3A_122 = arith.constant 0 : i32
      %dma_start3A_123 = tpu.memref_slice %arg9[%dma_start3A_121, %dma_start3A_122] : memref<50000x16xf32, #tpu.memory_space<vmem_shared>> -> memref<50000x16xf32, #tpu.memory_space<vmem_shared>>
      tpu.enqueue_indirect_dma source(%dma_start3A_117 : memref<125x16xf32, #tpu.memory_space<vmem>>) target(%dma_start3A_123 : memref<50000x16xf32, #tpu.memory_space<vmem_shared>>) offsets(%dma_start3A_120 : memref<125xi32, #tpu.memory_space<vmem>>) semaphore(%arg10 : memref<!tpu.dma_semaphore, #tpu.memory_space<semaphore_mem>>) {add = true}
      %dma_start3A_124 = arith.constant 1 : i32
      %dma_start3A_125 = arith.constant 125 : i32
      %dma_start3A_126 = arith.constant 0 : i32
      %dma_start3A_127 = tpu.memref_slice %arg7[%dma_start3A_125, %dma_start3A_126] : memref<1000x16xf32, #tpu.memory_space<vmem>> -> memref<125x16xf32, #tpu.memory_space<vmem>>
      %dma_start3A_128 = arith.constant 0 : i32
      %dma_start3A_129 = tpu.memref_slice %arg5[%dma_start3A_124, %dma_start3A_128] : memref<8x125xi32, #tpu.memory_space<vmem>> -> memref<1x125xi32, #tpu.memory_space<vmem>>
      %dma_start3A_130 = tpu.memref_squeeze %dma_start3A_129 : memref<1x125xi32, #tpu.memory_space<vmem>> -> memref<125xi32, #tpu.memory_space<vmem>>
      %dma_start3A_131 = arith.constant 0 : i32
      %dma_start3A_132 = arith.constant 0 : i32
      %dma_start3A_133 = tpu.memref_slice %arg9[%dma_start3A_131, %dma_start3A_132] : memref<50000x16xf32, #tpu.memory_space<vmem_shared>> -> memref<50000x16xf32, #tpu.memory_space<vmem_shared>>
      tpu.enqueue_indirect_dma source(%dma_start3A_127 : memref<125x16xf32, #tpu.memory_space<vmem>>) target(%dma_start3A_133 : memref<50000x16xf32, #tpu.memory_space<vmem_shared>>) offsets(%dma_start3A_130 : memref<125xi32, #tpu.memory_space<vmem>>) semaphore(%arg10 : memref<!tpu.dma_semaphore, #tpu.memory_space<semaphore_mem>>) {add = true}
      %dma_start3A_134 = arith.constant 2 : i32
      %dma_start3A_135 = arith.constant 250 : i32
      %dma_start3A_136 = arith.constant 0 : i32
      %dma_start3A_137 = tpu.memref_slice %arg7[%dma_start3A_135, %dma_start3A_136] : memref<1000x16xf32, #tpu.memory_space<vmem>> -> memref<125x16xf32, #tpu.memory_space<vmem>>
      %dma_start3A_138 = arith.constant 0 : i32
      %dma_start3A_139 = tpu.memref_slice %arg5[%dma_start3A_134, %dma_start3A_138] : memref<8x125xi32, #tpu.memory_space<vmem>> -> memref<1x125xi32, #tpu.memory_space<vmem>>
      %dma_start3A_140 = tpu.memref_squeeze %dma_start3A_139 : memref<1x125xi32, #tpu.memory_space<vmem>> -> memref<125xi32, #tpu.memory_space<vmem>>
      %dma_start3A_141 = arith.constant 0 : i32
      %dma_start3A_142 = arith.constant 0 : i32
      %dma_start3A_143 = tpu.memref_slice %arg9[%dma_start3A_141, %dma_start3A_142] : memref<50000x16xf32, #tpu.memory_space<vmem_shared>> -> memref<50000x16xf32, #tpu.memory_space<vmem_shared>>
      tpu.enqueue_indirect_dma source(%dma_start3A_137 : memref<125x16xf32, #tpu.memory_space<vmem>>) target(%dma_start3A_143 : memref<50000x16xf32, #tpu.memory_space<vmem_shared>>) offsets(%dma_start3A_140 : memref<125xi32, #tpu.memory_space<vmem>>) semaphore(%arg10 : memref<!tpu.dma_semaphore, #tpu.memory_space<semaphore_mem>>) {add = true}
      %dma_start3A_144 = arith.constant 3 : i32
      %dma_start3A_145 = arith.constant 375 : i32
      %dma_start3A_146 = arith.constant 0 : i32
      %dma_start3A_147 = tpu.memref_slice %arg7[%dma_start3A_145, %dma_start3A_146] : memref<1000x16xf32, #tpu.memory_space<vmem>> -> memref<125x16xf32, #tpu.memory_space<vmem>>
      %dma_start3A_148 = arith.constant 0 : i32
      %dma_start3A_149 = tpu.memref_slice %arg5[%dma_start3A_144, %dma_start3A_148] : memref<8x125xi32, #tpu.memory_space<vmem>> -> memref<1x125xi32, #tpu.memory_space<vmem>>
      %dma_start3A_150 = tpu.memref_squeeze %dma_start3A_149 : memref<1x125xi32, #tpu.memory_space<vmem>> -> memref<125xi32, #tpu.memory_space<vmem>>
      %dma_start3A_151 = arith.constant 0 : i32
      %dma_start3A_152 = arith.constant 0 : i32
      %dma_start3A_153 = tpu.memref_slice %arg9[%dma_start3A_151, %dma_start3A_152] : memref<50000x16xf32, #tpu.memory_space<vmem_shared>> -> memref<50000x16xf32, #tpu.memory_space<vmem_shared>>
      tpu.enqueue_indirect_dma source(%dma_start3A_147 : memref<125x16xf32, #tpu.memory_space<vmem>>) target(%dma_start3A_153 : memref<50000x16xf32, #tpu.memory_space<vmem_shared>>) offsets(%dma_start3A_150 : memref<125xi32, #tpu.memory_space<vmem>>) semaphore(%arg10 : memref<!tpu.dma_semaphore, #tpu.memory_space<semaphore_mem>>) {add = true}
      %dma_start3A_154 = arith.constant 4 : i32
      %dma_start3A_155 = arith.constant 500 : i32
      %dma_start3A_156 = arith.constant 0 : i32
      %dma_start3A_157 = tpu.memref_slice %arg7[%dma_start3A_155, %dma_start3A_156] : memref<1000x16xf32, #tpu.memory_space<vmem>> -> memref<125x16xf32, #tpu.memory_space<vmem>>
      %dma_start3A_158 = arith.constant 0 : i32
      %dma_start3A_159 = tpu.memref_slice %arg5[%dma_start3A_154, %dma_start3A_158] : memref<8x125xi32, #tpu.memory_space<vmem>> -> memref<1x125xi32, #tpu.memory_space<vmem>>
      %dma_start3A_160 = tpu.memref_squeeze %dma_start3A_159 : memref<1x125xi32, #tpu.memory_space<vmem>> -> memref<125xi32, #tpu.memory_space<vmem>>
      %dma_start3A_161 = arith.constant 0 : i32
      %dma_start3A_162 = arith.constant 0 : i32
      %dma_start3A_163 = tpu.memref_slice %arg9[%dma_start3A_161, %dma_start3A_162] : memref<50000x16xf32, #tpu.memory_space<vmem_shared>> -> memref<50000x16xf32, #tpu.memory_space<vmem_shared>>
      tpu.enqueue_indirect_dma source(%dma_start3A_157 : memref<125x16xf32, #tpu.memory_space<vmem>>) target(%dma_start3A_163 : memref<50000x16xf32, #tpu.memory_space<vmem_shared>>) offsets(%dma_start3A_160 : memref<125xi32, #tpu.memory_space<vmem>>) semaphore(%arg10 : memref<!tpu.dma_semaphore, #tpu.memory_space<semaphore_mem>>) {add = true}
      %dma_start3A_164 = arith.constant 5 : i32
      %dma_start3A_165 = arith.constant 625 : i32
      %dma_start3A_166 = arith.constant 0 : i32
      %dma_start3A_167 = tpu.memref_slice %arg7[%dma_start3A_165, %dma_start3A_166] : memref<1000x16xf32, #tpu.memory_space<vmem>> -> memref<125x16xf32, #tpu.memory_space<vmem>>
      %dma_start3A_168 = arith.constant 0 : i32
      %dma_start3A_169 = tpu.memref_slice %arg5[%dma_start3A_164, %dma_start3A_168] : memref<8x125xi32, #tpu.memory_space<vmem>> -> memref<1x125xi32, #tpu.memory_space<vmem>>
      %dma_start3A_170 = tpu.memref_squeeze %dma_start3A_169 : memref<1x125xi32, #tpu.memory_space<vmem>> -> memref<125xi32, #tpu.memory_space<vmem>>
      %dma_start3A_171 = arith.constant 0 : i32
      %dma_start3A_172 = arith.constant 0 : i32
      %dma_start3A_173 = tpu.memref_slice %arg9[%dma_start3A_171, %dma_start3A_172] : memref<50000x16xf32, #tpu.memory_space<vmem_shared>> -> memref<50000x16xf32, #tpu.memory_space<vmem_shared>>
      tpu.enqueue_indirect_dma source(%dma_start3A_167 : memref<125x16xf32, #tpu.memory_space<vmem>>) target(%dma_start3A_173 : memref<50000x16xf32, #tpu.memory_space<vmem_shared>>) offsets(%dma_start3A_170 : memref<125xi32, #tpu.memory_space<vmem>>) semaphore(%arg10 : memref<!tpu.dma_semaphore, #tpu.memory_space<semaphore_mem>>) {add = true}
      %dma_start3A_174 = arith.constant 6 : i32
      %dma_start3A_175 = arith.constant 750 : i32
      %dma_start3A_176 = arith.constant 0 : i32
      %dma_start3A_177 = tpu.memref_slice %arg7[%dma_start3A_175, %dma_start3A_176] : memref<1000x16xf32, #tpu.memory_space<vmem>> -> memref<125x16xf32, #tpu.memory_space<vmem>>
      %dma_start3A_178 = arith.constant 0 : i32
      %dma_start3A_179 = tpu.memref_slice %arg5[%dma_start3A_174, %dma_start3A_178] : memref<8x125xi32, #tpu.memory_space<vmem>> -> memref<1x125xi32, #tpu.memory_space<vmem>>
      %dma_start3A_180 = tpu.memref_squeeze %dma_start3A_179 : memref<1x125xi32, #tpu.memory_space<vmem>> -> memref<125xi32, #tpu.memory_space<vmem>>
      %dma_start3A_181 = arith.constant 0 : i32
      %dma_start3A_182 = arith.constant 0 : i32
      %dma_start3A_183 = tpu.memref_slice %arg9[%dma_start3A_181, %dma_start3A_182] : memref<50000x16xf32, #tpu.memory_space<vmem_shared>> -> memref<50000x16xf32, #tpu.memory_space<vmem_shared>>
      tpu.enqueue_indirect_dma source(%dma_start3A_177 : memref<125x16xf32, #tpu.memory_space<vmem>>) target(%dma_start3A_183 : memref<50000x16xf32, #tpu.memory_space<vmem_shared>>) offsets(%dma_start3A_180 : memref<125xi32, #tpu.memory_space<vmem>>) semaphore(%arg10 : memref<!tpu.dma_semaphore, #tpu.memory_space<semaphore_mem>>) {add = true}
      %dma_start3A_184 = arith.constant 7 : i32
      %dma_start3A_185 = arith.constant 875 : i32
      %dma_start3A_186 = arith.constant 0 : i32
      %dma_start3A_187 = tpu.memref_slice %arg7[%dma_start3A_185, %dma_start3A_186] : memref<1000x16xf32, #tpu.memory_space<vmem>> -> memref<125x16xf32, #tpu.memory_space<vmem>>
      %dma_start3A_188 = arith.constant 0 : i32
      %dma_start3A_189 = tpu.memref_slice %arg5[%dma_start3A_184, %dma_start3A_188] : memref<8x125xi32, #tpu.memory_space<vmem>> -> memref<1x125xi32, #tpu.memory_space<vmem>>
      %dma_start3A_190 = tpu.memref_squeeze %dma_start3A_189 : memref<1x125xi32, #tpu.memory_space<vmem>> -> memref<125xi32, #tpu.memory_space<vmem>>
      %dma_start3A_191 = arith.constant 0 : i32
      %dma_start3A_192 = arith.constant 0 : i32
      %dma_start3A_193 = tpu.memref_slice %arg9[%dma_start3A_191, %dma_start3A_192] : memref<50000x16xf32, #tpu.memory_space<vmem_shared>> -> memref<50000x16xf32, #tpu.memory_space<vmem_shared>>
      tpu.enqueue_indirect_dma source(%dma_start3A_187 : memref<125x16xf32, #tpu.memory_space<vmem>>) target(%dma_start3A_193 : memref<50000x16xf32, #tpu.memory_space<vmem_shared>>) offsets(%dma_start3A_190 : memref<125xi32, #tpu.memory_space<vmem>>) semaphore(%arg10 : memref<!tpu.dma_semaphore, #tpu.memory_space<semaphore_mem>>) {add = true}
      %dma_wait3A = arith.constant 0 : i32
      %dma_wait3A_194 = arith.constant 0 : i32
      %dma_wait3A_195 = arith.constant 0 : i32
      %dma_wait3A_196 = tpu.memref_slice %arg7[%dma_wait3A_194, %dma_wait3A_195] : memref<1000x16xf32, #tpu.memory_space<vmem>> -> memref<125x16xf32, #tpu.memory_space<vmem>>
      %dma_wait3A_197 = arith.constant 0 : i32
      %dma_wait3A_198 = tpu.memref_slice %arg5[%dma_wait3A, %dma_wait3A_197] : memref<8x125xi32, #tpu.memory_space<vmem>> -> memref<1x125xi32, #tpu.memory_space<vmem>>
      %dma_wait3A_199 = tpu.memref_squeeze %dma_wait3A_198 : memref<1x125xi32, #tpu.memory_space<vmem>> -> memref<125xi32, #tpu.memory_space<vmem>>
      %dma_wait3A_200 = arith.constant 0 : i32
      %dma_wait3A_201 = arith.constant 0 : i32
      %dma_wait3A_202 = tpu.memref_slice %arg9[%dma_wait3A_200, %dma_wait3A_201] : memref<50000x16xf32, #tpu.memory_space<vmem_shared>> -> memref<50000x16xf32, #tpu.memory_space<vmem_shared>>
      tpu.wait_indirect_dma semaphore(%arg10 : memref<!tpu.dma_semaphore, #tpu.memory_space<semaphore_mem>>) src(%dma_wait3A_196 : memref<125x16xf32, #tpu.memory_space<vmem>>) dst(%dma_wait3A_202 : memref<50000x16xf32, #tpu.memory_space<vmem_shared>>)
      %dma_wait3A_203 = arith.constant 1 : i32
      %dma_wait3A_204 = arith.constant 125 : i32
      %dma_wait3A_205 = arith.constant 0 : i32
      %dma_wait3A_206 = tpu.memref_slice %arg7[%dma_wait3A_204, %dma_wait3A_205] : memref<1000x16xf32, #tpu.memory_space<vmem>> -> memref<125x16xf32, #tpu.memory_space<vmem>>
      %dma_wait3A_207 = arith.constant 0 : i32
      %dma_wait3A_208 = tpu.memref_slice %arg5[%dma_wait3A_203, %dma_wait3A_207] : memref<8x125xi32, #tpu.memory_space<vmem>> -> memref<1x125xi32, #tpu.memory_space<vmem>>
      %dma_wait3A_209 = tpu.memref_squeeze %dma_wait3A_208 : memref<1x125xi32, #tpu.memory_space<vmem>> -> memref<125xi32, #tpu.memory_space<vmem>>
      %dma_wait3A_210 = arith.constant 0 : i32
      %dma_wait3A_211 = arith.constant 0 : i32
      %dma_wait3A_212 = tpu.memref_slice %arg9[%dma_wait3A_210, %dma_wait3A_211] : memref<50000x16xf32, #tpu.memory_space<vmem_shared>> -> memref<50000x16xf32, #tpu.memory_space<vmem_shared>>
      tpu.wait_indirect_dma semaphore(%arg10 : memref<!tpu.dma_semaphore, #tpu.memory_space<semaphore_mem>>) src(%dma_wait3A_206 : memref<125x16xf32, #tpu.memory_space<vmem>>) dst(%dma_wait3A_212 : memref<50000x16xf32, #tpu.memory_space<vmem_shared>>)
      %dma_wait3A_213 = arith.constant 2 : i32
      %dma_wait3A_214 = arith.constant 250 : i32
      %dma_wait3A_215 = arith.constant 0 : i32
      %dma_wait3A_216 = tpu.memref_slice %arg7[%dma_wait3A_214, %dma_wait3A_215] : memref<1000x16xf32, #tpu.memory_space<vmem>> -> memref<125x16xf32, #tpu.memory_space<vmem>>
      %dma_wait3A_217 = arith.constant 0 : i32
      %dma_wait3A_218 = tpu.memref_slice %arg5[%dma_wait3A_213, %dma_wait3A_217] : memref<8x125xi32, #tpu.memory_space<vmem>> -> memref<1x125xi32, #tpu.memory_space<vmem>>
      %dma_wait3A_219 = tpu.memref_squeeze %dma_wait3A_218 : memref<1x125xi32, #tpu.memory_space<vmem>> -> memref<125xi32, #tpu.memory_space<vmem>>
      %dma_wait3A_220 = arith.constant 0 : i32
      %dma_wait3A_221 = arith.constant 0 : i32
      %dma_wait3A_222 = tpu.memref_slice %arg9[%dma_wait3A_220, %dma_wait3A_221] : memref<50000x16xf32, #tpu.memory_space<vmem_shared>> -> memref<50000x16xf32, #tpu.memory_space<vmem_shared>>
      tpu.wait_indirect_dma semaphore(%arg10 : memref<!tpu.dma_semaphore, #tpu.memory_space<semaphore_mem>>) src(%dma_wait3A_216 : memref<125x16xf32, #tpu.memory_space<vmem>>) dst(%dma_wait3A_222 : memref<50000x16xf32, #tpu.memory_space<vmem_shared>>)
      %dma_wait3A_223 = arith.constant 3 : i32
      %dma_wait3A_224 = arith.constant 375 : i32
      %dma_wait3A_225 = arith.constant 0 : i32
      %dma_wait3A_226 = tpu.memref_slice %arg7[%dma_wait3A_224, %dma_wait3A_225] : memref<1000x16xf32, #tpu.memory_space<vmem>> -> memref<125x16xf32, #tpu.memory_space<vmem>>
      %dma_wait3A_227 = arith.constant 0 : i32
      %dma_wait3A_228 = tpu.memref_slice %arg5[%dma_wait3A_223, %dma_wait3A_227] : memref<8x125xi32, #tpu.memory_space<vmem>> -> memref<1x125xi32, #tpu.memory_space<vmem>>
      %dma_wait3A_229 = tpu.memref_squeeze %dma_wait3A_228 : memref<1x125xi32, #tpu.memory_space<vmem>> -> memref<125xi32, #tpu.memory_space<vmem>>
      %dma_wait3A_230 = arith.constant 0 : i32
      %dma_wait3A_231 = arith.constant 0 : i32
      %dma_wait3A_232 = tpu.memref_slice %arg9[%dma_wait3A_230, %dma_wait3A_231] : memref<50000x16xf32, #tpu.memory_space<vmem_shared>> -> memref<50000x16xf32, #tpu.memory_space<vmem_shared>>
      tpu.wait_indirect_dma semaphore(%arg10 : memref<!tpu.dma_semaphore, #tpu.memory_space<semaphore_mem>>) src(%dma_wait3A_226 : memref<125x16xf32, #tpu.memory_space<vmem>>) dst(%dma_wait3A_232 : memref<50000x16xf32, #tpu.memory_space<vmem_shared>>)
      %dma_wait3A_233 = arith.constant 4 : i32
      %dma_wait3A_234 = arith.constant 500 : i32
      %dma_wait3A_235 = arith.constant 0 : i32
      %dma_wait3A_236 = tpu.memref_slice %arg7[%dma_wait3A_234, %dma_wait3A_235] : memref<1000x16xf32, #tpu.memory_space<vmem>> -> memref<125x16xf32, #tpu.memory_space<vmem>>
      %dma_wait3A_237 = arith.constant 0 : i32
      %dma_wait3A_238 = tpu.memref_slice %arg5[%dma_wait3A_233, %dma_wait3A_237] : memref<8x125xi32, #tpu.memory_space<vmem>> -> memref<1x125xi32, #tpu.memory_space<vmem>>
      %dma_wait3A_239 = tpu.memref_squeeze %dma_wait3A_238 : memref<1x125xi32, #tpu.memory_space<vmem>> -> memref<125xi32, #tpu.memory_space<vmem>>
      %dma_wait3A_240 = arith.constant 0 : i32
      %dma_wait3A_241 = arith.constant 0 : i32
      %dma_wait3A_242 = tpu.memref_slice %arg9[%dma_wait3A_240, %dma_wait3A_241] : memref<50000x16xf32, #tpu.memory_space<vmem_shared>> -> memref<50000x16xf32, #tpu.memory_space<vmem_shared>>
      tpu.wait_indirect_dma semaphore(%arg10 : memref<!tpu.dma_semaphore, #tpu.memory_space<semaphore_mem>>) src(%dma_wait3A_236 : memref<125x16xf32, #tpu.memory_space<vmem>>) dst(%dma_wait3A_242 : memref<50000x16xf32, #tpu.memory_space<vmem_shared>>)
      %dma_wait3A_243 = arith.constant 5 : i32
      %dma_wait3A_244 = arith.constant 625 : i32
      %dma_wait3A_245 = arith.constant 0 : i32
      %dma_wait3A_246 = tpu.memref_slice %arg7[%dma_wait3A_244, %dma_wait3A_245] : memref<1000x16xf32, #tpu.memory_space<vmem>> -> memref<125x16xf32, #tpu.memory_space<vmem>>
      %dma_wait3A_247 = arith.constant 0 : i32
      %dma_wait3A_248 = tpu.memref_slice %arg5[%dma_wait3A_243, %dma_wait3A_247] : memref<8x125xi32, #tpu.memory_space<vmem>> -> memref<1x125xi32, #tpu.memory_space<vmem>>
      %dma_wait3A_249 = tpu.memref_squeeze %dma_wait3A_248 : memref<1x125xi32, #tpu.memory_space<vmem>> -> memref<125xi32, #tpu.memory_space<vmem>>
      %dma_wait3A_250 = arith.constant 0 : i32
      %dma_wait3A_251 = arith.constant 0 : i32
      %dma_wait3A_252 = tpu.memref_slice %arg9[%dma_wait3A_250, %dma_wait3A_251] : memref<50000x16xf32, #tpu.memory_space<vmem_shared>> -> memref<50000x16xf32, #tpu.memory_space<vmem_shared>>
      tpu.wait_indirect_dma semaphore(%arg10 : memref<!tpu.dma_semaphore, #tpu.memory_space<semaphore_mem>>) src(%dma_wait3A_246 : memref<125x16xf32, #tpu.memory_space<vmem>>) dst(%dma_wait3A_252 : memref<50000x16xf32, #tpu.memory_space<vmem_shared>>)
      %dma_wait3A_253 = arith.constant 6 : i32
      %dma_wait3A_254 = arith.constant 750 : i32
      %dma_wait3A_255 = arith.constant 0 : i32
      %dma_wait3A_256 = tpu.memref_slice %arg7[%dma_wait3A_254, %dma_wait3A_255] : memref<1000x16xf32, #tpu.memory_space<vmem>> -> memref<125x16xf32, #tpu.memory_space<vmem>>
      %dma_wait3A_257 = arith.constant 0 : i32
      %dma_wait3A_258 = tpu.memref_slice %arg5[%dma_wait3A_253, %dma_wait3A_257] : memref<8x125xi32, #tpu.memory_space<vmem>> -> memref<1x125xi32, #tpu.memory_space<vmem>>
      %dma_wait3A_259 = tpu.memref_squeeze %dma_wait3A_258 : memref<1x125xi32, #tpu.memory_space<vmem>> -> memref<125xi32, #tpu.memory_space<vmem>>
      %dma_wait3A_260 = arith.constant 0 : i32
      %dma_wait3A_261 = arith.constant 0 : i32
      %dma_wait3A_262 = tpu.memref_slice %arg9[%dma_wait3A_260, %dma_wait3A_261] : memref<50000x16xf32, #tpu.memory_space<vmem_shared>> -> memref<50000x16xf32, #tpu.memory_space<vmem_shared>>
      tpu.wait_indirect_dma semaphore(%arg10 : memref<!tpu.dma_semaphore, #tpu.memory_space<semaphore_mem>>) src(%dma_wait3A_256 : memref<125x16xf32, #tpu.memory_space<vmem>>) dst(%dma_wait3A_262 : memref<50000x16xf32, #tpu.memory_space<vmem_shared>>)
      %dma_wait3A_263 = arith.constant 7 : i32
      %dma_wait3A_264 = arith.constant 875 : i32
      %dma_wait3A_265 = arith.constant 0 : i32
      %dma_wait3A_266 = tpu.memref_slice %arg7[%dma_wait3A_264, %dma_wait3A_265] : memref<1000x16xf32, #tpu.memory_space<vmem>> -> memref<125x16xf32, #tpu.memory_space<vmem>>
      %dma_wait3A_267 = arith.constant 0 : i32
      %dma_wait3A_268 = tpu.memref_slice %arg5[%dma_wait3A_263, %dma_wait3A_267] : memref<8x125xi32, #tpu.memory_space<vmem>> -> memref<1x125xi32, #tpu.memory_space<vmem>>
      %dma_wait3A_269 = tpu.memref_squeeze %dma_wait3A_268 : memref<1x125xi32, #tpu.memory_space<vmem>> -> memref<125xi32, #tpu.memory_space<vmem>>
      %dma_wait3A_270 = arith.constant 0 : i32
      %dma_wait3A_271 = arith.constant 0 : i32
      %dma_wait3A_272 = tpu.memref_slice %arg9[%dma_wait3A_270, %dma_wait3A_271] : memref<50000x16xf32, #tpu.memory_space<vmem_shared>> -> memref<50000x16xf32, #tpu.memory_space<vmem_shared>>
      tpu.wait_indirect_dma semaphore(%arg10 : memref<!tpu.dma_semaphore, #tpu.memory_space<semaphore_mem>>) src(%dma_wait3A_266 : memref<125x16xf32, #tpu.memory_space<vmem>>) dst(%dma_wait3A_272 : memref<50000x16xf32, #tpu.memory_space<vmem_shared>>)
    }
    %scan3A_36 = arith.constant 25 : i32
    %barrier3A_37 = arith.constant 0 : index
    tpu.barrier barrier_id(%barrier3A_37)
    %add3A_38 = arith.constant 0 : i32
    %add3A_39 = arith.addi %arg1, %add3A_38 : i32
    %lt3A_40 = arith.constant 50 : i32
    %lt3A_41 = arith.cmpi slt, %add3A_39, %lt3A_40 : i32
    %convert_element_type3A_42 = arith.extui %lt3A_41 : i1 to i32
    %cond3A_43 = arith.constant 0 : i32
    %cond3A_44 = arith.cmpi ne, %convert_element_type3A_42, %cond3A_43 : i32
    scf.if %cond3A_44 {
      %mul3A_66 = arith.constant 1000 : i32
      %mul3A_67 = arith.muli %add3A_39, %mul3A_66 : i32
      "tpu.region"() ({
        %run_scoped3A = tpu.sem_alloc : memref<!tpu.dma_semaphore, #tpu.memory_space<semaphore_mem>>
        %dma_start3A = arith.constant 0 : i32
        %dma_start3A_70 = tpu.memref_slice %arg9[%mul3A_67, %dma_start3A] : memref<50000x16xf32, #tpu.memory_space<vmem_shared>> -> memref<1000x16xf32, #tpu.memory_space<vmem_shared>>
        %dma_start3A_71 = arith.constant 0 : i32
        %dma_start3A_72 = tpu.memref_slice %arg9[%mul3A_67, %dma_start3A_71] : memref<50000x16xf32, #tpu.memory_space<vmem_shared>> -> memref<1000x16xf32, #tpu.memory_space<vmem_shared>>
        tpu.enqueue_dma source(%dma_start3A_72 : memref<1000x16xf32, #tpu.memory_space<vmem_shared>>) target(%arg8 : memref<1000x16xf32, #tpu.memory_space<vmem>>) target_semaphore(%run_scoped3A : memref<!tpu.dma_semaphore, #tpu.memory_space<semaphore_mem>>)
        %dma_wait3A = arith.constant 0 : i32
        %dma_wait3A_73 = tpu.memref_slice %arg9[%mul3A_67, %dma_wait3A] : memref<50000x16xf32, #tpu.memory_space<vmem_shared>> -> memref<1000x16xf32, #tpu.memory_space<vmem_shared>>
        %dma_wait3A_74 = arith.constant 0 : i32
        %dma_wait3A_75 = tpu.memref_slice %arg9[%mul3A_67, %dma_wait3A_74] : memref<50000x16xf32, #tpu.memory_space<vmem_shared>> -> memref<1000x16xf32, #tpu.memory_space<vmem_shared>>
        tpu.wait_dma2 semaphore(%run_scoped3A : memref<!tpu.dma_semaphore, #tpu.memory_space<semaphore_mem>>) src(%dma_wait3A_75 : memref<1000x16xf32, #tpu.memory_space<vmem_shared>>) dst(%arg8 : memref<1000x16xf32, #tpu.memory_space<vmem>>)
        tpu.yield
      }) : () -> ()
      %mul3A_68 = arith.constant 1000 : i32
      %mul3A_69 = arith.muli %add3A_39, %mul3A_68 : i32
      "tpu.region"() ({
        %run_scoped3A = tpu.sem_alloc : memref<!tpu.dma_semaphore, #tpu.memory_space<semaphore_mem>>
        %dma_start3A = arith.constant 0 : i32
        %dma_start3A_70 = tpu.memref_slice %arg4[%arg0, %mul3A_69, %dma_start3A] : memref<2x50000x16xf32, #tpu.memory_space<hbm>> -> memref<1x1000x16xf32, #tpu.memory_space<hbm>>
        %dma_start3A_71 = tpu.memref_squeeze %dma_start3A_70 : memref<1x1000x16xf32, #tpu.memory_space<hbm>> -> memref<1000x16xf32, #tpu.memory_space<hbm>>
        %dma_start3A_72 = arith.constant 0 : i32
        %dma_start3A_73 = tpu.memref_slice %arg4[%arg0, %mul3A_69, %dma_start3A_72] : memref<2x50000x16xf32, #tpu.memory_space<hbm>> -> memref<1x1000x16xf32, #tpu.memory_space<hbm>>
        %dma_start3A_74 = tpu.memref_squeeze %dma_start3A_73 : memref<1x1000x16xf32, #tpu.memory_space<hbm>> -> memref<1000x16xf32, #tpu.memory_space<hbm>>
        tpu.enqueue_dma source(%arg8 : memref<1000x16xf32, #tpu.memory_space<vmem>>) target(%dma_start3A_74 : memref<1000x16xf32, #tpu.memory_space<hbm>>) target_semaphore(%run_scoped3A : memref<!tpu.dma_semaphore, #tpu.memory_space<semaphore_mem>>)
        %dma_wait3A = arith.constant 0 : i32
        %dma_wait3A_75 = tpu.memref_slice %arg4[%arg0, %mul3A_69, %dma_wait3A] : memref<2x50000x16xf32, #tpu.memory_space<hbm>> -> memref<1x1000x16xf32, #tpu.memory_space<hbm>>
        %dma_wait3A_76 = tpu.memref_squeeze %dma_wait3A_75 : memref<1x1000x16xf32, #tpu.memory_space<hbm>> -> memref<1000x16xf32, #tpu.memory_space<hbm>>
        %dma_wait3A_77 = arith.constant 0 : i32
        %dma_wait3A_78 = tpu.memref_slice %arg4[%arg0, %mul3A_69, %dma_wait3A_77] : memref<2x50000x16xf32, #tpu.memory_space<hbm>> -> memref<1x1000x16xf32, #tpu.memory_space<hbm>>
        %dma_wait3A_79 = tpu.memref_squeeze %dma_wait3A_78 : memref<1x1000x16xf32, #tpu.memory_space<hbm>> -> memref<1000x16xf32, #tpu.memory_space<hbm>>
        tpu.wait_dma2 semaphore(%run_scoped3A : memref<!tpu.dma_semaphore, #tpu.memory_space<semaphore_mem>>) src(%arg8 : memref<1000x16xf32, #tpu.memory_space<vmem>>) dst(%dma_wait3A_79 : memref<1000x16xf32, #tpu.memory_space<hbm>>)
        tpu.yield
      }) : () -> ()
    } else {
    }
    %add3A_45 = arith.constant 16 : i32
    %add3A_46 = arith.addi %arg1, %add3A_45 : i32
    %lt3A_47 = arith.constant 50 : i32
    %lt3A_48 = arith.cmpi slt, %add3A_46, %lt3A_47 : i32
    %convert_element_type3A_49 = arith.extui %lt3A_48 : i1 to i32
    %cond3A_50 = arith.constant 0 : i32
    %cond3A_51 = arith.cmpi ne, %convert_element_type3A_49, %cond3A_50 : i32
    scf.if %cond3A_51 {
      %mul3A_66 = arith.constant 1000 : i32
      %mul3A_67 = arith.muli %add3A_46, %mul3A_66 : i32
      "tpu.region"() ({
        %run_scoped3A = tpu.sem_alloc : memref<!tpu.dma_semaphore, #tpu.memory_space<semaphore_mem>>
        %dma_start3A = arith.constant 0 : i32
        %dma_start3A_70 = tpu.memref_slice %arg9[%mul3A_67, %dma_start3A] : memref<50000x16xf32, #tpu.memory_space<vmem_shared>> -> memref<1000x16xf32, #tpu.memory_space<vmem_shared>>
        %dma_start3A_71 = arith.constant 0 : i32
        %dma_start3A_72 = tpu.memref_slice %arg9[%mul3A_67, %dma_start3A_71] : memref<50000x16xf32, #tpu.memory_space<vmem_shared>> -> memref<1000x16xf32, #tpu.memory_space<vmem_shared>>
        tpu.enqueue_dma source(%dma_start3A_72 : memref<1000x16xf32, #tpu.memory_space<vmem_shared>>) target(%arg8 : memref<1000x16xf32, #tpu.memory_space<vmem>>) target_semaphore(%run_scoped3A : memref<!tpu.dma_semaphore, #tpu.memory_space<semaphore_mem>>)
        %dma_wait3A = arith.constant 0 : i32
        %dma_wait3A_73 = tpu.memref_slice %arg9[%mul3A_67, %dma_wait3A] : memref<50000x16xf32, #tpu.memory_space<vmem_shared>> -> memref<1000x16xf32, #tpu.memory_space<vmem_shared>>
        %dma_wait3A_74 = arith.constant 0 : i32
        %dma_wait3A_75 = tpu.memref_slice %arg9[%mul3A_67, %dma_wait3A_74] : memref<50000x16xf32, #tpu.memory_space<vmem_shared>> -> memref<1000x16xf32, #tpu.memory_space<vmem_shared>>
        tpu.wait_dma2 semaphore(%run_scoped3A : memref<!tpu.dma_semaphore, #tpu.memory_space<semaphore_mem>>) src(%dma_wait3A_75 : memref<1000x16xf32, #tpu.memory_space<vmem_shared>>) dst(%arg8 : memref<1000x16xf32, #tpu.memory_space<vmem>>)
        tpu.yield
      }) : () -> ()
      %mul3A_68 = arith.constant 1000 : i32
      %mul3A_69 = arith.muli %add3A_46, %mul3A_68 : i32
      "tpu.region"() ({
        %run_scoped3A = tpu.sem_alloc : memref<!tpu.dma_semaphore, #tpu.memory_space<semaphore_mem>>
        %dma_start3A = arith.constant 0 : i32
        %dma_start3A_70 = tpu.memref_slice %arg4[%arg0, %mul3A_69, %dma_start3A] : memref<2x50000x16xf32, #tpu.memory_space<hbm>> -> memref<1x1000x16xf32, #tpu.memory_space<hbm>>
        %dma_start3A_71 = tpu.memref_squeeze %dma_start3A_70 : memref<1x1000x16xf32, #tpu.memory_space<hbm>> -> memref<1000x16xf32, #tpu.memory_space<hbm>>
        %dma_start3A_72 = arith.constant 0 : i32
        %dma_start3A_73 = tpu.memref_slice %arg4[%arg0, %mul3A_69, %dma_start3A_72] : memref<2x50000x16xf32, #tpu.memory_space<hbm>> -> memref<1x1000x16xf32, #tpu.memory_space<hbm>>
        %dma_start3A_74 = tpu.memref_squeeze %dma_start3A_73 : memref<1x1000x16xf32, #tpu.memory_space<hbm>> -> memref<1000x16xf32, #tpu.memory_space<hbm>>
        tpu.enqueue_dma source(%arg8 : memref<1000x16xf32, #tpu.memory_space<vmem>>) target(%dma_start3A_74 : memref<1000x16xf32, #tpu.memory_space<hbm>>) target_semaphore(%run_scoped3A : memref<!tpu.dma_semaphore, #tpu.memory_space<semaphore_mem>>)
        %dma_wait3A = arith.constant 0 : i32
        %dma_wait3A_75 = tpu.memref_slice %arg4[%arg0, %mul3A_69, %dma_wait3A] : memref<2x50000x16xf32, #tpu.memory_space<hbm>> -> memref<1x1000x16xf32, #tpu.memory_space<hbm>>
        %dma_wait3A_76 = tpu.memref_squeeze %dma_wait3A_75 : memref<1x1000x16xf32, #tpu.memory_space<hbm>> -> memref<1000x16xf32, #tpu.memory_space<hbm>>
        %dma_wait3A_77 = arith.constant 0 : i32
        %dma_wait3A_78 = tpu.memref_slice %arg4[%arg0, %mul3A_69, %dma_wait3A_77] : memref<2x50000x16xf32, #tpu.memory_space<hbm>> -> memref<1x1000x16xf32, #tpu.memory_space<hbm>>
        %dma_wait3A_79 = tpu.memref_squeeze %dma_wait3A_78 : memref<1x1000x16xf32, #tpu.memory_space<hbm>> -> memref<1000x16xf32, #tpu.memory_space<hbm>>
        tpu.wait_dma2 semaphore(%run_scoped3A : memref<!tpu.dma_semaphore, #tpu.memory_space<semaphore_mem>>) src(%arg8 : memref<1000x16xf32, #tpu.memory_space<vmem>>) dst(%dma_wait3A_79 : memref<1000x16xf32, #tpu.memory_space<hbm>>)
        tpu.yield
      }) : () -> ()
    } else {
    }
    %add3A_52 = arith.constant 32 : i32
    %add3A_53 = arith.addi %arg1, %add3A_52 : i32
    %lt3A_54 = arith.constant 50 : i32
    %lt3A_55 = arith.cmpi slt, %add3A_53, %lt3A_54 : i32
    %convert_element_type3A_56 = arith.extui %lt3A_55 : i1 to i32
    %cond3A_57 = arith.constant 0 : i32
    %cond3A_58 = arith.cmpi ne, %convert_element_type3A_56, %cond3A_57 : i32
    scf.if %cond3A_58 {
      %mul3A_66 = arith.constant 1000 : i32
      %mul3A_67 = arith.muli %add3A_53, %mul3A_66 : i32
      "tpu.region"() ({
        %run_scoped3A = tpu.sem_alloc : memref<!tpu.dma_semaphore, #tpu.memory_space<semaphore_mem>>
        %dma_start3A = arith.constant 0 : i32
        %dma_start3A_70 = tpu.memref_slice %arg9[%mul3A_67, %dma_start3A] : memref<50000x16xf32, #tpu.memory_space<vmem_shared>> -> memref<1000x16xf32, #tpu.memory_space<vmem_shared>>
        %dma_start3A_71 = arith.constant 0 : i32
        %dma_start3A_72 = tpu.memref_slice %arg9[%mul3A_67, %dma_start3A_71] : memref<50000x16xf32, #tpu.memory_space<vmem_shared>> -> memref<1000x16xf32, #tpu.memory_space<vmem_shared>>
        tpu.enqueue_dma source(%dma_start3A_72 : memref<1000x16xf32, #tpu.memory_space<vmem_shared>>) target(%arg8 : memref<1000x16xf32, #tpu.memory_space<vmem>>) target_semaphore(%run_scoped3A : memref<!tpu.dma_semaphore, #tpu.memory_space<semaphore_mem>>)
        %dma_wait3A = arith.constant 0 : i32
        %dma_wait3A_73 = tpu.memref_slice %arg9[%mul3A_67, %dma_wait3A] : memref<50000x16xf32, #tpu.memory_space<vmem_shared>> -> memref<1000x16xf32, #tpu.memory_space<vmem_shared>>
        %dma_wait3A_74 = arith.constant 0 : i32
        %dma_wait3A_75 = tpu.memref_slice %arg9[%mul3A_67, %dma_wait3A_74] : memref<50000x16xf32, #tpu.memory_space<vmem_shared>> -> memref<1000x16xf32, #tpu.memory_space<vmem_shared>>
        tpu.wait_dma2 semaphore(%run_scoped3A : memref<!tpu.dma_semaphore, #tpu.memory_space<semaphore_mem>>) src(%dma_wait3A_75 : memref<1000x16xf32, #tpu.memory_space<vmem_shared>>) dst(%arg8 : memref<1000x16xf32, #tpu.memory_space<vmem>>)
        tpu.yield
      }) : () -> ()
      %mul3A_68 = arith.constant 1000 : i32
      %mul3A_69 = arith.muli %add3A_53, %mul3A_68 : i32
      "tpu.region"() ({
        %run_scoped3A = tpu.sem_alloc : memref<!tpu.dma_semaphore, #tpu.memory_space<semaphore_mem>>
        %dma_start3A = arith.constant 0 : i32
        %dma_start3A_70 = tpu.memref_slice %arg4[%arg0, %mul3A_69, %dma_start3A] : memref<2x50000x16xf32, #tpu.memory_space<hbm>> -> memref<1x1000x16xf32, #tpu.memory_space<hbm>>
        %dma_start3A_71 = tpu.memref_squeeze %dma_start3A_70 : memref<1x1000x16xf32, #tpu.memory_space<hbm>> -> memref<1000x16xf32, #tpu.memory_space<hbm>>
        %dma_start3A_72 = arith.constant 0 : i32
        %dma_start3A_73 = tpu.memref_slice %arg4[%arg0, %mul3A_69, %dma_start3A_72] : memref<2x50000x16xf32, #tpu.memory_space<hbm>> -> memref<1x1000x16xf32, #tpu.memory_space<hbm>>
        %dma_start3A_74 = tpu.memref_squeeze %dma_start3A_73 : memref<1x1000x16xf32, #tpu.memory_space<hbm>> -> memref<1000x16xf32, #tpu.memory_space<hbm>>
        tpu.enqueue_dma source(%arg8 : memref<1000x16xf32, #tpu.memory_space<vmem>>) target(%dma_start3A_74 : memref<1000x16xf32, #tpu.memory_space<hbm>>) target_semaphore(%run_scoped3A : memref<!tpu.dma_semaphore, #tpu.memory_space<semaphore_mem>>)
        %dma_wait3A = arith.constant 0 : i32
        %dma_wait3A_75 = tpu.memref_slice %arg4[%arg0, %mul3A_69, %dma_wait3A] : memref<2x50000x16xf32, #tpu.memory_space<hbm>> -> memref<1x1000x16xf32, #tpu.memory_space<hbm>>
        %dma_wait3A_76 = tpu.memref_squeeze %dma_wait3A_75 : memref<1x1000x16xf32, #tpu.memory_space<hbm>> -> memref<1000x16xf32, #tpu.memory_space<hbm>>
        %dma_wait3A_77 = arith.constant 0 : i32
        %dma_wait3A_78 = tpu.memref_slice %arg4[%arg0, %mul3A_69, %dma_wait3A_77] : memref<2x50000x16xf32, #tpu.memory_space<hbm>> -> memref<1x1000x16xf32, #tpu.memory_space<hbm>>
        %dma_wait3A_79 = tpu.memref_squeeze %dma_wait3A_78 : memref<1x1000x16xf32, #tpu.memory_space<hbm>> -> memref<1000x16xf32, #tpu.memory_space<hbm>>
        tpu.wait_dma2 semaphore(%run_scoped3A : memref<!tpu.dma_semaphore, #tpu.memory_space<semaphore_mem>>) src(%arg8 : memref<1000x16xf32, #tpu.memory_space<vmem>>) dst(%dma_wait3A_79 : memref<1000x16xf32, #tpu.memory_space<hbm>>)
        tpu.yield
      }) : () -> ()
    } else {
    }
    %add3A_59 = arith.constant 48 : i32
    %add3A_60 = arith.addi %arg1, %add3A_59 : i32
    %lt3A_61 = arith.constant 50 : i32
    %lt3A_62 = arith.cmpi slt, %add3A_60, %lt3A_61 : i32
    %convert_element_type3A_63 = arith.extui %lt3A_62 : i1 to i32
    %cond3A_64 = arith.constant 0 : i32
    %cond3A_65 = arith.cmpi ne, %convert_element_type3A_63, %cond3A_64 : i32
    scf.if %cond3A_65 {
      %mul3A_66 = arith.constant 1000 : i32
      %mul3A_67 = arith.muli %add3A_60, %mul3A_66 : i32
      "tpu.region"() ({
        %run_scoped3A = tpu.sem_alloc : memref<!tpu.dma_semaphore, #tpu.memory_space<semaphore_mem>>
        %dma_start3A = arith.constant 0 : i32
        %dma_start3A_70 = tpu.memref_slice %arg9[%mul3A_67, %dma_start3A] : memref<50000x16xf32, #tpu.memory_space<vmem_shared>> -> memref<1000x16xf32, #tpu.memory_space<vmem_shared>>
        %dma_start3A_71 = arith.constant 0 : i32
        %dma_start3A_72 = tpu.memref_slice %arg9[%mul3A_67, %dma_start3A_71] : memref<50000x16xf32, #tpu.memory_space<vmem_shared>> -> memref<1000x16xf32, #tpu.memory_space<vmem_shared>>
        tpu.enqueue_dma source(%dma_start3A_72 : memref<1000x16xf32, #tpu.memory_space<vmem_shared>>) target(%arg8 : memref<1000x16xf32, #tpu.memory_space<vmem>>) target_semaphore(%run_scoped3A : memref<!tpu.dma_semaphore, #tpu.memory_space<semaphore_mem>>)
        %dma_wait3A = arith.constant 0 : i32
        %dma_wait3A_73 = tpu.memref_slice %arg9[%mul3A_67, %dma_wait3A] : memref<50000x16xf32, #tpu.memory_space<vmem_shared>> -> memref<1000x16xf32, #tpu.memory_space<vmem_shared>>
        %dma_wait3A_74 = arith.constant 0 : i32
        %dma_wait3A_75 = tpu.memref_slice %arg9[%mul3A_67, %dma_wait3A_74] : memref<50000x16xf32, #tpu.memory_space<vmem_shared>> -> memref<1000x16xf32, #tpu.memory_space<vmem_shared>>
        tpu.wait_dma2 semaphore(%run_scoped3A : memref<!tpu.dma_semaphore, #tpu.memory_space<semaphore_mem>>) src(%dma_wait3A_75 : memref<1000x16xf32, #tpu.memory_space<vmem_shared>>) dst(%arg8 : memref<1000x16xf32, #tpu.memory_space<vmem>>)
        tpu.yield
      }) : () -> ()
      %mul3A_68 = arith.constant 1000 : i32
      %mul3A_69 = arith.muli %add3A_60, %mul3A_68 : i32
      "tpu.region"() ({
        %run_scoped3A = tpu.sem_alloc : memref<!tpu.dma_semaphore, #tpu.memory_space<semaphore_mem>>
        %dma_start3A = arith.constant 0 : i32
        %dma_start3A_70 = tpu.memref_slice %arg4[%arg0, %mul3A_69, %dma_start3A] : memref<2x50000x16xf32, #tpu.memory_space<hbm>> -> memref<1x1000x16xf32, #tpu.memory_space<hbm>>
        %dma_start3A_71 = tpu.memref_squeeze %dma_start3A_70 : memref<1x1000x16xf32, #tpu.memory_space<hbm>> -> memref<1000x16xf32, #tpu.memory_space<hbm>>
        %dma_start3A_72 = arith.constant 0 : i32
        %dma_start3A_73 = tpu.memref_slice %arg4[%arg0, %mul3A_69, %dma_start3A_72] : memref<2x50000x16xf32, #tpu.memory_space<hbm>> -> memref<1x1000x16xf32, #tpu.memory_space<hbm>>
        %dma_start3A_74 = tpu.memref_squeeze %dma_start3A_73 : memref<1x1000x16xf32, #tpu.memory_space<hbm>> -> memref<1000x16xf32, #tpu.memory_space<hbm>>
        tpu.enqueue_dma source(%arg8 : memref<1000x16xf32, #tpu.memory_space<vmem>>) target(%dma_start3A_74 : memref<1000x16xf32, #tpu.memory_space<hbm>>) target_semaphore(%run_scoped3A : memref<!tpu.dma_semaphore, #tpu.memory_space<semaphore_mem>>)
        %dma_wait3A = arith.constant 0 : i32
        %dma_wait3A_75 = tpu.memref_slice %arg4[%arg0, %mul3A_69, %dma_wait3A] : memref<2x50000x16xf32, #tpu.memory_space<hbm>> -> memref<1x1000x16xf32, #tpu.memory_space<hbm>>
        %dma_wait3A_76 = tpu.memref_squeeze %dma_wait3A_75 : memref<1x1000x16xf32, #tpu.memory_space<hbm>> -> memref<1000x16xf32, #tpu.memory_space<hbm>>
        %dma_wait3A_77 = arith.constant 0 : i32
        %dma_wait3A_78 = tpu.memref_slice %arg4[%arg0, %mul3A_69, %dma_wait3A_77] : memref<2x50000x16xf32, #tpu.memory_space<hbm>> -> memref<1x1000x16xf32, #tpu.memory_space<hbm>>
        %dma_wait3A_79 = tpu.memref_squeeze %dma_wait3A_78 : memref<1x1000x16xf32, #tpu.memory_space<hbm>> -> memref<1000x16xf32, #tpu.memory_space<hbm>>
        tpu.wait_dma2 semaphore(%run_scoped3A : memref<!tpu.dma_semaphore, #tpu.memory_space<semaphore_mem>>) src(%arg8 : memref<1000x16xf32, #tpu.memory_space<vmem>>) dst(%dma_wait3A_79 : memref<1000x16xf32, #tpu.memory_space<hbm>>)
        tpu.yield
      }) : () -> ()
    } else {
    }
    return
  }
}

module attributes {stable_mosaic.version = 14 : i64} {
  func.func @_atom_pre_body(%arg0: i32, %arg1: memref<5000x75xf32, #tpu.memory_space<vmem>>, %arg2: memref<75x16xf32, #tpu.memory_space<vmem>>, %arg3: memref<1x16xf32, #tpu.memory_space<vmem>>, %arg4: memref<75x32xf32, #tpu.memory_space<vmem>>, %arg5: memref<1x32xf32, #tpu.memory_space<vmem>>, %arg6: memref<5000x16xf32, #tpu.memory_space<vmem>>, %arg7: memref<5000x32xf32, #tpu.memory_space<vmem>>) attributes {dimension_semantics = [#tpu.dimension_semantics<arbitrary>], iteration_bounds = array<i64: 10>, scalar_prefetch = 0 : i64, scratch_operands = 0 : i64, tpu.core_type = #tpu.core_type<tc>, window_params = [{transform_indices = @transform_0, window_bounds = array<i64: 5000, 75>}, {pipeline_mode = #tpu.pipeline_mode<synchronous>, transform_indices = @transform_1, window_bounds = array<i64: 75, 16>}, {pipeline_mode = #tpu.pipeline_mode<synchronous>, transform_indices = @transform_2, window_bounds = array<i64: 1, 16>}, {pipeline_mode = #tpu.pipeline_mode<synchronous>, transform_indices = @transform_3, window_bounds = array<i64: 75, 32>}, {pipeline_mode = #tpu.pipeline_mode<synchronous>, transform_indices = @transform_4, window_bounds = array<i64: 1, 32>}, {transform_indices = @transform_5, window_bounds = array<i64: 5000, 16>}, {transform_indices = @transform_6, window_bounds = array<i64: 5000, 32>}]} {
    %get3A = arith.constant 0 : index
    %get3A_0 = arith.constant 0 : index
    %get3A_1 = vector.load %arg1[%get3A, %get3A_0] : memref<5000x75xf32, #tpu.memory_space<vmem>>, vector<5000x75xf32>
    %get3A_2 = arith.constant 0 : index
    %get3A_3 = arith.constant 0 : index
    %get3A_4 = vector.load %arg2[%get3A_2, %get3A_3] : memref<75x16xf32, #tpu.memory_space<vmem>>, vector<75x16xf32>
    %dot_general3A = arith.constant dense<0.000000e+00> : vector<5000x16xf32>
    %dot_general3A_5 = tpu.matmul %get3A_1, %get3A_4, %dot_general3A {dimension_numbers = #tpu.dot_dimension_numbers<[1], [0], [0], [1], [0, 0, 1, 1], [], []>, transpose_lhs_hint = false} : vector<5000x75xf32>, vector<75x16xf32>, vector<5000x16xf32> -> vector<5000x16xf32>
    %get3A_6 = arith.constant 0 : index
    %get3A_7 = arith.constant 0 : index
    %get3A_8 = vector.load %arg3[%get3A_6, %get3A_7] : memref<1x16xf32, #tpu.memory_space<vmem>>, vector<1x16xf32>
    %add3A = vector.broadcast %get3A_8 : vector<1x16xf32> to vector<5000x16xf32>
    %add3A_9 = arith.addf %dot_general3A_5, %add3A : vector<5000x16xf32>
    %tanh3A = math.tanh %add3A_9 : vector<5000x16xf32>
    %swap3A = arith.constant 0 : index
    %swap3A_10 = arith.constant 0 : index
    %swap3A_11 = vector.load %arg6[%swap3A, %swap3A_10] : memref<5000x16xf32, #tpu.memory_space<vmem>>, vector<5000x16xf32>
    tpu.vector_store %arg6[%swap3A, %swap3A_10], %tanh3A {strides = array<i32>} : memref<5000x16xf32, #tpu.memory_space<vmem>>, vector<5000x16xf32>,
    %get3A_12 = arith.constant 0 : index
    %get3A_13 = arith.constant 0 : index
    %get3A_14 = vector.load %arg4[%get3A_12, %get3A_13] : memref<75x32xf32, #tpu.memory_space<vmem>>, vector<75x32xf32>
    %dot_general3A_15 = arith.constant dense<0.000000e+00> : vector<5000x32xf32>
    %dot_general3A_16 = tpu.matmul %get3A_1, %get3A_14, %dot_general3A_15 {dimension_numbers = #tpu.dot_dimension_numbers<[1], [0], [0], [1], [0, 0, 1, 1], [], []>, transpose_lhs_hint = false} : vector<5000x75xf32>, vector<75x32xf32>, vector<5000x32xf32> -> vector<5000x32xf32>
    %get3A_17 = arith.constant 0 : index
    %get3A_18 = arith.constant 0 : index
    %get3A_19 = vector.load %arg5[%get3A_17, %get3A_18] : memref<1x32xf32, #tpu.memory_space<vmem>>, vector<1x32xf32>
    %add3A_20 = vector.broadcast %get3A_19 : vector<1x32xf32> to vector<5000x32xf32>
    %add3A_21 = arith.addf %dot_general3A_16, %add3A_20 : vector<5000x32xf32>
    %swap3A_22 = arith.constant 0 : index
    %swap3A_23 = arith.constant 0 : index
    %swap3A_24 = vector.load %arg7[%swap3A_22, %swap3A_23] : memref<5000x32xf32, #tpu.memory_space<vmem>>, vector<5000x32xf32>
    tpu.vector_store %arg7[%swap3A_22, %swap3A_23], %add3A_21 {strides = array<i32>} : memref<5000x32xf32, #tpu.memory_space<vmem>>, vector<5000x32xf32>,
    return
  }
  func.func @transform_0(%arg0: i32) -> (i32, i32) {
    %c0_i32 = arith.constant 0 : i32
    %c0_i32_0 = arith.constant 0 : i32
    return %arg0, %c0_i32 : i32, i32
  }
  func.func @transform_1(%arg0: i32) -> (i32, i32) {
    %c0_i32 = arith.constant 0 : i32
    %c0_i32_0 = arith.constant 0 : i32
    %c0_i32_1 = arith.constant 0 : i32
    return %c0_i32, %c0_i32_0 : i32, i32
  }
  func.func @transform_2(%arg0: i32) -> (i32, i32) {
    %c0_i32 = arith.constant 0 : i32
    %c0_i32_0 = arith.constant 0 : i32
    %c0_i32_1 = arith.constant 0 : i32
    return %c0_i32, %c0_i32_0 : i32, i32
  }
  func.func @transform_3(%arg0: i32) -> (i32, i32) {
    %c0_i32 = arith.constant 0 : i32
    %c0_i32_0 = arith.constant 0 : i32
    %c0_i32_1 = arith.constant 0 : i32
    return %c0_i32, %c0_i32_0 : i32, i32
  }
  func.func @transform_4(%arg0: i32) -> (i32, i32) {
    %c0_i32 = arith.constant 0 : i32
    %c0_i32_0 = arith.constant 0 : i32
    %c0_i32_1 = arith.constant 0 : i32
    return %c0_i32, %c0_i32_0 : i32, i32
  }
  func.func @transform_5(%arg0: i32) -> (i32, i32) {
    %c0_i32 = arith.constant 0 : i32
    %c0_i32_0 = arith.constant 0 : i32
    return %arg0, %c0_i32 : i32, i32
  }
  func.func @transform_6(%arg0: i32) -> (i32, i32) {
    %c0_i32 = arith.constant 0 : i32
    %c0_i32_0 = arith.constant 0 : i32
    return %arg0, %c0_i32 : i32, i32
  }
}

module attributes {stable_mosaic.version = 14 : i64} {
  func.func @_pair_pre_body(%arg0: i32, %arg1: memref<2000x112xf32, #tpu.memory_space<vmem>>, %arg2: memref<112x128xf32, #tpu.memory_space<vmem>>, %arg3: memref<1x128xf32, #tpu.memory_space<vmem>>, %arg4: memref<112x128xf32, #tpu.memory_space<vmem>>, %arg5: memref<1x128xf32, #tpu.memory_space<vmem>>, %arg6: memref<2000x128xf32, #tpu.memory_space<vmem>>, %arg7: memref<2000x128xf32, #tpu.memory_space<vmem>>) attributes {dimension_semantics = [#tpu.dimension_semantics<arbitrary>], iteration_bounds = array<i64: 50>, scalar_prefetch = 0 : i64, scratch_operands = 0 : i64, tpu.core_type = #tpu.core_type<tc>, window_params = [{transform_indices = @transform_0, window_bounds = array<i64: 2000, 112>}, {pipeline_mode = #tpu.pipeline_mode<synchronous>, transform_indices = @transform_1, window_bounds = array<i64: 112, 128>}, {pipeline_mode = #tpu.pipeline_mode<synchronous>, transform_indices = @transform_2, window_bounds = array<i64: 1, 128>}, {pipeline_mode = #tpu.pipeline_mode<synchronous>, transform_indices = @transform_3, window_bounds = array<i64: 112, 128>}, {pipeline_mode = #tpu.pipeline_mode<synchronous>, transform_indices = @transform_4, window_bounds = array<i64: 1, 128>}, {transform_indices = @transform_5, window_bounds = array<i64: 2000, 128>}, {transform_indices = @transform_6, window_bounds = array<i64: 2000, 128>}]} {
    %get3A = arith.constant 0 : index
    %get3A_0 = arith.constant 0 : index
    %get3A_1 = vector.load %arg1[%get3A, %get3A_0] : memref<2000x112xf32, #tpu.memory_space<vmem>>, vector<2000x112xf32>
    %get3A_2 = arith.constant 0 : index
    %get3A_3 = arith.constant 0 : index
    %get3A_4 = vector.load %arg2[%get3A_2, %get3A_3] : memref<112x128xf32, #tpu.memory_space<vmem>>, vector<112x128xf32>
    %dot_general3A = arith.constant dense<0.000000e+00> : vector<2000x128xf32>
    %dot_general3A_5 = tpu.matmul %get3A_1, %get3A_4, %dot_general3A {dimension_numbers = #tpu.dot_dimension_numbers<[1], [0], [0], [1], [0, 0, 1, 1], [], []>, transpose_lhs_hint = false} : vector<2000x112xf32>, vector<112x128xf32>, vector<2000x128xf32> -> vector<2000x128xf32>
    %get3A_6 = arith.constant 0 : index
    %get3A_7 = arith.constant 0 : index
    %get3A_8 = vector.load %arg3[%get3A_6, %get3A_7] : memref<1x128xf32, #tpu.memory_space<vmem>>, vector<1x128xf32>
    %add3A = vector.broadcast %get3A_8 : vector<1x128xf32> to vector<2000x128xf32>
    %add3A_9 = arith.addf %dot_general3A_5, %add3A : vector<2000x128xf32>
    %tanh3A = math.tanh %add3A_9 : vector<2000x128xf32>
    %swap3A = arith.constant 0 : index
    %swap3A_10 = arith.constant 0 : index
    %swap3A_11 = vector.load %arg6[%swap3A, %swap3A_10] : memref<2000x128xf32, #tpu.memory_space<vmem>>, vector<2000x128xf32>
    tpu.vector_store %arg6[%swap3A, %swap3A_10], %tanh3A {strides = array<i32>} : memref<2000x128xf32, #tpu.memory_space<vmem>>, vector<2000x128xf32>,
    %get3A_12 = arith.constant 0 : index
    %get3A_13 = arith.constant 0 : index
    %get3A_14 = vector.load %arg4[%get3A_12, %get3A_13] : memref<112x128xf32, #tpu.memory_space<vmem>>, vector<112x128xf32>
    %dot_general3A_15 = arith.constant dense<0.000000e+00> : vector<2000x128xf32>
    %dot_general3A_16 = tpu.matmul %get3A_1, %get3A_14, %dot_general3A_15 {dimension_numbers = #tpu.dot_dimension_numbers<[1], [0], [0], [1], [0, 0, 1, 1], [], []>, transpose_lhs_hint = false} : vector<2000x112xf32>, vector<112x128xf32>, vector<2000x128xf32> -> vector<2000x128xf32>
    %get3A_17 = arith.constant 0 : index
    %get3A_18 = arith.constant 0 : index
    %get3A_19 = vector.load %arg5[%get3A_17, %get3A_18] : memref<1x128xf32, #tpu.memory_space<vmem>>, vector<1x128xf32>
    %add3A_20 = vector.broadcast %get3A_19 : vector<1x128xf32> to vector<2000x128xf32>
    %add3A_21 = arith.addf %dot_general3A_16, %add3A_20 : vector<2000x128xf32>
    %tanh3A_22 = math.tanh %add3A_21 : vector<2000x128xf32>
    %swap3A_23 = arith.constant 0 : index
    %swap3A_24 = arith.constant 0 : index
    %swap3A_25 = vector.load %arg7[%swap3A_23, %swap3A_24] : memref<2000x128xf32, #tpu.memory_space<vmem>>, vector<2000x128xf32>
    tpu.vector_store %arg7[%swap3A_23, %swap3A_24], %tanh3A_22 {strides = array<i32>} : memref<2000x128xf32, #tpu.memory_space<vmem>>, vector<2000x128xf32>,
    return
  }
  func.func @transform_0(%arg0: i32) -> (i32, i32) {
    %c0_i32 = arith.constant 0 : i32
    %c0_i32_0 = arith.constant 0 : i32
    return %arg0, %c0_i32 : i32, i32
  }
  func.func @transform_1(%arg0: i32) -> (i32, i32) {
    %c0_i32 = arith.constant 0 : i32
    %c0_i32_0 = arith.constant 0 : i32
    %c0_i32_1 = arith.constant 0 : i32
    return %c0_i32, %c0_i32_0 : i32, i32
  }
  func.func @transform_2(%arg0: i32) -> (i32, i32) {
    %c0_i32 = arith.constant 0 : i32
    %c0_i32_0 = arith.constant 0 : i32
    %c0_i32_1 = arith.constant 0 : i32
    return %c0_i32, %c0_i32_0 : i32, i32
  }
  func.func @transform_3(%arg0: i32) -> (i32, i32) {
    %c0_i32 = arith.constant 0 : i32
    %c0_i32_0 = arith.constant 0 : i32
    %c0_i32_1 = arith.constant 0 : i32
    return %c0_i32, %c0_i32_0 : i32, i32
  }
  func.func @transform_4(%arg0: i32) -> (i32, i32) {
    %c0_i32 = arith.constant 0 : i32
    %c0_i32_0 = arith.constant 0 : i32
    %c0_i32_1 = arith.constant 0 : i32
    return %c0_i32, %c0_i32_0 : i32, i32
  }
  func.func @transform_5(%arg0: i32) -> (i32, i32) {
    %c0_i32 = arith.constant 0 : i32
    %c0_i32_0 = arith.constant 0 : i32
    return %arg0, %c0_i32 : i32, i32
  }
  func.func @transform_6(%arg0: i32) -> (i32, i32) {
    %c0_i32 = arith.constant 0 : i32
    %c0_i32_0 = arith.constant 0 : i32
    return %arg0, %c0_i32 : i32, i32
  }
}

module attributes {stable_mosaic.version = 14 : i64} {
  func.func @_pair_post_body(%arg0: i32, %arg1: memref<2000x128xf32, #tpu.memory_space<vmem>>, %arg2: memref<2000x128xf32, #tpu.memory_space<vmem>>, %arg3: memref<2000x112xf32, #tpu.memory_space<vmem>>, %arg4: memref<128x128xf32, #tpu.memory_space<vmem>>, %arg5: memref<128x128xf32, #tpu.memory_space<vmem>>, %arg6: memref<1x128xf32, #tpu.memory_space<vmem>>, %arg7: memref<112x128xf32, #tpu.memory_space<vmem>>, %arg8: memref<128x128xf32, #tpu.memory_space<vmem>>, %arg9: memref<1x128xf32, #tpu.memory_space<vmem>>, %arg10: memref<2000x128xf32, #tpu.memory_space<vmem>>) attributes {dimension_semantics = [#tpu.dimension_semantics<arbitrary>], iteration_bounds = array<i64: 50>, scalar_prefetch = 0 : i64, scratch_operands = 0 : i64, tpu.core_type = #tpu.core_type<tc>, window_params = [{transform_indices = @transform_0, window_bounds = array<i64: 2000, 128>}, {transform_indices = @transform_1, window_bounds = array<i64: 2000, 128>}, {transform_indices = @transform_2, window_bounds = array<i64: 2000, 112>}, {pipeline_mode = #tpu.pipeline_mode<synchronous>, transform_indices = @transform_3, window_bounds = array<i64: 128, 128>}, {pipeline_mode = #tpu.pipeline_mode<synchronous>, transform_indices = @transform_4, window_bounds = array<i64: 128, 128>}, {pipeline_mode = #tpu.pipeline_mode<synchronous>, transform_indices = @transform_5, window_bounds = array<i64: 1, 128>}, {pipeline_mode = #tpu.pipeline_mode<synchronous>, transform_indices = @transform_6, window_bounds = array<i64: 112, 128>}, {pipeline_mode = #tpu.pipeline_mode<synchronous>, transform_indices = @transform_7, window_bounds = array<i64: 128, 128>}, {pipeline_mode = #tpu.pipeline_mode<synchronous>, transform_indices = @transform_8, window_bounds = array<i64: 1, 128>}, {transform_indices = @transform_9, window_bounds = array<i64: 2000, 128>}]} {
    %get3A = arith.constant 0 : index
    %get3A_0 = arith.constant 0 : index
    %get3A_1 = vector.load %arg1[%get3A, %get3A_0] : memref<2000x128xf32, #tpu.memory_space<vmem>>, vector<2000x128xf32>
    %get3A_2 = arith.constant 0 : index
    %get3A_3 = arith.constant 0 : index
    %get3A_4 = vector.load %arg4[%get3A_2, %get3A_3] : memref<128x128xf32, #tpu.memory_space<vmem>>, vector<128x128xf32>
    %dot_general3A = arith.constant dense<0.000000e+00> : vector<2000x128xf32>
    %dot_general3A_5 = tpu.matmul %get3A_1, %get3A_4, %dot_general3A {dimension_numbers = #tpu.dot_dimension_numbers<[1], [0], [0], [1], [0, 0, 1, 1], [], []>, transpose_lhs_hint = false} : vector<2000x128xf32>, vector<128x128xf32>, vector<2000x128xf32> -> vector<2000x128xf32>
    %get3A_6 = arith.constant 0 : index
    %get3A_7 = arith.constant 0 : index
    %get3A_8 = vector.load %arg2[%get3A_6, %get3A_7] : memref<2000x128xf32, #tpu.memory_space<vmem>>, vector<2000x128xf32>
    %get3A_9 = arith.constant 0 : index
    %get3A_10 = arith.constant 0 : index
    %get3A_11 = vector.load %arg5[%get3A_9, %get3A_10] : memref<128x128xf32, #tpu.memory_space<vmem>>, vector<128x128xf32>
    %dot_general3A_12 = arith.constant dense<0.000000e+00> : vector<2000x128xf32>
    %dot_general3A_13 = tpu.matmul %get3A_8, %get3A_11, %dot_general3A_12 {dimension_numbers = #tpu.dot_dimension_numbers<[1], [0], [0], [1], [0, 0, 1, 1], [], []>, transpose_lhs_hint = false} : vector<2000x128xf32>, vector<128x128xf32>, vector<2000x128xf32> -> vector<2000x128xf32>
    %add3A = arith.addf %dot_general3A_5, %dot_general3A_13 : vector<2000x128xf32>
    %get3A_14 = arith.constant 0 : index
    %get3A_15 = arith.constant 0 : index
    %get3A_16 = vector.load %arg6[%get3A_14, %get3A_15] : memref<1x128xf32, #tpu.memory_space<vmem>>, vector<1x128xf32>
    %add3A_17 = vector.broadcast %get3A_16 : vector<1x128xf32> to vector<2000x128xf32>
    %add3A_18 = arith.addf %add3A, %add3A_17 : vector<2000x128xf32>
    %tanh3A = math.tanh %add3A_18 : vector<2000x128xf32>
    %get3A_19 = arith.constant 0 : index
    %get3A_20 = arith.constant 0 : index
    %get3A_21 = vector.load %arg3[%get3A_19, %get3A_20] : memref<2000x112xf32, #tpu.memory_space<vmem>>, vector<2000x112xf32>
    %get3A_22 = arith.constant 0 : index
    %get3A_23 = arith.constant 0 : index
    %get3A_24 = vector.load %arg7[%get3A_22, %get3A_23] : memref<112x128xf32, #tpu.memory_space<vmem>>, vector<112x128xf32>
    %dot_general3A_25 = arith.constant dense<0.000000e+00> : vector<2000x128xf32>
    %dot_general3A_26 = tpu.matmul %get3A_21, %get3A_24, %dot_general3A_25 {dimension_numbers = #tpu.dot_dimension_numbers<[1], [0], [0], [1], [0, 0, 1, 1], [], []>, transpose_lhs_hint = false} : vector<2000x112xf32>, vector<112x128xf32>, vector<2000x128xf32> -> vector<2000x128xf32>
    %get3A_27 = arith.constant 0 : index
    %get3A_28 = arith.constant 0 : index
    %get3A_29 = vector.load %arg8[%get3A_27, %get3A_28] : memref<128x128xf32, #tpu.memory_space<vmem>>, vector<128x128xf32>
    %dot_general3A_30 = arith.constant dense<0.000000e+00> : vector<2000x128xf32>
    %dot_general3A_31 = tpu.matmul %tanh3A, %get3A_29, %dot_general3A_30 {dimension_numbers = #tpu.dot_dimension_numbers<[1], [0], [0], [1], [0, 0, 1, 1], [], []>, transpose_lhs_hint = false} : vector<2000x128xf32>, vector<128x128xf32>, vector<2000x128xf32> -> vector<2000x128xf32>
    %add3A_32 = arith.addf %dot_general3A_26, %dot_general3A_31 : vector<2000x128xf32>
    %get3A_33 = arith.constant 0 : index
    %get3A_34 = arith.constant 0 : index
    %get3A_35 = vector.load %arg9[%get3A_33, %get3A_34] : memref<1x128xf32, #tpu.memory_space<vmem>>, vector<1x128xf32>
    %add3A_36 = vector.broadcast %get3A_35 : vector<1x128xf32> to vector<2000x128xf32>
    %add3A_37 = arith.addf %add3A_32, %add3A_36 : vector<2000x128xf32>
    %tanh3A_38 = math.tanh %add3A_37 : vector<2000x128xf32>
    %swap3A = arith.constant 0 : index
    %swap3A_39 = arith.constant 0 : index
    %swap3A_40 = vector.load %arg10[%swap3A, %swap3A_39] : memref<2000x128xf32, #tpu.memory_space<vmem>>, vector<2000x128xf32>
    tpu.vector_store %arg10[%swap3A, %swap3A_39], %tanh3A_38 {strides = array<i32>} : memref<2000x128xf32, #tpu.memory_space<vmem>>, vector<2000x128xf32>,
    return
  }
  func.func @transform_0(%arg0: i32) -> (i32, i32) {
    %c0_i32 = arith.constant 0 : i32
    %c0_i32_0 = arith.constant 0 : i32
    return %arg0, %c0_i32 : i32, i32
  }
  func.func @transform_1(%arg0: i32) -> (i32, i32) {
    %c0_i32 = arith.constant 0 : i32
    %c0_i32_0 = arith.constant 0 : i32
    return %arg0, %c0_i32 : i32, i32
  }
  func.func @transform_2(%arg0: i32) -> (i32, i32) {
    %c0_i32 = arith.constant 0 : i32
    %c0_i32_0 = arith.constant 0 : i32
    return %arg0, %c0_i32 : i32, i32
  }
  func.func @transform_3(%arg0: i32) -> (i32, i32) {
    %c0_i32 = arith.constant 0 : i32
    %c0_i32_0 = arith.constant 0 : i32
    %c0_i32_1 = arith.constant 0 : i32
    return %c0_i32, %c0_i32_0 : i32, i32
  }
  func.func @transform_4(%arg0: i32) -> (i32, i32) {
    %c0_i32 = arith.constant 0 : i32
    %c0_i32_0 = arith.constant 0 : i32
    %c0_i32_1 = arith.constant 0 : i32
    return %c0_i32, %c0_i32_0 : i32, i32
  }
  func.func @transform_5(%arg0: i32) -> (i32, i32) {
    %c0_i32 = arith.constant 0 : i32
    %c0_i32_0 = arith.constant 0 : i32
    %c0_i32_1 = arith.constant 0 : i32
    return %c0_i32, %c0_i32_0 : i32, i32
  }
  func.func @transform_6(%arg0: i32) -> (i32, i32) {
    %c0_i32 = arith.constant 0 : i32
    %c0_i32_0 = arith.constant 0 : i32
    %c0_i32_1 = arith.constant 0 : i32
    return %c0_i32, %c0_i32_0 : i32, i32
  }
  func.func @transform_7(%arg0: i32) -> (i32, i32) {
    %c0_i32 = arith.constant 0 : i32
    %c0_i32_0 = arith.constant 0 : i32
    %c0_i32_1 = arith.constant 0 : i32
    return %c0_i32, %c0_i32_0 : i32, i32
  }
  func.func @transform_8(%arg0: i32) -> (i32, i32) {
    %c0_i32 = arith.constant 0 : i32
    %c0_i32_0 = arith.constant 0 : i32
    %c0_i32_1 = arith.constant 0 : i32
    return %c0_i32, %c0_i32_0 : i32, i32
  }
  func.func @transform_9(%arg0: i32) -> (i32, i32) {
    %c0_i32 = arith.constant 0 : i32
    %c0_i32_0 = arith.constant 0 : i32
    return %arg0, %c0_i32 : i32, i32
  }
}

module attributes {stable_mosaic.version = 14 : i64} {
  func.func @_mix_body(%arg0: i32, %arg1: memref<5000x16xf32, #tpu.memory_space<vmem>>, %arg2: memref<5000x16xf32, #tpu.memory_space<vmem>>, %arg3: memref<5000x16xf32, #tpu.memory_space<vmem>>, %arg4: memref<16x16xf32, #tpu.memory_space<vmem>>, %arg5: memref<16x16xf32, #tpu.memory_space<vmem>>, %arg6: memref<1x16xf32, #tpu.memory_space<vmem>>, %arg7: memref<5000x16xf32, #tpu.memory_space<vmem>>) attributes {dimension_semantics = [#tpu.dimension_semantics<arbitrary>], iteration_bounds = array<i64: 10>, scalar_prefetch = 0 : i64, scratch_operands = 0 : i64, tpu.core_type = #tpu.core_type<tc>, window_params = [{transform_indices = @transform_0, window_bounds = array<i64: 5000, 16>}, {transform_indices = @transform_1, window_bounds = array<i64: 5000, 16>}, {transform_indices = @transform_2, window_bounds = array<i64: 5000, 16>}, {pipeline_mode = #tpu.pipeline_mode<synchronous>, transform_indices = @transform_3, window_bounds = array<i64: 16, 16>}, {pipeline_mode = #tpu.pipeline_mode<synchronous>, transform_indices = @transform_4, window_bounds = array<i64: 16, 16>}, {pipeline_mode = #tpu.pipeline_mode<synchronous>, transform_indices = @transform_5, window_bounds = array<i64: 1, 16>}, {transform_indices = @transform_6, window_bounds = array<i64: 5000, 16>}]} {
    %get3A = arith.constant 0 : index
    %get3A_0 = arith.constant 0 : index
    %get3A_1 = vector.load %arg2[%get3A, %get3A_0] : memref<5000x16xf32, #tpu.memory_space<vmem>>, vector<5000x16xf32>
    %get3A_2 = arith.constant 0 : index
    %get3A_3 = arith.constant 0 : index
    %get3A_4 = vector.load %arg3[%get3A_2, %get3A_3] : memref<5000x16xf32, #tpu.memory_space<vmem>>, vector<5000x16xf32>
    %add3A = arith.addf %get3A_1, %get3A_4 : vector<5000x16xf32>
    %get3A_5 = arith.constant 0 : index
    %get3A_6 = arith.constant 0 : index
    %get3A_7 = vector.load %arg1[%get3A_5, %get3A_6] : memref<5000x16xf32, #tpu.memory_space<vmem>>, vector<5000x16xf32>
    %get3A_8 = arith.constant 0 : index
    %get3A_9 = arith.constant 0 : index
    %get3A_10 = vector.load %arg4[%get3A_8, %get3A_9] : memref<16x16xf32, #tpu.memory_space<vmem>>, vector<16x16xf32>
    %dot_general3A = arith.constant dense<0.000000e+00> : vector<5000x16xf32>
    %dot_general3A_11 = tpu.matmul %get3A_7, %get3A_10, %dot_general3A {dimension_numbers = #tpu.dot_dimension_numbers<[1], [0], [0], [1], [0, 0, 1, 1], [], []>, transpose_lhs_hint = false} : vector<5000x16xf32>, vector<16x16xf32>, vector<5000x16xf32> -> vector<5000x16xf32>
    %get3A_12 = arith.constant 0 : index
    %get3A_13 = arith.constant 0 : index
    %get3A_14 = vector.load %arg5[%get3A_12, %get3A_13] : memref<16x16xf32, #tpu.memory_space<vmem>>, vector<16x16xf32>
    %dot_general3A_15 = arith.constant dense<0.000000e+00> : vector<5000x16xf32>
    %dot_general3A_16 = tpu.matmul %add3A, %get3A_14, %dot_general3A_15 {dimension_numbers = #tpu.dot_dimension_numbers<[1], [0], [0], [1], [0, 0, 1, 1], [], []>, transpose_lhs_hint = false} : vector<5000x16xf32>, vector<16x16xf32>, vector<5000x16xf32> -> vector<5000x16xf32>
    %add3A_17 = arith.addf %dot_general3A_11, %dot_general3A_16 : vector<5000x16xf32>
    %get3A_18 = arith.constant 0 : index
    %get3A_19 = arith.constant 0 : index
    %get3A_20 = vector.load %arg6[%get3A_18, %get3A_19] : memref<1x16xf32, #tpu.memory_space<vmem>>, vector<1x16xf32>
    %add3A_21 = vector.broadcast %get3A_20 : vector<1x16xf32> to vector<5000x16xf32>
    %add3A_22 = arith.addf %add3A_17, %add3A_21 : vector<5000x16xf32>
    %tanh3A = math.tanh %add3A_22 : vector<5000x16xf32>
    %swap3A = arith.constant 0 : index
    %swap3A_23 = arith.constant 0 : index
    %swap3A_24 = vector.load %arg7[%swap3A, %swap3A_23] : memref<5000x16xf32, #tpu.memory_space<vmem>>, vector<5000x16xf32>
    tpu.vector_store %arg7[%swap3A, %swap3A_23], %tanh3A {strides = array<i32>} : memref<5000x16xf32, #tpu.memory_space<vmem>>, vector<5000x16xf32>,
    return
  }
  func.func @transform_0(%arg0: i32) -> (i32, i32) {
    %c0_i32 = arith.constant 0 : i32
    %c0_i32_0 = arith.constant 0 : i32
    return %arg0, %c0_i32 : i32, i32
  }
  func.func @transform_1(%arg0: i32) -> (i32, i32) {
    %c0_i32 = arith.constant 0 : i32
    %c0_i32_0 = arith.constant 0 : i32
    return %arg0, %c0_i32 : i32, i32
  }
  func.func @transform_2(%arg0: i32) -> (i32, i32) {
    %c0_i32 = arith.constant 0 : i32
    %c0_i32_0 = arith.constant 0 : i32
    return %arg0, %c0_i32 : i32, i32
  }
  func.func @transform_3(%arg0: i32) -> (i32, i32) {
    %c0_i32 = arith.constant 0 : i32
    %c0_i32_0 = arith.constant 0 : i32
    %c0_i32_1 = arith.constant 0 : i32
    return %c0_i32, %c0_i32_0 : i32, i32
  }
  func.func @transform_4(%arg0: i32) -> (i32, i32) {
    %c0_i32 = arith.constant 0 : i32
    %c0_i32_0 = arith.constant 0 : i32
    %c0_i32_1 = arith.constant 0 : i32
    return %c0_i32, %c0_i32_0 : i32, i32
  }
  func.func @transform_5(%arg0: i32) -> (i32, i32) {
    %c0_i32 = arith.constant 0 : i32
    %c0_i32_0 = arith.constant 0 : i32
    %c0_i32_1 = arith.constant 0 : i32
    return %c0_i32, %c0_i32_0 : i32, i32
  }
  func.func @transform_6(%arg0: i32) -> (i32, i32) {
    %c0_i32 = arith.constant 0 : i32
    %c0_i32_0 = arith.constant 0 : i32
    return %arg0, %c0_i32 : i32, i32
  }
}

module attributes {stable_mosaic.version = 14 : i64} {
  func.func @_atom_final_body(%arg0: i32, %arg1: memref<5000x75xf32, #tpu.memory_space<vmem>>, %arg2: memref<5000x16xf32, #tpu.memory_space<vmem>>, %arg3: memref<5000x16xf32, #tpu.memory_space<vmem>>, %arg4: memref<5000x16xf32, #tpu.memory_space<vmem>>, %arg5: memref<75x16xf32, #tpu.memory_space<vmem>>, %arg6: memref<16x16xf32, #tpu.memory_space<vmem>>, %arg7: memref<1x16xf32, #tpu.memory_space<vmem>>, %arg8: memref<16x16xf32, #tpu.memory_space<vmem>>, %arg9: memref<16x16xf32, #tpu.memory_space<vmem>>, %arg10: memref<1x16xf32, #tpu.memory_space<vmem>>, %arg11: memref<75x128xf32, #tpu.memory_space<vmem>>, %arg12: memref<16x128xf32, #tpu.memory_space<vmem>>, %arg13: memref<16x128xf32, #tpu.memory_space<vmem>>, %arg14: memref<1x128xf32, #tpu.memory_space<vmem>>, %arg15: memref<1x128xf32, #tpu.memory_space<vmem>>, %arg16: memref<1x128xf32, #tpu.memory_space<vmem>>, %arg17: memref<5000x128xf32, #tpu.memory_space<vmem>>) attributes {dimension_semantics = [#tpu.dimension_semantics<arbitrary>], iteration_bounds = array<i64: 10>, scalar_prefetch = 0 : i64, scratch_operands = 0 : i64, tpu.core_type = #tpu.core_type<tc>, window_params = [{transform_indices = @transform_0, window_bounds = array<i64: 5000, 75>}, {transform_indices = @transform_1, window_bounds = array<i64: 5000, 16>}, {transform_indices = @transform_2, window_bounds = array<i64: 5000, 16>}, {transform_indices = @transform_3, window_bounds = array<i64: 5000, 16>}, {pipeline_mode = #tpu.pipeline_mode<synchronous>, transform_indices = @transform_4, window_bounds = array<i64: 75, 16>}, {pipeline_mode = #tpu.pipeline_mode<synchronous>, transform_indices = @transform_5, window_bounds = array<i64: 16, 16>}, {pipeline_mode = #tpu.pipeline_mode<synchronous>, transform_indices = @transform_6, window_bounds = array<i64: 1, 16>}, {pipeline_mode = #tpu.pipeline_mode<synchronous>, transform_indices = @transform_7, window_bounds = array<i64: 16, 16>}, {pipeline_mode = #tpu.pipeline_mode<synchronous>, transform_indices = @transform_8, window_bounds = array<i64: 16, 16>}, {pipeline_mode = #tpu.pipeline_mode<synchronous>, transform_indices = @transform_9, window_bounds = array<i64: 1, 16>}, {pipeline_mode = #tpu.pipeline_mode<synchronous>, transform_indices = @transform_10, window_bounds = array<i64: 75, 128>}, {pipeline_mode = #tpu.pipeline_mode<synchronous>, transform_indices = @transform_11, window_bounds = array<i64: 16, 128>}, {pipeline_mode = #tpu.pipeline_mode<synchronous>, transform_indices = @transform_12, window_bounds = array<i64: 16, 128>}, {pipeline_mode = #tpu.pipeline_mode<synchronous>, transform_indices = @transform_13, window_bounds = array<i64: 1, 128>}, {pipeline_mode = #tpu.pipeline_mode<synchronous>, transform_indices = @transform_14, window_bounds = array<i64: 1, 128>}, {pipeline_mode = #tpu.pipeline_mode<synchronous>, transform_indices = @transform_15, window_bounds = array<i64: 1, 128>}, {transform_indices = @transform_16, window_bounds = array<i64: 5000, 128>}]} {
    %get3A = arith.constant 0 : index
    %get3A_0 = arith.constant 0 : index
    %get3A_1 = vector.load %arg1[%get3A, %get3A_0] : memref<5000x75xf32, #tpu.memory_space<vmem>>, vector<5000x75xf32>
    %get3A_2 = arith.constant 0 : index
    %get3A_3 = arith.constant 0 : index
    %get3A_4 = vector.load %arg2[%get3A_2, %get3A_3] : memref<5000x16xf32, #tpu.memory_space<vmem>>, vector<5000x16xf32>
    %get3A_5 = arith.constant 0 : index
    %get3A_6 = arith.constant 0 : index
    %get3A_7 = vector.load %arg5[%get3A_5, %get3A_6] : memref<75x16xf32, #tpu.memory_space<vmem>>, vector<75x16xf32>
    %dot_general3A = arith.constant dense<0.000000e+00> : vector<5000x16xf32>
    %dot_general3A_8 = tpu.matmul %get3A_1, %get3A_7, %dot_general3A {dimension_numbers = #tpu.dot_dimension_numbers<[1], [0], [0], [1], [0, 0, 1, 1], [], []>, transpose_lhs_hint = false} : vector<5000x75xf32>, vector<75x16xf32>, vector<5000x16xf32> -> vector<5000x16xf32>
    %get3A_9 = arith.constant 0 : index
    %get3A_10 = arith.constant 0 : index
    %get3A_11 = vector.load %arg6[%get3A_9, %get3A_10] : memref<16x16xf32, #tpu.memory_space<vmem>>, vector<16x16xf32>
    %dot_general3A_12 = arith.constant dense<0.000000e+00> : vector<5000x16xf32>
    %dot_general3A_13 = tpu.matmul %get3A_4, %get3A_11, %dot_general3A_12 {dimension_numbers = #tpu.dot_dimension_numbers<[1], [0], [0], [1], [0, 0, 1, 1], [], []>, transpose_lhs_hint = false} : vector<5000x16xf32>, vector<16x16xf32>, vector<5000x16xf32> -> vector<5000x16xf32>
    %add3A = arith.addf %dot_general3A_8, %dot_general3A_13 : vector<5000x16xf32>
    %get3A_14 = arith.constant 0 : index
    %get3A_15 = arith.constant 0 : index
    %get3A_16 = vector.load %arg7[%get3A_14, %get3A_15] : memref<1x16xf32, #tpu.memory_space<vmem>>, vector<1x16xf32>
    %add3A_17 = vector.broadcast %get3A_16 : vector<1x16xf32> to vector<5000x16xf32>
    %add3A_18 = arith.addf %add3A, %add3A_17 : vector<5000x16xf32>
    %tanh3A = math.tanh %add3A_18 : vector<5000x16xf32>
    %get3A_19 = arith.constant 0 : index
    %get3A_20 = arith.constant 0 : index
    %get3A_21 = vector.load %arg3[%get3A_19, %get3A_20] : memref<5000x16xf32, #tpu.memory_space<vmem>>, vector<5000x16xf32>
    %get3A_22 = arith.constant 0 : index
    %get3A_23 = arith.constant 0 : index
    %get3A_24 = vector.load %arg4[%get3A_22, %get3A_23] : memref<5000x16xf32, #tpu.memory_space<vmem>>, vector<5000x16xf32>
    %add3A_25 = arith.addf %get3A_21, %get3A_24 : vector<5000x16xf32>
    %get3A_26 = arith.constant 0 : index
    %get3A_27 = arith.constant 0 : index
    %get3A_28 = vector.load %arg8[%get3A_26, %get3A_27] : memref<16x16xf32, #tpu.memory_space<vmem>>, vector<16x16xf32>
    %dot_general3A_29 = arith.constant dense<0.000000e+00> : vector<5000x16xf32>
    %dot_general3A_30 = tpu.matmul %tanh3A, %get3A_28, %dot_general3A_29 {dimension_numbers = #tpu.dot_dimension_numbers<[1], [0], [0], [1], [0, 0, 1, 1], [], []>, transpose_lhs_hint = false} : vector<5000x16xf32>, vector<16x16xf32>, vector<5000x16xf32> -> vector<5000x16xf32>
    %get3A_31 = arith.constant 0 : index
    %get3A_32 = arith.constant 0 : index
    %get3A_33 = vector.load %arg9[%get3A_31, %get3A_32] : memref<16x16xf32, #tpu.memory_space<vmem>>, vector<16x16xf32>
    %dot_general3A_34 = arith.constant dense<0.000000e+00> : vector<5000x16xf32>
    %dot_general3A_35 = tpu.matmul %add3A_25, %get3A_33, %dot_general3A_34 {dimension_numbers = #tpu.dot_dimension_numbers<[1], [0], [0], [1], [0, 0, 1, 1], [], []>, transpose_lhs_hint = false} : vector<5000x16xf32>, vector<16x16xf32>, vector<5000x16xf32> -> vector<5000x16xf32>
    %add3A_36 = arith.addf %dot_general3A_30, %dot_general3A_35 : vector<5000x16xf32>
    %get3A_37 = arith.constant 0 : index
    %get3A_38 = arith.constant 0 : index
    %get3A_39 = vector.load %arg10[%get3A_37, %get3A_38] : memref<1x16xf32, #tpu.memory_space<vmem>>, vector<1x16xf32>
    %add3A_40 = vector.broadcast %get3A_39 : vector<1x16xf32> to vector<5000x16xf32>
    %add3A_41 = arith.addf %add3A_36, %add3A_40 : vector<5000x16xf32>
    %tanh3A_42 = math.tanh %add3A_41 : vector<5000x16xf32>
    %get3A_43 = arith.constant 0 : index
    %get3A_44 = arith.constant 0 : index
    %get3A_45 = vector.load %arg11[%get3A_43, %get3A_44] : memref<75x128xf32, #tpu.memory_space<vmem>>, vector<75x128xf32>
    %dot_general3A_46 = arith.constant dense<0.000000e+00> : vector<5000x128xf32>
    %dot_general3A_47 = tpu.matmul %get3A_1, %get3A_45, %dot_general3A_46 {dimension_numbers = #tpu.dot_dimension_numbers<[1], [0], [0], [1], [0, 0, 1, 1], [], []>, transpose_lhs_hint = false} : vector<5000x75xf32>, vector<75x128xf32>, vector<5000x128xf32> -> vector<5000x128xf32>
    %get3A_48 = arith.constant 0 : index
    %get3A_49 = arith.constant 0 : index
    %get3A_50 = vector.load %arg12[%get3A_48, %get3A_49] : memref<16x128xf32, #tpu.memory_space<vmem>>, vector<16x128xf32>
    %dot_general3A_51 = arith.constant dense<0.000000e+00> : vector<5000x128xf32>
    %dot_general3A_52 = tpu.matmul %get3A_4, %get3A_50, %dot_general3A_51 {dimension_numbers = #tpu.dot_dimension_numbers<[1], [0], [0], [1], [0, 0, 1, 1], [], []>, transpose_lhs_hint = false} : vector<5000x16xf32>, vector<16x128xf32>, vector<5000x128xf32> -> vector<5000x128xf32>
    %add3A_53 = arith.addf %dot_general3A_47, %dot_general3A_52 : vector<5000x128xf32>
    %get3A_54 = arith.constant 0 : index
    %get3A_55 = arith.constant 0 : index
    %get3A_56 = vector.load %arg13[%get3A_54, %get3A_55] : memref<16x128xf32, #tpu.memory_space<vmem>>, vector<16x128xf32>
    %dot_general3A_57 = arith.constant dense<0.000000e+00> : vector<5000x128xf32>
    %dot_general3A_58 = tpu.matmul %tanh3A_42, %get3A_56, %dot_general3A_57 {dimension_numbers = #tpu.dot_dimension_numbers<[1], [0], [0], [1], [0, 0, 1, 1], [], []>, transpose_lhs_hint = false} : vector<5000x16xf32>, vector<16x128xf32>, vector<5000x128xf32> -> vector<5000x128xf32>
    %add3A_59 = arith.addf %add3A_53, %dot_general3A_58 : vector<5000x128xf32>
    %get3A_60 = arith.constant 0 : index
    %get3A_61 = arith.constant 0 : index
    %get3A_62 = vector.load %arg14[%get3A_60, %get3A_61] : memref<1x128xf32, #tpu.memory_space<vmem>>, vector<1x128xf32>
    %add3A_63 = vector.broadcast %get3A_62 : vector<1x128xf32> to vector<5000x128xf32>
    %add3A_64 = arith.addf %add3A_59, %add3A_63 : vector<5000x128xf32>
    %tanh3A_65 = math.tanh %add3A_64 : vector<5000x128xf32>
    %get3A_66 = arith.constant 0 : index
    %get3A_67 = arith.constant 0 : index
    %get3A_68 = vector.load %arg15[%get3A_66, %get3A_67] : memref<1x128xf32, #tpu.memory_space<vmem>>, vector<1x128xf32>
    %mul3A = vector.broadcast %get3A_68 : vector<1x128xf32> to vector<5000x128xf32>
    %mul3A_69 = arith.mulf %tanh3A_65, %mul3A : vector<5000x128xf32>
    %get3A_70 = arith.constant 0 : index
    %get3A_71 = arith.constant 0 : index
    %get3A_72 = vector.load %arg16[%get3A_70, %get3A_71] : memref<1x128xf32, #tpu.memory_space<vmem>>, vector<1x128xf32>
    %add3A_73 = vector.broadcast %get3A_72 : vector<1x128xf32> to vector<5000x128xf32>
    %add3A_74 = arith.addf %mul3A_69, %add3A_73 : vector<5000x128xf32>
    %swap3A = arith.constant 0 : index
    %swap3A_75 = arith.constant 0 : index
    %swap3A_76 = vector.load %arg17[%swap3A, %swap3A_75] : memref<5000x128xf32, #tpu.memory_space<vmem>>, vector<5000x128xf32>
    tpu.vector_store %arg17[%swap3A, %swap3A_75], %add3A_74 {strides = array<i32>} : memref<5000x128xf32, #tpu.memory_space<vmem>>, vector<5000x128xf32>,
    return
  }
  func.func @transform_0(%arg0: i32) -> (i32, i32) {
    %c0_i32 = arith.constant 0 : i32
    %c0_i32_0 = arith.constant 0 : i32
    return %arg0, %c0_i32 : i32, i32
  }
  func.func @transform_1(%arg0: i32) -> (i32, i32) {
    %c0_i32 = arith.constant 0 : i32
    %c0_i32_0 = arith.constant 0 : i32
    return %arg0, %c0_i32 : i32, i32
  }
  func.func @transform_2(%arg0: i32) -> (i32, i32) {
    %c0_i32 = arith.constant 0 : i32
    %c0_i32_0 = arith.constant 0 : i32
    return %arg0, %c0_i32 : i32, i32
  }
  func.func @transform_3(%arg0: i32) -> (i32, i32) {
    %c0_i32 = arith.constant 0 : i32
    %c0_i32_0 = arith.constant 0 : i32
    return %arg0, %c0_i32 : i32, i32
  }
  func.func @transform_4(%arg0: i32) -> (i32, i32) {
    %c0_i32 = arith.constant 0 : i32
    %c0_i32_0 = arith.constant 0 : i32
    %c0_i32_1 = arith.constant 0 : i32
    return %c0_i32, %c0_i32_0 : i32, i32
  }
  func.func @transform_5(%arg0: i32) -> (i32, i32) {
    %c0_i32 = arith.constant 0 : i32
    %c0_i32_0 = arith.constant 0 : i32
    %c0_i32_1 = arith.constant 0 : i32
    return %c0_i32, %c0_i32_0 : i32, i32
  }
  func.func @transform_6(%arg0: i32) -> (i32, i32) {
    %c0_i32 = arith.constant 0 : i32
    %c0_i32_0 = arith.constant 0 : i32
    %c0_i32_1 = arith.constant 0 : i32
    return %c0_i32, %c0_i32_0 : i32, i32
  }
  func.func @transform_7(%arg0: i32) -> (i32, i32) {
    %c0_i32 = arith.constant 0 : i32
    %c0_i32_0 = arith.constant 0 : i32
    %c0_i32_1 = arith.constant 0 : i32
    return %c0_i32, %c0_i32_0 : i32, i32
  }
  func.func @transform_8(%arg0: i32) -> (i32, i32) {
    %c0_i32 = arith.constant 0 : i32
    %c0_i32_0 = arith.constant 0 : i32
    %c0_i32_1 = arith.constant 0 : i32
    return %c0_i32, %c0_i32_0 : i32, i32
  }
  func.func @transform_9(%arg0: i32) -> (i32, i32) {
    %c0_i32 = arith.constant 0 : i32
    %c0_i32_0 = arith.constant 0 : i32
    %c0_i32_1 = arith.constant 0 : i32
    return %c0_i32, %c0_i32_0 : i32, i32
  }
  func.func @transform_10(%arg0: i32) -> (i32, i32) {
    %c0_i32 = arith.constant 0 : i32
    %c0_i32_0 = arith.constant 0 : i32
    %c0_i32_1 = arith.constant 0 : i32
    return %c0_i32, %c0_i32_0 : i32, i32
  }
  func.func @transform_11(%arg0: i32) -> (i32, i32) {
    %c0_i32 = arith.constant 0 : i32
    %c0_i32_0 = arith.constant 0 : i32
    %c0_i32_1 = arith.constant 0 : i32
    return %c0_i32, %c0_i32_0 : i32, i32
  }
  func.func @transform_12(%arg0: i32) -> (i32, i32) {
    %c0_i32 = arith.constant 0 : i32
    %c0_i32_0 = arith.constant 0 : i32
    %c0_i32_1 = arith.constant 0 : i32
    return %c0_i32, %c0_i32_0 : i32, i32
  }
  func.func @transform_13(%arg0: i32) -> (i32, i32) {
    %c0_i32 = arith.constant 0 : i32
    %c0_i32_0 = arith.constant 0 : i32
    %c0_i32_1 = arith.constant 0 : i32
    return %c0_i32, %c0_i32_0 : i32, i32
  }
  func.func @transform_14(%arg0: i32) -> (i32, i32) {
    %c0_i32 = arith.constant 0 : i32
    %c0_i32_0 = arith.constant 0 : i32
    %c0_i32_1 = arith.constant 0 : i32
    return %c0_i32, %c0_i32_0 : i32, i32
  }
  func.func @transform_15(%arg0: i32) -> (i32, i32) {
    %c0_i32 = arith.constant 0 : i32
    %c0_i32_0 = arith.constant 0 : i32
    %c0_i32_1 = arith.constant 0 : i32
    return %c0_i32, %c0_i32_0 : i32, i32
  }
  func.func @transform_16(%arg0: i32) -> (i32, i32) {
    %c0_i32 = arith.constant 0 : i32
    %c0_i32_0 = arith.constant 0 : i32
    return %arg0, %c0_i32 : i32, i32
  }
}

</mosaic_0001>

<sc_bundles>
// kernel: kernel.10.cloned.1.call-start
scs
__scs_entry_jumppad:
0x0: {  	(pc) =	sbr.rel $0x88, $3  }
0x1: {  	(tag) =	ssettag $0x0;
	lr =	simm.s32 $0x1  }
0x2: {  	[smem:$0x3F85] =	sst lr;
	_ =	strace $0xD0000000  }
0x3: {  	_ = 	snop  }
0x4: {  	_ = 	snop  }
0x5: {  	_ = 	snop  }
0x6: {  	_ = 	snop  }
0x7: {  	_ = 	snop  }
__scs_overlays_trampoline_lowered:
0x8: {  	[smem:$0x3F94] =	sst s0  }
0x9: {  	[smem:$0x3F95] =	sst s1  }
0xa: {  	[smem:$0x3F96] =	sst s2  }
0xb: {  	[smem:$0x3F97] =	sst s3  }
0xc: {  	[smem:$0x3F98] =	sst s4  }
0xd: {  	[smem:$0x3F99] =	sst s5  }
0xe: {  	[smem:$0x3F9A] =	sst s6  }
0xf: {  	[smem:$0x3F9B] =	sst s7  }
0x10: {  	[smem:$0x3F9C] =	sst s8  }
0x11: {  	[smem:$0x3F9D] =	sst s9;
	s0 =	simm.s32 @!p0 $0x0  }
0x12: {  	s1 =	sld [smem:$0x3F83];
	s0 =	simm.s32 @p0 $0x1  }
0x13: {  	[smem:$0x3F9E] =	sst s0;
	s0 =	simm.s32 @!p1 $0x0  }
0x14: {  	s2 =	sld [smem:$0x3F82];
	s0 =	simm.s32 @p1 $0x1  }
0x15: {  	[smem:$0x3F9F] =	sst s0;
	s0 =	simm.s32 @!p2 $0x0  }
0x16: {  	s3 =	sld [smem:$0x3FDB];
	s0 =	simm.s32 @p2 $0x1  }
0x17: {  	s4 =	simm.s32 $0x1BF5;
	[smem:$0x3FA1] =	sst s0  }
0x18: {  	s0 =	sld [smem:$0x3F84];
	_ =	swait.ge [sflag:s4], $0x0  }
0x19: {  	s7 =	sld [smem:$0x3F85]  }
0x1a: {  	s8 =	sadd.s32 $0xFFFFE003, lr  }
0x1b: {  	s9 =	sadd.s32 $0xFFFFFEF7, lr;
	s5 =	simm.s32 $0xFFFFFFFF;
	p2 =	slt.u32 s8, $0xFFFFF086  }
0x1c: {  	p1 =	slt.u32 s9, $0xF7A;
	s5 =	simm.s32 @!p2 $0x0  }
0x1d: {  	s5 =	simm.s32 @p1 $0x1;
	p0 =	seq.s32 s7, s2  }
0x1e: {  	s7 =	smul.u32 @!p0 $0xF7A, s2;
	p2 =	seq.s32 @!p0 s5, $0x0  }
0x1f: {  	s9 =	smul.u32 $0xF7A, s1;
	s8 =	simm.s32 @!p0 $0x1BF5;
	p2 =	por !p2, p0  }
0x20: {  	[sflag:s8] =	ssyncset.s32 @!p0 $0xFFFFF086;
	s6 =	sadd.s32 @!p0 s3, s7;
	s7 =	simm.s32 @!p0 $0x108  }
0x21: {  	s3 =	sadd.s32 s3, s9;
	s6 =	sadd.s32 @!p0 $0x88, s6;
	s7 =	simm.s32 @p2 $0x1082  }
0x22: {  	[simem:s7], [sflag:s8] =	dma.local @!p0 [hbm:s6], $0xF7A  }
0x23: {  	s9 =	sor.u32 $0xD0000000, s2;
	s6 =	simm.s32 $0x108;
	_ =	swait.ge @!p0 [sflag:s8], $0x0  }
0x24: {  	s3 =	sadd.s32 $0x88, s3;
	s6 =	simm.s32 @!p1 $0x1082;
	[sflag:s4] =	ssyncset.s32 $0xFFFFF086  }
0x25: {  	[simem:s6], [sflag:s4] =	dma.local [hbm:s3], $0xF7A  }
0x26: {  	[smem:$0x3F85] =	sst s1;
	(tag) =	ssettag s2;
	_ =	strace s9  }
0x27: {  	s1 =	sld [smem:$0x3F95]  }
0x28: {  	s2 =	sld [smem:$0x3F96]  }
0x29: {  	s4 =	sld [smem:$0x3F98]  }
0x2a: {  	p0 =	seq.s32 s5, $0x0;
	s5 =	sld [smem:$0x3F99]  }
0x2b: {  	s6 =	sld [smem:$0x3F9A]  }
0x2c: {  	s7 =	sld [smem:$0x3F9B]  }
0x2d: {  	s3 =	simm.s32 $0x108;
	s8 =	sld [smem:$0x3F9C]  }
0x2e: {  	s3 =	simm.s32 @!p0 $0x1082;
	s9 =	sld [smem:$0x3F9D]  }
0x2f: {  	lr =	sadd.s32 s0, s3;
	s0 =	sld [smem:$0x3F94]  }
0x30: {  	s3 =	sld [smem:$0x3F97]  }
0x31: {  	[smem:$0x3FA0] =	sst s10  }
0x32: {  	s10 =	sld [smem:$0x3F9E];
	_ =	sdelay $0x3  }
0x33: {  	p0 =	seq.s32 s10, $0x1;
	s10 =	sld [smem:$0x3FA0];
	_ =	sdelay $0x3  }
0x34: {  	[smem:$0x3FA0] =	sst s10  }
0x35: {  	s10 =	sld [smem:$0x3F9F];
	_ =	sdelay $0x3  }
0x36: {  	p1 =	seq.s32 s10, $0x1;
	s10 =	sld [smem:$0x3FA0];
	_ =	sdelay $0x3  }
0x37: {  	[smem:$0x3FA0] =	sst s10  }
0x38: {  	s10 =	sld [smem:$0x3FA1]  }
0x39: {  	_ = 	snop;
	(pc) =	sbr.ind lr, $3  }
0x3a: {  	_ = 	snop  }
0x3b: {  	_ = 	snop  }
0x3c: {  	p2 =	seq.s32 s10, $0x1;
	s10 =	sld [smem:$0x3FA0]  }
0x3d: {  	_ =	shalt  }
0x3e: {  	_ =	shalt  }
0x3f: {  	_ =	shalt  }
0x40: {  	_ =	shalt  }
0x41: {  	_ =	shalt  }
0x42: {  	_ =	shalt  }
0x43: {  	_ =	shalt  }
0x44: {  	_ =	shalt  }
0x45: {  	_ =	shalt  }
0x46: {  	_ =	shalt  }
0x47: {  	_ =	shalt  }
0x48: {  	_ =	shalt  }
0x49: {  	_ =	shalt  }
0x4a: {  	_ =	shalt  }
0x4b: {  	_ =	shalt  }
0x4c: {  	_ =	shalt  }
0x4d: {  	_ =	shalt  }
0x4e: {  	_ =	shalt  }
0x4f: {  	_ =	shalt  }
0x50: {  	_ =	shalt  }
0x51: {  	_ =	shalt  }
0x52: {  	_ =	shalt  }
0x53: {  	_ =	shalt  }
0x54: {  	_ =	shalt  }
0x55: {  	_ =	shalt  }
0x56: {  	_ =	shalt  }
0x57: {  	_ =	shalt  }
0x58: {  	_ =	shalt  }
0x59: {  	_ =	shalt  }
0x5a: {  	_ =	shalt  }
0x5b: {  	_ =	shalt  }
0x5c: {  	_ =	shalt  }
0x5d: {  	_ =	shalt  }
0x5e: {  	_ =	shalt  }
0x5f: {  	_ =	shalt  }
0x60: {  	_ =	shalt  }
0x61: {  	_ =	shalt  }
0x62: {  	_ =	shalt  }
0x63: {  	_ =	shalt  }
0x64: {  	_ =	shalt  }
0x65: {  	_ =	shalt  }
0x66: {  	_ =	shalt  }
0x67: {  	_ =	shalt  }
0x68: {  	_ =	shalt  }
0x69: {  	_ =	shalt  }
0x6a: {  	_ =	shalt  }
0x6b: {  	_ =	shalt  }
0x6c: {  	_ =	shalt  }
0x6d: {  	_ =	shalt  }
0x6e: {  	_ =	shalt  }
0x6f: {  	_ =	shalt  }
0x70: {  	_ =	shalt  }
0x71: {  	_ =	shalt  }
0x72: {  	_ =	shalt  }
0x73: {  	_ =	shalt  }
0x74: {  	_ =	shalt  }
0x75: {  	_ =	shalt  }
0x76: {  	_ =	shalt  }
0x77: {  	_ =	shalt  }
0x78: {  	_ =	shalt  }
0x79: {  	_ =	shalt  }
0x7a: {  	_ =	shalt  }
0x7b: {  	_ =	shalt  }
0x7c: {  	_ =	shalt  }
0x7d: {  	_ =	shalt  }
0x7e: {  	_ =	shalt  }
0x7f: {  	_ =	shalt  }
0x80: {  	_ =	shalt  }
0x81: {  	_ =	shalt  }
0x82: {  	_ =	shalt  }
0x83: {  	_ =	shalt  }
0x84: {  	_ =	shalt  }
0x85: {  	_ =	shalt  }
0x86: {  	_ =	shalt  }
0x87: {  	_ =	shalt  }
.Lfunc_end0:
.L_simem_size_0:
called_computation.1_lowered:
.L_overlay_start_0:
0x88: {  	s2 =	sld [smem:$0x3FD9]  }
0x89: {  	s3 =	sld [smem:$0x3FFE];
	_ =	sdelay $0x1  }
0x8a: {  	s1 =	srdreg.scid  }
0x8b: {  	s0 =	sand.u32 $0x1, s1  }
0x8c: {  	s17 =	sshll.u32 s0, $0xA;
	s2 =	sadd.s32 s3, s2  }
0x8d: {  	s2 =	sadd.s32 s2, s17  }
0x8e: {  	[smem:$0x3FAC] =	sst s2  }
0x8f: {  	_ = 	snop  }
0x90: {  	(tm) =	ssettm $0x1  }
0x91: {  	s18 =	sld [smem:$0x3FFB];
	_ =	sdelay $0x3  }
0x92: {  	_ =	strace s18  }
0x93: {  	s2 =	sld [smem:$0x3FFC];
	_ =	sdelay $0x3  }
0x94: {  	_ =	strace s2  }
0x95: {  	s2 =	sld [smem:$0x3FFD];
	_ =	sdelay $0x3  }
0x96: {  	_ =	strace s2  }
0x97: {  	_ =	strace $0x8FFFFFFF  }
0x98: {  	s19 =	sld [smem:$0x3FDB];
	_ =	sdelay $0x1  }
0x99: {  	s20 =	simm.s32 $_scs_section_size  }
0x9a: {  	s4 =	simm.s32 $_size__tile_overlayer_lowered;
	s5 =	simm.s32 $_tile_overlayer_lowered  }
0x9b: {  	s6 =	simm.s32 $0x1BFF;
	s21 =	sshll.u32 s5, $0x1;
	s3 =	sadd.s32 s20, s19  }
0x9c: {  	s22 =	simm.s32 $0x0;
	s4 =	sshll.u32 s4, $0x1;
	s5 =	sadd.s32 s21, s3  }
0x9d: {  	[timem:s22], [sflag:s6] =	dma.local [hbm:s5], s4  }
0x9e: {  	_ =	swait.ge [sflag:s6], s4  }
0x9f: {  	s4 =	ssub.s32 $0x0, s4;
	[sflag:s6] =	ssyncset.done $0x0  }
0xa0: {  	[sflag:s6] =	ssyncadd.s32 s4;
	_ =	sdelay $0x1  }
0xa1: {  	s23 =	simm.s32 $0x1B8B  }
0xa2: {  	_ =	swait.ge [sflag:s23], $0x1  }
0xa3: {  	[sflag:s23] =	ssyncset.done $0x0  }
0xa4: {  	[sflag:s23] =	ssyncadd.s32 $0xFFFFFFFF  }
0xa5: {  	s4 =	sld [smem:$0x0]  }
0xa6: {  	s5 =	sand.u32 $0xFFFFFFFE, s1  }
0xa7: {  	p0 =	sne.s32 s1, s5  }
0xa8: {  	s5 =	sshll.u32 @p0 s5, $0xE  }
0xa9: {  	s5 =	sadd.s32 @p0 $0x11B8D, s5;
	s6 =	sshll.u32 @p0 s4, $0x11  }
0xaa: {  	s5 =	sor.u32 @p0 s6, s5  }
0xab: {  	[sflag:s5] =	ssyncadd.remote.s32 @p0 $0x1;
	_ =	sdelay $0x1  }
0xac: {  	s5 =	simm.s32 @p0 $0x1B8D  }
0xad: {  	_ =	swait.eq @p0 [sflag:s5], $0x1  }
0xae: {  	[sflag:s5] =	ssyncadd.s32 @p0 $0xFFFFFFFF  }
0xaf: {  	s6 =	sshll.u32 @!p0 s1, $0xE  }
0xb0: {  	s6 =	sor.u32 @!p0 $0x4000, s6;
	s5 =	simm.s32 @!p0 $0x1B8D  }
0xb1: {  	s4 =	sshll.u32 @!p0 s4, $0x11;
	s6 =	sadd.s32 @!p0 $0x11B8D, s6;
	_ =	swait.eq @!p0 [sflag:s5], $0x1  }
0xb2: {  	s4 =	sor.u32 @!p0 s4, s6;
	[sflag:s5] =	ssyncadd.s32 @!p0 $0xFFFFFFFF  }
0xb3: {  	s25 =	simm.s32 $0x1B8E;
	s24 =	sld [smem:$0x3FFE];
	[sflag:s4] =	ssyncadd.remote.s32 @!p0 $0x1  }
0xb4: {  	s26 =	simm.s32 $execute0_lowered;
	[smem:$0x3FD2] =	sst s25  }
0xb5: {  	s5 =	sshll.u32 s26, $0x1;
	_ =	strace $0x8000004C;
	[dreg:$0x1] =	wrdreg $0xFFFFFFFF  }
0xb6: {  	s28 =	simm.s32 $_size_execute0_lowered;
	s3 =	sadd.s32 s3, s5;
	[dreg:$0x0] =	wrdreg $0x0  }
0xb7: {  	s5 =	sshll.u32 s28, $0x1;
	[dreg:$0x2] =	wrdreg s3  }
0xb8: {  	[dreg:$0x3] =	wrdreg s5  }
0xb9: {  	[dreg:$0x4] =	wrdreg $0xC0  }
0xba: {  	_ =	task [dreg:s22], $0x5FFFF  }
0xbb: {  	[dreg:$0x1] =	wrdreg $0xFFFFFFFF  }
0xbc: {  	[dreg:$0x0] =	wrdreg $0x60  }
0xbd: {  	[dreg:$0x2] =	wrdreg s24  }
0xbe: {  	[dreg:$0x3] =	wrdreg $0xBF800  }
0xbf: {  	[dreg:$0x4] =	wrdreg $0x9  }
0xc0: {  	_ =	task.clear_ibuf [dreg:s22], $0x5FFFF;
	_ =	strace $0x9000004C  }
0xc1: {  	s29 =	simm.s32 $0x9;
	_ =	strace $0x8000004E  }
0xc2: {  	_ =	swait.ge [sflag:s29], $0x1  }
0xc3: {  	[sflag:s29] =	ssyncadd.s32 $0xFFFFFFFF  }
0xc4: {  	_ =	strace $0x9000004E  }
0xc5: {  	_ =	sfence  }
0xc6: {  	s30 =	sld [smem:$0x0];
	_ =	sdelay $0x2  }
0xc7: {  	s31 =	sshll.u32 s1, $0xD;
	s1 =	sshrl.u32 s1, $0x2  }
0xc8: {  	s4 =	sand.u32 $0x4000, s31;
	s1 =	sadd.s32 s1, s30  }
0xc9: {  	s0 =	sor.u32 s4, s0;
	s1 =	sshll.u32 s1, $0x11  }
0xca: {  	s0 =	sor.u32 s1, s0  }
0xcb: {  	s0 =	sadd.s32 $0x8F2B, s0  }
0xcc: {  	[sflag:s0] =	ssyncadd.remote.s32 $0x1  }
0xcd: {  	_ =	sfence.sel $0xFFFF  }
0xce: {  	[dreg:$0x0] =	wrdreg $0xFFFFFFFF;
	(pc) =	sbr.abs _section_cstart, $3  }
0xcf: {  	[dreg:$0x1] =	wrdreg $0xFFFFFFFF  }
0xd0: {  	_ =	task.clear_ibuf [dreg:s22], $0x2FFFF;
	_ =	strace $0x9FFFFFFF  }
0xd1: {  	(tm) =	ssettm $0x7FFFFFFF  }
tec
execute0_lowered:
.L_overlay_start_1:
0x0: {  	(tag) =	ssettag $0x1  }
0x1: {  	s0 =	rddreg [dreg:$0x0]  }
0x2: {  	s1 =	rddreg [dreg:$0x1]  }
0x3: {  	s2 =	simm.s32 $0x0;
	s3 =	srdreg.scid;
	s15 =	stileid.u32  }
0x4: {  	s28 =	simm.s32 $0x100;
	s29 =	simm.s32 $0x5220;
	s24 =	smul.u32 $0xFA00, s15  }
0x5: {  	s30 =	simm.s32 $0x180;
	s8 =	sor.u32 $0x10, s15;
	s26 =	smul.u32 $0x3E80, s15  }
0x6: {  	s31 =	simm.s32 $0x59F0;
	s11 =	sor.u32 $0x20, s15;
	s10 =	smul.u32 $0xFA00, s8  }
0x7: {  	s3 =	sand.u32 $0x1, s3;
	s13 =	sor.u32 $0x30, s15;
	s12 =	smul.u32 $0xFA00, s11  }
0x8: {  	s4 =	sadd.s32 $0x313800, s0;
	s9 =	sshll.u32 s15, $0x1;
	s14 =	smul.u32 $0xFA00, s13  }
0x9: {  	s6 =	ssub.s32 $0x2, s3;
	s9 =	sor.u32 s3, s9;
	s3 =	smul.u32 $0xC3500, s3  }
0xa: {  	[smem:$0x7FF] =	sst s2;
	s5 =	sadd.s32 $0x17AD600, s0;
	s8 =	smul.u32 $0x3E80, s8  }
0xb: {  	s0 =	sadd.s32 $0x17C6600, s0;
	p0 =	sgt.u32 s15, $0x1;
	s11 =	smul.u32 $0x3E80, s11  }
0xc: {  	_ =	strace $0x8000004D;
	s22 =	smul.u32 $0x3E80, s13;
	s7 =	sshrl.u32 s6, $0x1  }
0xd: {  	s13 =	simm.s32 $0x1;
	s19 =	sadd.s32 s26, s1;
	s6 =	ssub.s32 s6, s7  }
0xe: {  	s7 =	sshrl.u32 s24, $0x2;
	s10 =	sshrl.u32 s10, $0x2;
	s16 =	sshrl.u32 s12, $0x2  }
0xf: {  	s17 =	sshrl.u32 s14, $0x2;
	[dreg:$0x7] =	wrdreg s19;
	s20 =	sadd.s32 s3, s8  }
0x10: {  	s8 =	sadd.s32 s8, s1;
	s23 =	sadd.s32 s3, s11;
	s24 =	sadd.s32 s11, s1  }
0x11: {  	s11 =	simm.s32 $0x380;
	s12 =	simm.s32 $0x7930;
	[dreg:$0x9] =	wrdreg s8  }
0x12: {  	s14 =	simm.s32 $0x0;
	s7 =	sadd.s32 s7, s1;
	[dreg:$0xb] =	wrdreg s24  }
0x13: {  	s25 =	sadd.s32 s10, s1;
	s10 =	sadd.s32 s16, s1;
	[dreg:$0x3] =	wrdreg s7  }
0x14: {  	s18 =	sadd.s32 s17, s1;
	s21 =	sshrl.u32 s20, $0x3;
	[dreg:$0x4] =	wrdreg s25  }
0x15: {  	s20 =	simm.s32 $0x8100;
	s24 =	simm.s32 $0x4280;
	[dreg:$0x5] =	wrdreg s10  }
0x16: {  	s8 =	simm.s32 $0x300;
	[dreg:$0x6] =	wrdreg s18;
	s10 =	smul.u32 $0x61A8, s9  }
0x17: {  	s7 =	sadd.s32 s26, s3;
	s3 =	sadd.s32 s3, s22;
	s25 =	sadd.s32 s22, s1  }
0x18: {  	s26 =	smax.u32 s6, $0x1;
	s22 =	simm.s32 $0x400;
	s6 =	simm.s32 $0x280  }
0x19: {  	s9 =	simm.s32 $0x7160;
	s7 =	sshrl.u32 s7, $0x3;
	[dreg:$0xd] =	wrdreg s25  }
0x1a: {  	s3 =	sshrl.u32 s3, $0x3;
	[dreg:$0xf] =	wrdreg s26;
	s7 =	sadd.s32 s0, s7  }
0x1b: {  	s25 =	simm.s32 $0x80;
	[dreg:$0x8] =	wrdreg s7;
	s7 =	sadd.s32 s0, s21  }
0x1c: {  	s26 =	simm.s32 $0x4A50;
	[dreg:$0xa] =	wrdreg s7;
	s7 =	sshrl.u32 s23, $0x3  }
0x1d: {  	s21 =	simm.s32 $0x2;
	s23 =	simm.s32 $0x7D;
	s7 =	sadd.s32 s0, s7  }
0x1e: {  	s0 =	sadd.s32 s0, s3;
	s3 =	simm.s32 $0x61C0;
	[dreg:$0xc] =	wrdreg s7  }
0x1f: {  	v0 =	vimm.f32 $0.0e+00;
	[dreg:$0xe] =	wrdreg s0;
	s0 =	simm.s32 $0x200;
	s7 =	simm.s32 $0x6990  }
.LBB2_1:
0x20: {  	s15 =	simm.s32 $0x40;
	s16 =	simm.s32 $0x0  }
.LBB2_2:
0x21: {  	p1 =	sne.s32 s15, $0xF9C0;
	[tilespmem:s16+$0x8100] =	vst v0;
	s16 =	smov.u32 s15;
	s15 =	sadd.s32 $0x40, s15  }
.Ltmp0:
0x22: {  	(pc) =	sbr.rel @p1 .LBB2_2-.Ltmp0, $2  }
0x23: {  	_ =	sdelay $0x2  }
0x24: {  	s16 =	sshra.s32 s16, $0x2  }
0x25: {  	[tilespmem:s16+$0x8100] =	vst v0;
	s15 =	rddreg [dreg:$0x3]  }
0x26: {  	[spmem:s15] =	stream.linear.scatter [tilespmem:s20], [sflag:$0x2], $0x3E80, $0x38;
	[tilespmem:$0x182D0] =	vst v63  }
0x27: {  	_ =	swait.ge [sflag:s21], $0x3E80  }
0x28: {  	[sflag:s21] =	ssyncset.done $0x0  }
0x29: {  	s18 =	rddreg [dreg:$0x4];
	[sflag:s21] =	ssyncadd.s32 $0xFFFFC180  }
0x2a: {  	[spmem:s18] =	stream.linear.scatter [tilespmem:s20], [sflag:$0x2], $0x3E80, $0x38;
	[tilespmem:$0x182D0] =	vst v63  }
0x2b: {  	_ =	swait.ge [sflag:s21], $0x3E80  }
0x2c: {  	[sflag:s21] =	ssyncset.done $0x0  }
0x2d: {  	s19 =	rddreg [dreg:$0x5];
	[sflag:s21] =	ssyncadd.s32 $0xFFFFC180  }
0x2e: {  	[spmem:s19] =	stream.linear.scatter [tilespmem:s20], [sflag:$0x2], $0x3E80, $0x38;
	[tilespmem:$0x182D0] =	vst v63  }
0x2f: {  	_ =	swait.ge [sflag:s21], $0x3E80  }
0x30: {  	[sflag:s21] =	ssyncset.done $0x0  }
0x31: {  	s15 =	simm.s32 @!p0 $0x8100;
	s16 =	rddreg [dreg:$0x6];
	[sflag:s21] =	ssyncadd.s32 $0xFFFFC180  }
0x32: {  	[spmem:s16] =	stream.linear.scatter @!p0 [tilespmem:s15], [sflag:$0x2], $0x3E80, $0x38;
	[tilespmem:$0x182D0] =	vst v63  }
0x33: {  	s15 =	simm.s32 @!p0 $0x2  }
0x34: {  	_ =	swait.ge @!p0 [sflag:s15], $0x3E80  }
0x35: {  	[sflag:s15] =	ssyncset.done @!p0 $0x0  }
0x36: {  	[sflag:s15] =	ssyncadd.s32 @!p0 $0xFFFFC180  }
0x37: {  	s16 =	simm.s32 $0x0;
	s15 =	simm.s32 $0x0;
	[bflag:$0x0] =	sbarrier.arrive $0xFFFF  }
.LBB2_4:
0x38: {  	s17 =	smul.u32 $0x3E8, s16;
	_ =	sdelay $0x1  }
0x39: {  	s17 =	sadd.s32 s10, s17  }
0x3a: {  	s18 =	smulhi.u32 $0x10624DD3, s17;
	_ =	sdelay $0x1  }
0x3b: {  	s18 =	sshll.u32 s18, $0x1  }
0x3c: {  	s18 =	sand.u32 $0x3FFFFFF0, s18  }
0x3d: {  	s18 =	sadd.s32 s5, s18  }
0x3e: {  	[tilespmem:s15], [sflag:$0x2] =	stream.linear.gather [hbm4b:s18+s15], $0x400, $0x38;
	[tilespmem:$0x182D0] =	vst v63  }
0x3f: {  	_ =	swait.ge [sflag:s21], $0x400  }
0x40: {  	s17 =	sshll.u32 s17, $0x1;
	[sflag:s21] =	ssyncset.done $0x0  }
0x41: {  	s17 =	sadd.s32 s4, s17;
	[sflag:s21] =	ssyncadd.s32 $0xFFFFFC00  }
0x42: {  	[tilespmem:s22], [sflag:$0x2] =	stream.linear.gather [hbm4b:s17+s15], $0x3E80, $0x38;
	[tilespmem:$0x182D0] =	vst v63  }
0x43: {  	_ =	swait.ge [sflag:s21], $0x3E80  }
0x44: {  	[sflag:s21] =	ssyncset.done $0x0  }
0x45: {  	s17 =	simm.s32 $0x0;
	[sflag:s21] =	ssyncadd.s32 $0xFFFFC180  }
0x46: {  	v4 =	vld [tilespmem:s17+$0x470]  }
0x47: {  	v5 =	vld [tilespmem:s17+$0x400]  }
0x48: {  	v6 =	vld [tilespmem:s17+$0x410]  }
0x49: {  	v3 =	vld [tilespmem:s17+$0x420]  }
0x4a: {  	v1 =	vld [tilespmem:s17+$0x430]  }
0x4b: {  	v2 =	vld [tilespmem:s17+$0x440];
	[tilespmem:s17+$0x42F0] =	vst v4  }
0x4c: {  	[tilespmem:s17+$0x4280] =	vst v5;
	v4 =	vld [tilespmem:s17+$0x450]  }
0x4d: {  	s19 =	simm.s32 $0x400;
	s18 =	simm.s32 $0x80;
	[tilespmem:s17+$0x4290] =	vst v6;
	v5 =	vld [tilespmem:s17+$0x460]  }
.LBB2_5:
0x4e: {  	p1 =	sne.s32 s19, $0xF800;
	v6 =	vld [tilespmem:s18+$0x470];
	[tilespmem:s17+$0x42A0] =	vst v3  }
0x4f: {  	v7 =	vld [tilespmem:s18+$0x400];
	[tilespmem:s17+$0x42B0] =	vst v1  }
0x50: {  	v8 =	vld [tilespmem:s18+$0x410];
	[tilespmem:s17+$0x42C0] =	vst v2  }
.Ltmp1:
0x51: {  	v3 =	vld [tilespmem:s18+$0x420];
	[tilespmem:s17+$0x42D0] =	vst v4;
	(pc) =	sbr.rel @p1 .LBB2_5-.Ltmp1, $4  }
0x52: {  	v1 =	vld [tilespmem:s18+$0x430];
	[tilespmem:s17+$0x42E0] =	vst v5;
	s17 =	smov.u32 s18  }
0x53: {  	v2 =	vld [tilespmem:s17+$0x440];
	[tilespmem:s17+$0x42F0] =	vst v6  }
0x54: {  	[tilespmem:s17+$0x4280] =	vst v7;
	v4 =	vld [tilespmem:s17+$0x450]  }
0x55: {  	s18 =	sshra.s32 s19, $0x2;
	s19 =	sadd.s32 $0x200, s19;
	[tilespmem:s17+$0x4290] =	vst v8;
	v5 =	vld [tilespmem:s17+$0x460]  }
0x56: {  	v6 =	vld [tilespmem:s18+$0x470];
	[tilespmem:s17+$0x42A0] =	vst v3  }
0x57: {  	v3 =	vld [tilespmem:s18+$0x400];
	[tilespmem:s17+$0x42B0] =	vst v1  }
0x58: {  	v1 =	vld [tilespmem:s18+$0x410];
	[tilespmem:s17+$0x42C0] =	vst v2  }
0x59: {  	v2 =	vld [tilespmem:s18+$0x420];
	[tilespmem:s17+$0x42D0] =	vst v4  }
0x5a: {  	v4 =	vld [tilespmem:s18+$0x430];
	[tilespmem:s17+$0x42E0] =	vst v5  }
0x5b: {  	v5 =	vld [tilespmem:s18+$0x440];
	[tilespmem:s18+$0x42F0] =	vst v6  }
0x5c: {  	[tilespmem:s18+$0x4280] =	vst v3;
	v3 =	vld [tilespmem:s18+$0x450]  }
0x5d: {  	[tilespmem:s18+$0x4290] =	vst v1;
	v1 =	vld [tilespmem:s18+$0x460]  }
0x5e: {  	[tilespmem:s18+$0x42A0] =	vst v2  }
0x5f: {  	[tilespmem:s18+$0x42B0] =	vst v4  }
0x60: {  	[tilespmem:s18+$0x42C0] =	vst v5  }
0x61: {  	[tilespmem:s18+$0x42D0] =	vst v3  }
0x62: {  	[tilespmem:s18+$0x42E0] =	vst v1  }
0x63: {  	[spmem:s1] =	stream.indirect.scatter.add.f32 [tilespmem:s24], [sflag:$0x1], $0x10, s2, s23, $0xb8;
	[tilespmem:$0x182D0] =	vst v63  }
0x64: {  	_ = 	snop  }
0x65: {  	[spmem:s1] =	stream.indirect.scatter.add.f32 [tilespmem:s26], [sflag:$0x1], $0x10, s25, s23, $0xb8;
	[tilespmem:$0x182D0] =	vst v63  }
0x66: {  	_ = 	snop  }
0x67: {  	[spmem:s1] =	stream.indirect.scatter.add.f32 [tilespmem:s29], [sflag:$0x1], $0x10, s28, s23, $0xb8;
	[tilespmem:$0x182D0] =	vst v63  }
0x68: {  	_ = 	snop  }
0x69: {  	[spmem:s1] =	stream.indirect.scatter.add.f32 [tilespmem:s31], [sflag:$0x1], $0x10, s30, s23, $0xb8;
	[tilespmem:$0x182D0] =	vst v63  }
0x6a: {  	_ = 	snop  }
0x6b: {  	[spmem:s1] =	stream.indirect.scatter.add.f32 [tilespmem:s3], [sflag:$0x1], $0x10, s0, s23, $0xb8;
	[tilespmem:$0x182D0] =	vst v63  }
0x6c: {  	_ = 	snop  }
0x6d: {  	[spmem:s1] =	stream.indirect.scatter.add.f32 [tilespmem:s7], [sflag:$0x1], $0x10, s6, s23, $0xb8;
	[tilespmem:$0x182D0] =	vst v63  }
0x6e: {  	_ = 	snop  }
0x6f: {  	[spmem:s1] =	stream.indirect.scatter.add.f32 [tilespmem:s9], [sflag:$0x1], $0x10, s8, s23, $0xb8;
	[tilespmem:$0x182D0] =	vst v63  }
0x70: {  	_ = 	snop  }
0x71: {  	[spmem:s1] =	stream.indirect.scatter.add.f32 [tilespmem:s12], [sflag:$0x1], $0x10, s11, s23, $0xb8;
	[tilespmem:$0x182D0] =	vst v63  }
0x72: {  	_ =	swait.ge [sflag:s13], $0x7D0  }
0x73: {  	[sflag:s13] =	ssyncset.done $0x0  }
0x74: {  	[sflag:s13] =	ssyncadd.s32 $0xFFFFF830  }
0x75: {  	_ =	swait.ge [sflag:s13], $0x7D0  }
0x76: {  	[sflag:s13] =	ssyncset.done $0x0  }
0x77: {  	[sflag:s13] =	ssyncadd.s32 $0xFFFFF830  }
0x78: {  	_ =	swait.ge [sflag:s13], $0x7D0  }
0x79: {  	[sflag:s13] =	ssyncset.done $0x0  }
0x7a: {  	[sflag:s13] =	ssyncadd.s32 $0xFFFFF830  }
0x7b: {  	_ =	swait.ge [sflag:s13], $0x7D0  }
0x7c: {  	[sflag:s13] =	ssyncset.done $0x0  }
0x7d: {  	[sflag:s13] =	ssyncadd.s32 $0xFFFFF830  }
0x7e: {  	_ =	swait.ge [sflag:s13], $0x7D0  }
0x7f: {  	[sflag:s13] =	ssyncset.done $0x0  }
0x80: {  	[sflag:s13] =	ssyncadd.s32 $0xFFFFF830  }
0x81: {  	_ =	swait.ge [sflag:s13], $0x7D0  }
0x82: {  	[sflag:s13] =	ssyncset.done $0x0  }
0x83: {  	s16 =	sadd.s32 $0x1, s16;
	[sflag:s13] =	ssyncadd.s32 $0xFFFFF830  }
0x84: {  	p1 =	sne.s32 s16, $0x19;
	_ =	swait.ge [sflag:s13], $0x7D0  }
.Ltmp2:
0x85: {  	[sflag:s13] =	ssyncset.done $0x0;
	(pc) =	sbr.rel @p1 .LBB2_4-.Ltmp2, $4  }
0x86: {  	[sflag:s13] =	ssyncadd.s32 $0xFFFFF830  }
0x87: {  	_ =	swait.ge [sflag:s13], $0x7D0  }
0x88: {  	[sflag:s13] =	ssyncset.done $0x0  }
0x89: {  	[sflag:s13] =	ssyncadd.s32 $0xFFFFF830  }
0x8a: {  	[bflag:$0x0] =	sbarrier.arrive $0xFFFF  }
0x8b: {  	s15 =	rddreg [dreg:$0x7]  }
0x8c: {  	[tilespmem:s20], [sflag:$0x2] =	stream.linear.gather [spmem:s15], $0x3E80, $0x38;
	[tilespmem:$0x182D0] =	vst v63  }
0x8d: {  	_ =	swait.ge [sflag:s21], $0x3E80  }
0x8e: {  	[sflag:s21] =	ssyncset.done $0x0  }
0x8f: {  	s18 =	rddreg [dreg:$0x8];
	[sflag:s21] =	ssyncadd.s32 $0xFFFFC180  }
0x90: {  	[hbm4b:s18+s2] =	stream.linear.scatter [tilespmem:s20], [sflag:$0x2], $0x3E80, $0x38;
	[tilespmem:$0x182D0] =	vst v63  }
0x91: {  	_ =	swait.ge [sflag:s21], $0x3E80  }
0x92: {  	[sflag:s21] =	ssyncset.done $0x0  }
0x93: {  	s19 =	rddreg [dreg:$0x9];
	[sflag:s21] =	ssyncadd.s32 $0xFFFFC180  }
0x94: {  	[tilespmem:s20], [sflag:$0x2] =	stream.linear.gather [spmem:s19], $0x3E80, $0x38;
	[tilespmem:$0x182D0] =	vst v63  }
0x95: {  	_ =	swait.ge [sflag:s21], $0x3E80  }
0x96: {  	[sflag:s21] =	ssyncset.done $0x0  }
0x97: {  	s16 =	rddreg [dreg:$0xa];
	[sflag:s21] =	ssyncadd.s32 $0xFFFFC180  }
0x98: {  	[hbm4b:s16+s2] =	stream.linear.scatter [tilespmem:s20], [sflag:$0x2], $0x3E80, $0x38;
	[tilespmem:$0x182D0] =	vst v63  }
0x99: {  	_ =	swait.ge [sflag:s21], $0x3E80  }
0x9a: {  	[sflag:s21] =	ssyncset.done $0x0  }
0x9b: {  	s17 =	rddreg [dreg:$0xb];
	[sflag:s21] =	ssyncadd.s32 $0xFFFFC180  }
0x9c: {  	[tilespmem:s20], [sflag:$0x2] =	stream.linear.gather [spmem:s17], $0x3E80, $0x38;
	[tilespmem:$0x182D0] =	vst v63  }
0x9d: {  	_ =	swait.ge [sflag:s21], $0x3E80  }
0x9e: {  	[sflag:s21] =	ssyncset.done $0x0  }
0x9f: {  	s18 =	rddreg [dreg:$0xc];
	[sflag:s21] =	ssyncadd.s32 $0xFFFFC180  }
0xa0: {  	[hbm4b:s18+s2] =	stream.linear.scatter [tilespmem:s20], [sflag:$0x2], $0x3E80, $0x38;
	[tilespmem:$0x182D0] =	vst v63  }
0xa1: {  	_ =	swait.ge [sflag:s21], $0x3E80  }
0xa2: {  	[sflag:s21] =	ssyncset.done $0x0  }
0xa3: {  	s15 =	simm.s32 @!p0 $0x8100;
	s16 =	rddreg [dreg:$0xd];
	[sflag:s21] =	ssyncadd.s32 $0xFFFFC180  }
0xa4: {  	[tilespmem:s15], [sflag:$0x2] =	stream.linear.gather @!p0 [spmem:s16], $0x3E80, $0x38;
	[tilespmem:$0x182D0] =	vst v63  }
0xa5: {  	s16 =	simm.s32 @!p0 $0x2  }
0xa6: {  	_ =	swait.ge @!p0 [sflag:s16], $0x3E80  }
0xa7: {  	[sflag:s16] =	ssyncset.done @!p0 $0x0  }
0xa8: {  	s17 =	simm.s32 @!p0 $0x0;
	s18 =	rddreg [dreg:$0xe];
	[sflag:s16] =	ssyncadd.s32 @!p0 $0xFFFFC180  }
0xa9: {  	[hbm4b:s18+s17] =	stream.linear.scatter @!p0 [tilespmem:s15], [sflag:$0x2], $0x3E80, $0x38;
	[tilespmem:$0x182D0] =	vst v63  }
0xaa: {  	_ =	swait.ge @!p0 [sflag:s16], $0x3E80  }
0xab: {  	s14 =	sadd.s32 $0x1, s14;
	s19 =	rddreg [dreg:$0xf]  }
0xac: {  	p1 =	sne.s32 s14, s19  }
.Ltmp3:
0xad: {  	_ = 	snop;
	(pc) =	sbr.rel @p1 .LBB2_1-.Ltmp3, $3  }
0xae: {  	_ =	sdelay $0x1  }
0xaf: {  	[sflag:s16] =	ssyncset.done @!p0 $0x0  }
0xb0: {  	[sflag:s16] =	ssyncadd.s32 @!p0 $0xFFFFC180  }
0xb1: {  	_ =	sfence.sel $0x180000  }
0xb2: {  	[bflag:$0x0] =	sbarrier.arrive $0xFFFF  }
0xb3: {  	_ =	strace $0x9000004D  }
0xb4: {  	s0 =	stileid.u32;
	[bflag:$0x2] =	sbarrier.arrive $0xFFFF  }
0xb5: {  	p0 =	sne.s32 s0, $0x0;
	s0 =	rddreg [dreg:$0x2]  }
0xb6: {  	s0 =	sadd.s32 @!p0 $0x100000, s0  }
0xb7: {  	[sflag:s0] =	ssyncadd.tile.s32 @!p0 $0x1;
	_ =	shalt  }
.Lfunc_end2:
_tile_overlayer_lowered:
.L_overlay_start_2:
0xb8: {  	(tag) =	ssettag $0x2  }
0xb9: {  	s0 =	rddreg [dreg:$0x0];
	s2 =	stileid.u32  }
0xba: {  	s1 =	rddreg [dreg:$0x1];
	p0 =	sne.s32 s2, $0x0  }
0xbb: {  	s3 =	rddreg [dreg:$0x2];
	[bflag:$0x3] =	sbarrier.arrive $0xFFFF;
	s2 =	simm.s32 @!p0 $0x1C02  }
0xbc: {  	[timem:s3], [sflag:s2] =	dma.local @!p0 [hbm:s0], s1  }
0xbd: {  	s0 =	simm.s32 @!p0 $0x2  }
0xbe: {  	_ =	swait.ge @!p0 [sflag:s0], s1  }
0xbf: {  	s1 =	ssub.s32 @!p0 $0x0, s1;
	[sflag:s0] =	ssyncset.done @!p0 $0x0  }
0xc0: {  	[sflag:s0] =	ssyncadd.s32 @!p0 s1  }
0xc1: {  	[bflag:$0x3] =	sbarrier.arrive $0xFFFF  }
0xc2: {  	_ =	shalt  }

// kernel: kernel.13.cloned.1.call-start
scs
__scs_entry_jumppad:
0x0: {  	(pc) =	sbr.rel $0x88, $3  }
0x1: {  	(tag) =	ssettag $0x0;
	lr =	simm.s32 $0x1  }
0x2: {  	[smem:$0x3F85] =	sst lr;
	_ =	strace $0xD0000000  }
0x3: {  	_ = 	snop  }
0x4: {  	_ = 	snop  }
0x5: {  	_ = 	snop  }
0x6: {  	_ = 	snop  }
0x7: {  	_ = 	snop  }
__scs_overlays_trampoline_lowered:
0x8: {  	[smem:$0x3F94] =	sst s0  }
0x9: {  	[smem:$0x3F95] =	sst s1  }
0xa: {  	[smem:$0x3F96] =	sst s2  }
0xb: {  	[smem:$0x3F97] =	sst s3  }
0xc: {  	[smem:$0x3F98] =	sst s4  }
0xd: {  	[smem:$0x3F99] =	sst s5  }
0xe: {  	[smem:$0x3F9A] =	sst s6  }
0xf: {  	[smem:$0x3F9B] =	sst s7  }
0x10: {  	[smem:$0x3F9C] =	sst s8  }
0x11: {  	[smem:$0x3F9D] =	sst s9;
	s0 =	simm.s32 @!p0 $0x0  }
0x12: {  	s1 =	sld [smem:$0x3F83];
	s0 =	simm.s32 @p0 $0x1  }
0x13: {  	[smem:$0x3F9E] =	sst s0;
	s0 =	simm.s32 @!p1 $0x0  }
0x14: {  	s2 =	sld [smem:$0x3F82];
	s0 =	simm.s32 @p1 $0x1  }
0x15: {  	[smem:$0x3F9F] =	sst s0;
	s0 =	simm.s32 @!p2 $0x0  }
0x16: {  	s3 =	sld [smem:$0x3FDB];
	s0 =	simm.s32 @p2 $0x1  }
0x17: {  	s4 =	simm.s32 $0x1BF5;
	[smem:$0x3FA1] =	sst s0  }
0x18: {  	s0 =	sld [smem:$0x3F84];
	_ =	swait.ge [sflag:s4], $0x0  }
0x19: {  	s7 =	sld [smem:$0x3F85]  }
0x1a: {  	s8 =	sadd.s32 $0xFFFFE003, lr  }
0x1b: {  	s9 =	sadd.s32 $0xFFFFFEF7, lr;
	s5 =	simm.s32 $0xFFFFFFFF;
	p2 =	slt.u32 s8, $0xFFFFF086  }
0x1c: {  	p1 =	slt.u32 s9, $0xF7A;
	s5 =	simm.s32 @!p2 $0x0  }
0x1d: {  	s5 =	simm.s32 @p1 $0x1;
	p0 =	seq.s32 s7, s2  }
0x1e: {  	s7 =	smul.u32 @!p0 $0xF7A, s2;
	p2 =	seq.s32 @!p0 s5, $0x0  }
0x1f: {  	s9 =	smul.u32 $0xF7A, s1;
	s8 =	simm.s32 @!p0 $0x1BF5;
	p2 =	por !p2, p0  }
0x20: {  	[sflag:s8] =	ssyncset.s32 @!p0 $0xFFFFF086;
	s6 =	sadd.s32 @!p0 s3, s7;
	s7 =	simm.s32 @!p0 $0x108  }
0x21: {  	s3 =	sadd.s32 s3, s9;
	s6 =	sadd.s32 @!p0 $0x88, s6;
	s7 =	simm.s32 @p2 $0x1082  }
0x22: {  	[simem:s7], [sflag:s8] =	dma.local @!p0 [hbm:s6], $0xF7A  }
0x23: {  	s9 =	sor.u32 $0xD0000000, s2;
	s6 =	simm.s32 $0x108;
	_ =	swait.ge @!p0 [sflag:s8], $0x0  }
0x24: {  	s3 =	sadd.s32 $0x88, s3;
	s6 =	simm.s32 @!p1 $0x1082;
	[sflag:s4] =	ssyncset.s32 $0xFFFFF086  }
0x25: {  	[simem:s6], [sflag:s4] =	dma.local [hbm:s3], $0xF7A  }
0x26: {  	[smem:$0x3F85] =	sst s1;
	(tag) =	ssettag s2;
	_ =	strace s9  }
0x27: {  	s1 =	sld [smem:$0x3F95]  }
0x28: {  	s2 =	sld [smem:$0x3F96]  }
0x29: {  	s4 =	sld [smem:$0x3F98]  }
0x2a: {  	p0 =	seq.s32 s5, $0x0;
	s5 =	sld [smem:$0x3F99]  }
0x2b: {  	s6 =	sld [smem:$0x3F9A]  }
0x2c: {  	s7 =	sld [smem:$0x3F9B]  }
0x2d: {  	s3 =	simm.s32 $0x108;
	s8 =	sld [smem:$0x3F9C]  }
0x2e: {  	s3 =	simm.s32 @!p0 $0x1082;
	s9 =	sld [smem:$0x3F9D]  }
0x2f: {  	lr =	sadd.s32 s0, s3;
	s0 =	sld [smem:$0x3F94]  }
0x30: {  	s3 =	sld [smem:$0x3F97]  }
0x31: {  	[smem:$0x3FA0] =	sst s10  }
0x32: {  	s10 =	sld [smem:$0x3F9E];
	_ =	sdelay $0x3  }
0x33: {  	p0 =	seq.s32 s10, $0x1;
	s10 =	sld [smem:$0x3FA0];
	_ =	sdelay $0x3  }
0x34: {  	[smem:$0x3FA0] =	sst s10  }
0x35: {  	s10 =	sld [smem:$0x3F9F];
	_ =	sdelay $0x3  }
0x36: {  	p1 =	seq.s32 s10, $0x1;
	s10 =	sld [smem:$0x3FA0];
	_ =	sdelay $0x3  }
0x37: {  	[smem:$0x3FA0] =	sst s10  }
0x38: {  	s10 =	sld [smem:$0x3FA1]  }
0x39: {  	_ = 	snop;
	(pc) =	sbr.ind lr, $3  }
0x3a: {  	_ = 	snop  }
0x3b: {  	_ = 	snop  }
0x3c: {  	p2 =	seq.s32 s10, $0x1;
	s10 =	sld [smem:$0x3FA0]  }
0x3d: {  	_ =	shalt  }
0x3e: {  	_ =	shalt  }
0x3f: {  	_ =	shalt  }
0x40: {  	_ =	shalt  }
0x41: {  	_ =	shalt  }
0x42: {  	_ =	shalt  }
0x43: {  	_ =	shalt  }
0x44: {  	_ =	shalt  }
0x45: {  	_ =	shalt  }
0x46: {  	_ =	shalt  }
0x47: {  	_ =	shalt  }
0x48: {  	_ =	shalt  }
0x49: {  	_ =	shalt  }
0x4a: {  	_ =	shalt  }
0x4b: {  	_ =	shalt  }
0x4c: {  	_ =	shalt  }
0x4d: {  	_ =	shalt  }
0x4e: {  	_ =	shalt  }
0x4f: {  	_ =	shalt  }
0x50: {  	_ =	shalt  }
0x51: {  	_ =	shalt  }
0x52: {  	_ =	shalt  }
0x53: {  	_ =	shalt  }
0x54: {  	_ =	shalt  }
0x55: {  	_ =	shalt  }
0x56: {  	_ =	shalt  }
0x57: {  	_ =	shalt  }
0x58: {  	_ =	shalt  }
0x59: {  	_ =	shalt  }
0x5a: {  	_ =	shalt  }
0x5b: {  	_ =	shalt  }
0x5c: {  	_ =	shalt  }
0x5d: {  	_ =	shalt  }
0x5e: {  	_ =	shalt  }
0x5f: {  	_ =	shalt  }
0x60: {  	_ =	shalt  }
0x61: {  	_ =	shalt  }
0x62: {  	_ =	shalt  }
0x63: {  	_ =	shalt  }
0x64: {  	_ =	shalt  }
0x65: {  	_ =	shalt  }
0x66: {  	_ =	shalt  }
0x67: {  	_ =	shalt  }
0x68: {  	_ =	shalt  }
0x69: {  	_ =	shalt  }
0x6a: {  	_ =	shalt  }
0x6b: {  	_ =	shalt  }
0x6c: {  	_ =	shalt  }
0x6d: {  	_ =	shalt  }
0x6e: {  	_ =	shalt  }
0x6f: {  	_ =	shalt  }
0x70: {  	_ =	shalt  }
0x71: {  	_ =	shalt  }
0x72: {  	_ =	shalt  }
0x73: {  	_ =	shalt  }
0x74: {  	_ =	shalt  }
0x75: {  	_ =	shalt  }
0x76: {  	_ =	shalt  }
0x77: {  	_ =	shalt  }
0x78: {  	_ =	shalt  }
0x79: {  	_ =	shalt  }
0x7a: {  	_ =	shalt  }
0x7b: {  	_ =	shalt  }
0x7c: {  	_ =	shalt  }
0x7d: {  	_ =	shalt  }
0x7e: {  	_ =	shalt  }
0x7f: {  	_ =	shalt  }
0x80: {  	_ =	shalt  }
0x81: {  	_ =	shalt  }
0x82: {  	_ =	shalt  }
0x83: {  	_ =	shalt  }
0x84: {  	_ =	shalt  }
0x85: {  	_ =	shalt  }
0x86: {  	_ =	shalt  }
0x87: {  	_ =	shalt  }
.Lfunc_end0:
.L_simem_size_0:
called_computation.2_lowered:
.L_overlay_start_0:
0x88: {  	s2 =	sld [smem:$0x3FD9]  }
0x89: {  	s3 =	sld [smem:$0x3FFE];
	_ =	sdelay $0x1  }
0x8a: {  	s1 =	srdreg.scid  }
0x8b: {  	s0 =	sand.u32 $0x1, s1  }
0x8c: {  	s17 =	sshll.u32 s0, $0xA;
	s2 =	sadd.s32 s3, s2  }
0x8d: {  	s2 =	sadd.s32 s2, s17  }
0x8e: {  	[smem:$0x3FAC] =	sst s2  }
0x8f: {  	_ = 	snop  }
0x90: {  	(tm) =	ssettm $0x1  }
0x91: {  	s18 =	sld [smem:$0x3FFB];
	_ =	sdelay $0x3  }
0x92: {  	_ =	strace s18  }
0x93: {  	s2 =	sld [smem:$0x3FFC];
	_ =	sdelay $0x3  }
0x94: {  	_ =	strace s2  }
0x95: {  	s2 =	sld [smem:$0x3FFD];
	_ =	sdelay $0x3  }
0x96: {  	_ =	strace s2  }
0x97: {  	_ =	strace $0x8FFFFFFF  }
0x98: {  	s19 =	sld [smem:$0x3FDB];
	_ =	sdelay $0x1  }
0x99: {  	s20 =	simm.s32 $_scs_section_size  }
0x9a: {  	s4 =	simm.s32 $_size__tile_overlayer_lowered;
	s5 =	simm.s32 $_tile_overlayer_lowered  }
0x9b: {  	s6 =	simm.s32 $0x1BFF;
	s21 =	sshll.u32 s5, $0x1;
	s3 =	sadd.s32 s20, s19  }
0x9c: {  	s22 =	simm.s32 $0x0;
	s4 =	sshll.u32 s4, $0x1;
	s5 =	sadd.s32 s21, s3  }
0x9d: {  	[timem:s22], [sflag:s6] =	dma.local [hbm:s5], s4  }
0x9e: {  	_ =	swait.ge [sflag:s6], s4  }
0x9f: {  	s4 =	ssub.s32 $0x0, s4;
	[sflag:s6] =	ssyncset.done $0x0  }
0xa0: {  	[sflag:s6] =	ssyncadd.s32 s4;
	_ =	sdelay $0x1  }
0xa1: {  	s23 =	simm.s32 $0x1B8B  }
0xa2: {  	_ =	swait.ge [sflag:s23], $0x1  }
0xa3: {  	[sflag:s23] =	ssyncset.done $0x0  }
0xa4: {  	[sflag:s23] =	ssyncadd.s32 $0xFFFFFFFF  }
0xa5: {  	s4 =	sld [smem:$0x0]  }
0xa6: {  	s5 =	sand.u32 $0xFFFFFFFE, s1  }
0xa7: {  	p0 =	sne.s32 s1, s5  }
0xa8: {  	s5 =	sshll.u32 @p0 s5, $0xE  }
0xa9: {  	s5 =	sadd.s32 @p0 $0x11B8D, s5;
	s6 =	sshll.u32 @p0 s4, $0x11  }
0xaa: {  	s5 =	sor.u32 @p0 s6, s5  }
0xab: {  	[sflag:s5] =	ssyncadd.remote.s32 @p0 $0x1;
	_ =	sdelay $0x1  }
0xac: {  	s5 =	simm.s32 @p0 $0x1B8D  }
0xad: {  	_ =	swait.eq @p0 [sflag:s5], $0x1  }
0xae: {  	[sflag:s5] =	ssyncadd.s32 @p0 $0xFFFFFFFF  }
0xaf: {  	s6 =	sshll.u32 @!p0 s1, $0xE  }
0xb0: {  	s6 =	sor.u32 @!p0 $0x4000, s6;
	s5 =	simm.s32 @!p0 $0x1B8D  }
0xb1: {  	s4 =	sshll.u32 @!p0 s4, $0x11;
	s6 =	sadd.s32 @!p0 $0x11B8D, s6;
	_ =	swait.eq @!p0 [sflag:s5], $0x1  }
0xb2: {  	s4 =	sor.u32 @!p0 s4, s6;
	[sflag:s5] =	ssyncadd.s32 @!p0 $0xFFFFFFFF  }
0xb3: {  	s25 =	simm.s32 $0x1B8E;
	s24 =	sld [smem:$0x3FFE];
	[sflag:s4] =	ssyncadd.remote.s32 @!p0 $0x1  }
0xb4: {  	s26 =	simm.s32 $execute0_lowered;
	[smem:$0x3FD2] =	sst s25  }
0xb5: {  	s5 =	sshll.u32 s26, $0x1;
	_ =	strace $0x80000049;
	[dreg:$0x1] =	wrdreg $0xFFFFFFFF  }
0xb6: {  	s28 =	simm.s32 $_size_execute0_lowered;
	s3 =	sadd.s32 s3, s5;
	[dreg:$0x0] =	wrdreg $0x0  }
0xb7: {  	s5 =	sshll.u32 s28, $0x1;
	[dreg:$0x2] =	wrdreg s3  }
0xb8: {  	[dreg:$0x3] =	wrdreg s5  }
0xb9: {  	[dreg:$0x4] =	wrdreg $0xC0  }
0xba: {  	_ =	task [dreg:s22], $0x5FFFF  }
0xbb: {  	[dreg:$0x1] =	wrdreg $0xFFFFFFFF  }
0xbc: {  	[dreg:$0x0] =	wrdreg $0x60  }
0xbd: {  	[dreg:$0x2] =	wrdreg s24  }
0xbe: {  	[dreg:$0x3] =	wrdreg $0xA  }
0xbf: {  	_ =	task.clear_ibuf [dreg:s22], $0x4FFFF;
	_ =	strace $0x90000049  }
0xc0: {  	s29 =	simm.s32 $0xA;
	_ =	strace $0x8000004B  }
0xc1: {  	_ =	swait.ge [sflag:s29], $0x1  }
0xc2: {  	[sflag:s29] =	ssyncadd.s32 $0xFFFFFFFF  }
0xc3: {  	_ =	strace $0x9000004B  }
0xc4: {  	_ =	sfence  }
0xc5: {  	s30 =	sld [smem:$0x0];
	_ =	sdelay $0x2  }
0xc6: {  	s31 =	sshll.u32 s1, $0xD;
	s1 =	sshrl.u32 s1, $0x2  }
0xc7: {  	s4 =	sand.u32 $0x4000, s31;
	s1 =	sadd.s32 s1, s30  }
0xc8: {  	s0 =	sor.u32 s4, s0;
	s1 =	sshll.u32 s1, $0x11  }
0xc9: {  	s0 =	sor.u32 s1, s0  }
0xca: {  	s0 =	sadd.s32 $0x8F2B, s0  }
0xcb: {  	[sflag:s0] =	ssyncadd.remote.s32 $0x1  }
0xcc: {  	_ =	sfence.sel $0xFFFF  }
0xcd: {  	[dreg:$0x0] =	wrdreg $0xFFFFFFFF;
	(pc) =	sbr.abs _section_cstart, $3  }
0xce: {  	[dreg:$0x1] =	wrdreg $0xFFFFFFFF  }
0xcf: {  	_ =	task.clear_ibuf [dreg:s22], $0x2FFFF;
	_ =	strace $0x9FFFFFFF  }
0xd0: {  	(tm) =	ssettm $0x7FFFFFFF  }
0xd1: {  	_ =	shalt  }
tec
execute0_lowered:
.L_overlay_start_1:
0x0: {  	(tag) =	ssettag $0x1  }
0x1: {  	s0 =	rddreg [dreg:$0x0]  }
0x2: {  	s2 =	simm.s32 $0x0;
	s1 =	srdreg.scid;
	s4 =	stileid.u32  }
0x3: {  	s8 =	simm.s32 $0x2;
	s9 =	simm.s32 $0x3E8;
	s10 =	simm.s32 $0x80  }
0x4: {  	s29 =	simm.s32 $0x280;
	s30 =	simm.s32 $0x57D0;
	s31 =	simm.s32 $0x668  }
0x5: {  	s7 =	simm.s32 $0x67D0;
	s11 =	simm.s32 $0xE4D0;
	s12 =	simm.s32 $0x68  }
0x6: {  	s13 =	simm.s32 $0x380;
	s14 =	simm.s32 $0x77D0;
	s15 =	simm.s32 $0x768  }
0x7: {  	s16 =	simm.s32 $0xF4D0;
	s17 =	simm.s32 $0x1;
	s18 =	simm.s32 $0x101D0  }
0x8: {  	s20 =	simm.s32 $0x0;
	[smem:$0x7FF] =	sst s2;
	s1 =	sand.u32 $0x1, s1  }
0x9: {  	s3 =	sadd.s32 $0x183FE00, s0;
	s6 =	sshll.u32 s4, $0x1;
	s26 =	ssub.s32 $0x2, s1  }
0xa: {  	s4 =	sadd.s32 $0x177C800, s0;
	s1 =	sor.u32 s1, s6;
	s5 =	sshrl.u32 s26, $0x1  }
0xb: {  	_ =	strace $0x8000004A;
	s6 =	smul.u32 $0x61A8, s1;
	s2 =	ssub.s32 s26, s5  }
0xc: {  	s1 =	simm.s32 $0x6E8;
	s5 =	sadd.s32 $0x1870C00, s0;
	s28 =	smax.u32 s2, $0x1  }
0xd: {  	s0 =	simm.s32 $0xD4D0;
	s2 =	simm.s32 $0x300;
	[dreg:$0x2] =	wrdreg s28  }
.LBB2_1:
0xe: {  	[dreg:$0x3] =	wrdreg s20;
	s19 =	simm.s32 $0x0  }
.LBB2_2:
0xf: {  	s20 =	smul.u32 $0x3E8, s19;
	_ =	sdelay $0x1  }
0x10: {  	s20 =	sadd.s32 s6, s20  }
0x11: {  	s21 =	sshrl.u32 s20, $0x3  }
0x12: {  	s22 =	sadd.s32 s4, s21;
	s21 =	simm.s32 $0x0  }
0x13: {  	[tilespmem:s21], [sflag:$0x2] =	stream.linear.gather [hbm4b:s22+s21], $0x3E8, $0x38;
	[tilespmem:$0x14050] =	vst v63  }
0x14: {  	_ =	swait.ge [sflag:s8], $0x3E8  }
0x15: {  	[sflag:s8] =	ssyncset.done $0x0  }
0x16: {  	s22 =	sadd.s32 $0x186A0, s22;
	[sflag:s8] =	ssyncadd.s32 $0xFFFFFC18  }
0x17: {  	[tilespmem:s9], [sflag:$0x2] =	stream.linear.gather [hbm4b:s22+s21], $0x3E8, $0x38;
	[tilespmem:$0x14050] =	vst v63  }
0x18: {  	_ =	swait.ge [sflag:s8], $0x3E8  }
0x19: {  	[sflag:s8] =	ssyncset.done $0x0  }
0x1a: {  	s24 =	simm.s32 $0x7D0;
	[sflag:s8] =	ssyncadd.s32 $0xFFFFFC18  }
0x1b: {  	[tilespmem:s24], [sflag:$0x1] =	stream.indirect.gather [hbm4b:s3+s10], $0x20, s21, s10, $0xb8;
	[tilespmem:$0x14050] =	vst v63  }
0x1c: {  	s25 =	simm.s32 $0x84D0  }
0x1d: {  	[tilespmem:s25], [sflag:$0x1] =	stream.indirect.gather [hbm4b:s3+s10], $0x20, s9, s10, $0xb8;
	[tilespmem:$0x14050] =	vst v63  }
0x1e: {  	s26 =	simm.s32 $0x17D0  }
0x1f: {  	[tilespmem:s26], [sflag:$0x1] =	stream.indirect.gather [hbm4b:s3+s10], $0x20, s10, s10, $0xb8;
	[tilespmem:$0x14050] =	vst v63  }
0x20: {  	s28 =	simm.s32 $0x468;
	s23 =	simm.s32 $0x94D0  }
0x21: {  	[tilespmem:s23], [sflag:$0x1] =	stream.indirect.gather [hbm4b:s3+s10], $0x20, s28, s10, $0xb8;
	[tilespmem:$0x14050] =	vst v63  }
0x22: {  	s24 =	simm.s32 $0x100;
	s25 =	simm.s32 $0x27D0  }
0x23: {  	[tilespmem:s25], [sflag:$0x1] =	stream.indirect.gather [hbm4b:s3+s10], $0x20, s24, s10, $0xb8;
	[tilespmem:$0x14050] =	vst v63  }
0x24: {  	s26 =	simm.s32 $0x4E8;
	s28 =	simm.s32 $0xA4D0  }
0x25: {  	[tilespmem:s28], [sflag:$0x1] =	stream.indirect.gather [hbm4b:s3+s10], $0x20, s26, s10, $0xb8;
	[tilespmem:$0x14050] =	vst v63  }
0x26: {  	s24 =	simm.s32 $0x180;
	s25 =	simm.s32 $0x37D0  }
0x27: {  	[tilespmem:s25], [sflag:$0x1] =	stream.indirect.gather [hbm4b:s3+s10], $0x20, s24, s10, $0xb8;
	[tilespmem:$0x14050] =	vst v63  }
0x28: {  	s26 =	simm.s32 $0x568;
	s28 =	simm.s32 $0xB4D0  }
0x29: {  	[tilespmem:s28], [sflag:$0x1] =	stream.indirect.gather [hbm4b:s3+s10], $0x20, s26, s10, $0xb8;
	[tilespmem:$0x14050] =	vst v63  }
0x2a: {  	s24 =	simm.s32 $0x200;
	s25 =	simm.s32 $0x47D0  }
0x2b: {  	[tilespmem:s25], [sflag:$0x1] =	stream.indirect.gather [hbm4b:s3+s10], $0x20, s24, s10, $0xb8;
	[tilespmem:$0x14050] =	vst v63  }
0x2c: {  	s26 =	simm.s32 $0x5E8;
	s28 =	simm.s32 $0xC4D0  }
0x2d: {  	[tilespmem:s28], [sflag:$0x1] =	stream.indirect.gather [hbm4b:s3+s10], $0x20, s26, s10, $0xb8;
	[tilespmem:$0x14050] =	vst v63  }
0x2e: {  	_ = 	snop  }
0x2f: {  	[tilespmem:s30], [sflag:$0x1] =	stream.indirect.gather [hbm4b:s3+s10], $0x20, s29, s10, $0xb8;
	[tilespmem:$0x14050] =	vst v63  }
0x30: {  	_ = 	snop  }
0x31: {  	[tilespmem:s0], [sflag:$0x1] =	stream.indirect.gather [hbm4b:s3+s10], $0x20, s31, s10, $0xb8;
	[tilespmem:$0x14050] =	vst v63  }
0x32: {  	_ = 	snop  }
0x33: {  	[tilespmem:s7], [sflag:$0x1] =	stream.indirect.gather [hbm4b:s3+s10], $0x20, s2, s10, $0xb8;
	[tilespmem:$0x14050] =	vst v63  }
0x34: {  	_ = 	snop  }
0x35: {  	[tilespmem:s11], [sflag:$0x1] =	stream.indirect.gather [hbm4b:s3+s10], $0x20, s1, s10, $0xb8;
	[tilespmem:$0x14050] =	vst v63  }
0x36: {  	_ = 	snop  }
0x37: {  	[tilespmem:s14], [sflag:$0x1] =	stream.indirect.gather [hbm4b:s3+s12], $0x20, s13, s12, $0xb8;
	[tilespmem:$0x14050] =	vst v63  }
0x38: {  	_ = 	snop  }
0x39: {  	[tilespmem:s16], [sflag:$0x1] =	stream.indirect.gather [hbm4b:s3+s12], $0x20, s15, s12, $0xb8;
	[tilespmem:$0x14050] =	vst v63  }
0x3a: {  	_ =	swait.ge [sflag:s17], $0x1000  }
0x3b: {  	[sflag:s17] =	ssyncset.done $0x0  }
0x3c: {  	[sflag:s17] =	ssyncadd.s32 $0xFFFFF000  }
0x3d: {  	_ =	swait.ge [sflag:s17], $0x1000  }
0x3e: {  	[sflag:s17] =	ssyncset.done $0x0  }
0x3f: {  	[sflag:s17] =	ssyncadd.s32 $0xFFFFF000  }
0x40: {  	_ =	swait.ge [sflag:s17], $0x1000  }
0x41: {  	[sflag:s17] =	ssyncset.done $0x0  }
0x42: {  	[sflag:s17] =	ssyncadd.s32 $0xFFFFF000  }
0x43: {  	_ =	swait.ge [sflag:s17], $0x1000  }
0x44: {  	[sflag:s17] =	ssyncset.done $0x0  }
0x45: {  	[sflag:s17] =	ssyncadd.s32 $0xFFFFF000  }
0x46: {  	_ =	swait.ge [sflag:s17], $0x1000  }
0x47: {  	[sflag:s17] =	ssyncset.done $0x0  }
0x48: {  	[sflag:s17] =	ssyncadd.s32 $0xFFFFF000  }
0x49: {  	_ =	swait.ge [sflag:s17], $0x1000  }
0x4a: {  	[sflag:s17] =	ssyncset.done $0x0  }
0x4b: {  	[sflag:s17] =	ssyncadd.s32 $0xFFFFF000  }
0x4c: {  	_ =	swait.ge [sflag:s17], $0x1000  }
0x4d: {  	[sflag:s17] =	ssyncset.done $0x0  }
0x4e: {  	[sflag:s17] =	ssyncadd.s32 $0xFFFFF000  }
0x4f: {  	_ =	swait.ge [sflag:s17], $0x1000  }
0x50: {  	[sflag:s17] =	ssyncset.done $0x0  }
0x51: {  	[sflag:s17] =	ssyncadd.s32 $0xFFFFF000  }
0x52: {  	_ =	swait.ge [sflag:s17], $0x1000  }
0x53: {  	[sflag:s17] =	ssyncset.done $0x0  }
0x54: {  	[sflag:s17] =	ssyncadd.s32 $0xFFFFF000  }
0x55: {  	_ =	swait.ge [sflag:s17], $0x1000  }
0x56: {  	[sflag:s17] =	ssyncset.done $0x0  }
0x57: {  	[sflag:s17] =	ssyncadd.s32 $0xFFFFF000  }
0x58: {  	_ =	swait.ge [sflag:s17], $0x1000  }
0x59: {  	[sflag:s17] =	ssyncset.done $0x0  }
0x5a: {  	[sflag:s17] =	ssyncadd.s32 $0xFFFFF000  }
0x5b: {  	_ =	swait.ge [sflag:s17], $0x1000  }
0x5c: {  	[sflag:s17] =	ssyncset.done $0x0  }
0x5d: {  	[sflag:s17] =	ssyncadd.s32 $0xFFFFF000  }
0x5e: {  	_ =	swait.ge [sflag:s17], $0x1000  }
0x5f: {  	[sflag:s17] =	ssyncset.done $0x0  }
0x60: {  	[sflag:s17] =	ssyncadd.s32 $0xFFFFF000  }
0x61: {  	_ =	swait.ge [sflag:s17], $0x1000  }
0x62: {  	[sflag:s17] =	ssyncset.done $0x0  }
0x63: {  	[sflag:s17] =	ssyncadd.s32 $0xFFFFF000  }
0x64: {  	_ =	swait.ge [sflag:s17], $0xD00  }
0x65: {  	[sflag:s17] =	ssyncset.done $0x0  }
0x66: {  	[sflag:s17] =	ssyncadd.s32 $0xFFFFF300  }
0x67: {  	_ =	swait.ge [sflag:s17], $0xD00  }
0x68: {  	[sflag:s17] =	ssyncset.done $0x0  }
0x69: {  	s24 =	simm.s32 $0x84E0;
	[sflag:s17] =	ssyncadd.s32 $0xFFFFF300  }
0x6a: {  	s25 =	simm.s32 $0x7E0;
	v0 =	vld [tilespmem:s24+$0x0]  }
0x6b: {  	v1 =	vld [tilespmem:s25+$0xFFFFFFF0]  }
0x6c: {  	v2 =	vld [tilespmem:s24+$0xFFFFFFF0]  }
0x6d: {  	v3 =	vld [tilespmem:s25+$0x0];
	_ =	sdelay $0x3  }
0x6e: {  	v0 =	vadd.f32 v0, v1  }
0x6f: {  	v1 =	vadd.f32 v3, v2  }
0x70: {  	v0 =	vadd.f32 v0, v0  }
0x71: {  	v1 =	vadd.f32 v1, v1  }
0x72: {  	v0 =	vmul.f32 $1.442695020e+00, v0  }
0x73: {  	v1 =	vmul.f32 $1.442695020e+00, v1  }
0x74: {  	(erf) = vpow2.f32 v0  }
0x75: {  	(erf) = vpow2.f32 v1;
	_ =	sdelay $0x7  }
0x76: {  	v0 =	vpop (erf)  }
0x77: {  	v0 =	vadd.f32 $1.000000000e+00, v0;
	v1 =	vpop (erf)  }
0x78: {  	v1 =	vadd.f32 $1.000000000e+00, v1  }
0x79: {  	(erf) = vrcp.f32 v0  }
0x7a: {  	(erf) = vrcp.f32 v1;
	_ =	sdelay $0x7  }
0x7b: {  	v0 =	vpop (erf)  }
0x7c: {  	v1 =	vpop (erf)  }
0x7d: {  	v0 =	vadd.f32 v0, v0;
	v1 =	vadd.f32 v1, v1;
	_ =	sdelay $0x1  }
0x7e: {  	v0 =	vsub.f32 $1.000000000e+00, v0;
	v1 =	vsub.f32 $1.000000000e+00, v1  }
0x7f: {  	s26 =	sand.u32 $0xFE00, s21  }
0x80: {  	s28 =	sand.u32 $0x70, s21;
	s22 =	sshrl.u32 s26, $0x2;
	v0 =	vadd.f32 v1, v0  }
0x81: {  	s22 =	sor.u32 s28, s22  }
0x82: {  	s23 =	simm.s32 $0x8500;
	[tilespmem:s22+$0x101D0] =	vst v0  }
0x83: {  	s24 =	simm.s32 $0x800;
	v0 =	vld [tilespmem:s23+$0x0]  }
0x84: {  	v1 =	vld [tilespmem:s24+$0xFFFFFFF0]  }
0x85: {  	v2 =	vld [tilespmem:s23+$0xFFFFFFF0]  }
0x86: {  	s25 =	simm.s32 $0x80;
	s22 =	simm.s32 $0x40;
	v3 =	vld [tilespmem:s24+$0x0]  }
.LBB2_3:
0x87: {  	p0 =	sne.s32 s25, $0xF9C0;
	_ =	sdelay $0x2  }
0x88: {  	v0 =	vadd.f32 v0, v1  }
0x89: {  	v1 =	vadd.f32 v3, v2  }
0x8a: {  	v0 =	vadd.f32 v0, v0  }
0x8b: {  	v1 =	vadd.f32 v1, v1  }
0x8c: {  	v0 =	vmul.f32 $1.442695020e+00, v0  }
0x8d: {  	v1 =	vmul.f32 $1.442695020e+00, v1  }
0x8e: {  	(erf) = vpow2.f32 v0  }
0x8f: {  	(erf) = vpow2.f32 v1;
	_ =	sdelay $0x7  }
0x90: {  	v0 =	vpop (erf)  }
0x91: {  	v0 =	vadd.f32 $1.000000000e+00, v0;
	v1 =	vpop (erf)  }
0x92: {  	v1 =	vadd.f32 $1.000000000e+00, v1  }
0x93: {  	(erf) = vrcp.f32 v0  }
0x94: {  	(erf) = vrcp.f32 v1;
	_ =	sdelay $0x7  }
0x95: {  	v0 =	vpop (erf)  }
0x96: {  	v1 =	vpop (erf)  }
0x97: {  	v0 =	vadd.f32 v0, v0;
	v1 =	vadd.f32 v1, v1;
	_ =	sdelay $0x1  }
0x98: {  	v0 =	vsub.f32 $1.000000000e+00, v0;
	v1 =	vsub.f32 $1.000000000e+00, v1  }
0x99: {  	s26 =	sand.u32 $0xFE00, s22;
	s21 =	sadd.s32 $0x10, s21;
	s22 =	smov.u32 s25  }
0x9a: {  	s28 =	sand.u32 $0x70, s21;
	s26 =	sshrl.u32 s26, $0x2;
	v0 =	vadd.f32 v1, v0  }
0x9b: {  	s26 =	sor.u32 s28, s26  }
.Ltmp0:
0x9c: {  	s23 =	sadd.s32 $0x20, s23;
	[tilespmem:s26+$0x101D0] =	vst v0;
	(pc) =	sbr.rel @p0 .LBB2_3-.Ltmp0, $4  }
0x9d: {  	s24 =	sadd.s32 $0x20, s24;
	v0 =	vld [tilespmem:s23+$0x0]  }
0x9e: {  	v1 =	vld [tilespmem:s24+$0xFFFFFFF0]  }
0x9f: {  	v2 =	vld [tilespmem:s23+$0xFFFFFFF0]  }
0xa0: {  	s25 =	sadd.s32 $0x40, s25;
	v3 =	vld [tilespmem:s24+$0x0]  }
0xa1: {  	_ =	sdelay $0x2  }
0xa2: {  	v0 =	vadd.f32 v0, v1  }
0xa3: {  	v63 =	vadd.f32 v3, v2  }
0xa4: {  	v0 =	vadd.f32 v0, v0  }
0xa5: {  	v1 =	vadd.f32 v63, v63  }
0xa6: {  	v0 =	vmul.f32 $1.442695020e+00, v0  }
0xa7: {  	v1 =	vmul.f32 $1.442695020e+00, v1  }
0xa8: {  	(erf) = vpow2.f32 v0  }
0xa9: {  	(erf) = vpow2.f32 v1;
	_ =	sdelay $0x7  }
0xaa: {  	v0 =	vpop (erf)  }
0xab: {  	v0 =	vadd.f32 $1.000000000e+00, v0;
	v1 =	vpop (erf)  }
0xac: {  	v1 =	vadd.f32 $1.000000000e+00, v1  }
0xad: {  	(erf) = vrcp.f32 v0  }
0xae: {  	(erf) = vrcp.f32 v1;
	_ =	sdelay $0x7  }
0xaf: {  	v0 =	vpop (erf)  }
0xb0: {  	v1 =	vpop (erf)  }
0xb1: {  	v0 =	vadd.f32 v0, v0;
	v1 =	vadd.f32 v1, v1;
	_ =	sdelay $0x1  }
0xb2: {  	v0 =	vsub.f32 $1.000000000e+00, v0;
	v1 =	vsub.f32 $1.000000000e+00, v1  }
0xb3: {  	s22 =	sand.u32 $0xFE00, s22;
	s21 =	sadd.s32 $0x10, s21  }
0xb4: {  	s19 =	sadd.s32 $0x1, s19;
	s21 =	sand.u32 $0x70, s21;
	s22 =	sshrl.u32 s22, $0x2;
	v0 =	vadd.f32 v1, v0  }
0xb5: {  	s20 =	sshll.u32 s20, $0x1;
	p0 =	sne.s32 s19, $0x19;
	s21 =	sor.u32 s21, s22  }
.Ltmp1:
0xb6: {  	s28 =	simm.s32 $0x0;
	s20 =	sadd.s32 s5, s20;
	[tilespmem:s21+$0x101D0] =	vst v0;
	(pc) =	sbr.rel @p0 .LBB2_2-.Ltmp1, $4  }
0xb7: {  	[hbm4b:s20+s28] =	stream.linear.scatter [tilespmem:s18], [sflag:$0x2], $0x3E80, $0x38;
	[tilespmem:$0x14050] =	vst v63  }
0xb8: {  	_ =	swait.ge [sflag:s8], $0x3E80  }
0xb9: {  	[sflag:s8] =	ssyncset.done $0x0  }
0xba: {  	[sflag:s8] =	ssyncadd.s32 $0xFFFFC180  }
0xbb: {  	s20 =	rddreg [dreg:$0x3]  }
0xbc: {  	s19 =	rddreg [dreg:$0x2];
	s20 =	sadd.s32 $0x1, s20  }
0xbd: {  	p0 =	sne.s32 s20, s19  }
.Ltmp2:
0xbe: {  	_ = 	snop;
	(pc) =	sbr.rel @p0 .LBB2_1-.Ltmp2, $1  }
0xbf: {  	_ =	sdelay $0x3  }
0xc0: {  	_ =	sfence.sel $0x180000  }
0xc1: {  	[bflag:$0x0] =	sbarrier.arrive $0xFFFF  }
0xc2: {  	_ =	strace $0x9000004A  }
0xc3: {  	s0 =	stileid.u32;
	[bflag:$0x2] =	sbarrier.arrive $0xFFFF  }
0xc4: {  	p0 =	sne.s32 s0, $0x0;
	s0 =	rddreg [dreg:$0x1]  }
0xc5: {  	s0 =	sadd.s32 @!p0 $0x100000, s0  }
0xc6: {  	[sflag:s0] =	ssyncadd.tile.s32 @!p0 $0x1;
	_ =	shalt  }
.Lfunc_end2:
_tile_overlayer_lowered:
.L_overlay_start_2:
0xc7: {  	(tag) =	ssettag $0x2  }
0xc8: {  	s0 =	rddreg [dreg:$0x0];
	s2 =	stileid.u32  }
0xc9: {  	s1 =	rddreg [dreg:$0x1];
	p0 =	sne.s32 s2, $0x0  }
0xca: {  	s3 =	rddreg [dreg:$0x2];
	[bflag:$0x3] =	sbarrier.arrive $0xFFFF;
	s2 =	simm.s32 @!p0 $0x1C02  }
0xcb: {  	[timem:s3], [sflag:s2] =	dma.local @!p0 [hbm:s0], s1  }
0xcc: {  	s0 =	simm.s32 @!p0 $0x2  }
0xcd: {  	_ =	swait.ge @!p0 [sflag:s0], s1  }
0xce: {  	s1 =	ssub.s32 @!p0 $0x0, s1;
	[sflag:s0] =	ssyncset.done @!p0 $0x0  }
0xcf: {  	[sflag:s0] =	ssyncadd.s32 @!p0 s1  }
0xd0: {  	[bflag:$0x3] =	sbarrier.arrive $0xFFFF  }
0xd1: {  	_ =	shalt  }

// kernel: kernel.16.cloned.1.call-start
scs
__scs_entry_jumppad:
0x0: {  	(pc) =	sbr.rel $0x88, $3  }
0x1: {  	(tag) =	ssettag $0x0;
	lr =	simm.s32 $0x1  }
0x2: {  	[smem:$0x3F85] =	sst lr;
	_ =	strace $0xD0000000  }
0x3: {  	_ = 	snop  }
0x4: {  	_ = 	snop  }
0x5: {  	_ = 	snop  }
0x6: {  	_ = 	snop  }
0x7: {  	_ = 	snop  }
__scs_overlays_trampoline_lowered:
0x8: {  	[smem:$0x3F94] =	sst s0  }
0x9: {  	[smem:$0x3F95] =	sst s1  }
0xa: {  	[smem:$0x3F96] =	sst s2  }
0xb: {  	[smem:$0x3F97] =	sst s3  }
0xc: {  	[smem:$0x3F98] =	sst s4  }
0xd: {  	[smem:$0x3F99] =	sst s5  }
0xe: {  	[smem:$0x3F9A] =	sst s6  }
0xf: {  	[smem:$0x3F9B] =	sst s7  }
0x10: {  	[smem:$0x3F9C] =	sst s8  }
0x11: {  	[smem:$0x3F9D] =	sst s9;
	s0 =	simm.s32 @!p0 $0x0  }
0x12: {  	s1 =	sld [smem:$0x3F83];
	s0 =	simm.s32 @p0 $0x1  }
0x13: {  	[smem:$0x3F9E] =	sst s0;
	s0 =	simm.s32 @!p1 $0x0  }
0x14: {  	s2 =	sld [smem:$0x3F82];
	s0 =	simm.s32 @p1 $0x1  }
0x15: {  	[smem:$0x3F9F] =	sst s0;
	s0 =	simm.s32 @!p2 $0x0  }
0x16: {  	s3 =	sld [smem:$0x3FDB];
	s0 =	simm.s32 @p2 $0x1  }
0x17: {  	s4 =	simm.s32 $0x1BF5;
	[smem:$0x3FA1] =	sst s0  }
0x18: {  	s0 =	sld [smem:$0x3F84];
	_ =	swait.ge [sflag:s4], $0x0  }
0x19: {  	s7 =	sld [smem:$0x3F85]  }
0x1a: {  	s8 =	sadd.s32 $0xFFFFE003, lr  }
0x1b: {  	s9 =	sadd.s32 $0xFFFFFEF7, lr;
	s5 =	simm.s32 $0xFFFFFFFF;
	p2 =	slt.u32 s8, $0xFFFFF086  }
0x1c: {  	p1 =	slt.u32 s9, $0xF7A;
	s5 =	simm.s32 @!p2 $0x0  }
0x1d: {  	s5 =	simm.s32 @p1 $0x1;
	p0 =	seq.s32 s7, s2  }
0x1e: {  	s7 =	smul.u32 @!p0 $0xF7A, s2;
	p2 =	seq.s32 @!p0 s5, $0x0  }
0x1f: {  	s9 =	smul.u32 $0xF7A, s1;
	s8 =	simm.s32 @!p0 $0x1BF5;
	p2 =	por !p2, p0  }
0x20: {  	[sflag:s8] =	ssyncset.s32 @!p0 $0xFFFFF086;
	s6 =	sadd.s32 @!p0 s3, s7;
	s7 =	simm.s32 @!p0 $0x108  }
0x21: {  	s3 =	sadd.s32 s3, s9;
	s6 =	sadd.s32 @!p0 $0x88, s6;
	s7 =	simm.s32 @p2 $0x1082  }
0x22: {  	[simem:s7], [sflag:s8] =	dma.local @!p0 [hbm:s6], $0xF7A  }
0x23: {  	s9 =	sor.u32 $0xD0000000, s2;
	s6 =	simm.s32 $0x108;
	_ =	swait.ge @!p0 [sflag:s8], $0x0  }
0x24: {  	s3 =	sadd.s32 $0x88, s3;
	s6 =	simm.s32 @!p1 $0x1082;
	[sflag:s4] =	ssyncset.s32 $0xFFFFF086  }
0x25: {  	[simem:s6], [sflag:s4] =	dma.local [hbm:s3], $0xF7A  }
0x26: {  	[smem:$0x3F85] =	sst s1;
	(tag) =	ssettag s2;
	_ =	strace s9  }
0x27: {  	s1 =	sld [smem:$0x3F95]  }
0x28: {  	s2 =	sld [smem:$0x3F96]  }
0x29: {  	s4 =	sld [smem:$0x3F98]  }
0x2a: {  	p0 =	seq.s32 s5, $0x0;
	s5 =	sld [smem:$0x3F99]  }
0x2b: {  	s6 =	sld [smem:$0x3F9A]  }
0x2c: {  	s7 =	sld [smem:$0x3F9B]  }
0x2d: {  	s3 =	simm.s32 $0x108;
	s8 =	sld [smem:$0x3F9C]  }
0x2e: {  	s3 =	simm.s32 @!p0 $0x1082;
	s9 =	sld [smem:$0x3F9D]  }
0x2f: {  	lr =	sadd.s32 s0, s3;
	s0 =	sld [smem:$0x3F94]  }
0x30: {  	s3 =	sld [smem:$0x3F97]  }
0x31: {  	[smem:$0x3FA0] =	sst s10  }
0x32: {  	s10 =	sld [smem:$0x3F9E];
	_ =	sdelay $0x3  }
0x33: {  	p0 =	seq.s32 s10, $0x1;
	s10 =	sld [smem:$0x3FA0];
	_ =	sdelay $0x3  }
0x34: {  	[smem:$0x3FA0] =	sst s10  }
0x35: {  	s10 =	sld [smem:$0x3F9F];
	_ =	sdelay $0x3  }
0x36: {  	p1 =	seq.s32 s10, $0x1;
	s10 =	sld [smem:$0x3FA0];
	_ =	sdelay $0x3  }
0x37: {  	[smem:$0x3FA0] =	sst s10  }
0x38: {  	s10 =	sld [smem:$0x3FA1]  }
0x39: {  	_ = 	snop;
	(pc) =	sbr.ind lr, $3  }
0x3a: {  	_ = 	snop  }
0x3b: {  	_ = 	snop  }
0x3c: {  	p2 =	seq.s32 s10, $0x1;
	s10 =	sld [smem:$0x3FA0]  }
0x3d: {  	_ =	shalt  }
0x3e: {  	_ =	shalt  }
0x3f: {  	_ =	shalt  }
0x40: {  	_ =	shalt  }
0x41: {  	_ =	shalt  }
0x42: {  	_ =	shalt  }
0x43: {  	_ =	shalt  }
0x44: {  	_ =	shalt  }
0x45: {  	_ =	shalt  }
0x46: {  	_ =	shalt  }
0x47: {  	_ =	shalt  }
0x48: {  	_ =	shalt  }
0x49: {  	_ =	shalt  }
0x4a: {  	_ =	shalt  }
0x4b: {  	_ =	shalt  }
0x4c: {  	_ =	shalt  }
0x4d: {  	_ =	shalt  }
0x4e: {  	_ =	shalt  }
0x4f: {  	_ =	shalt  }
0x50: {  	_ =	shalt  }
0x51: {  	_ =	shalt  }
0x52: {  	_ =	shalt  }
0x53: {  	_ =	shalt  }
0x54: {  	_ =	shalt  }
0x55: {  	_ =	shalt  }
0x56: {  	_ =	shalt  }
0x57: {  	_ =	shalt  }
0x58: {  	_ =	shalt  }
0x59: {  	_ =	shalt  }
0x5a: {  	_ =	shalt  }
0x5b: {  	_ =	shalt  }
0x5c: {  	_ =	shalt  }
0x5d: {  	_ =	shalt  }
0x5e: {  	_ =	shalt  }
0x5f: {  	_ =	shalt  }
0x60: {  	_ =	shalt  }
0x61: {  	_ =	shalt  }
0x62: {  	_ =	shalt  }
0x63: {  	_ =	shalt  }
0x64: {  	_ =	shalt  }
0x65: {  	_ =	shalt  }
0x66: {  	_ =	shalt  }
0x67: {  	_ =	shalt  }
0x68: {  	_ =	shalt  }
0x69: {  	_ =	shalt  }
0x6a: {  	_ =	shalt  }
0x6b: {  	_ =	shalt  }
0x6c: {  	_ =	shalt  }
0x6d: {  	_ =	shalt  }
0x6e: {  	_ =	shalt  }
0x6f: {  	_ =	shalt  }
0x70: {  	_ =	shalt  }
0x71: {  	_ =	shalt  }
0x72: {  	_ =	shalt  }
0x73: {  	_ =	shalt  }
0x74: {  	_ =	shalt  }
0x75: {  	_ =	shalt  }
0x76: {  	_ =	shalt  }
0x77: {  	_ =	shalt  }
0x78: {  	_ =	shalt  }
0x79: {  	_ =	shalt  }
0x7a: {  	_ =	shalt  }
0x7b: {  	_ =	shalt  }
0x7c: {  	_ =	shalt  }
0x7d: {  	_ =	shalt  }
0x7e: {  	_ =	shalt  }
0x7f: {  	_ =	shalt  }
0x80: {  	_ =	shalt  }
0x81: {  	_ =	shalt  }
0x82: {  	_ =	shalt  }
0x83: {  	_ =	shalt  }
0x84: {  	_ =	shalt  }
0x85: {  	_ =	shalt  }
0x86: {  	_ =	shalt  }
0x87: {  	_ =	shalt  }
.Lfunc_end0:
.L_simem_size_0:
called_computation.3_lowered:
.L_overlay_start_0:
0x88: {  	s2 =	sld [smem:$0x3FD9]  }
0x89: {  	s3 =	sld [smem:$0x3FFE];
	_ =	sdelay $0x1  }
0x8a: {  	s1 =	srdreg.scid  }
0x8b: {  	s0 =	sand.u32 $0x1, s1  }
0x8c: {  	s17 =	sshll.u32 s0, $0xA;
	s2 =	sadd.s32 s3, s2  }
0x8d: {  	s2 =	sadd.s32 s2, s17  }
0x8e: {  	[smem:$0x3FAC] =	sst s2  }
0x8f: {  	_ = 	snop  }
0x90: {  	(tm) =	ssettm $0x1  }
0x91: {  	s18 =	sld [smem:$0x3FFB];
	_ =	sdelay $0x3  }
0x92: {  	_ =	strace s18  }
0x93: {  	s2 =	sld [smem:$0x3FFC];
	_ =	sdelay $0x3  }
0x94: {  	_ =	strace s2  }
0x95: {  	s2 =	sld [smem:$0x3FFD];
	_ =	sdelay $0x3  }
0x96: {  	_ =	strace s2  }
0x97: {  	_ =	strace $0x8FFFFFFF  }
0x98: {  	s19 =	sld [smem:$0x3FDB];
	_ =	sdelay $0x1  }
0x99: {  	s20 =	simm.s32 $_scs_section_size  }
0x9a: {  	s4 =	simm.s32 $_size__tile_overlayer_lowered;
	s5 =	simm.s32 $_tile_overlayer_lowered  }
0x9b: {  	s6 =	simm.s32 $0x1BFF;
	s21 =	sshll.u32 s5, $0x1;
	s3 =	sadd.s32 s20, s19  }
0x9c: {  	s22 =	simm.s32 $0x0;
	s4 =	sshll.u32 s4, $0x1;
	s5 =	sadd.s32 s21, s3  }
0x9d: {  	[timem:s22], [sflag:s6] =	dma.local [hbm:s5], s4  }
0x9e: {  	_ =	swait.ge [sflag:s6], s4  }
0x9f: {  	s4 =	ssub.s32 $0x0, s4;
	[sflag:s6] =	ssyncset.done $0x0  }
0xa0: {  	[sflag:s6] =	ssyncadd.s32 s4;
	_ =	sdelay $0x1  }
0xa1: {  	s23 =	simm.s32 $0x1B8B  }
0xa2: {  	_ =	swait.ge [sflag:s23], $0x1  }
0xa3: {  	[sflag:s23] =	ssyncset.done $0x0  }
0xa4: {  	[sflag:s23] =	ssyncadd.s32 $0xFFFFFFFF  }
0xa5: {  	s4 =	sld [smem:$0x0]  }
0xa6: {  	s5 =	sand.u32 $0xFFFFFFFE, s1  }
0xa7: {  	p0 =	sne.s32 s1, s5  }
0xa8: {  	s5 =	sshll.u32 @p0 s5, $0xE  }
0xa9: {  	s5 =	sadd.s32 @p0 $0x11B8D, s5;
	s6 =	sshll.u32 @p0 s4, $0x11  }
0xaa: {  	s5 =	sor.u32 @p0 s6, s5  }
0xab: {  	[sflag:s5] =	ssyncadd.remote.s32 @p0 $0x1;
	_ =	sdelay $0x1  }
0xac: {  	s5 =	simm.s32 @p0 $0x1B8D  }
0xad: {  	_ =	swait.eq @p0 [sflag:s5], $0x1  }
0xae: {  	[sflag:s5] =	ssyncadd.s32 @p0 $0xFFFFFFFF  }
0xaf: {  	s6 =	sshll.u32 @!p0 s1, $0xE  }
0xb0: {  	s6 =	sor.u32 @!p0 $0x4000, s6;
	s5 =	simm.s32 @!p0 $0x1B8D  }
0xb1: {  	s4 =	sshll.u32 @!p0 s4, $0x11;
	s6 =	sadd.s32 @!p0 $0x11B8D, s6;
	_ =	swait.eq @!p0 [sflag:s5], $0x1  }
0xb2: {  	s4 =	sor.u32 @!p0 s4, s6;
	[sflag:s5] =	ssyncadd.s32 @!p0 $0xFFFFFFFF  }
0xb3: {  	s25 =	simm.s32 $0x1B8E;
	s24 =	sld [smem:$0x3FFE];
	[sflag:s4] =	ssyncadd.remote.s32 @!p0 $0x1  }
0xb4: {  	s26 =	simm.s32 $execute0_lowered;
	[smem:$0x3FD2] =	sst s25  }
0xb5: {  	s5 =	sshll.u32 s26, $0x1;
	_ =	strace $0x8000004F;
	[dreg:$0x1] =	wrdreg $0xFFFFFFFF  }
0xb6: {  	s28 =	simm.s32 $_size_execute0_lowered;
	s3 =	sadd.s32 s3, s5;
	[dreg:$0x0] =	wrdreg $0x0  }
0xb7: {  	s5 =	sshll.u32 s28, $0x1;
	[dreg:$0x2] =	wrdreg s3  }
0xb8: {  	[dreg:$0x3] =	wrdreg s5  }
0xb9: {  	[dreg:$0x4] =	wrdreg $0xC0  }
0xba: {  	_ =	task [dreg:s22], $0x5FFFF  }
0xbb: {  	[dreg:$0x1] =	wrdreg $0xFFFFFFFF  }
0xbc: {  	[dreg:$0x0] =	wrdreg $0x60  }
0xbd: {  	[dreg:$0x2] =	wrdreg s24  }
0xbe: {  	[dreg:$0x3] =	wrdreg $0xBF800  }
0xbf: {  	[dreg:$0x4] =	wrdreg $0xA  }
0xc0: {  	_ =	task.clear_ibuf [dreg:s22], $0x5FFFF;
	_ =	strace $0x9000004F  }
0xc1: {  	s29 =	simm.s32 $0xA;
	_ =	strace $0x80000051  }
0xc2: {  	_ =	swait.ge [sflag:s29], $0x1  }
0xc3: {  	[sflag:s29] =	ssyncadd.s32 $0xFFFFFFFF  }
0xc4: {  	_ =	strace $0x90000051  }
0xc5: {  	_ =	sfence  }
0xc6: {  	s30 =	sld [smem:$0x0];
	_ =	sdelay $0x2  }
0xc7: {  	s31 =	sshll.u32 s1, $0xD;
	s1 =	sshrl.u32 s1, $0x2  }
0xc8: {  	s4 =	sand.u32 $0x4000, s31;
	s1 =	sadd.s32 s1, s30  }
0xc9: {  	s0 =	sor.u32 s4, s0;
	s1 =	sshll.u32 s1, $0x11  }
0xca: {  	s0 =	sor.u32 s1, s0  }
0xcb: {  	s0 =	sadd.s32 $0x8F2B, s0  }
0xcc: {  	[sflag:s0] =	ssyncadd.remote.s32 $0x1  }
0xcd: {  	_ =	sfence.sel $0xFFFF  }
0xce: {  	[dreg:$0x0] =	wrdreg $0xFFFFFFFF;
	(pc) =	sbr.abs _section_cstart, $3  }
0xcf: {  	[dreg:$0x1] =	wrdreg $0xFFFFFFFF  }
0xd0: {  	_ =	task.clear_ibuf [dreg:s22], $0x2FFFF;
	_ =	strace $0x9FFFFFFF  }
0xd1: {  	(tm) =	ssettm $0x7FFFFFFF  }
tec
execute0_lowered:
.L_overlay_start_1:
0x0: {  	(tag) =	ssettag $0x1  }
0x1: {  	s0 =	rddreg [dreg:$0x0]  }
0x2: {  	s1 =	rddreg [dreg:$0x1]  }
0x3: {  	s2 =	simm.s32 $0x0;
	s3 =	srdreg.scid;
	s15 =	stileid.u32  }
0x4: {  	s28 =	simm.s32 $0x100;
	s29 =	simm.s32 $0x5220;
	s24 =	smul.u32 $0xFA00, s15  }
0x5: {  	s30 =	simm.s32 $0x180;
	s8 =	sor.u32 $0x10, s15;
	s26 =	smul.u32 $0x3E80, s15  }
0x6: {  	s31 =	simm.s32 $0x59F0;
	s11 =	sor.u32 $0x20, s15;
	s10 =	smul.u32 $0xFA00, s8  }
0x7: {  	s3 =	sand.u32 $0x1, s3;
	s13 =	sor.u32 $0x30, s15;
	s12 =	smul.u32 $0xFA00, s11  }
0x8: {  	s4 =	sadd.s32 $0x49A200, s0;
	s9 =	sshll.u32 s15, $0x1;
	s14 =	smul.u32 $0xFA00, s13  }
0x9: {  	s6 =	ssub.s32 $0x2, s3;
	s9 =	sor.u32 s3, s9;
	s3 =	smul.u32 $0xC3500, s3  }
0xa: {  	[smem:$0x7FF] =	sst s2;
	s5 =	sadd.s32 $0x17AD600, s0;
	s8 =	smul.u32 $0x3E80, s8  }
0xb: {  	s0 =	sadd.s32 $0x177C800, s0;
	p0 =	sgt.u32 s15, $0x1;
	s11 =	smul.u32 $0x3E80, s11  }
0xc: {  	_ =	strace $0x80000050;
	s22 =	smul.u32 $0x3E80, s13;
	s7 =	sshrl.u32 s6, $0x1  }
0xd: {  	s13 =	simm.s32 $0x1;
	s19 =	sadd.s32 s26, s1;
	s6 =	ssub.s32 s6, s7  }
0xe: {  	s7 =	sshrl.u32 s24, $0x2;
	s10 =	sshrl.u32 s10, $0x2;
	s16 =	sshrl.u32 s12, $0x2  }
0xf: {  	s17 =	sshrl.u32 s14, $0x2;
	[dreg:$0x7] =	wrdreg s19;
	s20 =	sadd.s32 s3, s8  }
0x10: {  	s8 =	sadd.s32 s8, s1;
	s23 =	sadd.s32 s3, s11;
	s24 =	sadd.s32 s11, s1  }
0x11: {  	s11 =	simm.s32 $0x380;
	s12 =	simm.s32 $0x7930;
	[dreg:$0x9] =	wrdreg s8  }
0x12: {  	s14 =	simm.s32 $0x0;
	s7 =	sadd.s32 s7, s1;
	[dreg:$0xb] =	wrdreg s24  }
0x13: {  	s25 =	sadd.s32 s10, s1;
	s10 =	sadd.s32 s16, s1;
	[dreg:$0x3] =	wrdreg s7  }
0x14: {  	s18 =	sadd.s32 s17, s1;
	s21 =	sshrl.u32 s20, $0x3;
	[dreg:$0x4] =	wrdreg s25  }
0x15: {  	s20 =	simm.s32 $0x8100;
	s24 =	simm.s32 $0x4280;
	[dreg:$0x5] =	wrdreg s10  }
0x16: {  	s8 =	simm.s32 $0x300;
	[dreg:$0x6] =	wrdreg s18;
	s10 =	smul.u32 $0x61A8, s9  }
0x17: {  	s7 =	sadd.s32 s26, s3;
	s3 =	sadd.s32 s3, s22;
	s25 =	sadd.s32 s22, s1  }
0x18: {  	s26 =	smax.u32 s6, $0x1;
	s22 =	simm.s32 $0x400;
	s6 =	simm.s32 $0x280  }
0x19: {  	s9 =	simm.s32 $0x7160;
	s7 =	sshrl.u32 s7, $0x3;
	[dreg:$0xd] =	wrdreg s25  }
0x1a: {  	s3 =	sshrl.u32 s3, $0x3;
	[dreg:$0xf] =	wrdreg s26;
	s7 =	sadd.s32 s0, s7  }
0x1b: {  	s25 =	simm.s32 $0x80;
	[dreg:$0x8] =	wrdreg s7;
	s7 =	sadd.s32 s0, s21  }
0x1c: {  	s26 =	simm.s32 $0x4A50;
	[dreg:$0xa] =	wrdreg s7;
	s7 =	sshrl.u32 s23, $0x3  }
0x1d: {  	s21 =	simm.s32 $0x2;
	s23 =	simm.s32 $0x7D;
	s7 =	sadd.s32 s0, s7  }
0x1e: {  	s0 =	sadd.s32 s0, s3;
	s3 =	simm.s32 $0x61C0;
	[dreg:$0xc] =	wrdreg s7  }
0x1f: {  	v0 =	vimm.f32 $0.0e+00;
	[dreg:$0xe] =	wrdreg s0;
	s0 =	simm.s32 $0x200;
	s7 =	simm.s32 $0x6990  }
.LBB2_1:
0x20: {  	s15 =	simm.s32 $0x40;
	s16 =	simm.s32 $0x0  }
.LBB2_2:
0x21: {  	p1 =	sne.s32 s15, $0xF9C0;
	[tilespmem:s16+$0x8100] =	vst v0;
	s16 =	smov.u32 s15;
	s15 =	sadd.s32 $0x40, s15  }
.Ltmp0:
0x22: {  	(pc) =	sbr.rel @p1 .LBB2_2-.Ltmp0, $2  }
0x23: {  	_ =	sdelay $0x2  }
0x24: {  	s16 =	sshra.s32 s16, $0x2  }
0x25: {  	[tilespmem:s16+$0x8100] =	vst v0;
	s15 =	rddreg [dreg:$0x3]  }
0x26: {  	[spmem:s15] =	stream.linear.scatter [tilespmem:s20], [sflag:$0x2], $0x3E80, $0x38;
	[tilespmem:$0x182D0] =	vst v63  }
0x27: {  	_ =	swait.ge [sflag:s21], $0x3E80  }
0x28: {  	[sflag:s21] =	ssyncset.done $0x0  }
0x29: {  	s18 =	rddreg [dreg:$0x4];
	[sflag:s21] =	ssyncadd.s32 $0xFFFFC180  }
0x2a: {  	[spmem:s18] =	stream.linear.scatter [tilespmem:s20], [sflag:$0x2], $0x3E80, $0x38;
	[tilespmem:$0x182D0] =	vst v63  }
0x2b: {  	_ =	swait.ge [sflag:s21], $0x3E80  }
0x2c: {  	[sflag:s21] =	ssyncset.done $0x0  }
0x2d: {  	s19 =	rddreg [dreg:$0x5];
	[sflag:s21] =	ssyncadd.s32 $0xFFFFC180  }
0x2e: {  	[spmem:s19] =	stream.linear.scatter [tilespmem:s20], [sflag:$0x2], $0x3E80, $0x38;
	[tilespmem:$0x182D0] =	vst v63  }
0x2f: {  	_ =	swait.ge [sflag:s21], $0x3E80  }
0x30: {  	[sflag:s21] =	ssyncset.done $0x0  }
0x31: {  	s15 =	simm.s32 @!p0 $0x8100;
	s16 =	rddreg [dreg:$0x6];
	[sflag:s21] =	ssyncadd.s32 $0xFFFFC180  }
0x32: {  	[spmem:s16] =	stream.linear.scatter @!p0 [tilespmem:s15], [sflag:$0x2], $0x3E80, $0x38;
	[tilespmem:$0x182D0] =	vst v63  }
0x33: {  	s15 =	simm.s32 @!p0 $0x2  }
0x34: {  	_ =	swait.ge @!p0 [sflag:s15], $0x3E80  }
0x35: {  	[sflag:s15] =	ssyncset.done @!p0 $0x0  }
0x36: {  	[sflag:s15] =	ssyncadd.s32 @!p0 $0xFFFFC180  }
0x37: {  	s16 =	simm.s32 $0x0;
	s15 =	simm.s32 $0x0;
	[bflag:$0x0] =	sbarrier.arrive $0xFFFF  }
.LBB2_4:
0x38: {  	s17 =	smul.u32 $0x3E8, s16;
	_ =	sdelay $0x1  }
0x39: {  	s17 =	sadd.s32 s10, s17  }
0x3a: {  	s18 =	smulhi.u32 $0x10624DD3, s17;
	_ =	sdelay $0x1  }
0x3b: {  	s18 =	sshll.u32 s18, $0x1  }
0x3c: {  	s18 =	sand.u32 $0x3FFFFFF0, s18  }
0x3d: {  	s18 =	sadd.s32 s5, s18  }
0x3e: {  	[tilespmem:s15], [sflag:$0x2] =	stream.linear.gather [hbm4b:s18+s15], $0x400, $0x38;
	[tilespmem:$0x182D0] =	vst v63  }
0x3f: {  	_ =	swait.ge [sflag:s21], $0x400  }
0x40: {  	s17 =	sshll.u32 s17, $0x1;
	[sflag:s21] =	ssyncset.done $0x0  }
0x41: {  	s17 =	sadd.s32 s4, s17;
	[sflag:s21] =	ssyncadd.s32 $0xFFFFFC00  }
0x42: {  	[tilespmem:s22], [sflag:$0x2] =	stream.linear.gather [hbm4b:s17+s15], $0x3E80, $0x38;
	[tilespmem:$0x182D0] =	vst v63  }
0x43: {  	_ =	swait.ge [sflag:s21], $0x3E80  }
0x44: {  	[sflag:s21] =	ssyncset.done $0x0  }
0x45: {  	s17 =	simm.s32 $0x0;
	[sflag:s21] =	ssyncadd.s32 $0xFFFFC180  }
0x46: {  	v4 =	vld [tilespmem:s17+$0x470]  }
0x47: {  	v5 =	vld [tilespmem:s17+$0x400]  }
0x48: {  	v6 =	vld [tilespmem:s17+$0x410]  }
0x49: {  	v3 =	vld [tilespmem:s17+$0x420]  }
0x4a: {  	v1 =	vld [tilespmem:s17+$0x430]  }
0x4b: {  	v2 =	vld [tilespmem:s17+$0x440];
	[tilespmem:s17+$0x42F0] =	vst v4  }
0x4c: {  	[tilespmem:s17+$0x4280] =	vst v5;
	v4 =	vld [tilespmem:s17+$0x450]  }
0x4d: {  	s19 =	simm.s32 $0x400;
	s18 =	simm.s32 $0x80;
	[tilespmem:s17+$0x4290] =	vst v6;
	v5 =	vld [tilespmem:s17+$0x460]  }
.LBB2_5:
0x4e: {  	p1 =	sne.s32 s19, $0xF800;
	v6 =	vld [tilespmem:s18+$0x470];
	[tilespmem:s17+$0x42A0] =	vst v3  }
0x4f: {  	v7 =	vld [tilespmem:s18+$0x400];
	[tilespmem:s17+$0x42B0] =	vst v1  }
0x50: {  	v8 =	vld [tilespmem:s18+$0x410];
	[tilespmem:s17+$0x42C0] =	vst v2  }
.Ltmp1:
0x51: {  	v3 =	vld [tilespmem:s18+$0x420];
	[tilespmem:s17+$0x42D0] =	vst v4;
	(pc) =	sbr.rel @p1 .LBB2_5-.Ltmp1, $4  }
0x52: {  	v1 =	vld [tilespmem:s18+$0x430];
	[tilespmem:s17+$0x42E0] =	vst v5;
	s17 =	smov.u32 s18  }
0x53: {  	v2 =	vld [tilespmem:s17+$0x440];
	[tilespmem:s17+$0x42F0] =	vst v6  }
0x54: {  	[tilespmem:s17+$0x4280] =	vst v7;
	v4 =	vld [tilespmem:s17+$0x450]  }
0x55: {  	s18 =	sshra.s32 s19, $0x2;
	s19 =	sadd.s32 $0x200, s19;
	[tilespmem:s17+$0x4290] =	vst v8;
	v5 =	vld [tilespmem:s17+$0x460]  }
0x56: {  	v6 =	vld [tilespmem:s18+$0x470];
	[tilespmem:s17+$0x42A0] =	vst v3  }
0x57: {  	v3 =	vld [tilespmem:s18+$0x400];
	[tilespmem:s17+$0x42B0] =	vst v1  }
0x58: {  	v1 =	vld [tilespmem:s18+$0x410];
	[tilespmem:s17+$0x42C0] =	vst v2  }
0x59: {  	v2 =	vld [tilespmem:s18+$0x420];
	[tilespmem:s17+$0x42D0] =	vst v4  }
0x5a: {  	v4 =	vld [tilespmem:s18+$0x430];
	[tilespmem:s17+$0x42E0] =	vst v5  }
0x5b: {  	v5 =	vld [tilespmem:s18+$0x440];
	[tilespmem:s18+$0x42F0] =	vst v6  }
0x5c: {  	[tilespmem:s18+$0x4280] =	vst v3;
	v3 =	vld [tilespmem:s18+$0x450]  }
0x5d: {  	[tilespmem:s18+$0x4290] =	vst v1;
	v1 =	vld [tilespmem:s18+$0x460]  }
0x5e: {  	[tilespmem:s18+$0x42A0] =	vst v2  }
0x5f: {  	[tilespmem:s18+$0x42B0] =	vst v4  }
0x60: {  	[tilespmem:s18+$0x42C0] =	vst v5  }
0x61: {  	[tilespmem:s18+$0x42D0] =	vst v3  }
0x62: {  	[tilespmem:s18+$0x42E0] =	vst v1  }
0x63: {  	[spmem:s1] =	stream.indirect.scatter.add.f32 [tilespmem:s24], [sflag:$0x1], $0x10, s2, s23, $0xb8;
	[tilespmem:$0x182D0] =	vst v63  }
0x64: {  	_ = 	snop  }
0x65: {  	[spmem:s1] =	stream.indirect.scatter.add.f32 [tilespmem:s26], [sflag:$0x1], $0x10, s25, s23, $0xb8;
	[tilespmem:$0x182D0] =	vst v63  }
0x66: {  	_ = 	snop  }
0x67: {  	[spmem:s1] =	stream.indirect.scatter.add.f32 [tilespmem:s29], [sflag:$0x1], $0x10, s28, s23, $0xb8;
	[tilespmem:$0x182D0] =	vst v63  }
0x68: {  	_ = 	snop  }
0x69: {  	[spmem:s1] =	stream.indirect.scatter.add.f32 [tilespmem:s31], [sflag:$0x1], $0x10, s30, s23, $0xb8;
	[tilespmem:$0x182D0] =	vst v63  }
0x6a: {  	_ = 	snop  }
0x6b: {  	[spmem:s1] =	stream.indirect.scatter.add.f32 [tilespmem:s3], [sflag:$0x1], $0x10, s0, s23, $0xb8;
	[tilespmem:$0x182D0] =	vst v63  }
0x6c: {  	_ = 	snop  }
0x6d: {  	[spmem:s1] =	stream.indirect.scatter.add.f32 [tilespmem:s7], [sflag:$0x1], $0x10, s6, s23, $0xb8;
	[tilespmem:$0x182D0] =	vst v63  }
0x6e: {  	_ = 	snop  }
0x6f: {  	[spmem:s1] =	stream.indirect.scatter.add.f32 [tilespmem:s9], [sflag:$0x1], $0x10, s8, s23, $0xb8;
	[tilespmem:$0x182D0] =	vst v63  }
0x70: {  	_ = 	snop  }
0x71: {  	[spmem:s1] =	stream.indirect.scatter.add.f32 [tilespmem:s12], [sflag:$0x1], $0x10, s11, s23, $0xb8;
	[tilespmem:$0x182D0] =	vst v63  }
0x72: {  	_ =	swait.ge [sflag:s13], $0x7D0  }
0x73: {  	[sflag:s13] =	ssyncset.done $0x0  }
0x74: {  	[sflag:s13] =	ssyncadd.s32 $0xFFFFF830  }
0x75: {  	_ =	swait.ge [sflag:s13], $0x7D0  }
0x76: {  	[sflag:s13] =	ssyncset.done $0x0  }
0x77: {  	[sflag:s13] =	ssyncadd.s32 $0xFFFFF830  }
0x78: {  	_ =	swait.ge [sflag:s13], $0x7D0  }
0x79: {  	[sflag:s13] =	ssyncset.done $0x0  }
0x7a: {  	[sflag:s13] =	ssyncadd.s32 $0xFFFFF830  }
0x7b: {  	_ =	swait.ge [sflag:s13], $0x7D0  }
0x7c: {  	[sflag:s13] =	ssyncset.done $0x0  }
0x7d: {  	[sflag:s13] =	ssyncadd.s32 $0xFFFFF830  }
0x7e: {  	_ =	swait.ge [sflag:s13], $0x7D0  }
0x7f: {  	[sflag:s13] =	ssyncset.done $0x0  }
0x80: {  	[sflag:s13] =	ssyncadd.s32 $0xFFFFF830  }
0x81: {  	_ =	swait.ge [sflag:s13], $0x7D0  }
0x82: {  	[sflag:s13] =	ssyncset.done $0x0  }
0x83: {  	s16 =	sadd.s32 $0x1, s16;
	[sflag:s13] =	ssyncadd.s32 $0xFFFFF830  }
0x84: {  	p1 =	sne.s32 s16, $0x19;
	_ =	swait.ge [sflag:s13], $0x7D0  }
.Ltmp2:
0x85: {  	[sflag:s13] =	ssyncset.done $0x0;
	(pc) =	sbr.rel @p1 .LBB2_4-.Ltmp2, $4  }
0x86: {  	[sflag:s13] =	ssyncadd.s32 $0xFFFFF830  }
0x87: {  	_ =	swait.ge [sflag:s13], $0x7D0  }
0x88: {  	[sflag:s13] =	ssyncset.done $0x0  }
0x89: {  	[sflag:s13] =	ssyncadd.s32 $0xFFFFF830  }
0x8a: {  	[bflag:$0x0] =	sbarrier.arrive $0xFFFF  }
0x8b: {  	s15 =	rddreg [dreg:$0x7]  }
0x8c: {  	[tilespmem:s20], [sflag:$0x2] =	stream.linear.gather [spmem:s15], $0x3E80, $0x38;
	[tilespmem:$0x182D0] =	vst v63  }
0x8d: {  	_ =	swait.ge [sflag:s21], $0x3E80  }
0x8e: {  	[sflag:s21] =	ssyncset.done $0x0  }
0x8f: {  	s18 =	rddreg [dreg:$0x8];
	[sflag:s21] =	ssyncadd.s32 $0xFFFFC180  }
0x90: {  	[hbm4b:s18+s2] =	stream.linear.scatter [tilespmem:s20], [sflag:$0x2], $0x3E80, $0x38;
	[tilespmem:$0x182D0] =	vst v63  }
0x91: {  	_ =	swait.ge [sflag:s21], $0x3E80  }
0x92: {  	[sflag:s21] =	ssyncset.done $0x0  }
0x93: {  	s19 =	rddreg [dreg:$0x9];
	[sflag:s21] =	ssyncadd.s32 $0xFFFFC180  }
0x94: {  	[tilespmem:s20], [sflag:$0x2] =	stream.linear.gather [spmem:s19], $0x3E80, $0x38;
	[tilespmem:$0x182D0] =	vst v63  }
0x95: {  	_ =	swait.ge [sflag:s21], $0x3E80  }
0x96: {  	[sflag:s21] =	ssyncset.done $0x0  }
0x97: {  	s16 =	rddreg [dreg:$0xa];
	[sflag:s21] =	ssyncadd.s32 $0xFFFFC180  }
0x98: {  	[hbm4b:s16+s2] =	stream.linear.scatter [tilespmem:s20], [sflag:$0x2], $0x3E80, $0x38;
	[tilespmem:$0x182D0] =	vst v63  }
0x99: {  	_ =	swait.ge [sflag:s21], $0x3E80  }
0x9a: {  	[sflag:s21] =	ssyncset.done $0x0  }
0x9b: {  	s17 =	rddreg [dreg:$0xb];
	[sflag:s21] =	ssyncadd.s32 $0xFFFFC180  }
0x9c: {  	[tilespmem:s20], [sflag:$0x2] =	stream.linear.gather [spmem:s17], $0x3E80, $0x38;
	[tilespmem:$0x182D0] =	vst v63  }
0x9d: {  	_ =	swait.ge [sflag:s21], $0x3E80  }
0x9e: {  	[sflag:s21] =	ssyncset.done $0x0  }
0x9f: {  	s18 =	rddreg [dreg:$0xc];
	[sflag:s21] =	ssyncadd.s32 $0xFFFFC180  }
0xa0: {  	[hbm4b:s18+s2] =	stream.linear.scatter [tilespmem:s20], [sflag:$0x2], $0x3E80, $0x38;
	[tilespmem:$0x182D0] =	vst v63  }
0xa1: {  	_ =	swait.ge [sflag:s21], $0x3E80  }
0xa2: {  	[sflag:s21] =	ssyncset.done $0x0  }
0xa3: {  	s15 =	simm.s32 @!p0 $0x8100;
	s16 =	rddreg [dreg:$0xd];
	[sflag:s21] =	ssyncadd.s32 $0xFFFFC180  }
0xa4: {  	[tilespmem:s15], [sflag:$0x2] =	stream.linear.gather @!p0 [spmem:s16], $0x3E80, $0x38;
	[tilespmem:$0x182D0] =	vst v63  }
0xa5: {  	s16 =	simm.s32 @!p0 $0x2  }
0xa6: {  	_ =	swait.ge @!p0 [sflag:s16], $0x3E80  }
0xa7: {  	[sflag:s16] =	ssyncset.done @!p0 $0x0  }
0xa8: {  	s17 =	simm.s32 @!p0 $0x0;
	s18 =	rddreg [dreg:$0xe];
	[sflag:s16] =	ssyncadd.s32 @!p0 $0xFFFFC180  }
0xa9: {  	[hbm4b:s18+s17] =	stream.linear.scatter @!p0 [tilespmem:s15], [sflag:$0x2], $0x3E80, $0x38;
	[tilespmem:$0x182D0] =	vst v63  }
0xaa: {  	_ =	swait.ge @!p0 [sflag:s16], $0x3E80  }
0xab: {  	s14 =	sadd.s32 $0x1, s14;
	s19 =	rddreg [dreg:$0xf]  }
0xac: {  	p1 =	sne.s32 s14, s19  }
.Ltmp3:
0xad: {  	_ = 	snop;
	(pc) =	sbr.rel @p1 .LBB2_1-.Ltmp3, $3  }
0xae: {  	_ =	sdelay $0x1  }
0xaf: {  	[sflag:s16] =	ssyncset.done @!p0 $0x0  }
0xb0: {  	[sflag:s16] =	ssyncadd.s32 @!p0 $0xFFFFC180  }
0xb1: {  	_ =	sfence.sel $0x180000  }
0xb2: {  	[bflag:$0x0] =	sbarrier.arrive $0xFFFF  }
0xb3: {  	_ =	strace $0x90000050  }
0xb4: {  	s0 =	stileid.u32;
	[bflag:$0x2] =	sbarrier.arrive $0xFFFF  }
0xb5: {  	p0 =	sne.s32 s0, $0x0;
	s0 =	rddreg [dreg:$0x2]  }
0xb6: {  	s0 =	sadd.s32 @!p0 $0x100000, s0  }
0xb7: {  	[sflag:s0] =	ssyncadd.tile.s32 @!p0 $0x1;
	_ =	shalt  }
.Lfunc_end2:
_tile_overlayer_lowered:
.L_overlay_start_2:
0xb8: {  	(tag) =	ssettag $0x2  }
0xb9: {  	s0 =	rddreg [dreg:$0x0];
	s2 =	stileid.u32  }
0xba: {  	s1 =	rddreg [dreg:$0x1];
	p0 =	sne.s32 s2, $0x0  }
0xbb: {  	s3 =	rddreg [dreg:$0x2];
	[bflag:$0x3] =	sbarrier.arrive $0xFFFF;
	s2 =	simm.s32 @!p0 $0x1C02  }
0xbc: {  	[timem:s3], [sflag:s2] =	dma.local @!p0 [hbm:s0], s1  }
0xbd: {  	s0 =	simm.s32 @!p0 $0x2  }
0xbe: {  	_ =	swait.ge @!p0 [sflag:s0], s1  }
0xbf: {  	s1 =	ssub.s32 @!p0 $0x0, s1;
	[sflag:s0] =	ssyncset.done @!p0 $0x0  }
0xc0: {  	[sflag:s0] =	ssyncadd.s32 @!p0 s1  }
0xc1: {  	[bflag:$0x3] =	sbarrier.arrive $0xFFFF  }
0xc2: {  	_ =	shalt  }

// kernel: sparse-core-data-format-call.cloned.1.call-start
scs
called_computation_lowered:
.L_overlay_start_0:
0x0: {  	s1 =	sld [smem:$0x3FD9]  }
0x1: {  	s2 =	sld [smem:$0x3FFE];
	_ =	sdelay $0x1  }
0x2: {  	s3 =	srdreg.scid  }
0x3: {  	s0 =	sand.u32 $0x1, s3  }
0x4: {  	s17 =	sshll.u32 s0, $0xA;
	s1 =	sadd.s32 s2, s1  }
0x5: {  	s1 =	sadd.s32 s1, s17  }
0x6: {  	[smem:$0x3FAC] =	sst s1  }
0x7: {  	_ = 	snop  }
0x8: {  	(tm) =	ssettm $0x1  }
0x9: {  	s18 =	sld [smem:$0x3FFB];
	_ =	sdelay $0x3  }
0xa: {  	_ =	strace s18  }
0xb: {  	s1 =	sld [smem:$0x3FFC];
	_ =	sdelay $0x3  }
0xc: {  	_ =	strace s1  }
0xd: {  	s1 =	sld [smem:$0x3FFD];
	_ =	sdelay $0x3  }
0xe: {  	_ =	strace s1  }
0xf: {  	_ =	strace $0x8FFFFFFF  }
0x10: {  	s19 =	sld [smem:$0x3FDB];
	_ =	sdelay $0x1  }
0x11: {  	s20 =	simm.s32 $_scs_section_size  }
0x12: {  	s4 =	simm.s32 $_size__tile_overlayer_lowered;
	s5 =	simm.s32 $_tile_overlayer_lowered  }
0x13: {  	s23 =	simm.s32 $0x1BFF;
	s22 =	sshll.u32 s5, $0x1;
	s1 =	sadd.s32 s20, s19  }
0x14: {  	s6 =	simm.s32 $0x0;
	s21 =	sshll.u32 s4, $0x1;
	s4 =	sadd.s32 s22, s1  }
0x15: {  	[timem:s6], [sflag:s23] =	dma.local [hbm:s4], s21  }
0x16: {  	_ =	swait.ge [sflag:s23], s21  }
0x17: {  	s2 =	ssub.s32 $0x0, s21;
	[sflag:s23] =	ssyncset.done $0x0  }
0x18: {  	[sflag:s23] =	ssyncadd.s32 s2;
	_ =	sdelay $0x1  }
0x19: {  	s24 =	simm.s32 $0x1B8B  }
0x1a: {  	_ =	swait.ge [sflag:s24], $0x1  }
0x1b: {  	[sflag:s24] =	ssyncset.done $0x0  }
0x1c: {  	s26 =	simm.s32 $0x1B8E;
	s25 =	sld [smem:$0x3FFE];
	[sflag:s24] =	ssyncadd.s32 $0xFFFFFFFF  }
0x1d: {  	s27 =	simm.s32 $execute0_lowered;
	[smem:$0x3FD2] =	sst s26  }
0x1e: {  	s4 =	sshll.u32 s27, $0x1;
	_ =	strace $0x80000046;
	[dreg:$0x1] =	wrdreg $0xFFFFFFFF  }
0x1f: {  	s28 =	simm.s32 $_size_execute0_lowered;
	s1 =	sadd.s32 s1, s4;
	[dreg:$0x0] =	wrdreg $0x0  }
0x20: {  	s4 =	sshll.u32 s28, $0x1;
	[dreg:$0x2] =	wrdreg s1  }
0x21: {  	[dreg:$0x3] =	wrdreg s4  }
0x22: {  	[dreg:$0x4] =	wrdreg $0xC0  }
0x23: {  	_ =	task [dreg:s6], $0x5FFFF  }
0x24: {  	[dreg:$0x1] =	wrdreg $0xFFFFFFFF  }
0x25: {  	[dreg:$0x0] =	wrdreg $0x60  }
0x26: {  	[dreg:$0x2] =	wrdreg s25  }
0x27: {  	[dreg:$0x3] =	wrdreg $0x9  }
0x28: {  	_ =	task.clear_ibuf [dreg:s6], $0x4FFFF;
	_ =	strace $0x90000046  }
0x29: {  	s29 =	simm.s32 $0x9;
	_ =	strace $0x80000048  }
0x2a: {  	_ =	swait.ge [sflag:s29], $0x1  }
0x2b: {  	[sflag:s29] =	ssyncadd.s32 $0xFFFFFFFF  }
0x2c: {  	_ =	strace $0x90000048  }
0x2d: {  	_ =	sfence  }
0x2e: {  	s30 =	sld [smem:$0x0];
	_ =	sdelay $0x2  }
0x2f: {  	s31 =	sshll.u32 s3, $0xD;
	s3 =	sshrl.u32 s3, $0x2  }
0x30: {  	s2 =	sand.u32 $0x4000, s31;
	s1 =	sadd.s32 s3, s30  }
0x31: {  	s0 =	sor.u32 s2, s0;
	s1 =	sshll.u32 s1, $0x11  }
0x32: {  	s0 =	sor.u32 s1, s0  }
0x33: {  	s0 =	sadd.s32 $0x8F2B, s0  }
0x34: {  	[sflag:s0] =	ssyncadd.remote.s32 $0x1  }
0x35: {  	_ =	sfence.sel $0xFFFF  }
0x36: {  	[dreg:$0x0] =	wrdreg $0xFFFFFFFF;
	(pc) =	sbr.abs _section_cstart, $3  }
0x37: {  	[dreg:$0x1] =	wrdreg $0xFFFFFFFF  }
0x38: {  	_ =	task.clear_ibuf [dreg:s6], $0x2FFFF;
	_ =	strace $0x9FFFFFFF  }
0x39: {  	(tm) =	ssettm $0x7FFFFFFF  }
tec
execute0_lowered:
.L_overlay_start_1:
0x0: {  	(tag) =	ssettag $0x1  }
0x1: {  	s0 =	srdreg.scid  }
0x2: {  	s5 =	rddreg [dreg:$0x0];
	s1 =	sshll.u32 s0, $0x4  }
0x3: {  	s6 =	simm.s32 $0x2;
	s0 =	stileid.u32;
	s1 =	sand.u32 $0x10, s1  }
0x4: {  	s12 =	simm.s32 $0x0;
	p0 =	por $0x0, $0x0;
	s1 =	sor.u32 s0, s1  }
0x5: {  	s11 =	simm.s32 $0x0;
	s9 =	simm.s32 $0x0;
	s2 =	sshll.u32 s1, $0x7  }
.Ltmp0:
0x6: {  	s10 =	simm.s32 $0x0;
	s3 =	ssub.s32 $0x18680, s2;
	(pc) =	sbr.rel .LBB1_1-.Ltmp0, $4  }
0x7: {  	s1 =	rddreg [dreg:$0x1];
	_ =	strace $0x80000047;
	s4 =	sshrl.u32 s3, $0xC  }
0x8: {  	s8 =	smov.u32 s2;
	s3 =	simm.s32 $0x1;
	s7 =	smul.u32 $0xE, s4  }
0x9: {  	s4 =	sadd.s32 $0x6400, s5;
	[sflag:s3] =	ssyncpa.u1 $0x0;
	s5 =	sadd.s32 $0x1563000, s5  }
0xa: {  	[sflag:s6] =	ssyncpa.u1 $0x0;
	s6 =	sadd.s32 $0xE, s7;
	s7 =	sadd.s32 $0xF, s7  }
.LBB1_5:
0xb: {  	s13 =	sadd.s32 $0x1000, s8  }
0xc: {  	s11 =	simm.s32 $0x1;
	p2 =	sgt.s32 s13, $0x1869F  }
0xd: {  	s11 =	simm.s32 @!p2 $0x0  }
0xe: {  	s15 =	sadd.s32 s11, s9  }
0xf: {  	s13 =	smov.u32 @p2 s2;
	p2 =	sgt.s32 s15, $0xD  }
0x10: {  	s15 =	simm.s32 @p2 $0x0;
	p2 =	sne.s32 s10, s7  }
.Ltmp1:
0x11: {  	p1 =	slt.u32 s10, $0x2;
	(pc) =	sbr.rel @!p2 .LBB1_6-.Ltmp1, $4  }
0x12: {  	s14 =	simm.s32 @!p1 $0x2  }
0x13: {  	s12 =	smov.u32 s8;
	p0 =	por !p0, !p0;
	_ =	swait.ge @!p1 [sflag:s14], $0x400  }
0x14: {  	[sflag:s14] =	ssyncset.done @!p1 $0x0;
	s11 =	smov.u32 s9;
	s8 =	smov.u32 s13  }
0x15: {  	[sflag:s14] =	ssyncadd.s32 @!p1 $0xFFFFFC00;
	s10 =	sadd.s32 $0x1, s10;
	s9 =	smov.u32 s15  }
.LBB1_1:
0x16: {  	p1 =	sge.u32 s10, s6  }
0x17: {  	s15 =	smov.u32 s9;
	s17 =	smov.u32 s8;
	p2 =	sgt.s32 @!p1 s9, $0xD  }
0x18: {  	s13 =	sand.u32 @!p1 $0x1FFFFFF, s8;
	s16 =	sshra.s32 @!p1 s9, $0x1F;
	p2 =	por !p2, p1  }
0x19: {  	s18 =	sshra.s32 @!p1 s8, $0x1F;
	s15 =	simm.s32 @p2 $0xD;
	p2 =	sgt.s32 @!p1 s8, $0x18620  }
0x1a: {  	s14 =	smulhi.u32 @!p1 $0x14F8B59, s13;
	s16 =	sand.u32 @!p1 s16, s9;
	p2 =	por !p2, p1  }
0x1b: {  	s15 =	ssub.s32 @!p1 s15, s16;
	s16 =	sand.u32 @!p1 s18, s8;
	s17 =	simm.s32 @p2 $0x18620  }
0x1c: {  	s15 =	sadd.s32 @!p1 $0xFFFFFFF3, s15;
	s16 =	ssub.s32 @!p1 s17, s16  }
0x1d: {  	s14 =	sshrl.u32 @!p1 s14, $0x9;
	p2 =	sgt.s32 @!p1 s15, $0x0;
	s17 =	sadd.s32 @!p1 $0xFFFE79E0, s16  }
0x1e: {  	s15 =	sshll.u32 @!p1 s15, $0x3;
	s16 =	ssub.s32 @!p1 $0x186A0, s16;
	p3 =	sgt.s32 @!p1 s17, $0x7F  }
0x1f: {  	s15 =	ssub.s32 @!p1 $0x8, s15;
	p2 =	por !p2, p1;
	p3 =	por !p3, p1  }
0x20: {  	s14 =	smul.u32 @!p1 $0x186A0, s14;
	s15 =	simm.s32 @!p2 $0x0;
	s16 =	simm.s32 @!p3 $0x0  }
0x21: {  	s17 =	sxor.u32 @!p1 $0xFFFFFFFF, s10;
	s15 =	smul.u32 @!p1 s16, s15  }
0x22: {  	s13 =	ssub.s32 @!p1 s13, s14;
	s16 =	sshll.u32 @!p1 s17, $0xA;
	s17 =	smul.u32 @!p1 $0x186A00, s9  }
0x23: {  	s13 =	sshll.u32 @!p1 s13, $0x4  }
0x24: {  	s16 =	sand.u32 @!p1 $0x400, s16;
	s14 =	sand.u32 @!p1 $0x3FFFFFF8, s15;
	s15 =	sadd.s32 @!p1 s4, s17  }
0x25: {  	s17 =	simm.s32 @!p1 $0x80;
	s13 =	sadd.s32 @!p1 s13, s15;
	s15 =	simm.s32 @!p1 $0x8  }
0x26: {  	[tilespmem:s16], [sflag:$0x1] =	stream.strided.gather @!p1 [hbm4b:s13+s15], s14, s17, s15, $0x38;
	[tilespmem:$0x1010] =	vst v63  }
0x27: {  	p1 =	seq.s32 s10, $0x0  }
0x28: {  	p2 =	sge.u32 @!p1 s10, s7  }
0x29: {  	p1 =	por p1, p2  }
.Ltmp2:
0x2a: {  	_ = 	snop;
	(pc) =	sbr.rel @p1 .LBB1_5-.Ltmp2, $1  }
0x2b: {  	_ =	sdelay $0x3  }
0x2c: {  	p1 =	sgt.s32 s11, $0xD;
	s13 =	smov.u32 s11  }
0x2d: {  	s14 =	sshra.s32 s11, $0x1F;
	s15 =	smov.u32 s12;
	s16 =	sshra.s32 s12, $0x1F  }
0x2e: {  	s13 =	simm.s32 @!p1 $0xD;
	s14 =	sand.u32 s14, s11;
	p1 =	sgt.s32 s12, $0x18620  }
0x2f: {  	s29 =	sand.u32 s16, s12;
	s13 =	ssub.s32 s13, s14;
	s15 =	simm.s32 @!p1 $0x18620  }
0x30: {  	s13 =	sadd.s32 $0xFFFFFFF3, s13;
	s14 =	ssub.s32 s15, s29  }
0x31: {  	p1 =	sgt.s32 s13, $0x0;
	s15 =	sadd.s32 $0xFFFE79E0, s14;
	s13 =	sshll.u32 s13, $0x3  }
0x32: {  	s14 =	ssub.s32 $0x186A0, s14;
	p2 =	sgt.s32 s15, $0x7F;
	s13 =	ssub.s32 $0x8, s13  }
0x33: {  	s14 =	simm.s32 @p2 $0x0;
	s13 =	simm.s32 @p1 $0x0  }
0x34: {  	s13 =	smul.u32 s14, s13;
	_ =	sdelay $0x1  }
0x35: {  	s14 =	simm.s32 $0x1;
	s13 =	sand.u32 $0x3FFFFFF8, s13  }
0x36: {  	s14 =	simm.s32 @!p0 $0x0;
	_ =	swait.ge [sflag:s3], s13  }
0x37: {  	s30 =	sshll.u32 s14, $0xA;
	s13 =	ssub.s32 $0x0, s13;
	[sflag:s3] =	ssyncset.done $0x0  }
0x38: {  	s22 =	sor.u32 $0x20, s30;
	[sflag:s3] =	ssyncadd.s32 s13  }
0x39: {  	v0 =	vld.msk [tilespmem:s22+$0xFFFFFFE0], $0xff  }
0x3a: {  	s31 =	smul.u32 $0x1020, s14;
	_ =	sdelay $0x1  }
0x3b: {  	s13 =	sshrl.u32 s31, $0x2  }
0x3c: {  	s13 =	sor.u32 $0x807, s13  }
0x3d: {  	[tilespmem:s13+$0xFFFFFFF9 ss:$0x81] =	vst.msk $0xff, v0  }
0x3e: {  	v0 =	vld.msk [tilespmem:s22+$0xFFFFFFE8], $0xff  }
0x3f: {  	s16 =	sadd.s32 $0x40, s22  }
0x40: {  	v1 =	vld.msk [tilespmem:s16+$0xFFFFFFE0], $0xff;
	_ =	sdelay $0x2  }
0x41: {  	[tilespmem:s13+$0xFFFFFFFA ss:$0x81] =	vst.msk $0xff, v0  }
0x42: {  	s14 =	sadd.s32 $0x8, s13;
	v0 =	vld.msk [tilespmem:s22+$0xFFFFFFF0], $0xff  }
0x43: {  	[tilespmem:s14+$0xFFFFFFF9 ss:$0x81] =	vst.msk $0xff, v1  }
0x44: {  	v1 =	vld.msk [tilespmem:s16+$0xFFFFFFE8], $0xff  }
0x45: {  	s17 =	sadd.s32 $0x40, s16  }
0x46: {  	v2 =	vld.msk [tilespmem:s17+$0xFFFFFFE0], $0xff  }
0x47: {  	[tilespmem:s13+$0xFFFFFFFB ss:$0x81] =	vst.msk $0xff, v0  }
0x48: {  	v0 =	vld.msk [tilespmem:s22+$0xFFFFFFF8], $0xff  }
0x49: {  	[tilespmem:s14+$0xFFFFFFFA ss:$0x81] =	vst.msk $0xff, v1  }
0x4a: {  	s15 =	sadd.s32 $0x8, s14;
	v1 =	vld.msk [tilespmem:s16+$0xFFFFFFF0], $0xff  }
0x4b: {  	[tilespmem:s15+$0xFFFFFFF9 ss:$0x81] =	vst.msk $0xff, v2  }
0x4c: {  	s20 =	sadd.s32 $0x40, s17;
	v2 =	vld.msk [tilespmem:s17+$0xFFFFFFE8], $0xff  }
0x4d: {  	[tilespmem:s13+$0xFFFFFFFC ss:$0x81] =	vst.msk $0xff, v0;
	v0 =	vld.msk [tilespmem:s20+$0xFFFFFFE0], $0xff  }
0x4e: {  	v3 =	vld.msk [tilespmem:s22+$0x0], $0xff  }
0x4f: {  	[tilespmem:s14+$0xFFFFFFFB ss:$0x81] =	vst.msk $0xff, v1  }
0x50: {  	v1 =	vld.msk [tilespmem:s16+$0xFFFFFFF8], $0xff  }
0x51: {  	s18 =	sadd.s32 $0x8, s15;
	[tilespmem:s15+$0xFFFFFFFA ss:$0x81] =	vst.msk $0xff, v2  }
0x52: {  	v2 =	vld.msk [tilespmem:s17+$0xFFFFFFF0], $0xff;
	[tilespmem:s18+$0xFFFFFFF9 ss:$0x81] =	vst.msk $0xff, v0  }
0x53: {  	v0 =	vld.msk [tilespmem:s20+$0xFFFFFFE8], $0xff;
	[tilespmem:s13+$0xFFFFFFFD ss:$0x81] =	vst.msk $0xff, v3  }
0x54: {  	s21 =	sadd.s32 $0x40, s20;
	v3 =	vld.msk [tilespmem:s22+$0x8], $0xff  }
0x55: {  	[tilespmem:s14+$0xFFFFFFFC ss:$0x81] =	vst.msk $0xff, v1;
	v1 =	vld.msk [tilespmem:s21+$0xFFFFFFE0], $0xff  }
0x56: {  	v4 =	vld.msk [tilespmem:s16+$0x0], $0xff  }
0x57: {  	[tilespmem:s15+$0xFFFFFFFB ss:$0x81] =	vst.msk $0xff, v2  }
0x58: {  	v2 =	vld.msk [tilespmem:s17+$0xFFFFFFF8], $0xff;
	[tilespmem:s18+$0xFFFFFFFA ss:$0x81] =	vst.msk $0xff, v0  }
0x59: {  	s19 =	sadd.s32 $0x8, s18;
	v0 =	vld.msk [tilespmem:s20+$0xFFFFFFF0], $0xff;
	[tilespmem:s13+$0xFFFFFFFE ss:$0x81] =	vst.msk $0xff, v3  }
0x5a: {  	[tilespmem:s19+$0xFFFFFFF9 ss:$0x81] =	vst.msk $0xff, v1;
	v1 =	vld.msk [tilespmem:s22+$0x10], $0xff  }
0x5b: {  	[tilespmem:s14+$0xFFFFFFFD ss:$0x81] =	vst.msk $0xff, v4;
	v3 =	vld.msk [tilespmem:s21+$0xFFFFFFE8], $0xff  }
0x5c: {  	s24 =	sadd.s32 $0x40, s21;
	v4 =	vld.msk [tilespmem:s16+$0x8], $0xff  }
0x5d: {  	[tilespmem:s15+$0xFFFFFFFC ss:$0x81] =	vst.msk $0xff, v2;
	v2 =	vld.msk [tilespmem:s24+$0xFFFFFFE0], $0xff  }
0x5e: {  	v5 =	vld.msk [tilespmem:s17+$0x0], $0xff;
	[tilespmem:s18+$0xFFFFFFFB ss:$0x81] =	vst.msk $0xff, v0  }
0x5f: {  	v6 =	vld.msk [tilespmem:s20+$0xFFFFFFF8], $0xff;
	[tilespmem:s13+$0xFFFFFFFF ss:$0x81] =	vst.msk $0xff, v1  }
0x60: {  	s23 =	sand.u32 $0x1, s10;
	[tilespmem:s19+$0xFFFFFFFA ss:$0x81] =	vst.msk $0xff, v3;
	v0 =	vld.msk [tilespmem:s22+$0x18], $0xff  }
0x61: {  	s23 =	smul.u32 $0x1020, s23;
	[tilespmem:s14+$0xFFFFFFFE ss:$0x81] =	vst.msk $0xff, v4;
	v3 =	vld.msk [tilespmem:s21+$0xFFFFFFF0], $0xff;
	s22 =	sadd.s32 $0x8, s19  }
0x62: {  	v1 =	vld.msk [tilespmem:s16+$0x10], $0xff;
	[tilespmem:s22+$0xFFFFFFF9 ss:$0x81] =	vst.msk $0xff, v2  }
0x63: {  	s23 =	sshrl.u32 s23, $0x2;
	[tilespmem:s15+$0xFFFFFFFD ss:$0x81] =	vst.msk $0xff, v5;
	v4 =	vld.msk [tilespmem:s24+$0xFFFFFFE8], $0xff  }
0x64: {  	s25 =	simm.s32 $0x28;
	s23 =	sor.u32 $0x800, s23;
	s26 =	sadd.s32 $0x40, s24;
	v2 =	vld.msk [tilespmem:s17+$0x8], $0xff;
	[tilespmem:s18+$0xFFFFFFFC ss:$0x81] =	vst.msk $0xff, v6  }
.LBB1_3:
0x65: {  	v5 =	vld.msk [tilespmem:s26+$0xFFFFFFE0], $0xff;
	[tilespmem:s13+$0x0 ss:$0x81] =	vst.msk $0xff, v0;
	s13 =	smov.u32 s14;
	s14 =	smov.u32 s15;
	s15 =	smov.u32 s18  }
0x66: {  	s25 =	sadd.s32 $0x8, s25;
	s18 =	smov.u32 s19;
	[tilespmem:s19+$0xFFFFFFFB ss:$0x81] =	vst.msk $0xff, v3;
	v6 =	vld.msk [tilespmem:s20+$0x0], $0xff;
	s19 =	smov.u32 s22  }
0x67: {  	p1 =	slt.u32 s25, $0x78;
	v7 =	vld.msk [tilespmem:s21+$0xFFFFFFF8], $0xff;
	[tilespmem:s13+$0xFFFFFFFF ss:$0x81] =	vst.msk $0xff, v1  }
.Ltmp3:
0x68: {  	[tilespmem:s22+$0xFFFFFFFA ss:$0x81] =	vst.msk $0xff, v4;
	v0 =	vld.msk [tilespmem:s16+$0x18], $0xff;
	s16 =	smov.u32 s17;
	s17 =	smov.u32 s20;
	(pc) =	sbr.rel @p1 .LBB1_3-.Ltmp3, $4  }
0x69: {  	s22 =	sadd.s32 $0x8, s22;
	s20 =	smov.u32 s21;
	s21 =	smov.u32 s24;
	v3 =	vld.msk [tilespmem:s24+$0xFFFFFFF0], $0xff;
	[tilespmem:s14+$0xFFFFFFFE ss:$0x81] =	vst.msk $0xff, v2  }
0x6a: {  	s24 =	smov.u32 s26;
	[tilespmem:s22+$0xFFFFFFF9 ss:$0x81] =	vst.msk $0xff, v5;
	v1 =	vld.msk [tilespmem:s16+$0x10], $0xff  }
0x6b: {  	v4 =	vld.msk [tilespmem:s26+$0xFFFFFFE8], $0xff;
	[tilespmem:s15+$0xFFFFFFFD ss:$0x81] =	vst.msk $0xff, v6  }
0x6c: {  	s26 =	sadd.s32 $0x40, s26;
	[tilespmem:s18+$0xFFFFFFFC ss:$0x81] =	vst.msk $0xff, v7;
	v2 =	vld.msk [tilespmem:s17+$0x8], $0xff  }
0x6d: {  	_ =	sdelay $0x2  }
0x6e: {  	[tilespmem:s22+$0xFFFFFFFA ss:$0x81] =	vst.msk $0xff, v4  }
0x6f: {  	v4 =	vld.msk [tilespmem:s24+$0xFFFFFFF0], $0xff;
	_ =	sdelay $0x3  }
0x70: {  	[tilespmem:s19+$0xFFFFFFFB ss:$0x81] =	vst.msk $0xff, v3  }
0x71: {  	v3 =	vld.msk [tilespmem:s21+$0xFFFFFFF8], $0xff;
	[tilespmem:s22+$0xFFFFFFFB ss:$0x81] =	vst.msk $0xff, v4  }
0x72: {  	v4 =	vld.msk [tilespmem:s24+$0xFFFFFFF8], $0xff;
	_ =	sdelay $0x3  }
0x73: {  	v5 =	vld.msk [tilespmem:s20+$0x0], $0xff;
	[tilespmem:s19+$0xFFFFFFFC ss:$0x81] =	vst.msk $0xff, v3  }
0x74: {  	v3 =	vld.msk [tilespmem:s21+$0x0], $0xff;
	[tilespmem:s22+$0xFFFFFFFC ss:$0x81] =	vst.msk $0xff, v4  }
0x75: {  	v4 =	vld.msk [tilespmem:s24+$0x0], $0xff;
	_ =	sdelay $0x2  }
0x76: {  	[tilespmem:s18+$0xFFFFFFFD ss:$0x81] =	vst.msk $0xff, v5  }
0x77: {  	v5 =	vld.msk [tilespmem:s20+$0x8], $0xff;
	[tilespmem:s19+$0xFFFFFFFD ss:$0x81] =	vst.msk $0xff, v3  }
0x78: {  	v3 =	vld.msk [tilespmem:s21+$0x8], $0xff;
	[tilespmem:s22+$0xFFFFFFFD ss:$0x81] =	vst.msk $0xff, v4  }
0x79: {  	v4 =	vld.msk [tilespmem:s24+$0x8], $0xff;
	_ =	sdelay $0x1  }
0x7a: {  	[tilespmem:s15+$0xFFFFFFFE ss:$0x81] =	vst.msk $0xff, v2  }
0x7b: {  	v2 =	vld.msk [tilespmem:s17+$0x10], $0xff;
	[tilespmem:s18+$0xFFFFFFFE ss:$0x81] =	vst.msk $0xff, v5  }
0x7c: {  	v5 =	vld.msk [tilespmem:s20+$0x10], $0xff;
	[tilespmem:s19+$0xFFFFFFFE ss:$0x81] =	vst.msk $0xff, v3  }
0x7d: {  	v3 =	vld.msk [tilespmem:s21+$0x10], $0xff;
	[tilespmem:s22+$0xFFFFFFFE ss:$0x81] =	vst.msk $0xff, v4  }
0x7e: {  	s25 =	sshll.u32 s12, $0x3;
	v4 =	vld.msk [tilespmem:s24+$0x10], $0xff  }
0x7f: {  	s26 =	sand.u32 $0x7F, s12;
	s25 =	sand.u32 $0xFFFFFC00, s25;
	[tilespmem:s14+$0xFFFFFFFF ss:$0x81] =	vst.msk $0xff, v1  }
0x80: {  	s12 =	sor.u32 s26, s25;
	s28 =	smulhi.u32 $0xA79C7B17, s25;
	v1 =	vld.msk [tilespmem:s16+$0x18], $0xff;
	[tilespmem:s15+$0xFFFFFFFF ss:$0x81] =	vst.msk $0xff, v2  }
0x81: {  	s27 =	smulhi.u32 $0xA79C7B17, s12;
	v2 =	vld.msk [tilespmem:s17+$0x18], $0xff;
	[tilespmem:s18+$0xFFFFFFFF ss:$0x81] =	vst.msk $0xff, v5  }
0x82: {  	v61 =	vld.msk [tilespmem:s20+$0x18], $0xff;
	[tilespmem:s19+$0xFFFFFFFF ss:$0x81] =	vst.msk $0xff, v3  }
0x83: {  	s11 =	smul.u32 $0x18700, s11;
	s30 =	sshrl.u32 s28, $0x10;
	s16 =	sshrl.u32 s27, $0x10;
	v62 =	vld.msk [tilespmem:s21+$0x18], $0xff;
	[tilespmem:s22+$0xFFFFFFFF ss:$0x81] =	vst.msk $0xff, v4  }
0x84: {  	[tilespmem:s13+$0x0 ss:$0x81] =	vst.msk $0xff, v0;
	s31 =	sand.u32 $0x7, s30;
	s29 =	smul.u32 $0x18700, s16;
	v63 =	vld.msk [tilespmem:s24+$0x18], $0xff  }
0x85: {  	[tilespmem:s14+$0x0 ss:$0x81] =	vst.msk $0xff, v1;
	s14 =	smul.u32 $0x30E0, s31  }
.Ltmp4:
0x86: {  	[tilespmem:s15+$0x0 ss:$0x81] =	vst.msk $0xff, v2;
	(pc) =	sbr.rel .LBB1_5-.Ltmp4, $4  }
0x87: {  	s11 =	sadd.s32 s5, s11;
	s12 =	ssub.s32 s12, s29;
	[tilespmem:s18+$0x0 ss:$0x81] =	vst.msk $0xff, v61  }
0x88: {  	s13 =	sshrl.u32 s12, $0x3;
	s11 =	sadd.s32 s14, s11;
	[tilespmem:s19+$0x0 ss:$0x81] =	vst.msk $0xff, v62  }
0x89: {  	s12 =	sand.u32 $0x7, s12;
	s11 =	sadd.s32 s13, s11;
	[tilespmem:s22+$0x0 ss:$0x81] =	vst.msk $0xff, v63  }
0x8a: {  	[hbm4b:s11+s12] =	stream.linear.scatter [tilespmem:s23], [sflag:$0x2], $0x400, $0x20;
	[tilespmem:$0x1010] =	vst v63  }
.LBB1_6:
0x8b: {  	_ =	sfence.sel $0x180000  }
0x8c: {  	s2 =	simm.s32 $0x1;
	[bflag:$0x0] =	sbarrier.arrive $0xFFFF  }
0x8d: {  	s31 =	simm.s32 $0x2;
	[sflag:s2] =	ssyncpa.u1 $0x1  }
0x8e: {  	[sflag:s31] =	ssyncpa.u1 $0x1  }
0x8f: {  	p0 =	sne.s32 s0, $0x0;
	_ =	strace $0x90000047  }
0x90: {  	s0 =	sadd.s32 @!p0 $0x100000, s1;
	[bflag:$0x2] =	sbarrier.arrive $0xFFFF  }
0x91: {  	[sflag:s0] =	ssyncadd.tile.s32 @!p0 $0x1;
	_ =	shalt  }
.Lfunc_end1:
_tile_overlayer_lowered:
.L_overlay_start_2:
0x92: {  	(tag) =	ssettag $0x2  }
0x93: {  	s0 =	rddreg [dreg:$0x0];
	s2 =	stileid.u32  }
0x94: {  	s1 =	rddreg [dreg:$0x1];
	p0 =	sne.s32 s2, $0x0  }
0x95: {  	s3 =	rddreg [dreg:$0x2];
	[bflag:$0x3] =	sbarrier.arrive $0xFFFF;
	s2 =	simm.s32 @!p0 $0x1C01  }
0x96: {  	[timem:s3], [sflag:s2] =	dma.local @!p0 [hbm:s0], s1  }
0x97: {  	s0 =	simm.s32 @!p0 $0x1  }
0x98: {  	_ =	swait.ge @!p0 [sflag:s0], s1  }
0x99: {  	s1 =	ssub.s32 @!p0 $0x0, s1;
	[sflag:s0] =	ssyncset.done @!p0 $0x0  }
0x9a: {  	[sflag:s0] =	ssyncadd.s32 @!p0 s1  }
0x9b: {  	[bflag:$0x3] =	sbarrier.arrive $0xFFFF  }
0x9c: {  	_ =	shalt  }

</sc_bundles>
